<compile_context>
chip_gen: v7x
topology: tpu7x:2x2x1
jax: 0.10.2.dev20260603
libtpu: 0.0.44.dev20260713+nightly
codegen_flags: <defaults>
</compile_context>

<pallas_src>
import functools

import jax
import jax.numpy as jnp
from jax.experimental import pallas as pl
from jax.experimental.pallas import tpu as pltpu

_IOU_THR = 0.2
_EPS = 1e-10
_N = 5000
_L = 128
_R = 40
_NP = _R * _L


_BIG = 8192.0


_C = 16


def _nms_body(l_s, t_s, r_s, b_s, a_s, l_v, t_v, r_v, b_v, a_v, keep_ref):
    row = jax.lax.broadcasted_iota(jnp.int32, (_R, _L), 0)
    col = jax.lax.broadcasted_iota(jnp.int32, (_R, _L), 1)
    fidx = row * _L + col

    lv_f = l_v[...]
    tv_f = t_v[...]
    rv_f = r_v[...]
    bv_f = b_v[...]
    av_f = a_v[...]

    iota_c = jax.lax.broadcasted_iota(jnp.int32, (_C, 1), 0)

    def make_step(start):
        rows = _R - start
        lv = lv_f[start:]
        tv = tv_f[start:]
        rv = rv_f[start:]
        bv = bv_f[start:]
        av = av_f[start:]
        fidxw = fidx[start:]

        def step(carry):
            p, act, keep = carry
            supps = []
            srows = []
            for c in range(_C):
                ic = p + c
                li = l_s[ic]
                ti = t_s[ic]
                ri = r_s[ic]
                bi = b_s[ic]
                ai = a_s[ic]
                bigw = jnp.where(ai >= 4.0, _BIG, 0.0)
                iw = jnp.maximum(jnp.minimum(rv, ri) - jnp.maximum(lv, li),
                                 0.0)
                ih = jnp.maximum(jnp.minimum(bv, bi) - jnp.maximum(tv, ti),
                                 0.0)
                inter = iw * ih
                union = (ai + av) - inter + _EPS
                iou = inter / union
                supp = jnp.where((iou >= _IOU_THR) & (fidxw > ic), act, 0.0)
                combined = supp + jnp.where(fidxw == ic, act * bigw, 0.0)
                srows.append(jnp.sum(combined, axis=0, keepdims=True))
                supps.append(supp)

            s_all = jnp.sum(jnp.concatenate(srows, axis=0), axis=1,
                            keepdims=True)
            ok_all = s_all >= _BIG + 10.0
            firstv = jnp.min(jnp.where(ok_all, iota_c, _C), axis=0,
                             keepdims=True)
            kept_f = jnp.where(firstv < _C, 1.0, 0.0)
            keep = keep + jnp.where(fidxw == p + firstv, kept_f, 0.0)
            sel = supps
            for bit in (1, 2, 4, 8):
                nxt = []
                for j in range(0, len(sel), 2):
                    pred = (firstv & bit) != 0
                    nxt.append(jnp.where(pred, sel[j + 1], sel[j]))
                sel = nxt
            act = act - kept_f * sel[0]
            first = jnp.min(jnp.where(ok_all, iota_c, _C))
            p = p + jnp.minimum(first + 1, _C)
            return p, act, keep

        return step

    phases = [(0, 1024), (8, 2048), (16, 3072), (24, 4096), (32, _N)]
    act = jnp.ones((_R, _L), jnp.float32)
    keep = jnp.zeros((_R, _L), jnp.float32)
    p = jnp.int32(0)
    for k, (start, limit) in enumerate(phases):
        lim = jnp.int32(limit)
        p, act, keep = jax.lax.while_loop(
            lambda carry, lim=lim: carry[0] < lim,
            make_step(start), (p, act, keep))
        if k + 1 < len(phases):
            nstart = phases[k + 1][0]
            delta = nstart - start
            keep_ref[start:nstart, :] = keep[:delta]
            act = act[delta:]
            keep = keep[delta:]
        else:
            keep_ref[start:, :] = keep


@jax.jit
def kernel(output):
    n, c = output.shape
    order = jnp.argsort(-output[:, 0])
    out = output[order]

    l = out[:, 1]
    t = out[:, 2]
    r = out[:, 3]
    b = out[:, 4]
    a = (r - l) * (b - t)

    pad = jnp.zeros((_NP - n,), jnp.float32)

    def p2(x):
        return jnp.concatenate([x, pad]).reshape(_R, _L)

    def p1(x):
        return jnp.concatenate([x, pad])

    smem_spec = pl.BlockSpec(memory_space=pltpu.SMEM)
    vmem_spec = pl.BlockSpec(memory_space=pltpu.VMEM)

    keep2d = pl.pallas_call(
        _nms_body,
        out_shape=jax.ShapeDtypeStruct((_R, _L), jnp.float32),
        in_specs=[smem_spec] * 5 + [vmem_spec] * 5,
        out_specs=vmem_spec,
    )(p1(l), p1(t), p1(r), p1(b), p1(a),
      p2(l), p2(t), p2(r), p2(b), p2(a))

    keep = keep2d.reshape(_NP)[:n]
    return out * keep[:, None]

# --- scband reference (transcript-rebuilt; emitter-appended) ---
"""Pipeline reference for scband-model-8830452760989 (READ-ONLY COPY).

The authoritative reference and input builder live on the scoring server;
editing this copy changes nothing except your own understanding.
"""

import jax, jax.numpy as jnp
import numpy as np

IOU_THR = 0.2
EPS = 1e-10

def _pairwise_iou(boxes):
    # boxes: [N, 4] as (l, t, r, b), same math as the torch iou() helper
    l = boxes[:, 0:1]; t = boxes[:, 1:2]; r = boxes[:, 2:3]; b = boxes[:, 3:4]
    w = r - l; h = b - t
    inter_w = jnp.clip(jnp.minimum(r, r.T) - jnp.maximum(l, l.T), 0.0)
    inter_h = jnp.clip(jnp.minimum(b, b.T) - jnp.maximum(t, t.T), 0.0)
    inter = inter_w * inter_h
    union = w * h + (w * h).T - inter + EPS
    return inter / union

def _nms(output):
    # Faithful masked rewrite of Model.nms(output, iou_thr=0.2):
    # sort by score desc; greedily pop the top active box; skip it if its area < 4;
    # keep it only if it suppresses >= 10 remaining boxes (iou >= thr), in which case
    # those boxes are removed from the active pool. Returns kept rows as a dense
    # [N, C] tensor with non-kept rows zeroed (fixed-shape equivalent of the result list).
    order = jnp.argsort(-output[:, 0])
    out = output[order]
    boxes = out[:, 1:5]
    areas = (boxes[:, 3] - boxes[:, 1]) * (boxes[:, 2] - boxes[:, 0])
    ious = _pairwise_iou(boxes)
    n = out.shape[0]

    def body(i, carry):
        active, keep = carry
        is_active = active[i]          # box i still in the pool (not yet popped/suppressed)
        active = active.at[i].set(False)  # pop it
        supp = active & (ious[i] >= IOU_THR)
        cnt = jnp.sum(supp)
        ok = is_active & (areas[i] >= 4.0) & (cnt >= 10)
        keep = keep.at[i].set(ok)
        # only if kept do we actually remove the suppressed boxes (matches torch control flow)
        active = jnp.where(ok, active & (~supp), active)
        return (active, keep)

    active0 = jnp.ones((n,), dtype=bool)
    keep0 = jnp.zeros((n,), dtype=bool)
    _, keep = jax.lax.fori_loop(0, n, body, (active0, keep0))
    return out * keep[:, None].astype(out.dtype)

def setup_inputs(seed: int = 0):
    key = jax.random.key(seed)
    k1, k2, k3, k4, k5, k6 = jax.random.split(key, 6)
    n, c = 5000, 11
    score = jax.random.uniform(k1, (n, 1), dtype=jnp.float32)
    x1 = jax.random.uniform(k2, (n, 1), dtype=jnp.float32) * 576.0
    y1 = jax.random.uniform(k3, (n, 1), dtype=jnp.float32) * 576.0
    w = jax.random.uniform(k4, (n, 1), dtype=jnp.float32) * 64.0
    h = jax.random.uniform(k5, (n, 1), dtype=jnp.float32) * 64.0
    extra = jax.random.uniform(k6, (n, c - 5), dtype=jnp.float32)
    output = jnp.concatenate([score, x1, y1, x1 + w, y1 + h, extra], axis=1)
    return {"output": output}

def reference(output):
    return _nms(output)

if __name__ == "__main__":
    import jax
    _d = setup_inputs()
    print(jax.jit(kernel)(*tuple(_d.values())))

</pallas_src>

<mosaic_0001>
module attributes {stable_mosaic.version = 14 : i64} {
  func.func @_nms_body(%arg0: memref<5120xf32, #tpu.memory_space<smem>>, %arg1: memref<5120xf32, #tpu.memory_space<smem>>, %arg2: memref<5120xf32, #tpu.memory_space<smem>>, %arg3: memref<5120xf32, #tpu.memory_space<smem>>, %arg4: memref<5120xf32, #tpu.memory_space<smem>>, %arg5: memref<40x128xf32, #tpu.memory_space<vmem>>, %arg6: memref<40x128xf32, #tpu.memory_space<vmem>>, %arg7: memref<40x128xf32, #tpu.memory_space<vmem>>, %arg8: memref<40x128xf32, #tpu.memory_space<vmem>>, %arg9: memref<40x128xf32, #tpu.memory_space<vmem>>, %arg10: memref<40x128xf32, #tpu.memory_space<vmem>>) attributes {dimension_semantics = [], scalar_prefetch = 0 : i64, scratch_operands = 0 : i64, tpu.core_type = #tpu.core_type<tc>} {
    %iota3A = tpu.iota {dimensions = array<i32: 0>} : vector<40x128xi32>
    %iota3A_0 = tpu.iota {dimensions = array<i32: 1>} : vector<40x128xi32>
    %mul3A = arith.constant 128 : i32
    %mul3A_1 = vector.broadcast %mul3A : i32 to vector<40x128xi32>
    %mul3A_2 = arith.muli %iota3A, %mul3A_1 : vector<40x128xi32>
    %add3A = arith.addi %mul3A_2, %iota3A_0 : vector<40x128xi32>
    %get3A = arith.constant 0 : index
    %get3A_3 = arith.constant 0 : index
    %get3A_4 = vector.load %arg5[%get3A, %get3A_3] : memref<40x128xf32, #tpu.memory_space<vmem>>, vector<40x128xf32>
    %get3A_5 = arith.constant 0 : index
    %get3A_6 = arith.constant 0 : index
    %get3A_7 = vector.load %arg6[%get3A_5, %get3A_6] : memref<40x128xf32, #tpu.memory_space<vmem>>, vector<40x128xf32>
    %get3A_8 = arith.constant 0 : index
    %get3A_9 = arith.constant 0 : index
    %get3A_10 = vector.load %arg7[%get3A_8, %get3A_9] : memref<40x128xf32, #tpu.memory_space<vmem>>, vector<40x128xf32>
    %get3A_11 = arith.constant 0 : index
    %get3A_12 = arith.constant 0 : index
    %get3A_13 = vector.load %arg8[%get3A_11, %get3A_12] : memref<40x128xf32, #tpu.memory_space<vmem>>, vector<40x128xf32>
    %get3A_14 = arith.constant 0 : index
    %get3A_15 = arith.constant 0 : index
    %get3A_16 = vector.load %arg9[%get3A_14, %get3A_15] : memref<40x128xf32, #tpu.memory_space<vmem>>, vector<40x128xf32>
    %iota3A_17 = tpu.iota {dimensions = array<i32: 0>} : vector<16x1xi32>
    %broadcast_in_dim3A = arith.constant 1.000000e+00 : f32
    %broadcast_in_dim3A_18 = vector.broadcast %broadcast_in_dim3A : f32 to vector<40x128xf32>
    %broadcast_in_dim3A_19 = arith.constant 0.000000e+00 : f32
    %broadcast_in_dim3A_20 = vector.broadcast %broadcast_in_dim3A_19 : f32 to vector<40x128xf32>
    %while3A = arith.constant 1024 : i32
    %while3A_21 = arith.constant 0 : i32
    %while3A_22:3 = scf.while (%while3A_80 = %while3A_21, %while3A_81 = %broadcast_in_dim3A_18, %while3A_82 = %broadcast_in_dim3A_20) : (i32, vector<40x128xf32>, vector<40x128xf32>) -> (i32, vector<40x128xf32>, vector<40x128xf32>) {
      %lt3A = arith.cmpi slt, %while3A_80, %while3A : i32
      scf.condition(%lt3A) %while3A_80, %while3A_81, %while3A_82 : i32, vector<40x128xf32>, vector<40x128xf32>
    } do {
    ^bb0(%while3A_80: i32, %while3A_81: vector<40x128xf32>, %while3A_82: vector<40x128xf32>):
      %add3A_83 = arith.constant 0 : i32
      %add3A_84 = arith.addi %while3A_80, %add3A_83 : i32
      %get3A_85 = arith.index_cast %add3A_84 : i32 to index
      %get3A_86 = memref.load %arg0[%get3A_85] : memref<5120xf32, #tpu.memory_space<smem>>
      %get3A_87 = arith.index_cast %add3A_84 : i32 to index
      %get3A_88 = memref.load %arg1[%get3A_87] : memref<5120xf32, #tpu.memory_space<smem>>
      %get3A_89 = arith.index_cast %add3A_84 : i32 to index
      %get3A_90 = memref.load %arg2[%get3A_89] : memref<5120xf32, #tpu.memory_space<smem>>
      %get3A_91 = arith.index_cast %add3A_84 : i32 to index
      %get3A_92 = memref.load %arg3[%get3A_91] : memref<5120xf32, #tpu.memory_space<smem>>
      %get3A_93 = arith.index_cast %add3A_84 : i32 to index
      %get3A_94 = memref.load %arg4[%get3A_93] : memref<5120xf32, #tpu.memory_space<smem>>
      %ge3A = arith.constant 4.000000e+00 : f32
      %ge3A_95 = arith.cmpf oge, %get3A_94, %ge3A : f32
      %jit3A = arith.constant 8.192000e+03 : f32
      %jit3A_96 = arith.constant 0.000000e+00 : f32
      %select_n3A = arith.select %ge3A_95, %jit3A, %jit3A_96 : f32
      %min3A = vector.broadcast %get3A_90 : f32 to vector<40x128xf32>
      %min3A_97 = arith.minimumf %get3A_10, %min3A : vector<40x128xf32>
      %max3A = vector.broadcast %get3A_86 : f32 to vector<40x128xf32>
      %max3A_98 = arith.maximumf %get3A_4, %max3A : vector<40x128xf32>
      %sub3A = arith.subf %min3A_97, %max3A_98 : vector<40x128xf32>
      %max3A_99 = arith.constant 0.000000e+00 : f32
      %max3A_100 = vector.broadcast %max3A_99 : f32 to vector<40x128xf32>
      %max3A_101 = arith.maximumf %sub3A, %max3A_100 : vector<40x128xf32>
      %min3A_102 = vector.broadcast %get3A_92 : f32 to vector<40x128xf32>
      %min3A_103 = arith.minimumf %get3A_13, %min3A_102 : vector<40x128xf32>
      %max3A_104 = vector.broadcast %get3A_88 : f32 to vector<40x128xf32>
      %max3A_105 = arith.maximumf %get3A_7, %max3A_104 : vector<40x128xf32>
      %sub3A_106 = arith.subf %min3A_103, %max3A_105 : vector<40x128xf32>
      %max3A_107 = arith.constant 0.000000e+00 : f32
      %max3A_108 = vector.broadcast %max3A_107 : f32 to vector<40x128xf32>
      %max3A_109 = arith.maximumf %sub3A_106, %max3A_108 : vector<40x128xf32>
      %mul3A_110 = arith.mulf %max3A_101, %max3A_109 : vector<40x128xf32>
      %add3A_111 = vector.broadcast %get3A_94 : f32 to vector<40x128xf32>
      %add3A_112 = arith.addf %add3A_111, %get3A_16 : vector<40x128xf32>
      %sub3A_113 = arith.subf %add3A_112, %mul3A_110 : vector<40x128xf32>
      %add3A_114 = arith.constant 1.000000e-10 : f32
      %add3A_115 = vector.broadcast %add3A_114 : f32 to vector<40x128xf32>
      %add3A_116 = arith.addf %sub3A_113, %add3A_115 : vector<40x128xf32>
      %div3A = arith.divf %mul3A_110, %add3A_116 : vector<40x128xf32>
      %ge3A_117 = arith.constant 2.000000e-01 : f32
      %ge3A_118 = vector.broadcast %ge3A_117 : f32 to vector<40x128xf32>
      %ge3A_119 = arith.cmpf oge, %div3A, %ge3A_118 : vector<40x128xf32>
      %gt3A = vector.broadcast %add3A_84 : i32 to vector<40x128xi32>
      %gt3A_120 = arith.cmpi sgt, %add3A, %gt3A : vector<40x128xi32>
      %and3A = arith.andi %ge3A_119, %gt3A_120 : vector<40x128xi1>
      %jit3A_121 = arith.constant 0.000000e+00 : f32
      %broadcast_in_dim3A_122 = vector.broadcast %jit3A_121 : f32 to vector<40x128xf32>
      %select_n3A_123 = arith.select %and3A, %while3A_81, %broadcast_in_dim3A_122 : vector<40x128xi1>, vector<40x128xf32>
      %eq3A = vector.broadcast %add3A_84 : i32 to vector<40x128xi32>
      %eq3A_124 = arith.cmpi eq, %add3A, %eq3A : vector<40x128xi32>
      %mul3A_125 = vector.broadcast %select_n3A : f32 to vector<40x128xf32>
      %mul3A_126 = arith.mulf %while3A_81, %mul3A_125 : vector<40x128xf32>
      %jit3A_127 = arith.constant 0.000000e+00 : f32
      %broadcast_in_dim3A_128 = vector.broadcast %jit3A_127 : f32 to vector<40x128xf32>
      %select_n3A_129 = arith.select %eq3A_124, %mul3A_126, %broadcast_in_dim3A_128 : vector<40x128xi1>, vector<40x128xf32>
      %add3A_130 = arith.addf %select_n3A_123, %select_n3A_129 : vector<40x128xf32>
      %reduce_sum3A = arith.constant dense<0.000000e+00> : vector<128xf32>
      %reduce_sum3A_131 = vector.multi_reduction <add>, %add3A_130, %reduce_sum3A [0] : vector<40x128xf32> to vector<128xf32>
      %broadcast_in_dim3A_132 = vector.shape_cast %reduce_sum3A_131 : vector<128xf32> to vector<1x128xf32>
      %add3A_133 = arith.constant 1 : i32
      %add3A_134 = arith.addi %while3A_80, %add3A_133 : i32
      %get3A_135 = arith.index_cast %add3A_134 : i32 to index
      %get3A_136 = memref.load %arg0[%get3A_135] : memref<5120xf32, #tpu.memory_space<smem>>
      %get3A_137 = arith.index_cast %add3A_134 : i32 to index
      %get3A_138 = memref.load %arg1[%get3A_137] : memref<5120xf32, #tpu.memory_space<smem>>
      %get3A_139 = arith.index_cast %add3A_134 : i32 to index
      %get3A_140 = memref.load %arg2[%get3A_139] : memref<5120xf32, #tpu.memory_space<smem>>
      %get3A_141 = arith.index_cast %add3A_134 : i32 to index
      %get3A_142 = memref.load %arg3[%get3A_141] : memref<5120xf32, #tpu.memory_space<smem>>
      %get3A_143 = arith.index_cast %add3A_134 : i32 to index
      %get3A_144 = memref.load %arg4[%get3A_143] : memref<5120xf32, #tpu.memory_space<smem>>
      %ge3A_145 = arith.constant 4.000000e+00 : f32
      %ge3A_146 = arith.cmpf oge, %get3A_144, %ge3A_145 : f32
      %jit3A_147 = arith.constant 8.192000e+03 : f32
      %jit3A_148 = arith.constant 0.000000e+00 : f32
      %select_n3A_149 = arith.select %ge3A_146, %jit3A_147, %jit3A_148 : f32
      %min3A_150 = vector.broadcast %get3A_140 : f32 to vector<40x128xf32>
      %min3A_151 = arith.minimumf %get3A_10, %min3A_150 : vector<40x128xf32>
      %max3A_152 = vector.broadcast %get3A_136 : f32 to vector<40x128xf32>
      %max3A_153 = arith.maximumf %get3A_4, %max3A_152 : vector<40x128xf32>
      %sub3A_154 = arith.subf %min3A_151, %max3A_153 : vector<40x128xf32>
      %max3A_155 = arith.constant 0.000000e+00 : f32
      %max3A_156 = vector.broadcast %max3A_155 : f32 to vector<40x128xf32>
      %max3A_157 = arith.maximumf %sub3A_154, %max3A_156 : vector<40x128xf32>
      %min3A_158 = vector.broadcast %get3A_142 : f32 to vector<40x128xf32>
      %min3A_159 = arith.minimumf %get3A_13, %min3A_158 : vector<40x128xf32>
      %max3A_160 = vector.broadcast %get3A_138 : f32 to vector<40x128xf32>
      %max3A_161 = arith.maximumf %get3A_7, %max3A_160 : vector<40x128xf32>
      %sub3A_162 = arith.subf %min3A_159, %max3A_161 : vector<40x128xf32>
      %max3A_163 = arith.constant 0.000000e+00 : f32
      %max3A_164 = vector.broadcast %max3A_163 : f32 to vector<40x128xf32>
      %max3A_165 = arith.maximumf %sub3A_162, %max3A_164 : vector<40x128xf32>
      %mul3A_166 = arith.mulf %max3A_157, %max3A_165 : vector<40x128xf32>
      %add3A_167 = vector.broadcast %get3A_144 : f32 to vector<40x128xf32>
      %add3A_168 = arith.addf %add3A_167, %get3A_16 : vector<40x128xf32>
      %sub3A_169 = arith.subf %add3A_168, %mul3A_166 : vector<40x128xf32>
      %add3A_170 = arith.constant 1.000000e-10 : f32
      %add3A_171 = vector.broadcast %add3A_170 : f32 to vector<40x128xf32>
      %add3A_172 = arith.addf %sub3A_169, %add3A_171 : vector<40x128xf32>
      %div3A_173 = arith.divf %mul3A_166, %add3A_172 : vector<40x128xf32>
      %ge3A_174 = arith.constant 2.000000e-01 : f32
      %ge3A_175 = vector.broadcast %ge3A_174 : f32 to vector<40x128xf32>
      %ge3A_176 = arith.cmpf oge, %div3A_173, %ge3A_175 : vector<40x128xf32>
      %gt3A_177 = vector.broadcast %add3A_134 : i32 to vector<40x128xi32>
      %gt3A_178 = arith.cmpi sgt, %add3A, %gt3A_177 : vector<40x128xi32>
      %and3A_179 = arith.andi %ge3A_176, %gt3A_178 : vector<40x128xi1>
      %jit3A_180 = arith.constant 0.000000e+00 : f32
      %broadcast_in_dim3A_181 = vector.broadcast %jit3A_180 : f32 to vector<40x128xf32>
      %select_n3A_182 = arith.select %and3A_179, %while3A_81, %broadcast_in_dim3A_181 : vector<40x128xi1>, vector<40x128xf32>
      %eq3A_183 = vector.broadcast %add3A_134 : i32 to vector<40x128xi32>
      %eq3A_184 = arith.cmpi eq, %add3A, %eq3A_183 : vector<40x128xi32>
      %mul3A_185 = vector.broadcast %select_n3A_149 : f32 to vector<40x128xf32>
      %mul3A_186 = arith.mulf %while3A_81, %mul3A_185 : vector<40x128xf32>
      %jit3A_187 = arith.constant 0.000000e+00 : f32
      %broadcast_in_dim3A_188 = vector.broadcast %jit3A_187 : f32 to vector<40x128xf32>
      %select_n3A_189 = arith.select %eq3A_184, %mul3A_186, %broadcast_in_dim3A_188 : vector<40x128xi1>, vector<40x128xf32>
      %add3A_190 = arith.addf %select_n3A_182, %select_n3A_189 : vector<40x128xf32>
      %reduce_sum3A_191 = arith.constant dense<0.000000e+00> : vector<128xf32>
      %reduce_sum3A_192 = vector.multi_reduction <add>, %add3A_190, %reduce_sum3A_191 [0] : vector<40x128xf32> to vector<128xf32>
      %broadcast_in_dim3A_193 = vector.shape_cast %reduce_sum3A_192 : vector<128xf32> to vector<1x128xf32>
      %add3A_194 = arith.constant 2 : i32
      %add3A_195 = arith.addi %while3A_80, %add3A_194 : i32
      %get3A_196 = arith.index_cast %add3A_195 : i32 to index
      %get3A_197 = memref.load %arg0[%get3A_196] : memref<5120xf32, #tpu.memory_space<smem>>
      %get3A_198 = arith.index_cast %add3A_195 : i32 to index
      %get3A_199 = memref.load %arg1[%get3A_198] : memref<5120xf32, #tpu.memory_space<smem>>
      %get3A_200 = arith.index_cast %add3A_195 : i32 to index
      %get3A_201 = memref.load %arg2[%get3A_200] : memref<5120xf32, #tpu.memory_space<smem>>
      %get3A_202 = arith.index_cast %add3A_195 : i32 to index
      %get3A_203 = memref.load %arg3[%get3A_202] : memref<5120xf32, #tpu.memory_space<smem>>
      %get3A_204 = arith.index_cast %add3A_195 : i32 to index
      %get3A_205 = memref.load %arg4[%get3A_204] : memref<5120xf32, #tpu.memory_space<smem>>
      %ge3A_206 = arith.constant 4.000000e+00 : f32
      %ge3A_207 = arith.cmpf oge, %get3A_205, %ge3A_206 : f32
      %jit3A_208 = arith.constant 8.192000e+03 : f32
      %jit3A_209 = arith.constant 0.000000e+00 : f32
      %select_n3A_210 = arith.select %ge3A_207, %jit3A_208, %jit3A_209 : f32
      %min3A_211 = vector.broadcast %get3A_201 : f32 to vector<40x128xf32>
      %min3A_212 = arith.minimumf %get3A_10, %min3A_211 : vector<40x128xf32>
      %max3A_213 = vector.broadcast %get3A_197 : f32 to vector<40x128xf32>
      %max3A_214 = arith.maximumf %get3A_4, %max3A_213 : vector<40x128xf32>
      %sub3A_215 = arith.subf %min3A_212, %max3A_214 : vector<40x128xf32>
      %max3A_216 = arith.constant 0.000000e+00 : f32
      %max3A_217 = vector.broadcast %max3A_216 : f32 to vector<40x128xf32>
      %max3A_218 = arith.maximumf %sub3A_215, %max3A_217 : vector<40x128xf32>
      %min3A_219 = vector.broadcast %get3A_203 : f32 to vector<40x128xf32>
      %min3A_220 = arith.minimumf %get3A_13, %min3A_219 : vector<40x128xf32>
      %max3A_221 = vector.broadcast %get3A_199 : f32 to vector<40x128xf32>
      %max3A_222 = arith.maximumf %get3A_7, %max3A_221 : vector<40x128xf32>
      %sub3A_223 = arith.subf %min3A_220, %max3A_222 : vector<40x128xf32>
      %max3A_224 = arith.constant 0.000000e+00 : f32
      %max3A_225 = vector.broadcast %max3A_224 : f32 to vector<40x128xf32>
      %max3A_226 = arith.maximumf %sub3A_223, %max3A_225 : vector<40x128xf32>
      %mul3A_227 = arith.mulf %max3A_218, %max3A_226 : vector<40x128xf32>
      %add3A_228 = vector.broadcast %get3A_205 : f32 to vector<40x128xf32>
      %add3A_229 = arith.addf %add3A_228, %get3A_16 : vector<40x128xf32>
      %sub3A_230 = arith.subf %add3A_229, %mul3A_227 : vector<40x128xf32>
      %add3A_231 = arith.constant 1.000000e-10 : f32
      %add3A_232 = vector.broadcast %add3A_231 : f32 to vector<40x128xf32>
      %add3A_233 = arith.addf %sub3A_230, %add3A_232 : vector<40x128xf32>
      %div3A_234 = arith.divf %mul3A_227, %add3A_233 : vector<40x128xf32>
      %ge3A_235 = arith.constant 2.000000e-01 : f32
      %ge3A_236 = vector.broadcast %ge3A_235 : f32 to vector<40x128xf32>
      %ge3A_237 = arith.cmpf oge, %div3A_234, %ge3A_236 : vector<40x128xf32>
      %gt3A_238 = vector.broadcast %add3A_195 : i32 to vector<40x128xi32>
      %gt3A_239 = arith.cmpi sgt, %add3A, %gt3A_238 : vector<40x128xi32>
      %and3A_240 = arith.andi %ge3A_237, %gt3A_239 : vector<40x128xi1>
      %jit3A_241 = arith.constant 0.000000e+00 : f32
      %broadcast_in_dim3A_242 = vector.broadcast %jit3A_241 : f32 to vector<40x128xf32>
      %select_n3A_243 = arith.select %and3A_240, %while3A_81, %broadcast_in_dim3A_242 : vector<40x128xi1>, vector<40x128xf32>
      %eq3A_244 = vector.broadcast %add3A_195 : i32 to vector<40x128xi32>
      %eq3A_245 = arith.cmpi eq, %add3A, %eq3A_244 : vector<40x128xi32>
      %mul3A_246 = vector.broadcast %select_n3A_210 : f32 to vector<40x128xf32>
      %mul3A_247 = arith.mulf %while3A_81, %mul3A_246 : vector<40x128xf32>
      %jit3A_248 = arith.constant 0.000000e+00 : f32
      %broadcast_in_dim3A_249 = vector.broadcast %jit3A_248 : f32 to vector<40x128xf32>
      %select_n3A_250 = arith.select %eq3A_245, %mul3A_247, %broadcast_in_dim3A_249 : vector<40x128xi1>, vector<40x128xf32>
      %add3A_251 = arith.addf %select_n3A_243, %select_n3A_250 : vector<40x128xf32>
      %reduce_sum3A_252 = arith.constant dense<0.000000e+00> : vector<128xf32>
      %reduce_sum3A_253 = vector.multi_reduction <add>, %add3A_251, %reduce_sum3A_252 [0] : vector<40x128xf32> to vector<128xf32>
      %broadcast_in_dim3A_254 = vector.shape_cast %reduce_sum3A_253 : vector<128xf32> to vector<1x128xf32>
      %add3A_255 = arith.constant 3 : i32
      %add3A_256 = arith.addi %while3A_80, %add3A_255 : i32
      %get3A_257 = arith.index_cast %add3A_256 : i32 to index
      %get3A_258 = memref.load %arg0[%get3A_257] : memref<5120xf32, #tpu.memory_space<smem>>
      %get3A_259 = arith.index_cast %add3A_256 : i32 to index
      %get3A_260 = memref.load %arg1[%get3A_259] : memref<5120xf32, #tpu.memory_space<smem>>
      %get3A_261 = arith.index_cast %add3A_256 : i32 to index
      %get3A_262 = memref.load %arg2[%get3A_261] : memref<5120xf32, #tpu.memory_space<smem>>
      %get3A_263 = arith.index_cast %add3A_256 : i32 to index
      %get3A_264 = memref.load %arg3[%get3A_263] : memref<5120xf32, #tpu.memory_space<smem>>
      %get3A_265 = arith.index_cast %add3A_256 : i32 to index
      %get3A_266 = memref.load %arg4[%get3A_265] : memref<5120xf32, #tpu.memory_space<smem>>
      %ge3A_267 = arith.constant 4.000000e+00 : f32
      %ge3A_268 = arith.cmpf oge, %get3A_266, %ge3A_267 : f32
      %jit3A_269 = arith.constant 8.192000e+03 : f32
      %jit3A_270 = arith.constant 0.000000e+00 : f32
      %select_n3A_271 = arith.select %ge3A_268, %jit3A_269, %jit3A_270 : f32
      %min3A_272 = vector.broadcast %get3A_262 : f32 to vector<40x128xf32>
      %min3A_273 = arith.minimumf %get3A_10, %min3A_272 : vector<40x128xf32>
      %max3A_274 = vector.broadcast %get3A_258 : f32 to vector<40x128xf32>
      %max3A_275 = arith.maximumf %get3A_4, %max3A_274 : vector<40x128xf32>
      %sub3A_276 = arith.subf %min3A_273, %max3A_275 : vector<40x128xf32>
      %max3A_277 = arith.constant 0.000000e+00 : f32
      %max3A_278 = vector.broadcast %max3A_277 : f32 to vector<40x128xf32>
      %max3A_279 = arith.maximumf %sub3A_276, %max3A_278 : vector<40x128xf32>
      %min3A_280 = vector.broadcast %get3A_264 : f32 to vector<40x128xf32>
      %min3A_281 = arith.minimumf %get3A_13, %min3A_280 : vector<40x128xf32>
      %max3A_282 = vector.broadcast %get3A_260 : f32 to vector<40x128xf32>
      %max3A_283 = arith.maximumf %get3A_7, %max3A_282 : vector<40x128xf32>
      %sub3A_284 = arith.subf %min3A_281, %max3A_283 : vector<40x128xf32>
      %max3A_285 = arith.constant 0.000000e+00 : f32
      %max3A_286 = vector.broadcast %max3A_285 : f32 to vector<40x128xf32>
      %max3A_287 = arith.maximumf %sub3A_284, %max3A_286 : vector<40x128xf32>
      %mul3A_288 = arith.mulf %max3A_279, %max3A_287 : vector<40x128xf32>
      %add3A_289 = vector.broadcast %get3A_266 : f32 to vector<40x128xf32>
      %add3A_290 = arith.addf %add3A_289, %get3A_16 : vector<40x128xf32>
      %sub3A_291 = arith.subf %add3A_290, %mul3A_288 : vector<40x128xf32>
      %add3A_292 = arith.constant 1.000000e-10 : f32
      %add3A_293 = vector.broadcast %add3A_292 : f32 to vector<40x128xf32>
      %add3A_294 = arith.addf %sub3A_291, %add3A_293 : vector<40x128xf32>
      %div3A_295 = arith.divf %mul3A_288, %add3A_294 : vector<40x128xf32>
      %ge3A_296 = arith.constant 2.000000e-01 : f32
      %ge3A_297 = vector.broadcast %ge3A_296 : f32 to vector<40x128xf32>
      %ge3A_298 = arith.cmpf oge, %div3A_295, %ge3A_297 : vector<40x128xf32>
      %gt3A_299 = vector.broadcast %add3A_256 : i32 to vector<40x128xi32>
      %gt3A_300 = arith.cmpi sgt, %add3A, %gt3A_299 : vector<40x128xi32>
      %and3A_301 = arith.andi %ge3A_298, %gt3A_300 : vector<40x128xi1>
      %jit3A_302 = arith.constant 0.000000e+00 : f32
      %broadcast_in_dim3A_303 = vector.broadcast %jit3A_302 : f32 to vector<40x128xf32>
      %select_n3A_304 = arith.select %and3A_301, %while3A_81, %broadcast_in_dim3A_303 : vector<40x128xi1>, vector<40x128xf32>
      %eq3A_305 = vector.broadcast %add3A_256 : i32 to vector<40x128xi32>
      %eq3A_306 = arith.cmpi eq, %add3A, %eq3A_305 : vector<40x128xi32>
      %mul3A_307 = vector.broadcast %select_n3A_271 : f32 to vector<40x128xf32>
      %mul3A_308 = arith.mulf %while3A_81, %mul3A_307 : vector<40x128xf32>
      %jit3A_309 = arith.constant 0.000000e+00 : f32
      %broadcast_in_dim3A_310 = vector.broadcast %jit3A_309 : f32 to vector<40x128xf32>
      %select_n3A_311 = arith.select %eq3A_306, %mul3A_308, %broadcast_in_dim3A_310 : vector<40x128xi1>, vector<40x128xf32>
      %add3A_312 = arith.addf %select_n3A_304, %select_n3A_311 : vector<40x128xf32>
      %reduce_sum3A_313 = arith.constant dense<0.000000e+00> : vector<128xf32>
      %reduce_sum3A_314 = vector.multi_reduction <add>, %add3A_312, %reduce_sum3A_313 [0] : vector<40x128xf32> to vector<128xf32>
      %broadcast_in_dim3A_315 = vector.shape_cast %reduce_sum3A_314 : vector<128xf32> to vector<1x128xf32>
      %add3A_316 = arith.constant 4 : i32
      %add3A_317 = arith.addi %while3A_80, %add3A_316 : i32
      %get3A_318 = arith.index_cast %add3A_317 : i32 to index
      %get3A_319 = memref.load %arg0[%get3A_318] : memref<5120xf32, #tpu.memory_space<smem>>
      %get3A_320 = arith.index_cast %add3A_317 : i32 to index
      %get3A_321 = memref.load %arg1[%get3A_320] : memref<5120xf32, #tpu.memory_space<smem>>
      %get3A_322 = arith.index_cast %add3A_317 : i32 to index
      %get3A_323 = memref.load %arg2[%get3A_322] : memref<5120xf32, #tpu.memory_space<smem>>
      %get3A_324 = arith.index_cast %add3A_317 : i32 to index
      %get3A_325 = memref.load %arg3[%get3A_324] : memref<5120xf32, #tpu.memory_space<smem>>
      %get3A_326 = arith.index_cast %add3A_317 : i32 to index
      %get3A_327 = memref.load %arg4[%get3A_326] : memref<5120xf32, #tpu.memory_space<smem>>
      %ge3A_328 = arith.constant 4.000000e+00 : f32
      %ge3A_329 = arith.cmpf oge, %get3A_327, %ge3A_328 : f32
      %jit3A_330 = arith.constant 8.192000e+03 : f32
      %jit3A_331 = arith.constant 0.000000e+00 : f32
      %select_n3A_332 = arith.select %ge3A_329, %jit3A_330, %jit3A_331 : f32
      %min3A_333 = vector.broadcast %get3A_323 : f32 to vector<40x128xf32>
      %min3A_334 = arith.minimumf %get3A_10, %min3A_333 : vector<40x128xf32>
      %max3A_335 = vector.broadcast %get3A_319 : f32 to vector<40x128xf32>
      %max3A_336 = arith.maximumf %get3A_4, %max3A_335 : vector<40x128xf32>
      %sub3A_337 = arith.subf %min3A_334, %max3A_336 : vector<40x128xf32>
      %max3A_338 = arith.constant 0.000000e+00 : f32
      %max3A_339 = vector.broadcast %max3A_338 : f32 to vector<40x128xf32>
      %max3A_340 = arith.maximumf %sub3A_337, %max3A_339 : vector<40x128xf32>
      %min3A_341 = vector.broadcast %get3A_325 : f32 to vector<40x128xf32>
      %min3A_342 = arith.minimumf %get3A_13, %min3A_341 : vector<40x128xf32>
      %max3A_343 = vector.broadcast %get3A_321 : f32 to vector<40x128xf32>
      %max3A_344 = arith.maximumf %get3A_7, %max3A_343 : vector<40x128xf32>
      %sub3A_345 = arith.subf %min3A_342, %max3A_344 : vector<40x128xf32>
      %max3A_346 = arith.constant 0.000000e+00 : f32
      %max3A_347 = vector.broadcast %max3A_346 : f32 to vector<40x128xf32>
      %max3A_348 = arith.maximumf %sub3A_345, %max3A_347 : vector<40x128xf32>
      %mul3A_349 = arith.mulf %max3A_340, %max3A_348 : vector<40x128xf32>
      %add3A_350 = vector.broadcast %get3A_327 : f32 to vector<40x128xf32>
      %add3A_351 = arith.addf %add3A_350, %get3A_16 : vector<40x128xf32>
      %sub3A_352 = arith.subf %add3A_351, %mul3A_349 : vector<40x128xf32>
      %add3A_353 = arith.constant 1.000000e-10 : f32
      %add3A_354 = vector.broadcast %add3A_353 : f32 to vector<40x128xf32>
      %add3A_355 = arith.addf %sub3A_352, %add3A_354 : vector<40x128xf32>
      %div3A_356 = arith.divf %mul3A_349, %add3A_355 : vector<40x128xf32>
      %ge3A_357 = arith.constant 2.000000e-01 : f32
      %ge3A_358 = vector.broadcast %ge3A_357 : f32 to vector<40x128xf32>
      %ge3A_359 = arith.cmpf oge, %div3A_356, %ge3A_358 : vector<40x128xf32>
      %gt3A_360 = vector.broadcast %add3A_317 : i32 to vector<40x128xi32>
      %gt3A_361 = arith.cmpi sgt, %add3A, %gt3A_360 : vector<40x128xi32>
      %and3A_362 = arith.andi %ge3A_359, %gt3A_361 : vector<40x128xi1>
      %jit3A_363 = arith.constant 0.000000e+00 : f32
      %broadcast_in_dim3A_364 = vector.broadcast %jit3A_363 : f32 to vector<40x128xf32>
      %select_n3A_365 = arith.select %and3A_362, %while3A_81, %broadcast_in_dim3A_364 : vector<40x128xi1>, vector<40x128xf32>
      %eq3A_366 = vector.broadcast %add3A_317 : i32 to vector<40x128xi32>
      %eq3A_367 = arith.cmpi eq, %add3A, %eq3A_366 : vector<40x128xi32>
      %mul3A_368 = vector.broadcast %select_n3A_332 : f32 to vector<40x128xf32>
      %mul3A_369 = arith.mulf %while3A_81, %mul3A_368 : vector<40x128xf32>
      %jit3A_370 = arith.constant 0.000000e+00 : f32
      %broadcast_in_dim3A_371 = vector.broadcast %jit3A_370 : f32 to vector<40x128xf32>
      %select_n3A_372 = arith.select %eq3A_367, %mul3A_369, %broadcast_in_dim3A_371 : vector<40x128xi1>, vector<40x128xf32>
      %add3A_373 = arith.addf %select_n3A_365, %select_n3A_372 : vector<40x128xf32>
      %reduce_sum3A_374 = arith.constant dense<0.000000e+00> : vector<128xf32>
      %reduce_sum3A_375 = vector.multi_reduction <add>, %add3A_373, %reduce_sum3A_374 [0] : vector<40x128xf32> to vector<128xf32>
      %broadcast_in_dim3A_376 = vector.shape_cast %reduce_sum3A_375 : vector<128xf32> to vector<1x128xf32>
      %add3A_377 = arith.constant 5 : i32
      %add3A_378 = arith.addi %while3A_80, %add3A_377 : i32
      %get3A_379 = arith.index_cast %add3A_378 : i32 to index
      %get3A_380 = memref.load %arg0[%get3A_379] : memref<5120xf32, #tpu.memory_space<smem>>
      %get3A_381 = arith.index_cast %add3A_378 : i32 to index
      %get3A_382 = memref.load %arg1[%get3A_381] : memref<5120xf32, #tpu.memory_space<smem>>
      %get3A_383 = arith.index_cast %add3A_378 : i32 to index
      %get3A_384 = memref.load %arg2[%get3A_383] : memref<5120xf32, #tpu.memory_space<smem>>
      %get3A_385 = arith.index_cast %add3A_378 : i32 to index
      %get3A_386 = memref.load %arg3[%get3A_385] : memref<5120xf32, #tpu.memory_space<smem>>
      %get3A_387 = arith.index_cast %add3A_378 : i32 to index
      %get3A_388 = memref.load %arg4[%get3A_387] : memref<5120xf32, #tpu.memory_space<smem>>
      %ge3A_389 = arith.constant 4.000000e+00 : f32
      %ge3A_390 = arith.cmpf oge, %get3A_388, %ge3A_389 : f32
      %jit3A_391 = arith.constant 8.192000e+03 : f32
      %jit3A_392 = arith.constant 0.000000e+00 : f32
      %select_n3A_393 = arith.select %ge3A_390, %jit3A_391, %jit3A_392 : f32
      %min3A_394 = vector.broadcast %get3A_384 : f32 to vector<40x128xf32>
      %min3A_395 = arith.minimumf %get3A_10, %min3A_394 : vector<40x128xf32>
      %max3A_396 = vector.broadcast %get3A_380 : f32 to vector<40x128xf32>
      %max3A_397 = arith.maximumf %get3A_4, %max3A_396 : vector<40x128xf32>
      %sub3A_398 = arith.subf %min3A_395, %max3A_397 : vector<40x128xf32>
      %max3A_399 = arith.constant 0.000000e+00 : f32
      %max3A_400 = vector.broadcast %max3A_399 : f32 to vector<40x128xf32>
      %max3A_401 = arith.maximumf %sub3A_398, %max3A_400 : vector<40x128xf32>
      %min3A_402 = vector.broadcast %get3A_386 : f32 to vector<40x128xf32>
      %min3A_403 = arith.minimumf %get3A_13, %min3A_402 : vector<40x128xf32>
      %max3A_404 = vector.broadcast %get3A_382 : f32 to vector<40x128xf32>
      %max3A_405 = arith.maximumf %get3A_7, %max3A_404 : vector<40x128xf32>
      %sub3A_406 = arith.subf %min3A_403, %max3A_405 : vector<40x128xf32>
      %max3A_407 = arith.constant 0.000000e+00 : f32
      %max3A_408 = vector.broadcast %max3A_407 : f32 to vector<40x128xf32>
      %max3A_409 = arith.maximumf %sub3A_406, %max3A_408 : vector<40x128xf32>
      %mul3A_410 = arith.mulf %max3A_401, %max3A_409 : vector<40x128xf32>
      %add3A_411 = vector.broadcast %get3A_388 : f32 to vector<40x128xf32>
      %add3A_412 = arith.addf %add3A_411, %get3A_16 : vector<40x128xf32>
      %sub3A_413 = arith.subf %add3A_412, %mul3A_410 : vector<40x128xf32>
      %add3A_414 = arith.constant 1.000000e-10 : f32
      %add3A_415 = vector.broadcast %add3A_414 : f32 to vector<40x128xf32>
      %add3A_416 = arith.addf %sub3A_413, %add3A_415 : vector<40x128xf32>
      %div3A_417 = arith.divf %mul3A_410, %add3A_416 : vector<40x128xf32>
      %ge3A_418 = arith.constant 2.000000e-01 : f32
      %ge3A_419 = vector.broadcast %ge3A_418 : f32 to vector<40x128xf32>
      %ge3A_420 = arith.cmpf oge, %div3A_417, %ge3A_419 : vector<40x128xf32>
      %gt3A_421 = vector.broadcast %add3A_378 : i32 to vector<40x128xi32>
      %gt3A_422 = arith.cmpi sgt, %add3A, %gt3A_421 : vector<40x128xi32>
      %and3A_423 = arith.andi %ge3A_420, %gt3A_422 : vector<40x128xi1>
      %jit3A_424 = arith.constant 0.000000e+00 : f32
      %broadcast_in_dim3A_425 = vector.broadcast %jit3A_424 : f32 to vector<40x128xf32>
      %select_n3A_426 = arith.select %and3A_423, %while3A_81, %broadcast_in_dim3A_425 : vector<40x128xi1>, vector<40x128xf32>
      %eq3A_427 = vector.broadcast %add3A_378 : i32 to vector<40x128xi32>
      %eq3A_428 = arith.cmpi eq, %add3A, %eq3A_427 : vector<40x128xi32>
      %mul3A_429 = vector.broadcast %select_n3A_393 : f32 to vector<40x128xf32>
      %mul3A_430 = arith.mulf %while3A_81, %mul3A_429 : vector<40x128xf32>
      %jit3A_431 = arith.constant 0.000000e+00 : f32
      %broadcast_in_dim3A_432 = vector.broadcast %jit3A_431 : f32 to vector<40x128xf32>
      %select_n3A_433 = arith.select %eq3A_428, %mul3A_430, %broadcast_in_dim3A_432 : vector<40x128xi1>, vector<40x128xf32>
      %add3A_434 = arith.addf %select_n3A_426, %select_n3A_433 : vector<40x128xf32>
      %reduce_sum3A_435 = arith.constant dense<0.000000e+00> : vector<128xf32>
      %reduce_sum3A_436 = vector.multi_reduction <add>, %add3A_434, %reduce_sum3A_435 [0] : vector<40x128xf32> to vector<128xf32>
      %broadcast_in_dim3A_437 = vector.shape_cast %reduce_sum3A_436 : vector<128xf32> to vector<1x128xf32>
      %add3A_438 = arith.constant 6 : i32
      %add3A_439 = arith.addi %while3A_80, %add3A_438 : i32
      %get3A_440 = arith.index_cast %add3A_439 : i32 to index
      %get3A_441 = memref.load %arg0[%get3A_440] : memref<5120xf32, #tpu.memory_space<smem>>
      %get3A_442 = arith.index_cast %add3A_439 : i32 to index
      %get3A_443 = memref.load %arg1[%get3A_442] : memref<5120xf32, #tpu.memory_space<smem>>
      %get3A_444 = arith.index_cast %add3A_439 : i32 to index
      %get3A_445 = memref.load %arg2[%get3A_444] : memref<5120xf32, #tpu.memory_space<smem>>
      %get3A_446 = arith.index_cast %add3A_439 : i32 to index
      %get3A_447 = memref.load %arg3[%get3A_446] : memref<5120xf32, #tpu.memory_space<smem>>
      %get3A_448 = arith.index_cast %add3A_439 : i32 to index
      %get3A_449 = memref.load %arg4[%get3A_448] : memref<5120xf32, #tpu.memory_space<smem>>
      %ge3A_450 = arith.constant 4.000000e+00 : f32
      %ge3A_451 = arith.cmpf oge, %get3A_449, %ge3A_450 : f32
      %jit3A_452 = arith.constant 8.192000e+03 : f32
      %jit3A_453 = arith.constant 0.000000e+00 : f32
      %select_n3A_454 = arith.select %ge3A_451, %jit3A_452, %jit3A_453 : f32
      %min3A_455 = vector.broadcast %get3A_445 : f32 to vector<40x128xf32>
      %min3A_456 = arith.minimumf %get3A_10, %min3A_455 : vector<40x128xf32>
      %max3A_457 = vector.broadcast %get3A_441 : f32 to vector<40x128xf32>
      %max3A_458 = arith.maximumf %get3A_4, %max3A_457 : vector<40x128xf32>
      %sub3A_459 = arith.subf %min3A_456, %max3A_458 : vector<40x128xf32>
      %max3A_460 = arith.constant 0.000000e+00 : f32
      %max3A_461 = vector.broadcast %max3A_460 : f32 to vector<40x128xf32>
      %max3A_462 = arith.maximumf %sub3A_459, %max3A_461 : vector<40x128xf32>
      %min3A_463 = vector.broadcast %get3A_447 : f32 to vector<40x128xf32>
      %min3A_464 = arith.minimumf %get3A_13, %min3A_463 : vector<40x128xf32>
      %max3A_465 = vector.broadcast %get3A_443 : f32 to vector<40x128xf32>
      %max3A_466 = arith.maximumf %get3A_7, %max3A_465 : vector<40x128xf32>
      %sub3A_467 = arith.subf %min3A_464, %max3A_466 : vector<40x128xf32>
      %max3A_468 = arith.constant 0.000000e+00 : f32
      %max3A_469 = vector.broadcast %max3A_468 : f32 to vector<40x128xf32>
      %max3A_470 = arith.maximumf %sub3A_467, %max3A_469 : vector<40x128xf32>
      %mul3A_471 = arith.mulf %max3A_462, %max3A_470 : vector<40x128xf32>
      %add3A_472 = vector.broadcast %get3A_449 : f32 to vector<40x128xf32>
      %add3A_473 = arith.addf %add3A_472, %get3A_16 : vector<40x128xf32>
      %sub3A_474 = arith.subf %add3A_473, %mul3A_471 : vector<40x128xf32>
      %add3A_475 = arith.constant 1.000000e-10 : f32
      %add3A_476 = vector.broadcast %add3A_475 : f32 to vector<40x128xf32>
      %add3A_477 = arith.addf %sub3A_474, %add3A_476 : vector<40x128xf32>
      %div3A_478 = arith.divf %mul3A_471, %add3A_477 : vector<40x128xf32>
      %ge3A_479 = arith.constant 2.000000e-01 : f32
      %ge3A_480 = vector.broadcast %ge3A_479 : f32 to vector<40x128xf32>
      %ge3A_481 = arith.cmpf oge, %div3A_478, %ge3A_480 : vector<40x128xf32>
      %gt3A_482 = vector.broadcast %add3A_439 : i32 to vector<40x128xi32>
      %gt3A_483 = arith.cmpi sgt, %add3A, %gt3A_482 : vector<40x128xi32>
      %and3A_484 = arith.andi %ge3A_481, %gt3A_483 : vector<40x128xi1>
      %jit3A_485 = arith.constant 0.000000e+00 : f32
      %broadcast_in_dim3A_486 = vector.broadcast %jit3A_485 : f32 to vector<40x128xf32>
      %select_n3A_487 = arith.select %and3A_484, %while3A_81, %broadcast_in_dim3A_486 : vector<40x128xi1>, vector<40x128xf32>
      %eq3A_488 = vector.broadcast %add3A_439 : i32 to vector<40x128xi32>
      %eq3A_489 = arith.cmpi eq, %add3A, %eq3A_488 : vector<40x128xi32>
      %mul3A_490 = vector.broadcast %select_n3A_454 : f32 to vector<40x128xf32>
      %mul3A_491 = arith.mulf %while3A_81, %mul3A_490 : vector<40x128xf32>
      %jit3A_492 = arith.constant 0.000000e+00 : f32
      %broadcast_in_dim3A_493 = vector.broadcast %jit3A_492 : f32 to vector<40x128xf32>
      %select_n3A_494 = arith.select %eq3A_489, %mul3A_491, %broadcast_in_dim3A_493 : vector<40x128xi1>, vector<40x128xf32>
      %add3A_495 = arith.addf %select_n3A_487, %select_n3A_494 : vector<40x128xf32>
      %reduce_sum3A_496 = arith.constant dense<0.000000e+00> : vector<128xf32>
      %reduce_sum3A_497 = vector.multi_reduction <add>, %add3A_495, %reduce_sum3A_496 [0] : vector<40x128xf32> to vector<128xf32>
      %broadcast_in_dim3A_498 = vector.shape_cast %reduce_sum3A_497 : vector<128xf32> to vector<1x128xf32>
      %add3A_499 = arith.constant 7 : i32
      %add3A_500 = arith.addi %while3A_80, %add3A_499 : i32
      %get3A_501 = arith.index_cast %add3A_500 : i32 to index
      %get3A_502 = memref.load %arg0[%get3A_501] : memref<5120xf32, #tpu.memory_space<smem>>
      %get3A_503 = arith.index_cast %add3A_500 : i32 to index
      %get3A_504 = memref.load %arg1[%get3A_503] : memref<5120xf32, #tpu.memory_space<smem>>
      %get3A_505 = arith.index_cast %add3A_500 : i32 to index
      %get3A_506 = memref.load %arg2[%get3A_505] : memref<5120xf32, #tpu.memory_space<smem>>
      %get3A_507 = arith.index_cast %add3A_500 : i32 to index
      %get3A_508 = memref.load %arg3[%get3A_507] : memref<5120xf32, #tpu.memory_space<smem>>
      %get3A_509 = arith.index_cast %add3A_500 : i32 to index
      %get3A_510 = memref.load %arg4[%get3A_509] : memref<5120xf32, #tpu.memory_space<smem>>
      %ge3A_511 = arith.constant 4.000000e+00 : f32
      %ge3A_512 = arith.cmpf oge, %get3A_510, %ge3A_511 : f32
      %jit3A_513 = arith.constant 8.192000e+03 : f32
      %jit3A_514 = arith.constant 0.000000e+00 : f32
      %select_n3A_515 = arith.select %ge3A_512, %jit3A_513, %jit3A_514 : f32
      %min3A_516 = vector.broadcast %get3A_506 : f32 to vector<40x128xf32>
      %min3A_517 = arith.minimumf %get3A_10, %min3A_516 : vector<40x128xf32>
      %max3A_518 = vector.broadcast %get3A_502 : f32 to vector<40x128xf32>
      %max3A_519 = arith.maximumf %get3A_4, %max3A_518 : vector<40x128xf32>
      %sub3A_520 = arith.subf %min3A_517, %max3A_519 : vector<40x128xf32>
      %max3A_521 = arith.constant 0.000000e+00 : f32
      %max3A_522 = vector.broadcast %max3A_521 : f32 to vector<40x128xf32>
      %max3A_523 = arith.maximumf %sub3A_520, %max3A_522 : vector<40x128xf32>
      %min3A_524 = vector.broadcast %get3A_508 : f32 to vector<40x128xf32>
      %min3A_525 = arith.minimumf %get3A_13, %min3A_524 : vector<40x128xf32>
      %max3A_526 = vector.broadcast %get3A_504 : f32 to vector<40x128xf32>
      %max3A_527 = arith.maximumf %get3A_7, %max3A_526 : vector<40x128xf32>
      %sub3A_528 = arith.subf %min3A_525, %max3A_527 : vector<40x128xf32>
      %max3A_529 = arith.constant 0.000000e+00 : f32
      %max3A_530 = vector.broadcast %max3A_529 : f32 to vector<40x128xf32>
      %max3A_531 = arith.maximumf %sub3A_528, %max3A_530 : vector<40x128xf32>
      %mul3A_532 = arith.mulf %max3A_523, %max3A_531 : vector<40x128xf32>
      %add3A_533 = vector.broadcast %get3A_510 : f32 to vector<40x128xf32>
      %add3A_534 = arith.addf %add3A_533, %get3A_16 : vector<40x128xf32>
      %sub3A_535 = arith.subf %add3A_534, %mul3A_532 : vector<40x128xf32>
      %add3A_536 = arith.constant 1.000000e-10 : f32
      %add3A_537 = vector.broadcast %add3A_536 : f32 to vector<40x128xf32>
      %add3A_538 = arith.addf %sub3A_535, %add3A_537 : vector<40x128xf32>
      %div3A_539 = arith.divf %mul3A_532, %add3A_538 : vector<40x128xf32>
      %ge3A_540 = arith.constant 2.000000e-01 : f32
      %ge3A_541 = vector.broadcast %ge3A_540 : f32 to vector<40x128xf32>
      %ge3A_542 = arith.cmpf oge, %div3A_539, %ge3A_541 : vector<40x128xf32>
      %gt3A_543 = vector.broadcast %add3A_500 : i32 to vector<40x128xi32>
      %gt3A_544 = arith.cmpi sgt, %add3A, %gt3A_543 : vector<40x128xi32>
      %and3A_545 = arith.andi %ge3A_542, %gt3A_544 : vector<40x128xi1>
      %jit3A_546 = arith.constant 0.000000e+00 : f32
      %broadcast_in_dim3A_547 = vector.broadcast %jit3A_546 : f32 to vector<40x128xf32>
      %select_n3A_548 = arith.select %and3A_545, %while3A_81, %broadcast_in_dim3A_547 : vector<40x128xi1>, vector<40x128xf32>
      %eq3A_549 = vector.broadcast %add3A_500 : i32 to vector<40x128xi32>
      %eq3A_550 = arith.cmpi eq, %add3A, %eq3A_549 : vector<40x128xi32>
      %mul3A_551 = vector.broadcast %select_n3A_515 : f32 to vector<40x128xf32>
      %mul3A_552 = arith.mulf %while3A_81, %mul3A_551 : vector<40x128xf32>
      %jit3A_553 = arith.constant 0.000000e+00 : f32
      %broadcast_in_dim3A_554 = vector.broadcast %jit3A_553 : f32 to vector<40x128xf32>
      %select_n3A_555 = arith.select %eq3A_550, %mul3A_552, %broadcast_in_dim3A_554 : vector<40x128xi1>, vector<40x128xf32>
      %add3A_556 = arith.addf %select_n3A_548, %select_n3A_555 : vector<40x128xf32>
      %reduce_sum3A_557 = arith.constant dense<0.000000e+00> : vector<128xf32>
      %reduce_sum3A_558 = vector.multi_reduction <add>, %add3A_556, %reduce_sum3A_557 [0] : vector<40x128xf32> to vector<128xf32>
      %broadcast_in_dim3A_559 = vector.shape_cast %reduce_sum3A_558 : vector<128xf32> to vector<1x128xf32>
      %add3A_560 = arith.constant 8 : i32
      %add3A_561 = arith.addi %while3A_80, %add3A_560 : i32
      %get3A_562 = arith.index_cast %add3A_561 : i32 to index
      %get3A_563 = memref.load %arg0[%get3A_562] : memref<5120xf32, #tpu.memory_space<smem>>
      %get3A_564 = arith.index_cast %add3A_561 : i32 to index
      %get3A_565 = memref.load %arg1[%get3A_564] : memref<5120xf32, #tpu.memory_space<smem>>
      %get3A_566 = arith.index_cast %add3A_561 : i32 to index
      %get3A_567 = memref.load %arg2[%get3A_566] : memref<5120xf32, #tpu.memory_space<smem>>
      %get3A_568 = arith.index_cast %add3A_561 : i32 to index
      %get3A_569 = memref.load %arg3[%get3A_568] : memref<5120xf32, #tpu.memory_space<smem>>
      %get3A_570 = arith.index_cast %add3A_561 : i32 to index
      %get3A_571 = memref.load %arg4[%get3A_570] : memref<5120xf32, #tpu.memory_space<smem>>
      %ge3A_572 = arith.constant 4.000000e+00 : f32
      %ge3A_573 = arith.cmpf oge, %get3A_571, %ge3A_572 : f32
      %jit3A_574 = arith.constant 8.192000e+03 : f32
      %jit3A_575 = arith.constant 0.000000e+00 : f32
      %select_n3A_576 = arith.select %ge3A_573, %jit3A_574, %jit3A_575 : f32
      %min3A_577 = vector.broadcast %get3A_567 : f32 to vector<40x128xf32>
      %min3A_578 = arith.minimumf %get3A_10, %min3A_577 : vector<40x128xf32>
      %max3A_579 = vector.broadcast %get3A_563 : f32 to vector<40x128xf32>
      %max3A_580 = arith.maximumf %get3A_4, %max3A_579 : vector<40x128xf32>
      %sub3A_581 = arith.subf %min3A_578, %max3A_580 : vector<40x128xf32>
      %max3A_582 = arith.constant 0.000000e+00 : f32
      %max3A_583 = vector.broadcast %max3A_582 : f32 to vector<40x128xf32>
      %max3A_584 = arith.maximumf %sub3A_581, %max3A_583 : vector<40x128xf32>
      %min3A_585 = vector.broadcast %get3A_569 : f32 to vector<40x128xf32>
      %min3A_586 = arith.minimumf %get3A_13, %min3A_585 : vector<40x128xf32>
      %max3A_587 = vector.broadcast %get3A_565 : f32 to vector<40x128xf32>
      %max3A_588 = arith.maximumf %get3A_7, %max3A_587 : vector<40x128xf32>
      %sub3A_589 = arith.subf %min3A_586, %max3A_588 : vector<40x128xf32>
      %max3A_590 = arith.constant 0.000000e+00 : f32
      %max3A_591 = vector.broadcast %max3A_590 : f32 to vector<40x128xf32>
      %max3A_592 = arith.maximumf %sub3A_589, %max3A_591 : vector<40x128xf32>
      %mul3A_593 = arith.mulf %max3A_584, %max3A_592 : vector<40x128xf32>
      %add3A_594 = vector.broadcast %get3A_571 : f32 to vector<40x128xf32>
      %add3A_595 = arith.addf %add3A_594, %get3A_16 : vector<40x128xf32>
      %sub3A_596 = arith.subf %add3A_595, %mul3A_593 : vector<40x128xf32>
      %add3A_597 = arith.constant 1.000000e-10 : f32
      %add3A_598 = vector.broadcast %add3A_597 : f32 to vector<40x128xf32>
      %add3A_599 = arith.addf %sub3A_596, %add3A_598 : vector<40x128xf32>
      %div3A_600 = arith.divf %mul3A_593, %add3A_599 : vector<40x128xf32>
      %ge3A_601 = arith.constant 2.000000e-01 : f32
      %ge3A_602 = vector.broadcast %ge3A_601 : f32 to vector<40x128xf32>
      %ge3A_603 = arith.cmpf oge, %div3A_600, %ge3A_602 : vector<40x128xf32>
      %gt3A_604 = vector.broadcast %add3A_561 : i32 to vector<40x128xi32>
      %gt3A_605 = arith.cmpi sgt, %add3A, %gt3A_604 : vector<40x128xi32>
      %and3A_606 = arith.andi %ge3A_603, %gt3A_605 : vector<40x128xi1>
      %jit3A_607 = arith.constant 0.000000e+00 : f32
      %broadcast_in_dim3A_608 = vector.broadcast %jit3A_607 : f32 to vector<40x128xf32>
      %select_n3A_609 = arith.select %and3A_606, %while3A_81, %broadcast_in_dim3A_608 : vector<40x128xi1>, vector<40x128xf32>
      %eq3A_610 = vector.broadcast %add3A_561 : i32 to vector<40x128xi32>
      %eq3A_611 = arith.cmpi eq, %add3A, %eq3A_610 : vector<40x128xi32>
      %mul3A_612 = vector.broadcast %select_n3A_576 : f32 to vector<40x128xf32>
      %mul3A_613 = arith.mulf %while3A_81, %mul3A_612 : vector<40x128xf32>
      %jit3A_614 = arith.constant 0.000000e+00 : f32
      %broadcast_in_dim3A_615 = vector.broadcast %jit3A_614 : f32 to vector<40x128xf32>
      %select_n3A_616 = arith.select %eq3A_611, %mul3A_613, %broadcast_in_dim3A_615 : vector<40x128xi1>, vector<40x128xf32>
      %add3A_617 = arith.addf %select_n3A_609, %select_n3A_616 : vector<40x128xf32>
      %reduce_sum3A_618 = arith.constant dense<0.000000e+00> : vector<128xf32>
      %reduce_sum3A_619 = vector.multi_reduction <add>, %add3A_617, %reduce_sum3A_618 [0] : vector<40x128xf32> to vector<128xf32>
      %broadcast_in_dim3A_620 = vector.shape_cast %reduce_sum3A_619 : vector<128xf32> to vector<1x128xf32>
      %add3A_621 = arith.constant 9 : i32
      %add3A_622 = arith.addi %while3A_80, %add3A_621 : i32
      %get3A_623 = arith.index_cast %add3A_622 : i32 to index
      %get3A_624 = memref.load %arg0[%get3A_623] : memref<5120xf32, #tpu.memory_space<smem>>
      %get3A_625 = arith.index_cast %add3A_622 : i32 to index
      %get3A_626 = memref.load %arg1[%get3A_625] : memref<5120xf32, #tpu.memory_space<smem>>
      %get3A_627 = arith.index_cast %add3A_622 : i32 to index
      %get3A_628 = memref.load %arg2[%get3A_627] : memref<5120xf32, #tpu.memory_space<smem>>
      %get3A_629 = arith.index_cast %add3A_622 : i32 to index
      %get3A_630 = memref.load %arg3[%get3A_629] : memref<5120xf32, #tpu.memory_space<smem>>
      %get3A_631 = arith.index_cast %add3A_622 : i32 to index
      %get3A_632 = memref.load %arg4[%get3A_631] : memref<5120xf32, #tpu.memory_space<smem>>
      %ge3A_633 = arith.constant 4.000000e+00 : f32
      %ge3A_634 = arith.cmpf oge, %get3A_632, %ge3A_633 : f32
      %jit3A_635 = arith.constant 8.192000e+03 : f32
      %jit3A_636 = arith.constant 0.000000e+00 : f32
      %select_n3A_637 = arith.select %ge3A_634, %jit3A_635, %jit3A_636 : f32
      %min3A_638 = vector.broadcast %get3A_628 : f32 to vector<40x128xf32>
      %min3A_639 = arith.minimumf %get3A_10, %min3A_638 : vector<40x128xf32>
      %max3A_640 = vector.broadcast %get3A_624 : f32 to vector<40x128xf32>
      %max3A_641 = arith.maximumf %get3A_4, %max3A_640 : vector<40x128xf32>
      %sub3A_642 = arith.subf %min3A_639, %max3A_641 : vector<40x128xf32>
      %max3A_643 = arith.constant 0.000000e+00 : f32
      %max3A_644 = vector.broadcast %max3A_643 : f32 to vector<40x128xf32>
      %max3A_645 = arith.maximumf %sub3A_642, %max3A_644 : vector<40x128xf32>
      %min3A_646 = vector.broadcast %get3A_630 : f32 to vector<40x128xf32>
      %min3A_647 = arith.minimumf %get3A_13, %min3A_646 : vector<40x128xf32>
      %max3A_648 = vector.broadcast %get3A_626 : f32 to vector<40x128xf32>
      %max3A_649 = arith.maximumf %get3A_7, %max3A_648 : vector<40x128xf32>
      %sub3A_650 = arith.subf %min3A_647, %max3A_649 : vector<40x128xf32>
      %max3A_651 = arith.constant 0.000000e+00 : f32
      %max3A_652 = vector.broadcast %max3A_651 : f32 to vector<40x128xf32>
      %max3A_653 = arith.maximumf %sub3A_650, %max3A_652 : vector<40x128xf32>
      %mul3A_654 = arith.mulf %max3A_645, %max3A_653 : vector<40x128xf32>
      %add3A_655 = vector.broadcast %get3A_632 : f32 to vector<40x128xf32>
      %add3A_656 = arith.addf %add3A_655, %get3A_16 : vector<40x128xf32>
      %sub3A_657 = arith.subf %add3A_656, %mul3A_654 : vector<40x128xf32>
      %add3A_658 = arith.constant 1.000000e-10 : f32
      %add3A_659 = vector.broadcast %add3A_658 : f32 to vector<40x128xf32>
      %add3A_660 = arith.addf %sub3A_657, %add3A_659 : vector<40x128xf32>
      %div3A_661 = arith.divf %mul3A_654, %add3A_660 : vector<40x128xf32>
      %ge3A_662 = arith.constant 2.000000e-01 : f32
      %ge3A_663 = vector.broadcast %ge3A_662 : f32 to vector<40x128xf32>
      %ge3A_664 = arith.cmpf oge, %div3A_661, %ge3A_663 : vector<40x128xf32>
      %gt3A_665 = vector.broadcast %add3A_622 : i32 to vector<40x128xi32>
      %gt3A_666 = arith.cmpi sgt, %add3A, %gt3A_665 : vector<40x128xi32>
      %and3A_667 = arith.andi %ge3A_664, %gt3A_666 : vector<40x128xi1>
      %jit3A_668 = arith.constant 0.000000e+00 : f32
      %broadcast_in_dim3A_669 = vector.broadcast %jit3A_668 : f32 to vector<40x128xf32>
      %select_n3A_670 = arith.select %and3A_667, %while3A_81, %broadcast_in_dim3A_669 : vector<40x128xi1>, vector<40x128xf32>
      %eq3A_671 = vector.broadcast %add3A_622 : i32 to vector<40x128xi32>
      %eq3A_672 = arith.cmpi eq, %add3A, %eq3A_671 : vector<40x128xi32>
      %mul3A_673 = vector.broadcast %select_n3A_637 : f32 to vector<40x128xf32>
      %mul3A_674 = arith.mulf %while3A_81, %mul3A_673 : vector<40x128xf32>
      %jit3A_675 = arith.constant 0.000000e+00 : f32
      %broadcast_in_dim3A_676 = vector.broadcast %jit3A_675 : f32 to vector<40x128xf32>
      %select_n3A_677 = arith.select %eq3A_672, %mul3A_674, %broadcast_in_dim3A_676 : vector<40x128xi1>, vector<40x128xf32>
      %add3A_678 = arith.addf %select_n3A_670, %select_n3A_677 : vector<40x128xf32>
      %reduce_sum3A_679 = arith.constant dense<0.000000e+00> : vector<128xf32>
      %reduce_sum3A_680 = vector.multi_reduction <add>, %add3A_678, %reduce_sum3A_679 [0] : vector<40x128xf32> to vector<128xf32>
      %broadcast_in_dim3A_681 = vector.shape_cast %reduce_sum3A_680 : vector<128xf32> to vector<1x128xf32>
      %add3A_682 = arith.constant 10 : i32
      %add3A_683 = arith.addi %while3A_80, %add3A_682 : i32
      %get3A_684 = arith.index_cast %add3A_683 : i32 to index
      %get3A_685 = memref.load %arg0[%get3A_684] : memref<5120xf32, #tpu.memory_space<smem>>
      %get3A_686 = arith.index_cast %add3A_683 : i32 to index
      %get3A_687 = memref.load %arg1[%get3A_686] : memref<5120xf32, #tpu.memory_space<smem>>
      %get3A_688 = arith.index_cast %add3A_683 : i32 to index
      %get3A_689 = memref.load %arg2[%get3A_688] : memref<5120xf32, #tpu.memory_space<smem>>
      %get3A_690 = arith.index_cast %add3A_683 : i32 to index
      %get3A_691 = memref.load %arg3[%get3A_690] : memref<5120xf32, #tpu.memory_space<smem>>
      %get3A_692 = arith.index_cast %add3A_683 : i32 to index
      %get3A_693 = memref.load %arg4[%get3A_692] : memref<5120xf32, #tpu.memory_space<smem>>
      %ge3A_694 = arith.constant 4.000000e+00 : f32
      %ge3A_695 = arith.cmpf oge, %get3A_693, %ge3A_694 : f32
      %jit3A_696 = arith.constant 8.192000e+03 : f32
      %jit3A_697 = arith.constant 0.000000e+00 : f32
      %select_n3A_698 = arith.select %ge3A_695, %jit3A_696, %jit3A_697 : f32
      %min3A_699 = vector.broadcast %get3A_689 : f32 to vector<40x128xf32>
      %min3A_700 = arith.minimumf %get3A_10, %min3A_699 : vector<40x128xf32>
      %max3A_701 = vector.broadcast %get3A_685 : f32 to vector<40x128xf32>
      %max3A_702 = arith.maximumf %get3A_4, %max3A_701 : vector<40x128xf32>
      %sub3A_703 = arith.subf %min3A_700, %max3A_702 : vector<40x128xf32>
      %max3A_704 = arith.constant 0.000000e+00 : f32
      %max3A_705 = vector.broadcast %max3A_704 : f32 to vector<40x128xf32>
      %max3A_706 = arith.maximumf %sub3A_703, %max3A_705 : vector<40x128xf32>
      %min3A_707 = vector.broadcast %get3A_691 : f32 to vector<40x128xf32>
      %min3A_708 = arith.minimumf %get3A_13, %min3A_707 : vector<40x128xf32>
      %max3A_709 = vector.broadcast %get3A_687 : f32 to vector<40x128xf32>
      %max3A_710 = arith.maximumf %get3A_7, %max3A_709 : vector<40x128xf32>
      %sub3A_711 = arith.subf %min3A_708, %max3A_710 : vector<40x128xf32>
      %max3A_712 = arith.constant 0.000000e+00 : f32
      %max3A_713 = vector.broadcast %max3A_712 : f32 to vector<40x128xf32>
      %max3A_714 = arith.maximumf %sub3A_711, %max3A_713 : vector<40x128xf32>
      %mul3A_715 = arith.mulf %max3A_706, %max3A_714 : vector<40x128xf32>
      %add3A_716 = vector.broadcast %get3A_693 : f32 to vector<40x128xf32>
      %add3A_717 = arith.addf %add3A_716, %get3A_16 : vector<40x128xf32>
      %sub3A_718 = arith.subf %add3A_717, %mul3A_715 : vector<40x128xf32>
      %add3A_719 = arith.constant 1.000000e-10 : f32
      %add3A_720 = vector.broadcast %add3A_719 : f32 to vector<40x128xf32>
      %add3A_721 = arith.addf %sub3A_718, %add3A_720 : vector<40x128xf32>
      %div3A_722 = arith.divf %mul3A_715, %add3A_721 : vector<40x128xf32>
      %ge3A_723 = arith.constant 2.000000e-01 : f32
      %ge3A_724 = vector.broadcast %ge3A_723 : f32 to vector<40x128xf32>
      %ge3A_725 = arith.cmpf oge, %div3A_722, %ge3A_724 : vector<40x128xf32>
      %gt3A_726 = vector.broadcast %add3A_683 : i32 to vector<40x128xi32>
      %gt3A_727 = arith.cmpi sgt, %add3A, %gt3A_726 : vector<40x128xi32>
      %and3A_728 = arith.andi %ge3A_725, %gt3A_727 : vector<40x128xi1>
      %jit3A_729 = arith.constant 0.000000e+00 : f32
      %broadcast_in_dim3A_730 = vector.broadcast %jit3A_729 : f32 to vector<40x128xf32>
      %select_n3A_731 = arith.select %and3A_728, %while3A_81, %broadcast_in_dim3A_730 : vector<40x128xi1>, vector<40x128xf32>
      %eq3A_732 = vector.broadcast %add3A_683 : i32 to vector<40x128xi32>
      %eq3A_733 = arith.cmpi eq, %add3A, %eq3A_732 : vector<40x128xi32>
      %mul3A_734 = vector.broadcast %select_n3A_698 : f32 to vector<40x128xf32>
      %mul3A_735 = arith.mulf %while3A_81, %mul3A_734 : vector<40x128xf32>
      %jit3A_736 = arith.constant 0.000000e+00 : f32
      %broadcast_in_dim3A_737 = vector.broadcast %jit3A_736 : f32 to vector<40x128xf32>
      %select_n3A_738 = arith.select %eq3A_733, %mul3A_735, %broadcast_in_dim3A_737 : vector<40x128xi1>, vector<40x128xf32>
      %add3A_739 = arith.addf %select_n3A_731, %select_n3A_738 : vector<40x128xf32>
      %reduce_sum3A_740 = arith.constant dense<0.000000e+00> : vector<128xf32>
      %reduce_sum3A_741 = vector.multi_reduction <add>, %add3A_739, %reduce_sum3A_740 [0] : vector<40x128xf32> to vector<128xf32>
      %broadcast_in_dim3A_742 = vector.shape_cast %reduce_sum3A_741 : vector<128xf32> to vector<1x128xf32>
      %add3A_743 = arith.constant 11 : i32
      %add3A_744 = arith.addi %while3A_80, %add3A_743 : i32
      %get3A_745 = arith.index_cast %add3A_744 : i32 to index
      %get3A_746 = memref.load %arg0[%get3A_745] : memref<5120xf32, #tpu.memory_space<smem>>
      %get3A_747 = arith.index_cast %add3A_744 : i32 to index
      %get3A_748 = memref.load %arg1[%get3A_747] : memref<5120xf32, #tpu.memory_space<smem>>
      %get3A_749 = arith.index_cast %add3A_744 : i32 to index
      %get3A_750 = memref.load %arg2[%get3A_749] : memref<5120xf32, #tpu.memory_space<smem>>
      %get3A_751 = arith.index_cast %add3A_744 : i32 to index
      %get3A_752 = memref.load %arg3[%get3A_751] : memref<5120xf32, #tpu.memory_space<smem>>
      %get3A_753 = arith.index_cast %add3A_744 : i32 to index
      %get3A_754 = memref.load %arg4[%get3A_753] : memref<5120xf32, #tpu.memory_space<smem>>
      %ge3A_755 = arith.constant 4.000000e+00 : f32
      %ge3A_756 = arith.cmpf oge, %get3A_754, %ge3A_755 : f32
      %jit3A_757 = arith.constant 8.192000e+03 : f32
      %jit3A_758 = arith.constant 0.000000e+00 : f32
      %select_n3A_759 = arith.select %ge3A_756, %jit3A_757, %jit3A_758 : f32
      %min3A_760 = vector.broadcast %get3A_750 : f32 to vector<40x128xf32>
      %min3A_761 = arith.minimumf %get3A_10, %min3A_760 : vector<40x128xf32>
      %max3A_762 = vector.broadcast %get3A_746 : f32 to vector<40x128xf32>
      %max3A_763 = arith.maximumf %get3A_4, %max3A_762 : vector<40x128xf32>
      %sub3A_764 = arith.subf %min3A_761, %max3A_763 : vector<40x128xf32>
      %max3A_765 = arith.constant 0.000000e+00 : f32
      %max3A_766 = vector.broadcast %max3A_765 : f32 to vector<40x128xf32>
      %max3A_767 = arith.maximumf %sub3A_764, %max3A_766 : vector<40x128xf32>
      %min3A_768 = vector.broadcast %get3A_752 : f32 to vector<40x128xf32>
      %min3A_769 = arith.minimumf %get3A_13, %min3A_768 : vector<40x128xf32>
      %max3A_770 = vector.broadcast %get3A_748 : f32 to vector<40x128xf32>
      %max3A_771 = arith.maximumf %get3A_7, %max3A_770 : vector<40x128xf32>
      %sub3A_772 = arith.subf %min3A_769, %max3A_771 : vector<40x128xf32>
      %max3A_773 = arith.constant 0.000000e+00 : f32
      %max3A_774 = vector.broadcast %max3A_773 : f32 to vector<40x128xf32>
      %max3A_775 = arith.maximumf %sub3A_772, %max3A_774 : vector<40x128xf32>
      %mul3A_776 = arith.mulf %max3A_767, %max3A_775 : vector<40x128xf32>
      %add3A_777 = vector.broadcast %get3A_754 : f32 to vector<40x128xf32>
      %add3A_778 = arith.addf %add3A_777, %get3A_16 : vector<40x128xf32>
      %sub3A_779 = arith.subf %add3A_778, %mul3A_776 : vector<40x128xf32>
      %add3A_780 = arith.constant 1.000000e-10 : f32
      %add3A_781 = vector.broadcast %add3A_780 : f32 to vector<40x128xf32>
      %add3A_782 = arith.addf %sub3A_779, %add3A_781 : vector<40x128xf32>
      %div3A_783 = arith.divf %mul3A_776, %add3A_782 : vector<40x128xf32>
      %ge3A_784 = arith.constant 2.000000e-01 : f32
      %ge3A_785 = vector.broadcast %ge3A_784 : f32 to vector<40x128xf32>
      %ge3A_786 = arith.cmpf oge, %div3A_783, %ge3A_785 : vector<40x128xf32>
      %gt3A_787 = vector.broadcast %add3A_744 : i32 to vector<40x128xi32>
      %gt3A_788 = arith.cmpi sgt, %add3A, %gt3A_787 : vector<40x128xi32>
      %and3A_789 = arith.andi %ge3A_786, %gt3A_788 : vector<40x128xi1>
      %jit3A_790 = arith.constant 0.000000e+00 : f32
      %broadcast_in_dim3A_791 = vector.broadcast %jit3A_790 : f32 to vector<40x128xf32>
      %select_n3A_792 = arith.select %and3A_789, %while3A_81, %broadcast_in_dim3A_791 : vector<40x128xi1>, vector<40x128xf32>
      %eq3A_793 = vector.broadcast %add3A_744 : i32 to vector<40x128xi32>
      %eq3A_794 = arith.cmpi eq, %add3A, %eq3A_793 : vector<40x128xi32>
      %mul3A_795 = vector.broadcast %select_n3A_759 : f32 to vector<40x128xf32>
      %mul3A_796 = arith.mulf %while3A_81, %mul3A_795 : vector<40x128xf32>
      %jit3A_797 = arith.constant 0.000000e+00 : f32
      %broadcast_in_dim3A_798 = vector.broadcast %jit3A_797 : f32 to vector<40x128xf32>
      %select_n3A_799 = arith.select %eq3A_794, %mul3A_796, %broadcast_in_dim3A_798 : vector<40x128xi1>, vector<40x128xf32>
      %add3A_800 = arith.addf %select_n3A_792, %select_n3A_799 : vector<40x128xf32>
      %reduce_sum3A_801 = arith.constant dense<0.000000e+00> : vector<128xf32>
      %reduce_sum3A_802 = vector.multi_reduction <add>, %add3A_800, %reduce_sum3A_801 [0] : vector<40x128xf32> to vector<128xf32>
      %broadcast_in_dim3A_803 = vector.shape_cast %reduce_sum3A_802 : vector<128xf32> to vector<1x128xf32>
      %add3A_804 = arith.constant 12 : i32
      %add3A_805 = arith.addi %while3A_80, %add3A_804 : i32
      %get3A_806 = arith.index_cast %add3A_805 : i32 to index
      %get3A_807 = memref.load %arg0[%get3A_806] : memref<5120xf32, #tpu.memory_space<smem>>
      %get3A_808 = arith.index_cast %add3A_805 : i32 to index
      %get3A_809 = memref.load %arg1[%get3A_808] : memref<5120xf32, #tpu.memory_space<smem>>
      %get3A_810 = arith.index_cast %add3A_805 : i32 to index
      %get3A_811 = memref.load %arg2[%get3A_810] : memref<5120xf32, #tpu.memory_space<smem>>
      %get3A_812 = arith.index_cast %add3A_805 : i32 to index
      %get3A_813 = memref.load %arg3[%get3A_812] : memref<5120xf32, #tpu.memory_space<smem>>
      %get3A_814 = arith.index_cast %add3A_805 : i32 to index
      %get3A_815 = memref.load %arg4[%get3A_814] : memref<5120xf32, #tpu.memory_space<smem>>
      %ge3A_816 = arith.constant 4.000000e+00 : f32
      %ge3A_817 = arith.cmpf oge, %get3A_815, %ge3A_816 : f32
      %jit3A_818 = arith.constant 8.192000e+03 : f32
      %jit3A_819 = arith.constant 0.000000e+00 : f32
      %select_n3A_820 = arith.select %ge3A_817, %jit3A_818, %jit3A_819 : f32
      %min3A_821 = vector.broadcast %get3A_811 : f32 to vector<40x128xf32>
      %min3A_822 = arith.minimumf %get3A_10, %min3A_821 : vector<40x128xf32>
      %max3A_823 = vector.broadcast %get3A_807 : f32 to vector<40x128xf32>
      %max3A_824 = arith.maximumf %get3A_4, %max3A_823 : vector<40x128xf32>
      %sub3A_825 = arith.subf %min3A_822, %max3A_824 : vector<40x128xf32>
      %max3A_826 = arith.constant 0.000000e+00 : f32
      %max3A_827 = vector.broadcast %max3A_826 : f32 to vector<40x128xf32>
      %max3A_828 = arith.maximumf %sub3A_825, %max3A_827 : vector<40x128xf32>
      %min3A_829 = vector.broadcast %get3A_813 : f32 to vector<40x128xf32>
      %min3A_830 = arith.minimumf %get3A_13, %min3A_829 : vector<40x128xf32>
      %max3A_831 = vector.broadcast %get3A_809 : f32 to vector<40x128xf32>
      %max3A_832 = arith.maximumf %get3A_7, %max3A_831 : vector<40x128xf32>
      %sub3A_833 = arith.subf %min3A_830, %max3A_832 : vector<40x128xf32>
      %max3A_834 = arith.constant 0.000000e+00 : f32
      %max3A_835 = vector.broadcast %max3A_834 : f32 to vector<40x128xf32>
      %max3A_836 = arith.maximumf %sub3A_833, %max3A_835 : vector<40x128xf32>
      %mul3A_837 = arith.mulf %max3A_828, %max3A_836 : vector<40x128xf32>
      %add3A_838 = vector.broadcast %get3A_815 : f32 to vector<40x128xf32>
      %add3A_839 = arith.addf %add3A_838, %get3A_16 : vector<40x128xf32>
      %sub3A_840 = arith.subf %add3A_839, %mul3A_837 : vector<40x128xf32>
      %add3A_841 = arith.constant 1.000000e-10 : f32
      %add3A_842 = vector.broadcast %add3A_841 : f32 to vector<40x128xf32>
      %add3A_843 = arith.addf %sub3A_840, %add3A_842 : vector<40x128xf32>
      %div3A_844 = arith.divf %mul3A_837, %add3A_843 : vector<40x128xf32>
      %ge3A_845 = arith.constant 2.000000e-01 : f32
      %ge3A_846 = vector.broadcast %ge3A_845 : f32 to vector<40x128xf32>
      %ge3A_847 = arith.cmpf oge, %div3A_844, %ge3A_846 : vector<40x128xf32>
      %gt3A_848 = vector.broadcast %add3A_805 : i32 to vector<40x128xi32>
      %gt3A_849 = arith.cmpi sgt, %add3A, %gt3A_848 : vector<40x128xi32>
      %and3A_850 = arith.andi %ge3A_847, %gt3A_849 : vector<40x128xi1>
      %jit3A_851 = arith.constant 0.000000e+00 : f32
      %broadcast_in_dim3A_852 = vector.broadcast %jit3A_851 : f32 to vector<40x128xf32>
      %select_n3A_853 = arith.select %and3A_850, %while3A_81, %broadcast_in_dim3A_852 : vector<40x128xi1>, vector<40x128xf32>
      %eq3A_854 = vector.broadcast %add3A_805 : i32 to vector<40x128xi32>
      %eq3A_855 = arith.cmpi eq, %add3A, %eq3A_854 : vector<40x128xi32>
      %mul3A_856 = vector.broadcast %select_n3A_820 : f32 to vector<40x128xf32>
      %mul3A_857 = arith.mulf %while3A_81, %mul3A_856 : vector<40x128xf32>
      %jit3A_858 = arith.constant 0.000000e+00 : f32
      %broadcast_in_dim3A_859 = vector.broadcast %jit3A_858 : f32 to vector<40x128xf32>
      %select_n3A_860 = arith.select %eq3A_855, %mul3A_857, %broadcast_in_dim3A_859 : vector<40x128xi1>, vector<40x128xf32>
      %add3A_861 = arith.addf %select_n3A_853, %select_n3A_860 : vector<40x128xf32>
      %reduce_sum3A_862 = arith.constant dense<0.000000e+00> : vector<128xf32>
      %reduce_sum3A_863 = vector.multi_reduction <add>, %add3A_861, %reduce_sum3A_862 [0] : vector<40x128xf32> to vector<128xf32>
      %broadcast_in_dim3A_864 = vector.shape_cast %reduce_sum3A_863 : vector<128xf32> to vector<1x128xf32>
      %add3A_865 = arith.constant 13 : i32
      %add3A_866 = arith.addi %while3A_80, %add3A_865 : i32
      %get3A_867 = arith.index_cast %add3A_866 : i32 to index
      %get3A_868 = memref.load %arg0[%get3A_867] : memref<5120xf32, #tpu.memory_space<smem>>
      %get3A_869 = arith.index_cast %add3A_866 : i32 to index
      %get3A_870 = memref.load %arg1[%get3A_869] : memref<5120xf32, #tpu.memory_space<smem>>
      %get3A_871 = arith.index_cast %add3A_866 : i32 to index
      %get3A_872 = memref.load %arg2[%get3A_871] : memref<5120xf32, #tpu.memory_space<smem>>
      %get3A_873 = arith.index_cast %add3A_866 : i32 to index
      %get3A_874 = memref.load %arg3[%get3A_873] : memref<5120xf32, #tpu.memory_space<smem>>
      %get3A_875 = arith.index_cast %add3A_866 : i32 to index
      %get3A_876 = memref.load %arg4[%get3A_875] : memref<5120xf32, #tpu.memory_space<smem>>
      %ge3A_877 = arith.constant 4.000000e+00 : f32
      %ge3A_878 = arith.cmpf oge, %get3A_876, %ge3A_877 : f32
      %jit3A_879 = arith.constant 8.192000e+03 : f32
      %jit3A_880 = arith.constant 0.000000e+00 : f32
      %select_n3A_881 = arith.select %ge3A_878, %jit3A_879, %jit3A_880 : f32
      %min3A_882 = vector.broadcast %get3A_872 : f32 to vector<40x128xf32>
      %min3A_883 = arith.minimumf %get3A_10, %min3A_882 : vector<40x128xf32>
      %max3A_884 = vector.broadcast %get3A_868 : f32 to vector<40x128xf32>
      %max3A_885 = arith.maximumf %get3A_4, %max3A_884 : vector<40x128xf32>
      %sub3A_886 = arith.subf %min3A_883, %max3A_885 : vector<40x128xf32>
      %max3A_887 = arith.constant 0.000000e+00 : f32
      %max3A_888 = vector.broadcast %max3A_887 : f32 to vector<40x128xf32>
      %max3A_889 = arith.maximumf %sub3A_886, %max3A_888 : vector<40x128xf32>
      %min3A_890 = vector.broadcast %get3A_874 : f32 to vector<40x128xf32>
      %min3A_891 = arith.minimumf %get3A_13, %min3A_890 : vector<40x128xf32>
      %max3A_892 = vector.broadcast %get3A_870 : f32 to vector<40x128xf32>
      %max3A_893 = arith.maximumf %get3A_7, %max3A_892 : vector<40x128xf32>
      %sub3A_894 = arith.subf %min3A_891, %max3A_893 : vector<40x128xf32>
      %max3A_895 = arith.constant 0.000000e+00 : f32
      %max3A_896 = vector.broadcast %max3A_895 : f32 to vector<40x128xf32>
      %max3A_897 = arith.maximumf %sub3A_894, %max3A_896 : vector<40x128xf32>
      %mul3A_898 = arith.mulf %max3A_889, %max3A_897 : vector<40x128xf32>
      %add3A_899 = vector.broadcast %get3A_876 : f32 to vector<40x128xf32>
      %add3A_900 = arith.addf %add3A_899, %get3A_16 : vector<40x128xf32>
      %sub3A_901 = arith.subf %add3A_900, %mul3A_898 : vector<40x128xf32>
      %add3A_902 = arith.constant 1.000000e-10 : f32
      %add3A_903 = vector.broadcast %add3A_902 : f32 to vector<40x128xf32>
      %add3A_904 = arith.addf %sub3A_901, %add3A_903 : vector<40x128xf32>
      %div3A_905 = arith.divf %mul3A_898, %add3A_904 : vector<40x128xf32>
      %ge3A_906 = arith.constant 2.000000e-01 : f32
      %ge3A_907 = vector.broadcast %ge3A_906 : f32 to vector<40x128xf32>
      %ge3A_908 = arith.cmpf oge, %div3A_905, %ge3A_907 : vector<40x128xf32>
      %gt3A_909 = vector.broadcast %add3A_866 : i32 to vector<40x128xi32>
      %gt3A_910 = arith.cmpi sgt, %add3A, %gt3A_909 : vector<40x128xi32>
      %and3A_911 = arith.andi %ge3A_908, %gt3A_910 : vector<40x128xi1>
      %jit3A_912 = arith.constant 0.000000e+00 : f32
      %broadcast_in_dim3A_913 = vector.broadcast %jit3A_912 : f32 to vector<40x128xf32>
      %select_n3A_914 = arith.select %and3A_911, %while3A_81, %broadcast_in_dim3A_913 : vector<40x128xi1>, vector<40x128xf32>
      %eq3A_915 = vector.broadcast %add3A_866 : i32 to vector<40x128xi32>
      %eq3A_916 = arith.cmpi eq, %add3A, %eq3A_915 : vector<40x128xi32>
      %mul3A_917 = vector.broadcast %select_n3A_881 : f32 to vector<40x128xf32>
      %mul3A_918 = arith.mulf %while3A_81, %mul3A_917 : vector<40x128xf32>
      %jit3A_919 = arith.constant 0.000000e+00 : f32
      %broadcast_in_dim3A_920 = vector.broadcast %jit3A_919 : f32 to vector<40x128xf32>
      %select_n3A_921 = arith.select %eq3A_916, %mul3A_918, %broadcast_in_dim3A_920 : vector<40x128xi1>, vector<40x128xf32>
      %add3A_922 = arith.addf %select_n3A_914, %select_n3A_921 : vector<40x128xf32>
      %reduce_sum3A_923 = arith.constant dense<0.000000e+00> : vector<128xf32>
      %reduce_sum3A_924 = vector.multi_reduction <add>, %add3A_922, %reduce_sum3A_923 [0] : vector<40x128xf32> to vector<128xf32>
      %broadcast_in_dim3A_925 = vector.shape_cast %reduce_sum3A_924 : vector<128xf32> to vector<1x128xf32>
      %add3A_926 = arith.constant 14 : i32
      %add3A_927 = arith.addi %while3A_80, %add3A_926 : i32
      %get3A_928 = arith.index_cast %add3A_927 : i32 to index
      %get3A_929 = memref.load %arg0[%get3A_928] : memref<5120xf32, #tpu.memory_space<smem>>
      %get3A_930 = arith.index_cast %add3A_927 : i32 to index
      %get3A_931 = memref.load %arg1[%get3A_930] : memref<5120xf32, #tpu.memory_space<smem>>
      %get3A_932 = arith.index_cast %add3A_927 : i32 to index
      %get3A_933 = memref.load %arg2[%get3A_932] : memref<5120xf32, #tpu.memory_space<smem>>
      %get3A_934 = arith.index_cast %add3A_927 : i32 to index
      %get3A_935 = memref.load %arg3[%get3A_934] : memref<5120xf32, #tpu.memory_space<smem>>
      %get3A_936 = arith.index_cast %add3A_927 : i32 to index
      %get3A_937 = memref.load %arg4[%get3A_936] : memref<5120xf32, #tpu.memory_space<smem>>
      %ge3A_938 = arith.constant 4.000000e+00 : f32
      %ge3A_939 = arith.cmpf oge, %get3A_937, %ge3A_938 : f32
      %jit3A_940 = arith.constant 8.192000e+03 : f32
      %jit3A_941 = arith.constant 0.000000e+00 : f32
      %select_n3A_942 = arith.select %ge3A_939, %jit3A_940, %jit3A_941 : f32
      %min3A_943 = vector.broadcast %get3A_933 : f32 to vector<40x128xf32>
      %min3A_944 = arith.minimumf %get3A_10, %min3A_943 : vector<40x128xf32>
      %max3A_945 = vector.broadcast %get3A_929 : f32 to vector<40x128xf32>
      %max3A_946 = arith.maximumf %get3A_4, %max3A_945 : vector<40x128xf32>
      %sub3A_947 = arith.subf %min3A_944, %max3A_946 : vector<40x128xf32>
      %max3A_948 = arith.constant 0.000000e+00 : f32
      %max3A_949 = vector.broadcast %max3A_948 : f32 to vector<40x128xf32>
      %max3A_950 = arith.maximumf %sub3A_947, %max3A_949 : vector<40x128xf32>
      %min3A_951 = vector.broadcast %get3A_935 : f32 to vector<40x128xf32>
      %min3A_952 = arith.minimumf %get3A_13, %min3A_951 : vector<40x128xf32>
      %max3A_953 = vector.broadcast %get3A_931 : f32 to vector<40x128xf32>
      %max3A_954 = arith.maximumf %get3A_7, %max3A_953 : vector<40x128xf32>
      %sub3A_955 = arith.subf %min3A_952, %max3A_954 : vector<40x128xf32>
      %max3A_956 = arith.constant 0.000000e+00 : f32
      %max3A_957 = vector.broadcast %max3A_956 : f32 to vector<40x128xf32>
      %max3A_958 = arith.maximumf %sub3A_955, %max3A_957 : vector<40x128xf32>
      %mul3A_959 = arith.mulf %max3A_950, %max3A_958 : vector<40x128xf32>
      %add3A_960 = vector.broadcast %get3A_937 : f32 to vector<40x128xf32>
      %add3A_961 = arith.addf %add3A_960, %get3A_16 : vector<40x128xf32>
      %sub3A_962 = arith.subf %add3A_961, %mul3A_959 : vector<40x128xf32>
      %add3A_963 = arith.constant 1.000000e-10 : f32
      %add3A_964 = vector.broadcast %add3A_963 : f32 to vector<40x128xf32>
      %add3A_965 = arith.addf %sub3A_962, %add3A_964 : vector<40x128xf32>
      %div3A_966 = arith.divf %mul3A_959, %add3A_965 : vector<40x128xf32>
      %ge3A_967 = arith.constant 2.000000e-01 : f32
      %ge3A_968 = vector.broadcast %ge3A_967 : f32 to vector<40x128xf32>
      %ge3A_969 = arith.cmpf oge, %div3A_966, %ge3A_968 : vector<40x128xf32>
      %gt3A_970 = vector.broadcast %add3A_927 : i32 to vector<40x128xi32>
      %gt3A_971 = arith.cmpi sgt, %add3A, %gt3A_970 : vector<40x128xi32>
      %and3A_972 = arith.andi %ge3A_969, %gt3A_971 : vector<40x128xi1>
      %jit3A_973 = arith.constant 0.000000e+00 : f32
      %broadcast_in_dim3A_974 = vector.broadcast %jit3A_973 : f32 to vector<40x128xf32>
      %select_n3A_975 = arith.select %and3A_972, %while3A_81, %broadcast_in_dim3A_974 : vector<40x128xi1>, vector<40x128xf32>
      %eq3A_976 = vector.broadcast %add3A_927 : i32 to vector<40x128xi32>
      %eq3A_977 = arith.cmpi eq, %add3A, %eq3A_976 : vector<40x128xi32>
      %mul3A_978 = vector.broadcast %select_n3A_942 : f32 to vector<40x128xf32>
      %mul3A_979 = arith.mulf %while3A_81, %mul3A_978 : vector<40x128xf32>
      %jit3A_980 = arith.constant 0.000000e+00 : f32
      %broadcast_in_dim3A_981 = vector.broadcast %jit3A_980 : f32 to vector<40x128xf32>
      %select_n3A_982 = arith.select %eq3A_977, %mul3A_979, %broadcast_in_dim3A_981 : vector<40x128xi1>, vector<40x128xf32>
      %add3A_983 = arith.addf %select_n3A_975, %select_n3A_982 : vector<40x128xf32>
      %reduce_sum3A_984 = arith.constant dense<0.000000e+00> : vector<128xf32>
      %reduce_sum3A_985 = vector.multi_reduction <add>, %add3A_983, %reduce_sum3A_984 [0] : vector<40x128xf32> to vector<128xf32>
      %broadcast_in_dim3A_986 = vector.shape_cast %reduce_sum3A_985 : vector<128xf32> to vector<1x128xf32>
      %add3A_987 = arith.constant 15 : i32
      %add3A_988 = arith.addi %while3A_80, %add3A_987 : i32
      %get3A_989 = arith.index_cast %add3A_988 : i32 to index
      %get3A_990 = memref.load %arg0[%get3A_989] : memref<5120xf32, #tpu.memory_space<smem>>
      %get3A_991 = arith.index_cast %add3A_988 : i32 to index
      %get3A_992 = memref.load %arg1[%get3A_991] : memref<5120xf32, #tpu.memory_space<smem>>
      %get3A_993 = arith.index_cast %add3A_988 : i32 to index
      %get3A_994 = memref.load %arg2[%get3A_993] : memref<5120xf32, #tpu.memory_space<smem>>
      %get3A_995 = arith.index_cast %add3A_988 : i32 to index
      %get3A_996 = memref.load %arg3[%get3A_995] : memref<5120xf32, #tpu.memory_space<smem>>
      %get3A_997 = arith.index_cast %add3A_988 : i32 to index
      %get3A_998 = memref.load %arg4[%get3A_997] : memref<5120xf32, #tpu.memory_space<smem>>
      %ge3A_999 = arith.constant 4.000000e+00 : f32
      %ge3A_1000 = arith.cmpf oge, %get3A_998, %ge3A_999 : f32
      %jit3A_1001 = arith.constant 8.192000e+03 : f32
      %jit3A_1002 = arith.constant 0.000000e+00 : f32
      %select_n3A_1003 = arith.select %ge3A_1000, %jit3A_1001, %jit3A_1002 : f32
      %min3A_1004 = vector.broadcast %get3A_994 : f32 to vector<40x128xf32>
      %min3A_1005 = arith.minimumf %get3A_10, %min3A_1004 : vector<40x128xf32>
      %max3A_1006 = vector.broadcast %get3A_990 : f32 to vector<40x128xf32>
      %max3A_1007 = arith.maximumf %get3A_4, %max3A_1006 : vector<40x128xf32>
      %sub3A_1008 = arith.subf %min3A_1005, %max3A_1007 : vector<40x128xf32>
      %max3A_1009 = arith.constant 0.000000e+00 : f32
      %max3A_1010 = vector.broadcast %max3A_1009 : f32 to vector<40x128xf32>
      %max3A_1011 = arith.maximumf %sub3A_1008, %max3A_1010 : vector<40x128xf32>
      %min3A_1012 = vector.broadcast %get3A_996 : f32 to vector<40x128xf32>
      %min3A_1013 = arith.minimumf %get3A_13, %min3A_1012 : vector<40x128xf32>
      %max3A_1014 = vector.broadcast %get3A_992 : f32 to vector<40x128xf32>
      %max3A_1015 = arith.maximumf %get3A_7, %max3A_1014 : vector<40x128xf32>
      %sub3A_1016 = arith.subf %min3A_1013, %max3A_1015 : vector<40x128xf32>
      %max3A_1017 = arith.constant 0.000000e+00 : f32
      %max3A_1018 = vector.broadcast %max3A_1017 : f32 to vector<40x128xf32>
      %max3A_1019 = arith.maximumf %sub3A_1016, %max3A_1018 : vector<40x128xf32>
      %mul3A_1020 = arith.mulf %max3A_1011, %max3A_1019 : vector<40x128xf32>
      %add3A_1021 = vector.broadcast %get3A_998 : f32 to vector<40x128xf32>
      %add3A_1022 = arith.addf %add3A_1021, %get3A_16 : vector<40x128xf32>
      %sub3A_1023 = arith.subf %add3A_1022, %mul3A_1020 : vector<40x128xf32>
      %add3A_1024 = arith.constant 1.000000e-10 : f32
      %add3A_1025 = vector.broadcast %add3A_1024 : f32 to vector<40x128xf32>
      %add3A_1026 = arith.addf %sub3A_1023, %add3A_1025 : vector<40x128xf32>
      %div3A_1027 = arith.divf %mul3A_1020, %add3A_1026 : vector<40x128xf32>
      %ge3A_1028 = arith.constant 2.000000e-01 : f32
      %ge3A_1029 = vector.broadcast %ge3A_1028 : f32 to vector<40x128xf32>
      %ge3A_1030 = arith.cmpf oge, %div3A_1027, %ge3A_1029 : vector<40x128xf32>
      %gt3A_1031 = vector.broadcast %add3A_988 : i32 to vector<40x128xi32>
      %gt3A_1032 = arith.cmpi sgt, %add3A, %gt3A_1031 : vector<40x128xi32>
      %and3A_1033 = arith.andi %ge3A_1030, %gt3A_1032 : vector<40x128xi1>
      %jit3A_1034 = arith.constant 0.000000e+00 : f32
      %broadcast_in_dim3A_1035 = vector.broadcast %jit3A_1034 : f32 to vector<40x128xf32>
      %select_n3A_1036 = arith.select %and3A_1033, %while3A_81, %broadcast_in_dim3A_1035 : vector<40x128xi1>, vector<40x128xf32>
      %eq3A_1037 = vector.broadcast %add3A_988 : i32 to vector<40x128xi32>
      %eq3A_1038 = arith.cmpi eq, %add3A, %eq3A_1037 : vector<40x128xi32>
      %mul3A_1039 = vector.broadcast %select_n3A_1003 : f32 to vector<40x128xf32>
      %mul3A_1040 = arith.mulf %while3A_81, %mul3A_1039 : vector<40x128xf32>
      %jit3A_1041 = arith.constant 0.000000e+00 : f32
      %broadcast_in_dim3A_1042 = vector.broadcast %jit3A_1041 : f32 to vector<40x128xf32>
      %select_n3A_1043 = arith.select %eq3A_1038, %mul3A_1040, %broadcast_in_dim3A_1042 : vector<40x128xi1>, vector<40x128xf32>
      %add3A_1044 = arith.addf %select_n3A_1036, %select_n3A_1043 : vector<40x128xf32>
      %reduce_sum3A_1045 = arith.constant dense<0.000000e+00> : vector<128xf32>
      %reduce_sum3A_1046 = vector.multi_reduction <add>, %add3A_1044, %reduce_sum3A_1045 [0] : vector<40x128xf32> to vector<128xf32>
      %broadcast_in_dim3A_1047 = vector.shape_cast %reduce_sum3A_1046 : vector<128xf32> to vector<1x128xf32>
      %concatenate3A = tpu.concatenate %broadcast_in_dim3A_132, %broadcast_in_dim3A_193, %broadcast_in_dim3A_254, %broadcast_in_dim3A_315, %broadcast_in_dim3A_376, %broadcast_in_dim3A_437, %broadcast_in_dim3A_498, %broadcast_in_dim3A_559, %broadcast_in_dim3A_620, %broadcast_in_dim3A_681, %broadcast_in_dim3A_742, %broadcast_in_dim3A_803, %broadcast_in_dim3A_864, %broadcast_in_dim3A_925, %broadcast_in_dim3A_986, %broadcast_in_dim3A_1047 in 0 : vector<1x128xf32>, vector<1x128xf32>, vector<1x128xf32>, vector<1x128xf32>, vector<1x128xf32>, vector<1x128xf32>, vector<1x128xf32>, vector<1x128xf32>, vector<1x128xf32>, vector<1x128xf32>, vector<1x128xf32>, vector<1x128xf32>, vector<1x128xf32>, vector<1x128xf32>, vector<1x128xf32>, vector<1x128xf32> -> vector<16x128xf32>
      %reduce_sum3A_1048 = arith.constant dense<0.000000e+00> : vector<16xf32>
      %reduce_sum3A_1049 = vector.multi_reduction <add>, %concatenate3A, %reduce_sum3A_1048 [1] : vector<16x128xf32> to vector<16xf32>
      %broadcast_in_dim3A_1050 = vector.shape_cast %reduce_sum3A_1049 : vector<16xf32> to vector<16x1xf32>
      %ge3A_1051 = arith.constant 8.202000e+03 : f32
      %ge3A_1052 = vector.broadcast %ge3A_1051 : f32 to vector<16x1xf32>
      %ge3A_1053 = arith.cmpf oge, %broadcast_in_dim3A_1050, %ge3A_1052 : vector<16x1xf32>
      %jit3A_1054 = arith.constant 16 : i32
      %broadcast_in_dim3A_1055 = vector.broadcast %jit3A_1054 : i32 to vector<16x1xi32>
      %select_n3A_1056 = arith.select %ge3A_1053, %iota3A_17, %broadcast_in_dim3A_1055 : vector<16x1xi1>, vector<16x1xi32>
      %reduce_min3A = arith.constant dense<2147483647> : vector<1xi32>
      %reduce_min3A_1057 = vector.multi_reduction <minsi>, %select_n3A_1056, %reduce_min3A [0] : vector<16x1xi32> to vector<1xi32>
      %broadcast_in_dim3A_1058 = vector.shape_cast %reduce_min3A_1057 : vector<1xi32> to vector<1x1xi32>
      %lt3A = arith.constant 16 : i32
      %lt3A_1059 = vector.broadcast %lt3A : i32 to vector<1x1xi32>
      %lt3A_1060 = arith.cmpi slt, %broadcast_in_dim3A_1058, %lt3A_1059 : vector<1x1xi32>
      %jit3A_1061 = arith.constant 1.000000e+00 : f32
      %jit3A_1062 = arith.constant 0.000000e+00 : f32
      %broadcast_in_dim3A_1063 = vector.broadcast %jit3A_1061 : f32 to vector<1x1xf32>
      %broadcast_in_dim3A_1064 = vector.broadcast %jit3A_1062 : f32 to vector<1x1xf32>
      %select_n3A_1065 = arith.select %lt3A_1060, %broadcast_in_dim3A_1063, %broadcast_in_dim3A_1064 : vector<1x1xi1>, vector<1x1xf32>
      %add3A_1066 = vector.broadcast %while3A_80 : i32 to vector<1x1xi32>
      %add3A_1067 = arith.addi %add3A_1066, %broadcast_in_dim3A_1058 : vector<1x1xi32>
      %eq3A_1068 = vector.broadcast %add3A_1067 : vector<1x1xi32> to vector<40x128xi32>
      %eq3A_1069 = arith.cmpi eq, %add3A, %eq3A_1068 : vector<40x128xi32>
      %jit3A_1070 = arith.constant 0.000000e+00 : f32
      %broadcast_in_dim3A_1071 = vector.shape_cast %select_n3A_1065 : vector<1x1xf32> to vector<1x1xf32>
      %broadcast_in_dim3A_1072 = vector.broadcast %broadcast_in_dim3A_1071 : vector<1x1xf32> to vector<40x128xf32>
      %broadcast_in_dim3A_1073 = vector.broadcast %jit3A_1070 : f32 to vector<40x128xf32>
      %select_n3A_1074 = arith.select %eq3A_1069, %broadcast_in_dim3A_1072, %broadcast_in_dim3A_1073 : vector<40x128xi1>, vector<40x128xf32>
      %add3A_1075 = arith.addf %while3A_82, %select_n3A_1074 : vector<40x128xf32>
      %and3A_1076 = arith.constant 1 : i32
      %and3A_1077 = vector.broadcast %and3A_1076 : i32 to vector<1x1xi32>
      %and3A_1078 = arith.andi %broadcast_in_dim3A_1058, %and3A_1077 : vector<1x1xi32>
      %ne3A = arith.constant 0 : i32
      %ne3A_1079 = vector.broadcast %ne3A : i32 to vector<1x1xi32>
      %ne3A_1080 = arith.cmpi ne, %and3A_1078, %ne3A_1079 : vector<1x1xi32>
      %broadcast_in_dim3A_1081 = vector.shape_cast %ne3A_1080 : vector<1x1xi1> to vector<1x1xi1>
      %broadcast_in_dim3A_1082 = vector.broadcast %broadcast_in_dim3A_1081 : vector<1x1xi1> to vector<40x128xi1>
      %select_n3A_1083 = arith.select %broadcast_in_dim3A_1082, %select_n3A_182, %select_n3A_123 : vector<40x128xi1>, vector<40x128xf32>
      %and3A_1084 = arith.constant 1 : i32
      %and3A_1085 = vector.broadcast %and3A_1084 : i32 to vector<1x1xi32>
      %and3A_1086 = arith.andi %broadcast_in_dim3A_1058, %and3A_1085 : vector<1x1xi32>
      %ne3A_1087 = arith.constant 0 : i32
      %ne3A_1088 = vector.broadcast %ne3A_1087 : i32 to vector<1x1xi32>
      %ne3A_1089 = arith.cmpi ne, %and3A_1086, %ne3A_1088 : vector<1x1xi32>
      %broadcast_in_dim3A_1090 = vector.shape_cast %ne3A_1089 : vector<1x1xi1> to vector<1x1xi1>
      %broadcast_in_dim3A_1091 = vector.broadcast %broadcast_in_dim3A_1090 : vector<1x1xi1> to vector<40x128xi1>
      %select_n3A_1092 = arith.select %broadcast_in_dim3A_1091, %select_n3A_304, %select_n3A_243 : vector<40x128xi1>, vector<40x128xf32>
      %and3A_1093 = arith.constant 1 : i32
      %and3A_1094 = vector.broadcast %and3A_1093 : i32 to vector<1x1xi32>
      %and3A_1095 = arith.andi %broadcast_in_dim3A_1058, %and3A_1094 : vector<1x1xi32>
      %ne3A_1096 = arith.constant 0 : i32
      %ne3A_1097 = vector.broadcast %ne3A_1096 : i32 to vector<1x1xi32>
      %ne3A_1098 = arith.cmpi ne, %and3A_1095, %ne3A_1097 : vector<1x1xi32>
      %broadcast_in_dim3A_1099 = vector.shape_cast %ne3A_1098 : vector<1x1xi1> to vector<1x1xi1>
      %broadcast_in_dim3A_1100 = vector.broadcast %broadcast_in_dim3A_1099 : vector<1x1xi1> to vector<40x128xi1>
      %select_n3A_1101 = arith.select %broadcast_in_dim3A_1100, %select_n3A_426, %select_n3A_365 : vector<40x128xi1>, vector<40x128xf32>
      %and3A_1102 = arith.constant 1 : i32
      %and3A_1103 = vector.broadcast %and3A_1102 : i32 to vector<1x1xi32>
      %and3A_1104 = arith.andi %broadcast_in_dim3A_1058, %and3A_1103 : vector<1x1xi32>
      %ne3A_1105 = arith.constant 0 : i32
      %ne3A_1106 = vector.broadcast %ne3A_1105 : i32 to vector<1x1xi32>
      %ne3A_1107 = arith.cmpi ne, %and3A_1104, %ne3A_1106 : vector<1x1xi32>
      %broadcast_in_dim3A_1108 = vector.shape_cast %ne3A_1107 : vector<1x1xi1> to vector<1x1xi1>
      %broadcast_in_dim3A_1109 = vector.broadcast %broadcast_in_dim3A_1108 : vector<1x1xi1> to vector<40x128xi1>
      %select_n3A_1110 = arith.select %broadcast_in_dim3A_1109, %select_n3A_548, %select_n3A_487 : vector<40x128xi1>, vector<40x128xf32>
      %and3A_1111 = arith.constant 1 : i32
      %and3A_1112 = vector.broadcast %and3A_1111 : i32 to vector<1x1xi32>
      %and3A_1113 = arith.andi %broadcast_in_dim3A_1058, %and3A_1112 : vector<1x1xi32>
      %ne3A_1114 = arith.constant 0 : i32
      %ne3A_1115 = vector.broadcast %ne3A_1114 : i32 to vector<1x1xi32>
      %ne3A_1116 = arith.cmpi ne, %and3A_1113, %ne3A_1115 : vector<1x1xi32>
      %broadcast_in_dim3A_1117 = vector.shape_cast %ne3A_1116 : vector<1x1xi1> to vector<1x1xi1>
      %broadcast_in_dim3A_1118 = vector.broadcast %broadcast_in_dim3A_1117 : vector<1x1xi1> to vector<40x128xi1>
      %select_n3A_1119 = arith.select %broadcast_in_dim3A_1118, %select_n3A_670, %select_n3A_609 : vector<40x128xi1>, vector<40x128xf32>
      %and3A_1120 = arith.constant 1 : i32
      %and3A_1121 = vector.broadcast %and3A_1120 : i32 to vector<1x1xi32>
      %and3A_1122 = arith.andi %broadcast_in_dim3A_1058, %and3A_1121 : vector<1x1xi32>
      %ne3A_1123 = arith.constant 0 : i32
      %ne3A_1124 = vector.broadcast %ne3A_1123 : i32 to vector<1x1xi32>
      %ne3A_1125 = arith.cmpi ne, %and3A_1122, %ne3A_1124 : vector<1x1xi32>
      %broadcast_in_dim3A_1126 = vector.shape_cast %ne3A_1125 : vector<1x1xi1> to vector<1x1xi1>
      %broadcast_in_dim3A_1127 = vector.broadcast %broadcast_in_dim3A_1126 : vector<1x1xi1> to vector<40x128xi1>
      %select_n3A_1128 = arith.select %broadcast_in_dim3A_1127, %select_n3A_792, %select_n3A_731 : vector<40x128xi1>, vector<40x128xf32>
      %and3A_1129 = arith.constant 1 : i32
      %and3A_1130 = vector.broadcast %and3A_1129 : i32 to vector<1x1xi32>
      %and3A_1131 = arith.andi %broadcast_in_dim3A_1058, %and3A_1130 : vector<1x1xi32>
      %ne3A_1132 = arith.constant 0 : i32
      %ne3A_1133 = vector.broadcast %ne3A_1132 : i32 to vector<1x1xi32>
      %ne3A_1134 = arith.cmpi ne, %and3A_1131, %ne3A_1133 : vector<1x1xi32>
      %broadcast_in_dim3A_1135 = vector.shape_cast %ne3A_1134 : vector<1x1xi1> to vector<1x1xi1>
      %broadcast_in_dim3A_1136 = vector.broadcast %broadcast_in_dim3A_1135 : vector<1x1xi1> to vector<40x128xi1>
      %select_n3A_1137 = arith.select %broadcast_in_dim3A_1136, %select_n3A_914, %select_n3A_853 : vector<40x128xi1>, vector<40x128xf32>
      %and3A_1138 = arith.constant 1 : i32
      %and3A_1139 = vector.broadcast %and3A_1138 : i32 to vector<1x1xi32>
      %and3A_1140 = arith.andi %broadcast_in_dim3A_1058, %and3A_1139 : vector<1x1xi32>
      %ne3A_1141 = arith.constant 0 : i32
      %ne3A_1142 = vector.broadcast %ne3A_1141 : i32 to vector<1x1xi32>
      %ne3A_1143 = arith.cmpi ne, %and3A_1140, %ne3A_1142 : vector<1x1xi32>
      %broadcast_in_dim3A_1144 = vector.shape_cast %ne3A_1143 : vector<1x1xi1> to vector<1x1xi1>
      %broadcast_in_dim3A_1145 = vector.broadcast %broadcast_in_dim3A_1144 : vector<1x1xi1> to vector<40x128xi1>
      %select_n3A_1146 = arith.select %broadcast_in_dim3A_1145, %select_n3A_1036, %select_n3A_975 : vector<40x128xi1>, vector<40x128xf32>
      %and3A_1147 = arith.constant 2 : i32
      %and3A_1148 = vector.broadcast %and3A_1147 : i32 to vector<1x1xi32>
      %and3A_1149 = arith.andi %broadcast_in_dim3A_1058, %and3A_1148 : vector<1x1xi32>
      %ne3A_1150 = arith.constant 0 : i32
      %ne3A_1151 = vector.broadcast %ne3A_1150 : i32 to vector<1x1xi32>
      %ne3A_1152 = arith.cmpi ne, %and3A_1149, %ne3A_1151 : vector<1x1xi32>
      %broadcast_in_dim3A_1153 = vector.shape_cast %ne3A_1152 : vector<1x1xi1> to vector<1x1xi1>
      %broadcast_in_dim3A_1154 = vector.broadcast %broadcast_in_dim3A_1153 : vector<1x1xi1> to vector<40x128xi1>
      %select_n3A_1155 = arith.select %broadcast_in_dim3A_1154, %select_n3A_1092, %select_n3A_1083 : vector<40x128xi1>, vector<40x128xf32>
      %and3A_1156 = arith.constant 2 : i32
      %and3A_1157 = vector.broadcast %and3A_1156 : i32 to vector<1x1xi32>
      %and3A_1158 = arith.andi %broadcast_in_dim3A_1058, %and3A_1157 : vector<1x1xi32>
      %ne3A_1159 = arith.constant 0 : i32
      %ne3A_1160 = vector.broadcast %ne3A_1159 : i32 to vector<1x1xi32>
      %ne3A_1161 = arith.cmpi ne, %and3A_1158, %ne3A_1160 : vector<1x1xi32>
      %broadcast_in_dim3A_1162 = vector.shape_cast %ne3A_1161 : vector<1x1xi1> to vector<1x1xi1>
      %broadcast_in_dim3A_1163 = vector.broadcast %broadcast_in_dim3A_1162 : vector<1x1xi1> to vector<40x128xi1>
      %select_n3A_1164 = arith.select %broadcast_in_dim3A_1163, %select_n3A_1110, %select_n3A_1101 : vector<40x128xi1>, vector<40x128xf32>
      %and3A_1165 = arith.constant 2 : i32
      %and3A_1166 = vector.broadcast %and3A_1165 : i32 to vector<1x1xi32>
      %and3A_1167 = arith.andi %broadcast_in_dim3A_1058, %and3A_1166 : vector<1x1xi32>
      %ne3A_1168 = arith.constant 0 : i32
      %ne3A_1169 = vector.broadcast %ne3A_1168 : i32 to vector<1x1xi32>
      %ne3A_1170 = arith.cmpi ne, %and3A_1167, %ne3A_1169 : vector<1x1xi32>
      %broadcast_in_dim3A_1171 = vector.shape_cast %ne3A_1170 : vector<1x1xi1> to vector<1x1xi1>
      %broadcast_in_dim3A_1172 = vector.broadcast %broadcast_in_dim3A_1171 : vector<1x1xi1> to vector<40x128xi1>
      %select_n3A_1173 = arith.select %broadcast_in_dim3A_1172, %select_n3A_1128, %select_n3A_1119 : vector<40x128xi1>, vector<40x128xf32>
      %and3A_1174 = arith.constant 2 : i32
      %and3A_1175 = vector.broadcast %and3A_1174 : i32 to vector<1x1xi32>
      %and3A_1176 = arith.andi %broadcast_in_dim3A_1058, %and3A_1175 : vector<1x1xi32>
      %ne3A_1177 = arith.constant 0 : i32
      %ne3A_1178 = vector.broadcast %ne3A_1177 : i32 to vector<1x1xi32>
      %ne3A_1179 = arith.cmpi ne, %and3A_1176, %ne3A_1178 : vector<1x1xi32>
      %broadcast_in_dim3A_1180 = vector.shape_cast %ne3A_1179 : vector<1x1xi1> to vector<1x1xi1>
      %broadcast_in_dim3A_1181 = vector.broadcast %broadcast_in_dim3A_1180 : vector<1x1xi1> to vector<40x128xi1>
      %select_n3A_1182 = arith.select %broadcast_in_dim3A_1181, %select_n3A_1146, %select_n3A_1137 : vector<40x128xi1>, vector<40x128xf32>
      %and3A_1183 = arith.constant 4 : i32
      %and3A_1184 = vector.broadcast %and3A_1183 : i32 to vector<1x1xi32>
      %and3A_1185 = arith.andi %broadcast_in_dim3A_1058, %and3A_1184 : vector<1x1xi32>
      %ne3A_1186 = arith.constant 0 : i32
      %ne3A_1187 = vector.broadcast %ne3A_1186 : i32 to vector<1x1xi32>
      %ne3A_1188 = arith.cmpi ne, %and3A_1185, %ne3A_1187 : vector<1x1xi32>
      %broadcast_in_dim3A_1189 = vector.shape_cast %ne3A_1188 : vector<1x1xi1> to vector<1x1xi1>
      %broadcast_in_dim3A_1190 = vector.broadcast %broadcast_in_dim3A_1189 : vector<1x1xi1> to vector<40x128xi1>
      %select_n3A_1191 = arith.select %broadcast_in_dim3A_1190, %select_n3A_1164, %select_n3A_1155 : vector<40x128xi1>, vector<40x128xf32>
      %and3A_1192 = arith.constant 4 : i32
      %and3A_1193 = vector.broadcast %and3A_1192 : i32 to vector<1x1xi32>
      %and3A_1194 = arith.andi %broadcast_in_dim3A_1058, %and3A_1193 : vector<1x1xi32>
      %ne3A_1195 = arith.constant 0 : i32
      %ne3A_1196 = vector.broadcast %ne3A_1195 : i32 to vector<1x1xi32>
      %ne3A_1197 = arith.cmpi ne, %and3A_1194, %ne3A_1196 : vector<1x1xi32>
      %broadcast_in_dim3A_1198 = vector.shape_cast %ne3A_1197 : vector<1x1xi1> to vector<1x1xi1>
      %broadcast_in_dim3A_1199 = vector.broadcast %broadcast_in_dim3A_1198 : vector<1x1xi1> to vector<40x128xi1>
      %select_n3A_1200 = arith.select %broadcast_in_dim3A_1199, %select_n3A_1182, %select_n3A_1173 : vector<40x128xi1>, vector<40x128xf32>
      %and3A_1201 = arith.constant 8 : i32
      %and3A_1202 = vector.broadcast %and3A_1201 : i32 to vector<1x1xi32>
      %and3A_1203 = arith.andi %broadcast_in_dim3A_1058, %and3A_1202 : vector<1x1xi32>
      %ne3A_1204 = arith.constant 0 : i32
      %ne3A_1205 = vector.broadcast %ne3A_1204 : i32 to vector<1x1xi32>
      %ne3A_1206 = arith.cmpi ne, %and3A_1203, %ne3A_1205 : vector<1x1xi32>
      %broadcast_in_dim3A_1207 = vector.shape_cast %ne3A_1206 : vector<1x1xi1> to vector<1x1xi1>
      %broadcast_in_dim3A_1208 = vector.broadcast %broadcast_in_dim3A_1207 : vector<1x1xi1> to vector<40x128xi1>
      %select_n3A_1209 = arith.select %broadcast_in_dim3A_1208, %select_n3A_1200, %select_n3A_1191 : vector<40x128xi1>, vector<40x128xf32>
      %mul3A_1210 = vector.broadcast %select_n3A_1065 : vector<1x1xf32> to vector<40x128xf32>
      %mul3A_1211 = arith.mulf %mul3A_1210, %select_n3A_1209 : vector<40x128xf32>
      %sub3A_1212 = arith.subf %while3A_81, %mul3A_1211 : vector<40x128xf32>
      %jit3A_1213 = arith.constant 16 : i32
      %broadcast_in_dim3A_1214 = vector.broadcast %jit3A_1213 : i32 to vector<16x1xi32>
      %select_n3A_1215 = arith.select %ge3A_1053, %iota3A_17, %broadcast_in_dim3A_1214 : vector<16x1xi1>, vector<16x1xi32>
      %reduce_min3A_1216 = vector.shape_cast %select_n3A_1215 : vector<16x1xi32> to vector<1x16x1xi32>
      %reduce_min3A_1217 = arith.constant dense<2147483647> : vector<1xi32>
      %reduce_min3A_1218 = vector.multi_reduction <minsi>, %reduce_min3A_1216, %reduce_min3A_1217 [1, 2] : vector<1x16x1xi32> to vector<1xi32>
      %reduce_min3A_1219 = vector.shape_cast %reduce_min3A_1218 : vector<1xi32> to vector<1x1x1xi32>
      %reduce_min3A_1220 = vector.extract %reduce_min3A_1219[0, 0, 0] : i32 from vector<1x1x1xi32>
      %add3A_1221 = arith.constant 1 : i32
      %add3A_1222 = arith.addi %reduce_min3A_1220, %add3A_1221 : i32
      %min3A_1223 = arith.constant 16 : i32
      %min3A_1224 = arith.minsi %add3A_1222, %min3A_1223 : i32
      %add3A_1225 = arith.addi %while3A_80, %min3A_1224 : i32
      scf.yield %add3A_1225, %sub3A_1212, %add3A_1075 : i32, vector<40x128xf32>, vector<40x128xf32>
    }
    %slice3A = vector.extract_strided_slice %while3A_22#2 {offsets = [0, 0], sizes = [8, 128], strides = [1, 1]} : vector<40x128xf32> to vector<8x128xf32>
    %swap3A = arith.constant 0 : index
    %swap3A_23 = arith.constant 0 : index
    %swap3A_24 = vector.load %arg10[%swap3A, %swap3A_23] : memref<40x128xf32, #tpu.memory_space<vmem>>, vector<8x128xf32>
    tpu.vector_store %arg10[%swap3A, %swap3A_23], %slice3A {strides = array<i32>} : memref<40x128xf32, #tpu.memory_space<vmem>>, vector<8x128xf32>,
    %slice3A_25 = vector.extract_strided_slice %while3A_22#1 {offsets = [8, 0], sizes = [32, 128], strides = [1, 1]} : vector<40x128xf32> to vector<32x128xf32>
    %slice3A_26 = vector.extract_strided_slice %while3A_22#2 {offsets = [8, 0], sizes = [32, 128], strides = [1, 1]} : vector<40x128xf32> to vector<32x128xf32>
    %slice3A_27 = vector.extract_strided_slice %get3A_4 {offsets = [8, 0], sizes = [32, 128], strides = [1, 1]} : vector<40x128xf32> to vector<32x128xf32>
    %slice3A_28 = vector.extract_strided_slice %get3A_7 {offsets = [8, 0], sizes = [32, 128], strides = [1, 1]} : vector<40x128xf32> to vector<32x128xf32>
    %slice3A_29 = vector.extract_strided_slice %get3A_10 {offsets = [8, 0], sizes = [32, 128], strides = [1, 1]} : vector<40x128xf32> to vector<32x128xf32>
    %slice3A_30 = vector.extract_strided_slice %get3A_13 {offsets = [8, 0], sizes = [32, 128], strides = [1, 1]} : vector<40x128xf32> to vector<32x128xf32>
    %slice3A_31 = vector.extract_strided_slice %get3A_16 {offsets = [8, 0], sizes = [32, 128], strides = [1, 1]} : vector<40x128xf32> to vector<32x128xf32>
    %slice3A_32 = vector.extract_strided_slice %add3A {offsets = [8, 0], sizes = [32, 128], strides = [1, 1]} : vector<40x128xi32> to vector<32x128xi32>
    %while3A_33 = arith.constant 2048 : i32
    %while3A_34:3 = scf.while (%while3A_80 = %while3A_22#0, %while3A_81 = %slice3A_25, %while3A_82 = %slice3A_26) : (i32, vector<32x128xf32>, vector<32x128xf32>) -> (i32, vector<32x128xf32>, vector<32x128xf32>) {
      %lt3A = arith.cmpi slt, %while3A_80, %while3A_33 : i32
      scf.condition(%lt3A) %while3A_80, %while3A_81, %while3A_82 : i32, vector<32x128xf32>, vector<32x128xf32>
    } do {
    ^bb0(%while3A_80: i32, %while3A_81: vector<32x128xf32>, %while3A_82: vector<32x128xf32>):
      %add3A_83 = arith.constant 0 : i32
      %add3A_84 = arith.addi %while3A_80, %add3A_83 : i32
      %get3A_85 = arith.index_cast %add3A_84 : i32 to index
      %get3A_86 = memref.load %arg0[%get3A_85] : memref<5120xf32, #tpu.memory_space<smem>>
      %get3A_87 = arith.index_cast %add3A_84 : i32 to index
      %get3A_88 = memref.load %arg1[%get3A_87] : memref<5120xf32, #tpu.memory_space<smem>>
      %get3A_89 = arith.index_cast %add3A_84 : i32 to index
      %get3A_90 = memref.load %arg2[%get3A_89] : memref<5120xf32, #tpu.memory_space<smem>>
      %get3A_91 = arith.index_cast %add3A_84 : i32 to index
      %get3A_92 = memref.load %arg3[%get3A_91] : memref<5120xf32, #tpu.memory_space<smem>>
      %get3A_93 = arith.index_cast %add3A_84 : i32 to index
      %get3A_94 = memref.load %arg4[%get3A_93] : memref<5120xf32, #tpu.memory_space<smem>>
      %ge3A = arith.constant 4.000000e+00 : f32
      %ge3A_95 = arith.cmpf oge, %get3A_94, %ge3A : f32
      %jit3A = arith.constant 8.192000e+03 : f32
      %jit3A_96 = arith.constant 0.000000e+00 : f32
      %select_n3A = arith.select %ge3A_95, %jit3A, %jit3A_96 : f32
      %min3A = vector.broadcast %get3A_90 : f32 to vector<32x128xf32>
      %min3A_97 = arith.minimumf %slice3A_29, %min3A : vector<32x128xf32>
      %max3A = vector.broadcast %get3A_86 : f32 to vector<32x128xf32>
      %max3A_98 = arith.maximumf %slice3A_27, %max3A : vector<32x128xf32>
      %sub3A = arith.subf %min3A_97, %max3A_98 : vector<32x128xf32>
      %max3A_99 = arith.constant 0.000000e+00 : f32
      %max3A_100 = vector.broadcast %max3A_99 : f32 to vector<32x128xf32>
      %max3A_101 = arith.maximumf %sub3A, %max3A_100 : vector<32x128xf32>
      %min3A_102 = vector.broadcast %get3A_92 : f32 to vector<32x128xf32>
      %min3A_103 = arith.minimumf %slice3A_30, %min3A_102 : vector<32x128xf32>
      %max3A_104 = vector.broadcast %get3A_88 : f32 to vector<32x128xf32>
      %max3A_105 = arith.maximumf %slice3A_28, %max3A_104 : vector<32x128xf32>
      %sub3A_106 = arith.subf %min3A_103, %max3A_105 : vector<32x128xf32>
      %max3A_107 = arith.constant 0.000000e+00 : f32
      %max3A_108 = vector.broadcast %max3A_107 : f32 to vector<32x128xf32>
      %max3A_109 = arith.maximumf %sub3A_106, %max3A_108 : vector<32x128xf32>
      %mul3A_110 = arith.mulf %max3A_101, %max3A_109 : vector<32x128xf32>
      %add3A_111 = vector.broadcast %get3A_94 : f32 to vector<32x128xf32>
      %add3A_112 = arith.addf %add3A_111, %slice3A_31 : vector<32x128xf32>
      %sub3A_113 = arith.subf %add3A_112, %mul3A_110 : vector<32x128xf32>
      %add3A_114 = arith.constant 1.000000e-10 : f32
      %add3A_115 = vector.broadcast %add3A_114 : f32 to vector<32x128xf32>
      %add3A_116 = arith.addf %sub3A_113, %add3A_115 : vector<32x128xf32>
      %div3A = arith.divf %mul3A_110, %add3A_116 : vector<32x128xf32>
      %ge3A_117 = arith.constant 2.000000e-01 : f32
      %ge3A_118 = vector.broadcast %ge3A_117 : f32 to vector<32x128xf32>
      %ge3A_119 = arith.cmpf oge, %div3A, %ge3A_118 : vector<32x128xf32>
      %gt3A = vector.broadcast %add3A_84 : i32 to vector<32x128xi32>
      %gt3A_120 = arith.cmpi sgt, %slice3A_32, %gt3A : vector<32x128xi32>
      %and3A = arith.andi %ge3A_119, %gt3A_120 : vector<32x128xi1>
      %jit3A_121 = arith.constant 0.000000e+00 : f32
      %broadcast_in_dim3A_122 = vector.broadcast %jit3A_121 : f32 to vector<32x128xf32>
      %select_n3A_123 = arith.select %and3A, %while3A_81, %broadcast_in_dim3A_122 : vector<32x128xi1>, vector<32x128xf32>
      %eq3A = vector.broadcast %add3A_84 : i32 to vector<32x128xi32>
      %eq3A_124 = arith.cmpi eq, %slice3A_32, %eq3A : vector<32x128xi32>
      %mul3A_125 = vector.broadcast %select_n3A : f32 to vector<32x128xf32>
      %mul3A_126 = arith.mulf %while3A_81, %mul3A_125 : vector<32x128xf32>
      %jit3A_127 = arith.constant 0.000000e+00 : f32
      %broadcast_in_dim3A_128 = vector.broadcast %jit3A_127 : f32 to vector<32x128xf32>
      %select_n3A_129 = arith.select %eq3A_124, %mul3A_126, %broadcast_in_dim3A_128 : vector<32x128xi1>, vector<32x128xf32>
      %add3A_130 = arith.addf %select_n3A_123, %select_n3A_129 : vector<32x128xf32>
      %reduce_sum3A = arith.constant dense<0.000000e+00> : vector<128xf32>
      %reduce_sum3A_131 = vector.multi_reduction <add>, %add3A_130, %reduce_sum3A [0] : vector<32x128xf32> to vector<128xf32>
      %broadcast_in_dim3A_132 = vector.shape_cast %reduce_sum3A_131 : vector<128xf32> to vector<1x128xf32>
      %add3A_133 = arith.constant 1 : i32
      %add3A_134 = arith.addi %while3A_80, %add3A_133 : i32
      %get3A_135 = arith.index_cast %add3A_134 : i32 to index
      %get3A_136 = memref.load %arg0[%get3A_135] : memref<5120xf32, #tpu.memory_space<smem>>
      %get3A_137 = arith.index_cast %add3A_134 : i32 to index
      %get3A_138 = memref.load %arg1[%get3A_137] : memref<5120xf32, #tpu.memory_space<smem>>
      %get3A_139 = arith.index_cast %add3A_134 : i32 to index
      %get3A_140 = memref.load %arg2[%get3A_139] : memref<5120xf32, #tpu.memory_space<smem>>
      %get3A_141 = arith.index_cast %add3A_134 : i32 to index
      %get3A_142 = memref.load %arg3[%get3A_141] : memref<5120xf32, #tpu.memory_space<smem>>
      %get3A_143 = arith.index_cast %add3A_134 : i32 to index
      %get3A_144 = memref.load %arg4[%get3A_143] : memref<5120xf32, #tpu.memory_space<smem>>
      %ge3A_145 = arith.constant 4.000000e+00 : f32
      %ge3A_146 = arith.cmpf oge, %get3A_144, %ge3A_145 : f32
      %jit3A_147 = arith.constant 8.192000e+03 : f32
      %jit3A_148 = arith.constant 0.000000e+00 : f32
      %select_n3A_149 = arith.select %ge3A_146, %jit3A_147, %jit3A_148 : f32
      %min3A_150 = vector.broadcast %get3A_140 : f32 to vector<32x128xf32>
      %min3A_151 = arith.minimumf %slice3A_29, %min3A_150 : vector<32x128xf32>
      %max3A_152 = vector.broadcast %get3A_136 : f32 to vector<32x128xf32>
      %max3A_153 = arith.maximumf %slice3A_27, %max3A_152 : vector<32x128xf32>
      %sub3A_154 = arith.subf %min3A_151, %max3A_153 : vector<32x128xf32>
      %max3A_155 = arith.constant 0.000000e+00 : f32
      %max3A_156 = vector.broadcast %max3A_155 : f32 to vector<32x128xf32>
      %max3A_157 = arith.maximumf %sub3A_154, %max3A_156 : vector<32x128xf32>
      %min3A_158 = vector.broadcast %get3A_142 : f32 to vector<32x128xf32>
      %min3A_159 = arith.minimumf %slice3A_30, %min3A_158 : vector<32x128xf32>
      %max3A_160 = vector.broadcast %get3A_138 : f32 to vector<32x128xf32>
      %max3A_161 = arith.maximumf %slice3A_28, %max3A_160 : vector<32x128xf32>
      %sub3A_162 = arith.subf %min3A_159, %max3A_161 : vector<32x128xf32>
      %max3A_163 = arith.constant 0.000000e+00 : f32
      %max3A_164 = vector.broadcast %max3A_163 : f32 to vector<32x128xf32>
      %max3A_165 = arith.maximumf %sub3A_162, %max3A_164 : vector<32x128xf32>
      %mul3A_166 = arith.mulf %max3A_157, %max3A_165 : vector<32x128xf32>
      %add3A_167 = vector.broadcast %get3A_144 : f32 to vector<32x128xf32>
      %add3A_168 = arith.addf %add3A_167, %slice3A_31 : vector<32x128xf32>
      %sub3A_169 = arith.subf %add3A_168, %mul3A_166 : vector<32x128xf32>
      %add3A_170 = arith.constant 1.000000e-10 : f32
      %add3A_171 = vector.broadcast %add3A_170 : f32 to vector<32x128xf32>
      %add3A_172 = arith.addf %sub3A_169, %add3A_171 : vector<32x128xf32>
      %div3A_173 = arith.divf %mul3A_166, %add3A_172 : vector<32x128xf32>
      %ge3A_174 = arith.constant 2.000000e-01 : f32
      %ge3A_175 = vector.broadcast %ge3A_174 : f32 to vector<32x128xf32>
      %ge3A_176 = arith.cmpf oge, %div3A_173, %ge3A_175 : vector<32x128xf32>
      %gt3A_177 = vector.broadcast %add3A_134 : i32 to vector<32x128xi32>
      %gt3A_178 = arith.cmpi sgt, %slice3A_32, %gt3A_177 : vector<32x128xi32>
      %and3A_179 = arith.andi %ge3A_176, %gt3A_178 : vector<32x128xi1>
      %jit3A_180 = arith.constant 0.000000e+00 : f32
      %broadcast_in_dim3A_181 = vector.broadcast %jit3A_180 : f32 to vector<32x128xf32>
      %select_n3A_182 = arith.select %and3A_179, %while3A_81, %broadcast_in_dim3A_181 : vector<32x128xi1>, vector<32x128xf32>
      %eq3A_183 = vector.broadcast %add3A_134 : i32 to vector<32x128xi32>
      %eq3A_184 = arith.cmpi eq, %slice3A_32, %eq3A_183 : vector<32x128xi32>
      %mul3A_185 = vector.broadcast %select_n3A_149 : f32 to vector<32x128xf32>
      %mul3A_186 = arith.mulf %while3A_81, %mul3A_185 : vector<32x128xf32>
      %jit3A_187 = arith.constant 0.000000e+00 : f32
      %broadcast_in_dim3A_188 = vector.broadcast %jit3A_187 : f32 to vector<32x128xf32>
      %select_n3A_189 = arith.select %eq3A_184, %mul3A_186, %broadcast_in_dim3A_188 : vector<32x128xi1>, vector<32x128xf32>
      %add3A_190 = arith.addf %select_n3A_182, %select_n3A_189 : vector<32x128xf32>
      %reduce_sum3A_191 = arith.constant dense<0.000000e+00> : vector<128xf32>
      %reduce_sum3A_192 = vector.multi_reduction <add>, %add3A_190, %reduce_sum3A_191 [0] : vector<32x128xf32> to vector<128xf32>
      %broadcast_in_dim3A_193 = vector.shape_cast %reduce_sum3A_192 : vector<128xf32> to vector<1x128xf32>
      %add3A_194 = arith.constant 2 : i32
      %add3A_195 = arith.addi %while3A_80, %add3A_194 : i32
      %get3A_196 = arith.index_cast %add3A_195 : i32 to index
      %get3A_197 = memref.load %arg0[%get3A_196] : memref<5120xf32, #tpu.memory_space<smem>>
      %get3A_198 = arith.index_cast %add3A_195 : i32 to index
      %get3A_199 = memref.load %arg1[%get3A_198] : memref<5120xf32, #tpu.memory_space<smem>>
      %get3A_200 = arith.index_cast %add3A_195 : i32 to index
      %get3A_201 = memref.load %arg2[%get3A_200] : memref<5120xf32, #tpu.memory_space<smem>>
      %get3A_202 = arith.index_cast %add3A_195 : i32 to index
      %get3A_203 = memref.load %arg3[%get3A_202] : memref<5120xf32, #tpu.memory_space<smem>>
      %get3A_204 = arith.index_cast %add3A_195 : i32 to index
      %get3A_205 = memref.load %arg4[%get3A_204] : memref<5120xf32, #tpu.memory_space<smem>>
      %ge3A_206 = arith.constant 4.000000e+00 : f32
      %ge3A_207 = arith.cmpf oge, %get3A_205, %ge3A_206 : f32
      %jit3A_208 = arith.constant 8.192000e+03 : f32
      %jit3A_209 = arith.constant 0.000000e+00 : f32
      %select_n3A_210 = arith.select %ge3A_207, %jit3A_208, %jit3A_209 : f32
      %min3A_211 = vector.broadcast %get3A_201 : f32 to vector<32x128xf32>
      %min3A_212 = arith.minimumf %slice3A_29, %min3A_211 : vector<32x128xf32>
      %max3A_213 = vector.broadcast %get3A_197 : f32 to vector<32x128xf32>
      %max3A_214 = arith.maximumf %slice3A_27, %max3A_213 : vector<32x128xf32>
      %sub3A_215 = arith.subf %min3A_212, %max3A_214 : vector<32x128xf32>
      %max3A_216 = arith.constant 0.000000e+00 : f32
      %max3A_217 = vector.broadcast %max3A_216 : f32 to vector<32x128xf32>
      %max3A_218 = arith.maximumf %sub3A_215, %max3A_217 : vector<32x128xf32>
      %min3A_219 = vector.broadcast %get3A_203 : f32 to vector<32x128xf32>
      %min3A_220 = arith.minimumf %slice3A_30, %min3A_219 : vector<32x128xf32>
      %max3A_221 = vector.broadcast %get3A_199 : f32 to vector<32x128xf32>
      %max3A_222 = arith.maximumf %slice3A_28, %max3A_221 : vector<32x128xf32>
      %sub3A_223 = arith.subf %min3A_220, %max3A_222 : vector<32x128xf32>
      %max3A_224 = arith.constant 0.000000e+00 : f32
      %max3A_225 = vector.broadcast %max3A_224 : f32 to vector<32x128xf32>
      %max3A_226 = arith.maximumf %sub3A_223, %max3A_225 : vector<32x128xf32>
      %mul3A_227 = arith.mulf %max3A_218, %max3A_226 : vector<32x128xf32>
      %add3A_228 = vector.broadcast %get3A_205 : f32 to vector<32x128xf32>
      %add3A_229 = arith.addf %add3A_228, %slice3A_31 : vector<32x128xf32>
      %sub3A_230 = arith.subf %add3A_229, %mul3A_227 : vector<32x128xf32>
      %add3A_231 = arith.constant 1.000000e-10 : f32
      %add3A_232 = vector.broadcast %add3A_231 : f32 to vector<32x128xf32>
      %add3A_233 = arith.addf %sub3A_230, %add3A_232 : vector<32x128xf32>
      %div3A_234 = arith.divf %mul3A_227, %add3A_233 : vector<32x128xf32>
      %ge3A_235 = arith.constant 2.000000e-01 : f32
      %ge3A_236 = vector.broadcast %ge3A_235 : f32 to vector<32x128xf32>
      %ge3A_237 = arith.cmpf oge, %div3A_234, %ge3A_236 : vector<32x128xf32>
      %gt3A_238 = vector.broadcast %add3A_195 : i32 to vector<32x128xi32>
      %gt3A_239 = arith.cmpi sgt, %slice3A_32, %gt3A_238 : vector<32x128xi32>
      %and3A_240 = arith.andi %ge3A_237, %gt3A_239 : vector<32x128xi1>
      %jit3A_241 = arith.constant 0.000000e+00 : f32
      %broadcast_in_dim3A_242 = vector.broadcast %jit3A_241 : f32 to vector<32x128xf32>
      %select_n3A_243 = arith.select %and3A_240, %while3A_81, %broadcast_in_dim3A_242 : vector<32x128xi1>, vector<32x128xf32>
      %eq3A_244 = vector.broadcast %add3A_195 : i32 to vector<32x128xi32>
      %eq3A_245 = arith.cmpi eq, %slice3A_32, %eq3A_244 : vector<32x128xi32>
      %mul3A_246 = vector.broadcast %select_n3A_210 : f32 to vector<32x128xf32>
      %mul3A_247 = arith.mulf %while3A_81, %mul3A_246 : vector<32x128xf32>
      %jit3A_248 = arith.constant 0.000000e+00 : f32
      %broadcast_in_dim3A_249 = vector.broadcast %jit3A_248 : f32 to vector<32x128xf32>
      %select_n3A_250 = arith.select %eq3A_245, %mul3A_247, %broadcast_in_dim3A_249 : vector<32x128xi1>, vector<32x128xf32>
      %add3A_251 = arith.addf %select_n3A_243, %select_n3A_250 : vector<32x128xf32>
      %reduce_sum3A_252 = arith.constant dense<0.000000e+00> : vector<128xf32>
      %reduce_sum3A_253 = vector.multi_reduction <add>, %add3A_251, %reduce_sum3A_252 [0] : vector<32x128xf32> to vector<128xf32>
      %broadcast_in_dim3A_254 = vector.shape_cast %reduce_sum3A_253 : vector<128xf32> to vector<1x128xf32>
      %add3A_255 = arith.constant 3 : i32
      %add3A_256 = arith.addi %while3A_80, %add3A_255 : i32
      %get3A_257 = arith.index_cast %add3A_256 : i32 to index
      %get3A_258 = memref.load %arg0[%get3A_257] : memref<5120xf32, #tpu.memory_space<smem>>
      %get3A_259 = arith.index_cast %add3A_256 : i32 to index
      %get3A_260 = memref.load %arg1[%get3A_259] : memref<5120xf32, #tpu.memory_space<smem>>
      %get3A_261 = arith.index_cast %add3A_256 : i32 to index
      %get3A_262 = memref.load %arg2[%get3A_261] : memref<5120xf32, #tpu.memory_space<smem>>
      %get3A_263 = arith.index_cast %add3A_256 : i32 to index
      %get3A_264 = memref.load %arg3[%get3A_263] : memref<5120xf32, #tpu.memory_space<smem>>
      %get3A_265 = arith.index_cast %add3A_256 : i32 to index
      %get3A_266 = memref.load %arg4[%get3A_265] : memref<5120xf32, #tpu.memory_space<smem>>
      %ge3A_267 = arith.constant 4.000000e+00 : f32
      %ge3A_268 = arith.cmpf oge, %get3A_266, %ge3A_267 : f32
      %jit3A_269 = arith.constant 8.192000e+03 : f32
      %jit3A_270 = arith.constant 0.000000e+00 : f32
      %select_n3A_271 = arith.select %ge3A_268, %jit3A_269, %jit3A_270 : f32
      %min3A_272 = vector.broadcast %get3A_262 : f32 to vector<32x128xf32>
      %min3A_273 = arith.minimumf %slice3A_29, %min3A_272 : vector<32x128xf32>
      %max3A_274 = vector.broadcast %get3A_258 : f32 to vector<32x128xf32>
      %max3A_275 = arith.maximumf %slice3A_27, %max3A_274 : vector<32x128xf32>
      %sub3A_276 = arith.subf %min3A_273, %max3A_275 : vector<32x128xf32>
      %max3A_277 = arith.constant 0.000000e+00 : f32
      %max3A_278 = vector.broadcast %max3A_277 : f32 to vector<32x128xf32>
      %max3A_279 = arith.maximumf %sub3A_276, %max3A_278 : vector<32x128xf32>
      %min3A_280 = vector.broadcast %get3A_264 : f32 to vector<32x128xf32>
      %min3A_281 = arith.minimumf %slice3A_30, %min3A_280 : vector<32x128xf32>
      %max3A_282 = vector.broadcast %get3A_260 : f32 to vector<32x128xf32>
      %max3A_283 = arith.maximumf %slice3A_28, %max3A_282 : vector<32x128xf32>
      %sub3A_284 = arith.subf %min3A_281, %max3A_283 : vector<32x128xf32>
      %max3A_285 = arith.constant 0.000000e+00 : f32
      %max3A_286 = vector.broadcast %max3A_285 : f32 to vector<32x128xf32>
      %max3A_287 = arith.maximumf %sub3A_284, %max3A_286 : vector<32x128xf32>
      %mul3A_288 = arith.mulf %max3A_279, %max3A_287 : vector<32x128xf32>
      %add3A_289 = vector.broadcast %get3A_266 : f32 to vector<32x128xf32>
      %add3A_290 = arith.addf %add3A_289, %slice3A_31 : vector<32x128xf32>
      %sub3A_291 = arith.subf %add3A_290, %mul3A_288 : vector<32x128xf32>
      %add3A_292 = arith.constant 1.000000e-10 : f32
      %add3A_293 = vector.broadcast %add3A_292 : f32 to vector<32x128xf32>
      %add3A_294 = arith.addf %sub3A_291, %add3A_293 : vector<32x128xf32>
      %div3A_295 = arith.divf %mul3A_288, %add3A_294 : vector<32x128xf32>
      %ge3A_296 = arith.constant 2.000000e-01 : f32
      %ge3A_297 = vector.broadcast %ge3A_296 : f32 to vector<32x128xf32>
      %ge3A_298 = arith.cmpf oge, %div3A_295, %ge3A_297 : vector<32x128xf32>
      %gt3A_299 = vector.broadcast %add3A_256 : i32 to vector<32x128xi32>
      %gt3A_300 = arith.cmpi sgt, %slice3A_32, %gt3A_299 : vector<32x128xi32>
      %and3A_301 = arith.andi %ge3A_298, %gt3A_300 : vector<32x128xi1>
      %jit3A_302 = arith.constant 0.000000e+00 : f32
      %broadcast_in_dim3A_303 = vector.broadcast %jit3A_302 : f32 to vector<32x128xf32>
      %select_n3A_304 = arith.select %and3A_301, %while3A_81, %broadcast_in_dim3A_303 : vector<32x128xi1>, vector<32x128xf32>
      %eq3A_305 = vector.broadcast %add3A_256 : i32 to vector<32x128xi32>
      %eq3A_306 = arith.cmpi eq, %slice3A_32, %eq3A_305 : vector<32x128xi32>
      %mul3A_307 = vector.broadcast %select_n3A_271 : f32 to vector<32x128xf32>
      %mul3A_308 = arith.mulf %while3A_81, %mul3A_307 : vector<32x128xf32>
      %jit3A_309 = arith.constant 0.000000e+00 : f32
      %broadcast_in_dim3A_310 = vector.broadcast %jit3A_309 : f32 to vector<32x128xf32>
      %select_n3A_311 = arith.select %eq3A_306, %mul3A_308, %broadcast_in_dim3A_310 : vector<32x128xi1>, vector<32x128xf32>
      %add3A_312 = arith.addf %select_n3A_304, %select_n3A_311 : vector<32x128xf32>
      %reduce_sum3A_313 = arith.constant dense<0.000000e+00> : vector<128xf32>
      %reduce_sum3A_314 = vector.multi_reduction <add>, %add3A_312, %reduce_sum3A_313 [0] : vector<32x128xf32> to vector<128xf32>
      %broadcast_in_dim3A_315 = vector.shape_cast %reduce_sum3A_314 : vector<128xf32> to vector<1x128xf32>
      %add3A_316 = arith.constant 4 : i32
      %add3A_317 = arith.addi %while3A_80, %add3A_316 : i32
      %get3A_318 = arith.index_cast %add3A_317 : i32 to index
      %get3A_319 = memref.load %arg0[%get3A_318] : memref<5120xf32, #tpu.memory_space<smem>>
      %get3A_320 = arith.index_cast %add3A_317 : i32 to index
      %get3A_321 = memref.load %arg1[%get3A_320] : memref<5120xf32, #tpu.memory_space<smem>>
      %get3A_322 = arith.index_cast %add3A_317 : i32 to index
      %get3A_323 = memref.load %arg2[%get3A_322] : memref<5120xf32, #tpu.memory_space<smem>>
      %get3A_324 = arith.index_cast %add3A_317 : i32 to index
      %get3A_325 = memref.load %arg3[%get3A_324] : memref<5120xf32, #tpu.memory_space<smem>>
      %get3A_326 = arith.index_cast %add3A_317 : i32 to index
      %get3A_327 = memref.load %arg4[%get3A_326] : memref<5120xf32, #tpu.memory_space<smem>>
      %ge3A_328 = arith.constant 4.000000e+00 : f32
      %ge3A_329 = arith.cmpf oge, %get3A_327, %ge3A_328 : f32
      %jit3A_330 = arith.constant 8.192000e+03 : f32
      %jit3A_331 = arith.constant 0.000000e+00 : f32
      %select_n3A_332 = arith.select %ge3A_329, %jit3A_330, %jit3A_331 : f32
      %min3A_333 = vector.broadcast %get3A_323 : f32 to vector<32x128xf32>
      %min3A_334 = arith.minimumf %slice3A_29, %min3A_333 : vector<32x128xf32>
      %max3A_335 = vector.broadcast %get3A_319 : f32 to vector<32x128xf32>
      %max3A_336 = arith.maximumf %slice3A_27, %max3A_335 : vector<32x128xf32>
      %sub3A_337 = arith.subf %min3A_334, %max3A_336 : vector<32x128xf32>
      %max3A_338 = arith.constant 0.000000e+00 : f32
      %max3A_339 = vector.broadcast %max3A_338 : f32 to vector<32x128xf32>
      %max3A_340 = arith.maximumf %sub3A_337, %max3A_339 : vector<32x128xf32>
      %min3A_341 = vector.broadcast %get3A_325 : f32 to vector<32x128xf32>
      %min3A_342 = arith.minimumf %slice3A_30, %min3A_341 : vector<32x128xf32>
      %max3A_343 = vector.broadcast %get3A_321 : f32 to vector<32x128xf32>
      %max3A_344 = arith.maximumf %slice3A_28, %max3A_343 : vector<32x128xf32>
      %sub3A_345 = arith.subf %min3A_342, %max3A_344 : vector<32x128xf32>
      %max3A_346 = arith.constant 0.000000e+00 : f32
      %max3A_347 = vector.broadcast %max3A_346 : f32 to vector<32x128xf32>
      %max3A_348 = arith.maximumf %sub3A_345, %max3A_347 : vector<32x128xf32>
      %mul3A_349 = arith.mulf %max3A_340, %max3A_348 : vector<32x128xf32>
      %add3A_350 = vector.broadcast %get3A_327 : f32 to vector<32x128xf32>
      %add3A_351 = arith.addf %add3A_350, %slice3A_31 : vector<32x128xf32>
      %sub3A_352 = arith.subf %add3A_351, %mul3A_349 : vector<32x128xf32>
      %add3A_353 = arith.constant 1.000000e-10 : f32
      %add3A_354 = vector.broadcast %add3A_353 : f32 to vector<32x128xf32>
      %add3A_355 = arith.addf %sub3A_352, %add3A_354 : vector<32x128xf32>
      %div3A_356 = arith.divf %mul3A_349, %add3A_355 : vector<32x128xf32>
      %ge3A_357 = arith.constant 2.000000e-01 : f32
      %ge3A_358 = vector.broadcast %ge3A_357 : f32 to vector<32x128xf32>
      %ge3A_359 = arith.cmpf oge, %div3A_356, %ge3A_358 : vector<32x128xf32>
      %gt3A_360 = vector.broadcast %add3A_317 : i32 to vector<32x128xi32>
      %gt3A_361 = arith.cmpi sgt, %slice3A_32, %gt3A_360 : vector<32x128xi32>
      %and3A_362 = arith.andi %ge3A_359, %gt3A_361 : vector<32x128xi1>
      %jit3A_363 = arith.constant 0.000000e+00 : f32
      %broadcast_in_dim3A_364 = vector.broadcast %jit3A_363 : f32 to vector<32x128xf32>
      %select_n3A_365 = arith.select %and3A_362, %while3A_81, %broadcast_in_dim3A_364 : vector<32x128xi1>, vector<32x128xf32>
      %eq3A_366 = vector.broadcast %add3A_317 : i32 to vector<32x128xi32>
      %eq3A_367 = arith.cmpi eq, %slice3A_32, %eq3A_366 : vector<32x128xi32>
      %mul3A_368 = vector.broadcast %select_n3A_332 : f32 to vector<32x128xf32>
      %mul3A_369 = arith.mulf %while3A_81, %mul3A_368 : vector<32x128xf32>
      %jit3A_370 = arith.constant 0.000000e+00 : f32
      %broadcast_in_dim3A_371 = vector.broadcast %jit3A_370 : f32 to vector<32x128xf32>
      %select_n3A_372 = arith.select %eq3A_367, %mul3A_369, %broadcast_in_dim3A_371 : vector<32x128xi1>, vector<32x128xf32>
      %add3A_373 = arith.addf %select_n3A_365, %select_n3A_372 : vector<32x128xf32>
      %reduce_sum3A_374 = arith.constant dense<0.000000e+00> : vector<128xf32>
      %reduce_sum3A_375 = vector.multi_reduction <add>, %add3A_373, %reduce_sum3A_374 [0] : vector<32x128xf32> to vector<128xf32>
      %broadcast_in_dim3A_376 = vector.shape_cast %reduce_sum3A_375 : vector<128xf32> to vector<1x128xf32>
      %add3A_377 = arith.constant 5 : i32
      %add3A_378 = arith.addi %while3A_80, %add3A_377 : i32
      %get3A_379 = arith.index_cast %add3A_378 : i32 to index
      %get3A_380 = memref.load %arg0[%get3A_379] : memref<5120xf32, #tpu.memory_space<smem>>
      %get3A_381 = arith.index_cast %add3A_378 : i32 to index
      %get3A_382 = memref.load %arg1[%get3A_381] : memref<5120xf32, #tpu.memory_space<smem>>
      %get3A_383 = arith.index_cast %add3A_378 : i32 to index
      %get3A_384 = memref.load %arg2[%get3A_383] : memref<5120xf32, #tpu.memory_space<smem>>
      %get3A_385 = arith.index_cast %add3A_378 : i32 to index
      %get3A_386 = memref.load %arg3[%get3A_385] : memref<5120xf32, #tpu.memory_space<smem>>
      %get3A_387 = arith.index_cast %add3A_378 : i32 to index
      %get3A_388 = memref.load %arg4[%get3A_387] : memref<5120xf32, #tpu.memory_space<smem>>
      %ge3A_389 = arith.constant 4.000000e+00 : f32
      %ge3A_390 = arith.cmpf oge, %get3A_388, %ge3A_389 : f32
      %jit3A_391 = arith.constant 8.192000e+03 : f32
      %jit3A_392 = arith.constant 0.000000e+00 : f32
      %select_n3A_393 = arith.select %ge3A_390, %jit3A_391, %jit3A_392 : f32
      %min3A_394 = vector.broadcast %get3A_384 : f32 to vector<32x128xf32>
      %min3A_395 = arith.minimumf %slice3A_29, %min3A_394 : vector<32x128xf32>
      %max3A_396 = vector.broadcast %get3A_380 : f32 to vector<32x128xf32>
      %max3A_397 = arith.maximumf %slice3A_27, %max3A_396 : vector<32x128xf32>
      %sub3A_398 = arith.subf %min3A_395, %max3A_397 : vector<32x128xf32>
      %max3A_399 = arith.constant 0.000000e+00 : f32
      %max3A_400 = vector.broadcast %max3A_399 : f32 to vector<32x128xf32>
      %max3A_401 = arith.maximumf %sub3A_398, %max3A_400 : vector<32x128xf32>
      %min3A_402 = vector.broadcast %get3A_386 : f32 to vector<32x128xf32>
      %min3A_403 = arith.minimumf %slice3A_30, %min3A_402 : vector<32x128xf32>
      %max3A_404 = vector.broadcast %get3A_382 : f32 to vector<32x128xf32>
      %max3A_405 = arith.maximumf %slice3A_28, %max3A_404 : vector<32x128xf32>
      %sub3A_406 = arith.subf %min3A_403, %max3A_405 : vector<32x128xf32>
      %max3A_407 = arith.constant 0.000000e+00 : f32
      %max3A_408 = vector.broadcast %max3A_407 : f32 to vector<32x128xf32>
      %max3A_409 = arith.maximumf %sub3A_406, %max3A_408 : vector<32x128xf32>
      %mul3A_410 = arith.mulf %max3A_401, %max3A_409 : vector<32x128xf32>
      %add3A_411 = vector.broadcast %get3A_388 : f32 to vector<32x128xf32>
      %add3A_412 = arith.addf %add3A_411, %slice3A_31 : vector<32x128xf32>
      %sub3A_413 = arith.subf %add3A_412, %mul3A_410 : vector<32x128xf32>
      %add3A_414 = arith.constant 1.000000e-10 : f32
      %add3A_415 = vector.broadcast %add3A_414 : f32 to vector<32x128xf32>
      %add3A_416 = arith.addf %sub3A_413, %add3A_415 : vector<32x128xf32>
      %div3A_417 = arith.divf %mul3A_410, %add3A_416 : vector<32x128xf32>
      %ge3A_418 = arith.constant 2.000000e-01 : f32
      %ge3A_419 = vector.broadcast %ge3A_418 : f32 to vector<32x128xf32>
      %ge3A_420 = arith.cmpf oge, %div3A_417, %ge3A_419 : vector<32x128xf32>
      %gt3A_421 = vector.broadcast %add3A_378 : i32 to vector<32x128xi32>
      %gt3A_422 = arith.cmpi sgt, %slice3A_32, %gt3A_421 : vector<32x128xi32>
      %and3A_423 = arith.andi %ge3A_420, %gt3A_422 : vector<32x128xi1>
      %jit3A_424 = arith.constant 0.000000e+00 : f32
      %broadcast_in_dim3A_425 = vector.broadcast %jit3A_424 : f32 to vector<32x128xf32>
      %select_n3A_426 = arith.select %and3A_423, %while3A_81, %broadcast_in_dim3A_425 : vector<32x128xi1>, vector<32x128xf32>
      %eq3A_427 = vector.broadcast %add3A_378 : i32 to vector<32x128xi32>
      %eq3A_428 = arith.cmpi eq, %slice3A_32, %eq3A_427 : vector<32x128xi32>
      %mul3A_429 = vector.broadcast %select_n3A_393 : f32 to vector<32x128xf32>
      %mul3A_430 = arith.mulf %while3A_81, %mul3A_429 : vector<32x128xf32>
      %jit3A_431 = arith.constant 0.000000e+00 : f32
      %broadcast_in_dim3A_432 = vector.broadcast %jit3A_431 : f32 to vector<32x128xf32>
      %select_n3A_433 = arith.select %eq3A_428, %mul3A_430, %broadcast_in_dim3A_432 : vector<32x128xi1>, vector<32x128xf32>
      %add3A_434 = arith.addf %select_n3A_426, %select_n3A_433 : vector<32x128xf32>
      %reduce_sum3A_435 = arith.constant dense<0.000000e+00> : vector<128xf32>
      %reduce_sum3A_436 = vector.multi_reduction <add>, %add3A_434, %reduce_sum3A_435 [0] : vector<32x128xf32> to vector<128xf32>
      %broadcast_in_dim3A_437 = vector.shape_cast %reduce_sum3A_436 : vector<128xf32> to vector<1x128xf32>
      %add3A_438 = arith.constant 6 : i32
      %add3A_439 = arith.addi %while3A_80, %add3A_438 : i32
      %get3A_440 = arith.index_cast %add3A_439 : i32 to index
      %get3A_441 = memref.load %arg0[%get3A_440] : memref<5120xf32, #tpu.memory_space<smem>>
      %get3A_442 = arith.index_cast %add3A_439 : i32 to index
      %get3A_443 = memref.load %arg1[%get3A_442] : memref<5120xf32, #tpu.memory_space<smem>>
      %get3A_444 = arith.index_cast %add3A_439 : i32 to index
      %get3A_445 = memref.load %arg2[%get3A_444] : memref<5120xf32, #tpu.memory_space<smem>>
      %get3A_446 = arith.index_cast %add3A_439 : i32 to index
      %get3A_447 = memref.load %arg3[%get3A_446] : memref<5120xf32, #tpu.memory_space<smem>>
      %get3A_448 = arith.index_cast %add3A_439 : i32 to index
      %get3A_449 = memref.load %arg4[%get3A_448] : memref<5120xf32, #tpu.memory_space<smem>>
      %ge3A_450 = arith.constant 4.000000e+00 : f32
      %ge3A_451 = arith.cmpf oge, %get3A_449, %ge3A_450 : f32
      %jit3A_452 = arith.constant 8.192000e+03 : f32
      %jit3A_453 = arith.constant 0.000000e+00 : f32
      %select_n3A_454 = arith.select %ge3A_451, %jit3A_452, %jit3A_453 : f32
      %min3A_455 = vector.broadcast %get3A_445 : f32 to vector<32x128xf32>
      %min3A_456 = arith.minimumf %slice3A_29, %min3A_455 : vector<32x128xf32>
      %max3A_457 = vector.broadcast %get3A_441 : f32 to vector<32x128xf32>
      %max3A_458 = arith.maximumf %slice3A_27, %max3A_457 : vector<32x128xf32>
      %sub3A_459 = arith.subf %min3A_456, %max3A_458 : vector<32x128xf32>
      %max3A_460 = arith.constant 0.000000e+00 : f32
      %max3A_461 = vector.broadcast %max3A_460 : f32 to vector<32x128xf32>
      %max3A_462 = arith.maximumf %sub3A_459, %max3A_461 : vector<32x128xf32>
      %min3A_463 = vector.broadcast %get3A_447 : f32 to vector<32x128xf32>
      %min3A_464 = arith.minimumf %slice3A_30, %min3A_463 : vector<32x128xf32>
      %max3A_465 = vector.broadcast %get3A_443 : f32 to vector<32x128xf32>
      %max3A_466 = arith.maximumf %slice3A_28, %max3A_465 : vector<32x128xf32>
      %sub3A_467 = arith.subf %min3A_464, %max3A_466 : vector<32x128xf32>
      %max3A_468 = arith.constant 0.000000e+00 : f32
      %max3A_469 = vector.broadcast %max3A_468 : f32 to vector<32x128xf32>
      %max3A_470 = arith.maximumf %sub3A_467, %max3A_469 : vector<32x128xf32>
      %mul3A_471 = arith.mulf %max3A_462, %max3A_470 : vector<32x128xf32>
      %add3A_472 = vector.broadcast %get3A_449 : f32 to vector<32x128xf32>
      %add3A_473 = arith.addf %add3A_472, %slice3A_31 : vector<32x128xf32>
      %sub3A_474 = arith.subf %add3A_473, %mul3A_471 : vector<32x128xf32>
      %add3A_475 = arith.constant 1.000000e-10 : f32
      %add3A_476 = vector.broadcast %add3A_475 : f32 to vector<32x128xf32>
      %add3A_477 = arith.addf %sub3A_474, %add3A_476 : vector<32x128xf32>
      %div3A_478 = arith.divf %mul3A_471, %add3A_477 : vector<32x128xf32>
      %ge3A_479 = arith.constant 2.000000e-01 : f32
      %ge3A_480 = vector.broadcast %ge3A_479 : f32 to vector<32x128xf32>
      %ge3A_481 = arith.cmpf oge, %div3A_478, %ge3A_480 : vector<32x128xf32>
      %gt3A_482 = vector.broadcast %add3A_439 : i32 to vector<32x128xi32>
      %gt3A_483 = arith.cmpi sgt, %slice3A_32, %gt3A_482 : vector<32x128xi32>
      %and3A_484 = arith.andi %ge3A_481, %gt3A_483 : vector<32x128xi1>
      %jit3A_485 = arith.constant 0.000000e+00 : f32
      %broadcast_in_dim3A_486 = vector.broadcast %jit3A_485 : f32 to vector<32x128xf32>
      %select_n3A_487 = arith.select %and3A_484, %while3A_81, %broadcast_in_dim3A_486 : vector<32x128xi1>, vector<32x128xf32>
      %eq3A_488 = vector.broadcast %add3A_439 : i32 to vector<32x128xi32>
      %eq3A_489 = arith.cmpi eq, %slice3A_32, %eq3A_488 : vector<32x128xi32>
      %mul3A_490 = vector.broadcast %select_n3A_454 : f32 to vector<32x128xf32>
      %mul3A_491 = arith.mulf %while3A_81, %mul3A_490 : vector<32x128xf32>
      %jit3A_492 = arith.constant 0.000000e+00 : f32
      %broadcast_in_dim3A_493 = vector.broadcast %jit3A_492 : f32 to vector<32x128xf32>
      %select_n3A_494 = arith.select %eq3A_489, %mul3A_491, %broadcast_in_dim3A_493 : vector<32x128xi1>, vector<32x128xf32>
      %add3A_495 = arith.addf %select_n3A_487, %select_n3A_494 : vector<32x128xf32>
      %reduce_sum3A_496 = arith.constant dense<0.000000e+00> : vector<128xf32>
      %reduce_sum3A_497 = vector.multi_reduction <add>, %add3A_495, %reduce_sum3A_496 [0] : vector<32x128xf32> to vector<128xf32>
      %broadcast_in_dim3A_498 = vector.shape_cast %reduce_sum3A_497 : vector<128xf32> to vector<1x128xf32>
      %add3A_499 = arith.constant 7 : i32
      %add3A_500 = arith.addi %while3A_80, %add3A_499 : i32
      %get3A_501 = arith.index_cast %add3A_500 : i32 to index
      %get3A_502 = memref.load %arg0[%get3A_501] : memref<5120xf32, #tpu.memory_space<smem>>
      %get3A_503 = arith.index_cast %add3A_500 : i32 to index
      %get3A_504 = memref.load %arg1[%get3A_503] : memref<5120xf32, #tpu.memory_space<smem>>
      %get3A_505 = arith.index_cast %add3A_500 : i32 to index
      %get3A_506 = memref.load %arg2[%get3A_505] : memref<5120xf32, #tpu.memory_space<smem>>
      %get3A_507 = arith.index_cast %add3A_500 : i32 to index
      %get3A_508 = memref.load %arg3[%get3A_507] : memref<5120xf32, #tpu.memory_space<smem>>
      %get3A_509 = arith.index_cast %add3A_500 : i32 to index
      %get3A_510 = memref.load %arg4[%get3A_509] : memref<5120xf32, #tpu.memory_space<smem>>
      %ge3A_511 = arith.constant 4.000000e+00 : f32
      %ge3A_512 = arith.cmpf oge, %get3A_510, %ge3A_511 : f32
      %jit3A_513 = arith.constant 8.192000e+03 : f32
      %jit3A_514 = arith.constant 0.000000e+00 : f32
      %select_n3A_515 = arith.select %ge3A_512, %jit3A_513, %jit3A_514 : f32
      %min3A_516 = vector.broadcast %get3A_506 : f32 to vector<32x128xf32>
      %min3A_517 = arith.minimumf %slice3A_29, %min3A_516 : vector<32x128xf32>
      %max3A_518 = vector.broadcast %get3A_502 : f32 to vector<32x128xf32>
      %max3A_519 = arith.maximumf %slice3A_27, %max3A_518 : vector<32x128xf32>
      %sub3A_520 = arith.subf %min3A_517, %max3A_519 : vector<32x128xf32>
      %max3A_521 = arith.constant 0.000000e+00 : f32
      %max3A_522 = vector.broadcast %max3A_521 : f32 to vector<32x128xf32>
      %max3A_523 = arith.maximumf %sub3A_520, %max3A_522 : vector<32x128xf32>
      %min3A_524 = vector.broadcast %get3A_508 : f32 to vector<32x128xf32>
      %min3A_525 = arith.minimumf %slice3A_30, %min3A_524 : vector<32x128xf32>
      %max3A_526 = vector.broadcast %get3A_504 : f32 to vector<32x128xf32>
      %max3A_527 = arith.maximumf %slice3A_28, %max3A_526 : vector<32x128xf32>
      %sub3A_528 = arith.subf %min3A_525, %max3A_527 : vector<32x128xf32>
      %max3A_529 = arith.constant 0.000000e+00 : f32
      %max3A_530 = vector.broadcast %max3A_529 : f32 to vector<32x128xf32>
      %max3A_531 = arith.maximumf %sub3A_528, %max3A_530 : vector<32x128xf32>
      %mul3A_532 = arith.mulf %max3A_523, %max3A_531 : vector<32x128xf32>
      %add3A_533 = vector.broadcast %get3A_510 : f32 to vector<32x128xf32>
      %add3A_534 = arith.addf %add3A_533, %slice3A_31 : vector<32x128xf32>
      %sub3A_535 = arith.subf %add3A_534, %mul3A_532 : vector<32x128xf32>
      %add3A_536 = arith.constant 1.000000e-10 : f32
      %add3A_537 = vector.broadcast %add3A_536 : f32 to vector<32x128xf32>
      %add3A_538 = arith.addf %sub3A_535, %add3A_537 : vector<32x128xf32>
      %div3A_539 = arith.divf %mul3A_532, %add3A_538 : vector<32x128xf32>
      %ge3A_540 = arith.constant 2.000000e-01 : f32
      %ge3A_541 = vector.broadcast %ge3A_540 : f32 to vector<32x128xf32>
      %ge3A_542 = arith.cmpf oge, %div3A_539, %ge3A_541 : vector<32x128xf32>
      %gt3A_543 = vector.broadcast %add3A_500 : i32 to vector<32x128xi32>
      %gt3A_544 = arith.cmpi sgt, %slice3A_32, %gt3A_543 : vector<32x128xi32>
      %and3A_545 = arith.andi %ge3A_542, %gt3A_544 : vector<32x128xi1>
      %jit3A_546 = arith.constant 0.000000e+00 : f32
      %broadcast_in_dim3A_547 = vector.broadcast %jit3A_546 : f32 to vector<32x128xf32>
      %select_n3A_548 = arith.select %and3A_545, %while3A_81, %broadcast_in_dim3A_547 : vector<32x128xi1>, vector<32x128xf32>
      %eq3A_549 = vector.broadcast %add3A_500 : i32 to vector<32x128xi32>
      %eq3A_550 = arith.cmpi eq, %slice3A_32, %eq3A_549 : vector<32x128xi32>
      %mul3A_551 = vector.broadcast %select_n3A_515 : f32 to vector<32x128xf32>
      %mul3A_552 = arith.mulf %while3A_81, %mul3A_551 : vector<32x128xf32>
      %jit3A_553 = arith.constant 0.000000e+00 : f32
      %broadcast_in_dim3A_554 = vector.broadcast %jit3A_553 : f32 to vector<32x128xf32>
      %select_n3A_555 = arith.select %eq3A_550, %mul3A_552, %broadcast_in_dim3A_554 : vector<32x128xi1>, vector<32x128xf32>
      %add3A_556 = arith.addf %select_n3A_548, %select_n3A_555 : vector<32x128xf32>
      %reduce_sum3A_557 = arith.constant dense<0.000000e+00> : vector<128xf32>
      %reduce_sum3A_558 = vector.multi_reduction <add>, %add3A_556, %reduce_sum3A_557 [0] : vector<32x128xf32> to vector<128xf32>
      %broadcast_in_dim3A_559 = vector.shape_cast %reduce_sum3A_558 : vector<128xf32> to vector<1x128xf32>
      %add3A_560 = arith.constant 8 : i32
      %add3A_561 = arith.addi %while3A_80, %add3A_560 : i32
      %get3A_562 = arith.index_cast %add3A_561 : i32 to index
      %get3A_563 = memref.load %arg0[%get3A_562] : memref<5120xf32, #tpu.memory_space<smem>>
      %get3A_564 = arith.index_cast %add3A_561 : i32 to index
      %get3A_565 = memref.load %arg1[%get3A_564] : memref<5120xf32, #tpu.memory_space<smem>>
      %get3A_566 = arith.index_cast %add3A_561 : i32 to index
      %get3A_567 = memref.load %arg2[%get3A_566] : memref<5120xf32, #tpu.memory_space<smem>>
      %get3A_568 = arith.index_cast %add3A_561 : i32 to index
      %get3A_569 = memref.load %arg3[%get3A_568] : memref<5120xf32, #tpu.memory_space<smem>>
      %get3A_570 = arith.index_cast %add3A_561 : i32 to index
      %get3A_571 = memref.load %arg4[%get3A_570] : memref<5120xf32, #tpu.memory_space<smem>>
      %ge3A_572 = arith.constant 4.000000e+00 : f32
      %ge3A_573 = arith.cmpf oge, %get3A_571, %ge3A_572 : f32
      %jit3A_574 = arith.constant 8.192000e+03 : f32
      %jit3A_575 = arith.constant 0.000000e+00 : f32
      %select_n3A_576 = arith.select %ge3A_573, %jit3A_574, %jit3A_575 : f32
      %min3A_577 = vector.broadcast %get3A_567 : f32 to vector<32x128xf32>
      %min3A_578 = arith.minimumf %slice3A_29, %min3A_577 : vector<32x128xf32>
      %max3A_579 = vector.broadcast %get3A_563 : f32 to vector<32x128xf32>
      %max3A_580 = arith.maximumf %slice3A_27, %max3A_579 : vector<32x128xf32>
      %sub3A_581 = arith.subf %min3A_578, %max3A_580 : vector<32x128xf32>
      %max3A_582 = arith.constant 0.000000e+00 : f32
      %max3A_583 = vector.broadcast %max3A_582 : f32 to vector<32x128xf32>
      %max3A_584 = arith.maximumf %sub3A_581, %max3A_583 : vector<32x128xf32>
      %min3A_585 = vector.broadcast %get3A_569 : f32 to vector<32x128xf32>
      %min3A_586 = arith.minimumf %slice3A_30, %min3A_585 : vector<32x128xf32>
      %max3A_587 = vector.broadcast %get3A_565 : f32 to vector<32x128xf32>
      %max3A_588 = arith.maximumf %slice3A_28, %max3A_587 : vector<32x128xf32>
      %sub3A_589 = arith.subf %min3A_586, %max3A_588 : vector<32x128xf32>
      %max3A_590 = arith.constant 0.000000e+00 : f32
      %max3A_591 = vector.broadcast %max3A_590 : f32 to vector<32x128xf32>
      %max3A_592 = arith.maximumf %sub3A_589, %max3A_591 : vector<32x128xf32>
      %mul3A_593 = arith.mulf %max3A_584, %max3A_592 : vector<32x128xf32>
      %add3A_594 = vector.broadcast %get3A_571 : f32 to vector<32x128xf32>
      %add3A_595 = arith.addf %add3A_594, %slice3A_31 : vector<32x128xf32>
      %sub3A_596 = arith.subf %add3A_595, %mul3A_593 : vector<32x128xf32>
      %add3A_597 = arith.constant 1.000000e-10 : f32
      %add3A_598 = vector.broadcast %add3A_597 : f32 to vector<32x128xf32>
      %add3A_599 = arith.addf %sub3A_596, %add3A_598 : vector<32x128xf32>
      %div3A_600 = arith.divf %mul3A_593, %add3A_599 : vector<32x128xf32>
      %ge3A_601 = arith.constant 2.000000e-01 : f32
      %ge3A_602 = vector.broadcast %ge3A_601 : f32 to vector<32x128xf32>
      %ge3A_603 = arith.cmpf oge, %div3A_600, %ge3A_602 : vector<32x128xf32>
      %gt3A_604 = vector.broadcast %add3A_561 : i32 to vector<32x128xi32>
      %gt3A_605 = arith.cmpi sgt, %slice3A_32, %gt3A_604 : vector<32x128xi32>
      %and3A_606 = arith.andi %ge3A_603, %gt3A_605 : vector<32x128xi1>
      %jit3A_607 = arith.constant 0.000000e+00 : f32
      %broadcast_in_dim3A_608 = vector.broadcast %jit3A_607 : f32 to vector<32x128xf32>
      %select_n3A_609 = arith.select %and3A_606, %while3A_81, %broadcast_in_dim3A_608 : vector<32x128xi1>, vector<32x128xf32>
      %eq3A_610 = vector.broadcast %add3A_561 : i32 to vector<32x128xi32>
      %eq3A_611 = arith.cmpi eq, %slice3A_32, %eq3A_610 : vector<32x128xi32>
      %mul3A_612 = vector.broadcast %select_n3A_576 : f32 to vector<32x128xf32>
      %mul3A_613 = arith.mulf %while3A_81, %mul3A_612 : vector<32x128xf32>
      %jit3A_614 = arith.constant 0.000000e+00 : f32
      %broadcast_in_dim3A_615 = vector.broadcast %jit3A_614 : f32 to vector<32x128xf32>
      %select_n3A_616 = arith.select %eq3A_611, %mul3A_613, %broadcast_in_dim3A_615 : vector<32x128xi1>, vector<32x128xf32>
      %add3A_617 = arith.addf %select_n3A_609, %select_n3A_616 : vector<32x128xf32>
      %reduce_sum3A_618 = arith.constant dense<0.000000e+00> : vector<128xf32>
      %reduce_sum3A_619 = vector.multi_reduction <add>, %add3A_617, %reduce_sum3A_618 [0] : vector<32x128xf32> to vector<128xf32>
      %broadcast_in_dim3A_620 = vector.shape_cast %reduce_sum3A_619 : vector<128xf32> to vector<1x128xf32>
      %add3A_621 = arith.constant 9 : i32
      %add3A_622 = arith.addi %while3A_80, %add3A_621 : i32
      %get3A_623 = arith.index_cast %add3A_622 : i32 to index
      %get3A_624 = memref.load %arg0[%get3A_623] : memref<5120xf32, #tpu.memory_space<smem>>
      %get3A_625 = arith.index_cast %add3A_622 : i32 to index
      %get3A_626 = memref.load %arg1[%get3A_625] : memref<5120xf32, #tpu.memory_space<smem>>
      %get3A_627 = arith.index_cast %add3A_622 : i32 to index
      %get3A_628 = memref.load %arg2[%get3A_627] : memref<5120xf32, #tpu.memory_space<smem>>
      %get3A_629 = arith.index_cast %add3A_622 : i32 to index
      %get3A_630 = memref.load %arg3[%get3A_629] : memref<5120xf32, #tpu.memory_space<smem>>
      %get3A_631 = arith.index_cast %add3A_622 : i32 to index
      %get3A_632 = memref.load %arg4[%get3A_631] : memref<5120xf32, #tpu.memory_space<smem>>
      %ge3A_633 = arith.constant 4.000000e+00 : f32
      %ge3A_634 = arith.cmpf oge, %get3A_632, %ge3A_633 : f32
      %jit3A_635 = arith.constant 8.192000e+03 : f32
      %jit3A_636 = arith.constant 0.000000e+00 : f32
      %select_n3A_637 = arith.select %ge3A_634, %jit3A_635, %jit3A_636 : f32
      %min3A_638 = vector.broadcast %get3A_628 : f32 to vector<32x128xf32>
      %min3A_639 = arith.minimumf %slice3A_29, %min3A_638 : vector<32x128xf32>
      %max3A_640 = vector.broadcast %get3A_624 : f32 to vector<32x128xf32>
      %max3A_641 = arith.maximumf %slice3A_27, %max3A_640 : vector<32x128xf32>
      %sub3A_642 = arith.subf %min3A_639, %max3A_641 : vector<32x128xf32>
      %max3A_643 = arith.constant 0.000000e+00 : f32
      %max3A_644 = vector.broadcast %max3A_643 : f32 to vector<32x128xf32>
      %max3A_645 = arith.maximumf %sub3A_642, %max3A_644 : vector<32x128xf32>
      %min3A_646 = vector.broadcast %get3A_630 : f32 to vector<32x128xf32>
      %min3A_647 = arith.minimumf %slice3A_30, %min3A_646 : vector<32x128xf32>
      %max3A_648 = vector.broadcast %get3A_626 : f32 to vector<32x128xf32>
      %max3A_649 = arith.maximumf %slice3A_28, %max3A_648 : vector<32x128xf32>
      %sub3A_650 = arith.subf %min3A_647, %max3A_649 : vector<32x128xf32>
      %max3A_651 = arith.constant 0.000000e+00 : f32
      %max3A_652 = vector.broadcast %max3A_651 : f32 to vector<32x128xf32>
      %max3A_653 = arith.maximumf %sub3A_650, %max3A_652 : vector<32x128xf32>
      %mul3A_654 = arith.mulf %max3A_645, %max3A_653 : vector<32x128xf32>
      %add3A_655 = vector.broadcast %get3A_632 : f32 to vector<32x128xf32>
      %add3A_656 = arith.addf %add3A_655, %slice3A_31 : vector<32x128xf32>
      %sub3A_657 = arith.subf %add3A_656, %mul3A_654 : vector<32x128xf32>
      %add3A_658 = arith.constant 1.000000e-10 : f32
      %add3A_659 = vector.broadcast %add3A_658 : f32 to vector<32x128xf32>
      %add3A_660 = arith.addf %sub3A_657, %add3A_659 : vector<32x128xf32>
      %div3A_661 = arith.divf %mul3A_654, %add3A_660 : vector<32x128xf32>
      %ge3A_662 = arith.constant 2.000000e-01 : f32
      %ge3A_663 = vector.broadcast %ge3A_662 : f32 to vector<32x128xf32>
      %ge3A_664 = arith.cmpf oge, %div3A_661, %ge3A_663 : vector<32x128xf32>
      %gt3A_665 = vector.broadcast %add3A_622 : i32 to vector<32x128xi32>
      %gt3A_666 = arith.cmpi sgt, %slice3A_32, %gt3A_665 : vector<32x128xi32>
      %and3A_667 = arith.andi %ge3A_664, %gt3A_666 : vector<32x128xi1>
      %jit3A_668 = arith.constant 0.000000e+00 : f32
      %broadcast_in_dim3A_669 = vector.broadcast %jit3A_668 : f32 to vector<32x128xf32>
      %select_n3A_670 = arith.select %and3A_667, %while3A_81, %broadcast_in_dim3A_669 : vector<32x128xi1>, vector<32x128xf32>
      %eq3A_671 = vector.broadcast %add3A_622 : i32 to vector<32x128xi32>
      %eq3A_672 = arith.cmpi eq, %slice3A_32, %eq3A_671 : vector<32x128xi32>
      %mul3A_673 = vector.broadcast %select_n3A_637 : f32 to vector<32x128xf32>
      %mul3A_674 = arith.mulf %while3A_81, %mul3A_673 : vector<32x128xf32>
      %jit3A_675 = arith.constant 0.000000e+00 : f32
      %broadcast_in_dim3A_676 = vector.broadcast %jit3A_675 : f32 to vector<32x128xf32>
      %select_n3A_677 = arith.select %eq3A_672, %mul3A_674, %broadcast_in_dim3A_676 : vector<32x128xi1>, vector<32x128xf32>
      %add3A_678 = arith.addf %select_n3A_670, %select_n3A_677 : vector<32x128xf32>
      %reduce_sum3A_679 = arith.constant dense<0.000000e+00> : vector<128xf32>
      %reduce_sum3A_680 = vector.multi_reduction <add>, %add3A_678, %reduce_sum3A_679 [0] : vector<32x128xf32> to vector<128xf32>
      %broadcast_in_dim3A_681 = vector.shape_cast %reduce_sum3A_680 : vector<128xf32> to vector<1x128xf32>
      %add3A_682 = arith.constant 10 : i32
      %add3A_683 = arith.addi %while3A_80, %add3A_682 : i32
      %get3A_684 = arith.index_cast %add3A_683 : i32 to index
      %get3A_685 = memref.load %arg0[%get3A_684] : memref<5120xf32, #tpu.memory_space<smem>>
      %get3A_686 = arith.index_cast %add3A_683 : i32 to index
      %get3A_687 = memref.load %arg1[%get3A_686] : memref<5120xf32, #tpu.memory_space<smem>>
      %get3A_688 = arith.index_cast %add3A_683 : i32 to index
      %get3A_689 = memref.load %arg2[%get3A_688] : memref<5120xf32, #tpu.memory_space<smem>>
      %get3A_690 = arith.index_cast %add3A_683 : i32 to index
      %get3A_691 = memref.load %arg3[%get3A_690] : memref<5120xf32, #tpu.memory_space<smem>>
      %get3A_692 = arith.index_cast %add3A_683 : i32 to index
      %get3A_693 = memref.load %arg4[%get3A_692] : memref<5120xf32, #tpu.memory_space<smem>>
      %ge3A_694 = arith.constant 4.000000e+00 : f32
      %ge3A_695 = arith.cmpf oge, %get3A_693, %ge3A_694 : f32
      %jit3A_696 = arith.constant 8.192000e+03 : f32
      %jit3A_697 = arith.constant 0.000000e+00 : f32
      %select_n3A_698 = arith.select %ge3A_695, %jit3A_696, %jit3A_697 : f32
      %min3A_699 = vector.broadcast %get3A_689 : f32 to vector<32x128xf32>
      %min3A_700 = arith.minimumf %slice3A_29, %min3A_699 : vector<32x128xf32>
      %max3A_701 = vector.broadcast %get3A_685 : f32 to vector<32x128xf32>
      %max3A_702 = arith.maximumf %slice3A_27, %max3A_701 : vector<32x128xf32>
      %sub3A_703 = arith.subf %min3A_700, %max3A_702 : vector<32x128xf32>
      %max3A_704 = arith.constant 0.000000e+00 : f32
      %max3A_705 = vector.broadcast %max3A_704 : f32 to vector<32x128xf32>
      %max3A_706 = arith.maximumf %sub3A_703, %max3A_705 : vector<32x128xf32>
      %min3A_707 = vector.broadcast %get3A_691 : f32 to vector<32x128xf32>
      %min3A_708 = arith.minimumf %slice3A_30, %min3A_707 : vector<32x128xf32>
      %max3A_709 = vector.broadcast %get3A_687 : f32 to vector<32x128xf32>
      %max3A_710 = arith.maximumf %slice3A_28, %max3A_709 : vector<32x128xf32>
      %sub3A_711 = arith.subf %min3A_708, %max3A_710 : vector<32x128xf32>
      %max3A_712 = arith.constant 0.000000e+00 : f32
      %max3A_713 = vector.broadcast %max3A_712 : f32 to vector<32x128xf32>
      %max3A_714 = arith.maximumf %sub3A_711, %max3A_713 : vector<32x128xf32>
      %mul3A_715 = arith.mulf %max3A_706, %max3A_714 : vector<32x128xf32>
      %add3A_716 = vector.broadcast %get3A_693 : f32 to vector<32x128xf32>
      %add3A_717 = arith.addf %add3A_716, %slice3A_31 : vector<32x128xf32>
      %sub3A_718 = arith.subf %add3A_717, %mul3A_715 : vector<32x128xf32>
      %add3A_719 = arith.constant 1.000000e-10 : f32
      %add3A_720 = vector.broadcast %add3A_719 : f32 to vector<32x128xf32>
      %add3A_721 = arith.addf %sub3A_718, %add3A_720 : vector<32x128xf32>
      %div3A_722 = arith.divf %mul3A_715, %add3A_721 : vector<32x128xf32>
      %ge3A_723 = arith.constant 2.000000e-01 : f32
      %ge3A_724 = vector.broadcast %ge3A_723 : f32 to vector<32x128xf32>
      %ge3A_725 = arith.cmpf oge, %div3A_722, %ge3A_724 : vector<32x128xf32>
      %gt3A_726 = vector.broadcast %add3A_683 : i32 to vector<32x128xi32>
      %gt3A_727 = arith.cmpi sgt, %slice3A_32, %gt3A_726 : vector<32x128xi32>
      %and3A_728 = arith.andi %ge3A_725, %gt3A_727 : vector<32x128xi1>
      %jit3A_729 = arith.constant 0.000000e+00 : f32
      %broadcast_in_dim3A_730 = vector.broadcast %jit3A_729 : f32 to vector<32x128xf32>
      %select_n3A_731 = arith.select %and3A_728, %while3A_81, %broadcast_in_dim3A_730 : vector<32x128xi1>, vector<32x128xf32>
      %eq3A_732 = vector.broadcast %add3A_683 : i32 to vector<32x128xi32>
      %eq3A_733 = arith.cmpi eq, %slice3A_32, %eq3A_732 : vector<32x128xi32>
      %mul3A_734 = vector.broadcast %select_n3A_698 : f32 to vector<32x128xf32>
      %mul3A_735 = arith.mulf %while3A_81, %mul3A_734 : vector<32x128xf32>
      %jit3A_736 = arith.constant 0.000000e+00 : f32
      %broadcast_in_dim3A_737 = vector.broadcast %jit3A_736 : f32 to vector<32x128xf32>
      %select_n3A_738 = arith.select %eq3A_733, %mul3A_735, %broadcast_in_dim3A_737 : vector<32x128xi1>, vector<32x128xf32>
      %add3A_739 = arith.addf %select_n3A_731, %select_n3A_738 : vector<32x128xf32>
      %reduce_sum3A_740 = arith.constant dense<0.000000e+00> : vector<128xf32>
      %reduce_sum3A_741 = vector.multi_reduction <add>, %add3A_739, %reduce_sum3A_740 [0] : vector<32x128xf32> to vector<128xf32>
      %broadcast_in_dim3A_742 = vector.shape_cast %reduce_sum3A_741 : vector<128xf32> to vector<1x128xf32>
      %add3A_743 = arith.constant 11 : i32
      %add3A_744 = arith.addi %while3A_80, %add3A_743 : i32
      %get3A_745 = arith.index_cast %add3A_744 : i32 to index
      %get3A_746 = memref.load %arg0[%get3A_745] : memref<5120xf32, #tpu.memory_space<smem>>
      %get3A_747 = arith.index_cast %add3A_744 : i32 to index
      %get3A_748 = memref.load %arg1[%get3A_747] : memref<5120xf32, #tpu.memory_space<smem>>
      %get3A_749 = arith.index_cast %add3A_744 : i32 to index
      %get3A_750 = memref.load %arg2[%get3A_749] : memref<5120xf32, #tpu.memory_space<smem>>
      %get3A_751 = arith.index_cast %add3A_744 : i32 to index
      %get3A_752 = memref.load %arg3[%get3A_751] : memref<5120xf32, #tpu.memory_space<smem>>
      %get3A_753 = arith.index_cast %add3A_744 : i32 to index
      %get3A_754 = memref.load %arg4[%get3A_753] : memref<5120xf32, #tpu.memory_space<smem>>
      %ge3A_755 = arith.constant 4.000000e+00 : f32
      %ge3A_756 = arith.cmpf oge, %get3A_754, %ge3A_755 : f32
      %jit3A_757 = arith.constant 8.192000e+03 : f32
      %jit3A_758 = arith.constant 0.000000e+00 : f32
      %select_n3A_759 = arith.select %ge3A_756, %jit3A_757, %jit3A_758 : f32
      %min3A_760 = vector.broadcast %get3A_750 : f32 to vector<32x128xf32>
      %min3A_761 = arith.minimumf %slice3A_29, %min3A_760 : vector<32x128xf32>
      %max3A_762 = vector.broadcast %get3A_746 : f32 to vector<32x128xf32>
      %max3A_763 = arith.maximumf %slice3A_27, %max3A_762 : vector<32x128xf32>
      %sub3A_764 = arith.subf %min3A_761, %max3A_763 : vector<32x128xf32>
      %max3A_765 = arith.constant 0.000000e+00 : f32
      %max3A_766 = vector.broadcast %max3A_765 : f32 to vector<32x128xf32>
      %max3A_767 = arith.maximumf %sub3A_764, %max3A_766 : vector<32x128xf32>
      %min3A_768 = vector.broadcast %get3A_752 : f32 to vector<32x128xf32>
      %min3A_769 = arith.minimumf %slice3A_30, %min3A_768 : vector<32x128xf32>
      %max3A_770 = vector.broadcast %get3A_748 : f32 to vector<32x128xf32>
      %max3A_771 = arith.maximumf %slice3A_28, %max3A_770 : vector<32x128xf32>
      %sub3A_772 = arith.subf %min3A_769, %max3A_771 : vector<32x128xf32>
      %max3A_773 = arith.constant 0.000000e+00 : f32
      %max3A_774 = vector.broadcast %max3A_773 : f32 to vector<32x128xf32>
      %max3A_775 = arith.maximumf %sub3A_772, %max3A_774 : vector<32x128xf32>
      %mul3A_776 = arith.mulf %max3A_767, %max3A_775 : vector<32x128xf32>
      %add3A_777 = vector.broadcast %get3A_754 : f32 to vector<32x128xf32>
      %add3A_778 = arith.addf %add3A_777, %slice3A_31 : vector<32x128xf32>
      %sub3A_779 = arith.subf %add3A_778, %mul3A_776 : vector<32x128xf32>
      %add3A_780 = arith.constant 1.000000e-10 : f32
      %add3A_781 = vector.broadcast %add3A_780 : f32 to vector<32x128xf32>
      %add3A_782 = arith.addf %sub3A_779, %add3A_781 : vector<32x128xf32>
      %div3A_783 = arith.divf %mul3A_776, %add3A_782 : vector<32x128xf32>
      %ge3A_784 = arith.constant 2.000000e-01 : f32
      %ge3A_785 = vector.broadcast %ge3A_784 : f32 to vector<32x128xf32>
      %ge3A_786 = arith.cmpf oge, %div3A_783, %ge3A_785 : vector<32x128xf32>
      %gt3A_787 = vector.broadcast %add3A_744 : i32 to vector<32x128xi32>
      %gt3A_788 = arith.cmpi sgt, %slice3A_32, %gt3A_787 : vector<32x128xi32>
      %and3A_789 = arith.andi %ge3A_786, %gt3A_788 : vector<32x128xi1>
      %jit3A_790 = arith.constant 0.000000e+00 : f32
      %broadcast_in_dim3A_791 = vector.broadcast %jit3A_790 : f32 to vector<32x128xf32>
      %select_n3A_792 = arith.select %and3A_789, %while3A_81, %broadcast_in_dim3A_791 : vector<32x128xi1>, vector<32x128xf32>
      %eq3A_793 = vector.broadcast %add3A_744 : i32 to vector<32x128xi32>
      %eq3A_794 = arith.cmpi eq, %slice3A_32, %eq3A_793 : vector<32x128xi32>
      %mul3A_795 = vector.broadcast %select_n3A_759 : f32 to vector<32x128xf32>
      %mul3A_796 = arith.mulf %while3A_81, %mul3A_795 : vector<32x128xf32>
      %jit3A_797 = arith.constant 0.000000e+00 : f32
      %broadcast_in_dim3A_798 = vector.broadcast %jit3A_797 : f32 to vector<32x128xf32>
      %select_n3A_799 = arith.select %eq3A_794, %mul3A_796, %broadcast_in_dim3A_798 : vector<32x128xi1>, vector<32x128xf32>
      %add3A_800 = arith.addf %select_n3A_792, %select_n3A_799 : vector<32x128xf32>
      %reduce_sum3A_801 = arith.constant dense<0.000000e+00> : vector<128xf32>
      %reduce_sum3A_802 = vector.multi_reduction <add>, %add3A_800, %reduce_sum3A_801 [0] : vector<32x128xf32> to vector<128xf32>
      %broadcast_in_dim3A_803 = vector.shape_cast %reduce_sum3A_802 : vector<128xf32> to vector<1x128xf32>
      %add3A_804 = arith.constant 12 : i32
      %add3A_805 = arith.addi %while3A_80, %add3A_804 : i32
      %get3A_806 = arith.index_cast %add3A_805 : i32 to index
      %get3A_807 = memref.load %arg0[%get3A_806] : memref<5120xf32, #tpu.memory_space<smem>>
      %get3A_808 = arith.index_cast %add3A_805 : i32 to index
      %get3A_809 = memref.load %arg1[%get3A_808] : memref<5120xf32, #tpu.memory_space<smem>>
      %get3A_810 = arith.index_cast %add3A_805 : i32 to index
      %get3A_811 = memref.load %arg2[%get3A_810] : memref<5120xf32, #tpu.memory_space<smem>>
      %get3A_812 = arith.index_cast %add3A_805 : i32 to index
      %get3A_813 = memref.load %arg3[%get3A_812] : memref<5120xf32, #tpu.memory_space<smem>>
      %get3A_814 = arith.index_cast %add3A_805 : i32 to index
      %get3A_815 = memref.load %arg4[%get3A_814] : memref<5120xf32, #tpu.memory_space<smem>>
      %ge3A_816 = arith.constant 4.000000e+00 : f32
      %ge3A_817 = arith.cmpf oge, %get3A_815, %ge3A_816 : f32
      %jit3A_818 = arith.constant 8.192000e+03 : f32
      %jit3A_819 = arith.constant 0.000000e+00 : f32
      %select_n3A_820 = arith.select %ge3A_817, %jit3A_818, %jit3A_819 : f32
      %min3A_821 = vector.broadcast %get3A_811 : f32 to vector<32x128xf32>
      %min3A_822 = arith.minimumf %slice3A_29, %min3A_821 : vector<32x128xf32>
      %max3A_823 = vector.broadcast %get3A_807 : f32 to vector<32x128xf32>
      %max3A_824 = arith.maximumf %slice3A_27, %max3A_823 : vector<32x128xf32>
      %sub3A_825 = arith.subf %min3A_822, %max3A_824 : vector<32x128xf32>
      %max3A_826 = arith.constant 0.000000e+00 : f32
      %max3A_827 = vector.broadcast %max3A_826 : f32 to vector<32x128xf32>
      %max3A_828 = arith.maximumf %sub3A_825, %max3A_827 : vector<32x128xf32>
      %min3A_829 = vector.broadcast %get3A_813 : f32 to vector<32x128xf32>
      %min3A_830 = arith.minimumf %slice3A_30, %min3A_829 : vector<32x128xf32>
      %max3A_831 = vector.broadcast %get3A_809 : f32 to vector<32x128xf32>
      %max3A_832 = arith.maximumf %slice3A_28, %max3A_831 : vector<32x128xf32>
      %sub3A_833 = arith.subf %min3A_830, %max3A_832 : vector<32x128xf32>
      %max3A_834 = arith.constant 0.000000e+00 : f32
      %max3A_835 = vector.broadcast %max3A_834 : f32 to vector<32x128xf32>
      %max3A_836 = arith.maximumf %sub3A_833, %max3A_835 : vector<32x128xf32>
      %mul3A_837 = arith.mulf %max3A_828, %max3A_836 : vector<32x128xf32>
      %add3A_838 = vector.broadcast %get3A_815 : f32 to vector<32x128xf32>
      %add3A_839 = arith.addf %add3A_838, %slice3A_31 : vector<32x128xf32>
      %sub3A_840 = arith.subf %add3A_839, %mul3A_837 : vector<32x128xf32>
      %add3A_841 = arith.constant 1.000000e-10 : f32
      %add3A_842 = vector.broadcast %add3A_841 : f32 to vector<32x128xf32>
      %add3A_843 = arith.addf %sub3A_840, %add3A_842 : vector<32x128xf32>
      %div3A_844 = arith.divf %mul3A_837, %add3A_843 : vector<32x128xf32>
      %ge3A_845 = arith.constant 2.000000e-01 : f32
      %ge3A_846 = vector.broadcast %ge3A_845 : f32 to vector<32x128xf32>
      %ge3A_847 = arith.cmpf oge, %div3A_844, %ge3A_846 : vector<32x128xf32>
      %gt3A_848 = vector.broadcast %add3A_805 : i32 to vector<32x128xi32>
      %gt3A_849 = arith.cmpi sgt, %slice3A_32, %gt3A_848 : vector<32x128xi32>
      %and3A_850 = arith.andi %ge3A_847, %gt3A_849 : vector<32x128xi1>
      %jit3A_851 = arith.constant 0.000000e+00 : f32
      %broadcast_in_dim3A_852 = vector.broadcast %jit3A_851 : f32 to vector<32x128xf32>
      %select_n3A_853 = arith.select %and3A_850, %while3A_81, %broadcast_in_dim3A_852 : vector<32x128xi1>, vector<32x128xf32>
      %eq3A_854 = vector.broadcast %add3A_805 : i32 to vector<32x128xi32>
      %eq3A_855 = arith.cmpi eq, %slice3A_32, %eq3A_854 : vector<32x128xi32>
      %mul3A_856 = vector.broadcast %select_n3A_820 : f32 to vector<32x128xf32>
      %mul3A_857 = arith.mulf %while3A_81, %mul3A_856 : vector<32x128xf32>
      %jit3A_858 = arith.constant 0.000000e+00 : f32
      %broadcast_in_dim3A_859 = vector.broadcast %jit3A_858 : f32 to vector<32x128xf32>
      %select_n3A_860 = arith.select %eq3A_855, %mul3A_857, %broadcast_in_dim3A_859 : vector<32x128xi1>, vector<32x128xf32>
      %add3A_861 = arith.addf %select_n3A_853, %select_n3A_860 : vector<32x128xf32>
      %reduce_sum3A_862 = arith.constant dense<0.000000e+00> : vector<128xf32>
      %reduce_sum3A_863 = vector.multi_reduction <add>, %add3A_861, %reduce_sum3A_862 [0] : vector<32x128xf32> to vector<128xf32>
      %broadcast_in_dim3A_864 = vector.shape_cast %reduce_sum3A_863 : vector<128xf32> to vector<1x128xf32>
      %add3A_865 = arith.constant 13 : i32
      %add3A_866 = arith.addi %while3A_80, %add3A_865 : i32
      %get3A_867 = arith.index_cast %add3A_866 : i32 to index
      %get3A_868 = memref.load %arg0[%get3A_867] : memref<5120xf32, #tpu.memory_space<smem>>
      %get3A_869 = arith.index_cast %add3A_866 : i32 to index
      %get3A_870 = memref.load %arg1[%get3A_869] : memref<5120xf32, #tpu.memory_space<smem>>
      %get3A_871 = arith.index_cast %add3A_866 : i32 to index
      %get3A_872 = memref.load %arg2[%get3A_871] : memref<5120xf32, #tpu.memory_space<smem>>
      %get3A_873 = arith.index_cast %add3A_866 : i32 to index
      %get3A_874 = memref.load %arg3[%get3A_873] : memref<5120xf32, #tpu.memory_space<smem>>
      %get3A_875 = arith.index_cast %add3A_866 : i32 to index
      %get3A_876 = memref.load %arg4[%get3A_875] : memref<5120xf32, #tpu.memory_space<smem>>
      %ge3A_877 = arith.constant 4.000000e+00 : f32
      %ge3A_878 = arith.cmpf oge, %get3A_876, %ge3A_877 : f32
      %jit3A_879 = arith.constant 8.192000e+03 : f32
      %jit3A_880 = arith.constant 0.000000e+00 : f32
      %select_n3A_881 = arith.select %ge3A_878, %jit3A_879, %jit3A_880 : f32
      %min3A_882 = vector.broadcast %get3A_872 : f32 to vector<32x128xf32>
      %min3A_883 = arith.minimumf %slice3A_29, %min3A_882 : vector<32x128xf32>
      %max3A_884 = vector.broadcast %get3A_868 : f32 to vector<32x128xf32>
      %max3A_885 = arith.maximumf %slice3A_27, %max3A_884 : vector<32x128xf32>
      %sub3A_886 = arith.subf %min3A_883, %max3A_885 : vector<32x128xf32>
      %max3A_887 = arith.constant 0.000000e+00 : f32
      %max3A_888 = vector.broadcast %max3A_887 : f32 to vector<32x128xf32>
      %max3A_889 = arith.maximumf %sub3A_886, %max3A_888 : vector<32x128xf32>
      %min3A_890 = vector.broadcast %get3A_874 : f32 to vector<32x128xf32>
      %min3A_891 = arith.minimumf %slice3A_30, %min3A_890 : vector<32x128xf32>
      %max3A_892 = vector.broadcast %get3A_870 : f32 to vector<32x128xf32>
      %max3A_893 = arith.maximumf %slice3A_28, %max3A_892 : vector<32x128xf32>
      %sub3A_894 = arith.subf %min3A_891, %max3A_893 : vector<32x128xf32>
      %max3A_895 = arith.constant 0.000000e+00 : f32
      %max3A_896 = vector.broadcast %max3A_895 : f32 to vector<32x128xf32>
      %max3A_897 = arith.maximumf %sub3A_894, %max3A_896 : vector<32x128xf32>
      %mul3A_898 = arith.mulf %max3A_889, %max3A_897 : vector<32x128xf32>
      %add3A_899 = vector.broadcast %get3A_876 : f32 to vector<32x128xf32>
      %add3A_900 = arith.addf %add3A_899, %slice3A_31 : vector<32x128xf32>
      %sub3A_901 = arith.subf %add3A_900, %mul3A_898 : vector<32x128xf32>
      %add3A_902 = arith.constant 1.000000e-10 : f32
      %add3A_903 = vector.broadcast %add3A_902 : f32 to vector<32x128xf32>
      %add3A_904 = arith.addf %sub3A_901, %add3A_903 : vector<32x128xf32>
      %div3A_905 = arith.divf %mul3A_898, %add3A_904 : vector<32x128xf32>
      %ge3A_906 = arith.constant 2.000000e-01 : f32
      %ge3A_907 = vector.broadcast %ge3A_906 : f32 to vector<32x128xf32>
      %ge3A_908 = arith.cmpf oge, %div3A_905, %ge3A_907 : vector<32x128xf32>
      %gt3A_909 = vector.broadcast %add3A_866 : i32 to vector<32x128xi32>
      %gt3A_910 = arith.cmpi sgt, %slice3A_32, %gt3A_909 : vector<32x128xi32>
      %and3A_911 = arith.andi %ge3A_908, %gt3A_910 : vector<32x128xi1>
      %jit3A_912 = arith.constant 0.000000e+00 : f32
      %broadcast_in_dim3A_913 = vector.broadcast %jit3A_912 : f32 to vector<32x128xf32>
      %select_n3A_914 = arith.select %and3A_911, %while3A_81, %broadcast_in_dim3A_913 : vector<32x128xi1>, vector<32x128xf32>
      %eq3A_915 = vector.broadcast %add3A_866 : i32 to vector<32x128xi32>
      %eq3A_916 = arith.cmpi eq, %slice3A_32, %eq3A_915 : vector<32x128xi32>
      %mul3A_917 = vector.broadcast %select_n3A_881 : f32 to vector<32x128xf32>
      %mul3A_918 = arith.mulf %while3A_81, %mul3A_917 : vector<32x128xf32>
      %jit3A_919 = arith.constant 0.000000e+00 : f32
      %broadcast_in_dim3A_920 = vector.broadcast %jit3A_919 : f32 to vector<32x128xf32>
      %select_n3A_921 = arith.select %eq3A_916, %mul3A_918, %broadcast_in_dim3A_920 : vector<32x128xi1>, vector<32x128xf32>
      %add3A_922 = arith.addf %select_n3A_914, %select_n3A_921 : vector<32x128xf32>
      %reduce_sum3A_923 = arith.constant dense<0.000000e+00> : vector<128xf32>
      %reduce_sum3A_924 = vector.multi_reduction <add>, %add3A_922, %reduce_sum3A_923 [0] : vector<32x128xf32> to vector<128xf32>
      %broadcast_in_dim3A_925 = vector.shape_cast %reduce_sum3A_924 : vector<128xf32> to vector<1x128xf32>
      %add3A_926 = arith.constant 14 : i32
      %add3A_927 = arith.addi %while3A_80, %add3A_926 : i32
      %get3A_928 = arith.index_cast %add3A_927 : i32 to index
      %get3A_929 = memref.load %arg0[%get3A_928] : memref<5120xf32, #tpu.memory_space<smem>>
      %get3A_930 = arith.index_cast %add3A_927 : i32 to index
      %get3A_931 = memref.load %arg1[%get3A_930] : memref<5120xf32, #tpu.memory_space<smem>>
      %get3A_932 = arith.index_cast %add3A_927 : i32 to index
      %get3A_933 = memref.load %arg2[%get3A_932] : memref<5120xf32, #tpu.memory_space<smem>>
      %get3A_934 = arith.index_cast %add3A_927 : i32 to index
      %get3A_935 = memref.load %arg3[%get3A_934] : memref<5120xf32, #tpu.memory_space<smem>>
      %get3A_936 = arith.index_cast %add3A_927 : i32 to index
      %get3A_937 = memref.load %arg4[%get3A_936] : memref<5120xf32, #tpu.memory_space<smem>>
      %ge3A_938 = arith.constant 4.000000e+00 : f32
      %ge3A_939 = arith.cmpf oge, %get3A_937, %ge3A_938 : f32
      %jit3A_940 = arith.constant 8.192000e+03 : f32
      %jit3A_941 = arith.constant 0.000000e+00 : f32
      %select_n3A_942 = arith.select %ge3A_939, %jit3A_940, %jit3A_941 : f32
      %min3A_943 = vector.broadcast %get3A_933 : f32 to vector<32x128xf32>
      %min3A_944 = arith.minimumf %slice3A_29, %min3A_943 : vector<32x128xf32>
      %max3A_945 = vector.broadcast %get3A_929 : f32 to vector<32x128xf32>
      %max3A_946 = arith.maximumf %slice3A_27, %max3A_945 : vector<32x128xf32>
      %sub3A_947 = arith.subf %min3A_944, %max3A_946 : vector<32x128xf32>
      %max3A_948 = arith.constant 0.000000e+00 : f32
      %max3A_949 = vector.broadcast %max3A_948 : f32 to vector<32x128xf32>
      %max3A_950 = arith.maximumf %sub3A_947, %max3A_949 : vector<32x128xf32>
      %min3A_951 = vector.broadcast %get3A_935 : f32 to vector<32x128xf32>
      %min3A_952 = arith.minimumf %slice3A_30, %min3A_951 : vector<32x128xf32>
      %max3A_953 = vector.broadcast %get3A_931 : f32 to vector<32x128xf32>
      %max3A_954 = arith.maximumf %slice3A_28, %max3A_953 : vector<32x128xf32>
      %sub3A_955 = arith.subf %min3A_952, %max3A_954 : vector<32x128xf32>
      %max3A_956 = arith.constant 0.000000e+00 : f32
      %max3A_957 = vector.broadcast %max3A_956 : f32 to vector<32x128xf32>
      %max3A_958 = arith.maximumf %sub3A_955, %max3A_957 : vector<32x128xf32>
      %mul3A_959 = arith.mulf %max3A_950, %max3A_958 : vector<32x128xf32>
      %add3A_960 = vector.broadcast %get3A_937 : f32 to vector<32x128xf32>
      %add3A_961 = arith.addf %add3A_960, %slice3A_31 : vector<32x128xf32>
      %sub3A_962 = arith.subf %add3A_961, %mul3A_959 : vector<32x128xf32>
      %add3A_963 = arith.constant 1.000000e-10 : f32
      %add3A_964 = vector.broadcast %add3A_963 : f32 to vector<32x128xf32>
      %add3A_965 = arith.addf %sub3A_962, %add3A_964 : vector<32x128xf32>
      %div3A_966 = arith.divf %mul3A_959, %add3A_965 : vector<32x128xf32>
      %ge3A_967 = arith.constant 2.000000e-01 : f32
      %ge3A_968 = vector.broadcast %ge3A_967 : f32 to vector<32x128xf32>
      %ge3A_969 = arith.cmpf oge, %div3A_966, %ge3A_968 : vector<32x128xf32>
      %gt3A_970 = vector.broadcast %add3A_927 : i32 to vector<32x128xi32>
      %gt3A_971 = arith.cmpi sgt, %slice3A_32, %gt3A_970 : vector<32x128xi32>
      %and3A_972 = arith.andi %ge3A_969, %gt3A_971 : vector<32x128xi1>
      %jit3A_973 = arith.constant 0.000000e+00 : f32
      %broadcast_in_dim3A_974 = vector.broadcast %jit3A_973 : f32 to vector<32x128xf32>
      %select_n3A_975 = arith.select %and3A_972, %while3A_81, %broadcast_in_dim3A_974 : vector<32x128xi1>, vector<32x128xf32>
      %eq3A_976 = vector.broadcast %add3A_927 : i32 to vector<32x128xi32>
      %eq3A_977 = arith.cmpi eq, %slice3A_32, %eq3A_976 : vector<32x128xi32>
      %mul3A_978 = vector.broadcast %select_n3A_942 : f32 to vector<32x128xf32>
      %mul3A_979 = arith.mulf %while3A_81, %mul3A_978 : vector<32x128xf32>
      %jit3A_980 = arith.constant 0.000000e+00 : f32
      %broadcast_in_dim3A_981 = vector.broadcast %jit3A_980 : f32 to vector<32x128xf32>
      %select_n3A_982 = arith.select %eq3A_977, %mul3A_979, %broadcast_in_dim3A_981 : vector<32x128xi1>, vector<32x128xf32>
      %add3A_983 = arith.addf %select_n3A_975, %select_n3A_982 : vector<32x128xf32>
      %reduce_sum3A_984 = arith.constant dense<0.000000e+00> : vector<128xf32>
      %reduce_sum3A_985 = vector.multi_reduction <add>, %add3A_983, %reduce_sum3A_984 [0] : vector<32x128xf32> to vector<128xf32>
      %broadcast_in_dim3A_986 = vector.shape_cast %reduce_sum3A_985 : vector<128xf32> to vector<1x128xf32>
      %add3A_987 = arith.constant 15 : i32
      %add3A_988 = arith.addi %while3A_80, %add3A_987 : i32
      %get3A_989 = arith.index_cast %add3A_988 : i32 to index
      %get3A_990 = memref.load %arg0[%get3A_989] : memref<5120xf32, #tpu.memory_space<smem>>
      %get3A_991 = arith.index_cast %add3A_988 : i32 to index
      %get3A_992 = memref.load %arg1[%get3A_991] : memref<5120xf32, #tpu.memory_space<smem>>
      %get3A_993 = arith.index_cast %add3A_988 : i32 to index
      %get3A_994 = memref.load %arg2[%get3A_993] : memref<5120xf32, #tpu.memory_space<smem>>
      %get3A_995 = arith.index_cast %add3A_988 : i32 to index
      %get3A_996 = memref.load %arg3[%get3A_995] : memref<5120xf32, #tpu.memory_space<smem>>
      %get3A_997 = arith.index_cast %add3A_988 : i32 to index
      %get3A_998 = memref.load %arg4[%get3A_997] : memref<5120xf32, #tpu.memory_space<smem>>
      %ge3A_999 = arith.constant 4.000000e+00 : f32
      %ge3A_1000 = arith.cmpf oge, %get3A_998, %ge3A_999 : f32
      %jit3A_1001 = arith.constant 8.192000e+03 : f32
      %jit3A_1002 = arith.constant 0.000000e+00 : f32
      %select_n3A_1003 = arith.select %ge3A_1000, %jit3A_1001, %jit3A_1002 : f32
      %min3A_1004 = vector.broadcast %get3A_994 : f32 to vector<32x128xf32>
      %min3A_1005 = arith.minimumf %slice3A_29, %min3A_1004 : vector<32x128xf32>
      %max3A_1006 = vector.broadcast %get3A_990 : f32 to vector<32x128xf32>
      %max3A_1007 = arith.maximumf %slice3A_27, %max3A_1006 : vector<32x128xf32>
      %sub3A_1008 = arith.subf %min3A_1005, %max3A_1007 : vector<32x128xf32>
      %max3A_1009 = arith.constant 0.000000e+00 : f32
      %max3A_1010 = vector.broadcast %max3A_1009 : f32 to vector<32x128xf32>
      %max3A_1011 = arith.maximumf %sub3A_1008, %max3A_1010 : vector<32x128xf32>
      %min3A_1012 = vector.broadcast %get3A_996 : f32 to vector<32x128xf32>
      %min3A_1013 = arith.minimumf %slice3A_30, %min3A_1012 : vector<32x128xf32>
      %max3A_1014 = vector.broadcast %get3A_992 : f32 to vector<32x128xf32>
      %max3A_1015 = arith.maximumf %slice3A_28, %max3A_1014 : vector<32x128xf32>
      %sub3A_1016 = arith.subf %min3A_1013, %max3A_1015 : vector<32x128xf32>
      %max3A_1017 = arith.constant 0.000000e+00 : f32
      %max3A_1018 = vector.broadcast %max3A_1017 : f32 to vector<32x128xf32>
      %max3A_1019 = arith.maximumf %sub3A_1016, %max3A_1018 : vector<32x128xf32>
      %mul3A_1020 = arith.mulf %max3A_1011, %max3A_1019 : vector<32x128xf32>
      %add3A_1021 = vector.broadcast %get3A_998 : f32 to vector<32x128xf32>
      %add3A_1022 = arith.addf %add3A_1021, %slice3A_31 : vector<32x128xf32>
      %sub3A_1023 = arith.subf %add3A_1022, %mul3A_1020 : vector<32x128xf32>
      %add3A_1024 = arith.constant 1.000000e-10 : f32
      %add3A_1025 = vector.broadcast %add3A_1024 : f32 to vector<32x128xf32>
      %add3A_1026 = arith.addf %sub3A_1023, %add3A_1025 : vector<32x128xf32>
      %div3A_1027 = arith.divf %mul3A_1020, %add3A_1026 : vector<32x128xf32>
      %ge3A_1028 = arith.constant 2.000000e-01 : f32
      %ge3A_1029 = vector.broadcast %ge3A_1028 : f32 to vector<32x128xf32>
      %ge3A_1030 = arith.cmpf oge, %div3A_1027, %ge3A_1029 : vector<32x128xf32>
      %gt3A_1031 = vector.broadcast %add3A_988 : i32 to vector<32x128xi32>
      %gt3A_1032 = arith.cmpi sgt, %slice3A_32, %gt3A_1031 : vector<32x128xi32>
      %and3A_1033 = arith.andi %ge3A_1030, %gt3A_1032 : vector<32x128xi1>
      %jit3A_1034 = arith.constant 0.000000e+00 : f32
      %broadcast_in_dim3A_1035 = vector.broadcast %jit3A_1034 : f32 to vector<32x128xf32>
      %select_n3A_1036 = arith.select %and3A_1033, %while3A_81, %broadcast_in_dim3A_1035 : vector<32x128xi1>, vector<32x128xf32>
      %eq3A_1037 = vector.broadcast %add3A_988 : i32 to vector<32x128xi32>
      %eq3A_1038 = arith.cmpi eq, %slice3A_32, %eq3A_1037 : vector<32x128xi32>
      %mul3A_1039 = vector.broadcast %select_n3A_1003 : f32 to vector<32x128xf32>
      %mul3A_1040 = arith.mulf %while3A_81, %mul3A_1039 : vector<32x128xf32>
      %jit3A_1041 = arith.constant 0.000000e+00 : f32
      %broadcast_in_dim3A_1042 = vector.broadcast %jit3A_1041 : f32 to vector<32x128xf32>
      %select_n3A_1043 = arith.select %eq3A_1038, %mul3A_1040, %broadcast_in_dim3A_1042 : vector<32x128xi1>, vector<32x128xf32>
      %add3A_1044 = arith.addf %select_n3A_1036, %select_n3A_1043 : vector<32x128xf32>
      %reduce_sum3A_1045 = arith.constant dense<0.000000e+00> : vector<128xf32>
      %reduce_sum3A_1046 = vector.multi_reduction <add>, %add3A_1044, %reduce_sum3A_1045 [0] : vector<32x128xf32> to vector<128xf32>
      %broadcast_in_dim3A_1047 = vector.shape_cast %reduce_sum3A_1046 : vector<128xf32> to vector<1x128xf32>
      %concatenate3A = tpu.concatenate %broadcast_in_dim3A_132, %broadcast_in_dim3A_193, %broadcast_in_dim3A_254, %broadcast_in_dim3A_315, %broadcast_in_dim3A_376, %broadcast_in_dim3A_437, %broadcast_in_dim3A_498, %broadcast_in_dim3A_559, %broadcast_in_dim3A_620, %broadcast_in_dim3A_681, %broadcast_in_dim3A_742, %broadcast_in_dim3A_803, %broadcast_in_dim3A_864, %broadcast_in_dim3A_925, %broadcast_in_dim3A_986, %broadcast_in_dim3A_1047 in 0 : vector<1x128xf32>, vector<1x128xf32>, vector<1x128xf32>, vector<1x128xf32>, vector<1x128xf32>, vector<1x128xf32>, vector<1x128xf32>, vector<1x128xf32>, vector<1x128xf32>, vector<1x128xf32>, vector<1x128xf32>, vector<1x128xf32>, vector<1x128xf32>, vector<1x128xf32>, vector<1x128xf32>, vector<1x128xf32> -> vector<16x128xf32>
      %reduce_sum3A_1048 = arith.constant dense<0.000000e+00> : vector<16xf32>
      %reduce_sum3A_1049 = vector.multi_reduction <add>, %concatenate3A, %reduce_sum3A_1048 [1] : vector<16x128xf32> to vector<16xf32>
      %broadcast_in_dim3A_1050 = vector.shape_cast %reduce_sum3A_1049 : vector<16xf32> to vector<16x1xf32>
      %ge3A_1051 = arith.constant 8.202000e+03 : f32
      %ge3A_1052 = vector.broadcast %ge3A_1051 : f32 to vector<16x1xf32>
      %ge3A_1053 = arith.cmpf oge, %broadcast_in_dim3A_1050, %ge3A_1052 : vector<16x1xf32>
      %jit3A_1054 = arith.constant 16 : i32
      %broadcast_in_dim3A_1055 = vector.broadcast %jit3A_1054 : i32 to vector<16x1xi32>
      %select_n3A_1056 = arith.select %ge3A_1053, %iota3A_17, %broadcast_in_dim3A_1055 : vector<16x1xi1>, vector<16x1xi32>
      %reduce_min3A = arith.constant dense<2147483647> : vector<1xi32>
      %reduce_min3A_1057 = vector.multi_reduction <minsi>, %select_n3A_1056, %reduce_min3A [0] : vector<16x1xi32> to vector<1xi32>
      %broadcast_in_dim3A_1058 = vector.shape_cast %reduce_min3A_1057 : vector<1xi32> to vector<1x1xi32>
      %lt3A = arith.constant 16 : i32
      %lt3A_1059 = vector.broadcast %lt3A : i32 to vector<1x1xi32>
      %lt3A_1060 = arith.cmpi slt, %broadcast_in_dim3A_1058, %lt3A_1059 : vector<1x1xi32>
      %jit3A_1061 = arith.constant 1.000000e+00 : f32
      %jit3A_1062 = arith.constant 0.000000e+00 : f32
      %broadcast_in_dim3A_1063 = vector.broadcast %jit3A_1061 : f32 to vector<1x1xf32>
      %broadcast_in_dim3A_1064 = vector.broadcast %jit3A_1062 : f32 to vector<1x1xf32>
      %select_n3A_1065 = arith.select %lt3A_1060, %broadcast_in_dim3A_1063, %broadcast_in_dim3A_1064 : vector<1x1xi1>, vector<1x1xf32>
      %add3A_1066 = vector.broadcast %while3A_80 : i32 to vector<1x1xi32>
      %add3A_1067 = arith.addi %add3A_1066, %broadcast_in_dim3A_1058 : vector<1x1xi32>
      %eq3A_1068 = vector.broadcast %add3A_1067 : vector<1x1xi32> to vector<32x128xi32>
      %eq3A_1069 = arith.cmpi eq, %slice3A_32, %eq3A_1068 : vector<32x128xi32>
      %jit3A_1070 = arith.constant 0.000000e+00 : f32
      %broadcast_in_dim3A_1071 = vector.shape_cast %select_n3A_1065 : vector<1x1xf32> to vector<1x1xf32>
      %broadcast_in_dim3A_1072 = vector.broadcast %broadcast_in_dim3A_1071 : vector<1x1xf32> to vector<32x128xf32>
      %broadcast_in_dim3A_1073 = vector.broadcast %jit3A_1070 : f32 to vector<32x128xf32>
      %select_n3A_1074 = arith.select %eq3A_1069, %broadcast_in_dim3A_1072, %broadcast_in_dim3A_1073 : vector<32x128xi1>, vector<32x128xf32>
      %add3A_1075 = arith.addf %while3A_82, %select_n3A_1074 : vector<32x128xf32>
      %and3A_1076 = arith.constant 1 : i32
      %and3A_1077 = vector.broadcast %and3A_1076 : i32 to vector<1x1xi32>
      %and3A_1078 = arith.andi %broadcast_in_dim3A_1058, %and3A_1077 : vector<1x1xi32>
      %ne3A = arith.constant 0 : i32
      %ne3A_1079 = vector.broadcast %ne3A : i32 to vector<1x1xi32>
      %ne3A_1080 = arith.cmpi ne, %and3A_1078, %ne3A_1079 : vector<1x1xi32>
      %broadcast_in_dim3A_1081 = vector.shape_cast %ne3A_1080 : vector<1x1xi1> to vector<1x1xi1>
      %broadcast_in_dim3A_1082 = vector.broadcast %broadcast_in_dim3A_1081 : vector<1x1xi1> to vector<32x128xi1>
      %select_n3A_1083 = arith.select %broadcast_in_dim3A_1082, %select_n3A_182, %select_n3A_123 : vector<32x128xi1>, vector<32x128xf32>
      %and3A_1084 = arith.constant 1 : i32
      %and3A_1085 = vector.broadcast %and3A_1084 : i32 to vector<1x1xi32>
      %and3A_1086 = arith.andi %broadcast_in_dim3A_1058, %and3A_1085 : vector<1x1xi32>
      %ne3A_1087 = arith.constant 0 : i32
      %ne3A_1088 = vector.broadcast %ne3A_1087 : i32 to vector<1x1xi32>
      %ne3A_1089 = arith.cmpi ne, %and3A_1086, %ne3A_1088 : vector<1x1xi32>
      %broadcast_in_dim3A_1090 = vector.shape_cast %ne3A_1089 : vector<1x1xi1> to vector<1x1xi1>
      %broadcast_in_dim3A_1091 = vector.broadcast %broadcast_in_dim3A_1090 : vector<1x1xi1> to vector<32x128xi1>
      %select_n3A_1092 = arith.select %broadcast_in_dim3A_1091, %select_n3A_304, %select_n3A_243 : vector<32x128xi1>, vector<32x128xf32>
      %and3A_1093 = arith.constant 1 : i32
      %and3A_1094 = vector.broadcast %and3A_1093 : i32 to vector<1x1xi32>
      %and3A_1095 = arith.andi %broadcast_in_dim3A_1058, %and3A_1094 : vector<1x1xi32>
      %ne3A_1096 = arith.constant 0 : i32
      %ne3A_1097 = vector.broadcast %ne3A_1096 : i32 to vector<1x1xi32>
      %ne3A_1098 = arith.cmpi ne, %and3A_1095, %ne3A_1097 : vector<1x1xi32>
      %broadcast_in_dim3A_1099 = vector.shape_cast %ne3A_1098 : vector<1x1xi1> to vector<1x1xi1>
      %broadcast_in_dim3A_1100 = vector.broadcast %broadcast_in_dim3A_1099 : vector<1x1xi1> to vector<32x128xi1>
      %select_n3A_1101 = arith.select %broadcast_in_dim3A_1100, %select_n3A_426, %select_n3A_365 : vector<32x128xi1>, vector<32x128xf32>
      %and3A_1102 = arith.constant 1 : i32
      %and3A_1103 = vector.broadcast %and3A_1102 : i32 to vector<1x1xi32>
      %and3A_1104 = arith.andi %broadcast_in_dim3A_1058, %and3A_1103 : vector<1x1xi32>
      %ne3A_1105 = arith.constant 0 : i32
      %ne3A_1106 = vector.broadcast %ne3A_1105 : i32 to vector<1x1xi32>
      %ne3A_1107 = arith.cmpi ne, %and3A_1104, %ne3A_1106 : vector<1x1xi32>
      %broadcast_in_dim3A_1108 = vector.shape_cast %ne3A_1107 : vector<1x1xi1> to vector<1x1xi1>
      %broadcast_in_dim3A_1109 = vector.broadcast %broadcast_in_dim3A_1108 : vector<1x1xi1> to vector<32x128xi1>
      %select_n3A_1110 = arith.select %broadcast_in_dim3A_1109, %select_n3A_548, %select_n3A_487 : vector<32x128xi1>, vector<32x128xf32>
      %and3A_1111 = arith.constant 1 : i32
      %and3A_1112 = vector.broadcast %and3A_1111 : i32 to vector<1x1xi32>
      %and3A_1113 = arith.andi %broadcast_in_dim3A_1058, %and3A_1112 : vector<1x1xi32>
      %ne3A_1114 = arith.constant 0 : i32
      %ne3A_1115 = vector.broadcast %ne3A_1114 : i32 to vector<1x1xi32>
      %ne3A_1116 = arith.cmpi ne, %and3A_1113, %ne3A_1115 : vector<1x1xi32>
      %broadcast_in_dim3A_1117 = vector.shape_cast %ne3A_1116 : vector<1x1xi1> to vector<1x1xi1>
      %broadcast_in_dim3A_1118 = vector.broadcast %broadcast_in_dim3A_1117 : vector<1x1xi1> to vector<32x128xi1>
      %select_n3A_1119 = arith.select %broadcast_in_dim3A_1118, %select_n3A_670, %select_n3A_609 : vector<32x128xi1>, vector<32x128xf32>
      %and3A_1120 = arith.constant 1 : i32
      %and3A_1121 = vector.broadcast %and3A_1120 : i32 to vector<1x1xi32>
      %and3A_1122 = arith.andi %broadcast_in_dim3A_1058, %and3A_1121 : vector<1x1xi32>
      %ne3A_1123 = arith.constant 0 : i32
      %ne3A_1124 = vector.broadcast %ne3A_1123 : i32 to vector<1x1xi32>
      %ne3A_1125 = arith.cmpi ne, %and3A_1122, %ne3A_1124 : vector<1x1xi32>
      %broadcast_in_dim3A_1126 = vector.shape_cast %ne3A_1125 : vector<1x1xi1> to vector<1x1xi1>
      %broadcast_in_dim3A_1127 = vector.broadcast %broadcast_in_dim3A_1126 : vector<1x1xi1> to vector<32x128xi1>
      %select_n3A_1128 = arith.select %broadcast_in_dim3A_1127, %select_n3A_792, %select_n3A_731 : vector<32x128xi1>, vector<32x128xf32>
      %and3A_1129 = arith.constant 1 : i32
      %and3A_1130 = vector.broadcast %and3A_1129 : i32 to vector<1x1xi32>
      %and3A_1131 = arith.andi %broadcast_in_dim3A_1058, %and3A_1130 : vector<1x1xi32>
      %ne3A_1132 = arith.constant 0 : i32
      %ne3A_1133 = vector.broadcast %ne3A_1132 : i32 to vector<1x1xi32>
      %ne3A_1134 = arith.cmpi ne, %and3A_1131, %ne3A_1133 : vector<1x1xi32>
      %broadcast_in_dim3A_1135 = vector.shape_cast %ne3A_1134 : vector<1x1xi1> to vector<1x1xi1>
      %broadcast_in_dim3A_1136 = vector.broadcast %broadcast_in_dim3A_1135 : vector<1x1xi1> to vector<32x128xi1>
      %select_n3A_1137 = arith.select %broadcast_in_dim3A_1136, %select_n3A_914, %select_n3A_853 : vector<32x128xi1>, vector<32x128xf32>
      %and3A_1138 = arith.constant 1 : i32
      %and3A_1139 = vector.broadcast %and3A_1138 : i32 to vector<1x1xi32>
      %and3A_1140 = arith.andi %broadcast_in_dim3A_1058, %and3A_1139 : vector<1x1xi32>
      %ne3A_1141 = arith.constant 0 : i32
      %ne3A_1142 = vector.broadcast %ne3A_1141 : i32 to vector<1x1xi32>
      %ne3A_1143 = arith.cmpi ne, %and3A_1140, %ne3A_1142 : vector<1x1xi32>
      %broadcast_in_dim3A_1144 = vector.shape_cast %ne3A_1143 : vector<1x1xi1> to vector<1x1xi1>
      %broadcast_in_dim3A_1145 = vector.broadcast %broadcast_in_dim3A_1144 : vector<1x1xi1> to vector<32x128xi1>
      %select_n3A_1146 = arith.select %broadcast_in_dim3A_1145, %select_n3A_1036, %select_n3A_975 : vector<32x128xi1>, vector<32x128xf32>
      %and3A_1147 = arith.constant 2 : i32
      %and3A_1148 = vector.broadcast %and3A_1147 : i32 to vector<1x1xi32>
      %and3A_1149 = arith.andi %broadcast_in_dim3A_1058, %and3A_1148 : vector<1x1xi32>
      %ne3A_1150 = arith.constant 0 : i32
      %ne3A_1151 = vector.broadcast %ne3A_1150 : i32 to vector<1x1xi32>
      %ne3A_1152 = arith.cmpi ne, %and3A_1149, %ne3A_1151 : vector<1x1xi32>
      %broadcast_in_dim3A_1153 = vector.shape_cast %ne3A_1152 : vector<1x1xi1> to vector<1x1xi1>
      %broadcast_in_dim3A_1154 = vector.broadcast %broadcast_in_dim3A_1153 : vector<1x1xi1> to vector<32x128xi1>
      %select_n3A_1155 = arith.select %broadcast_in_dim3A_1154, %select_n3A_1092, %select_n3A_1083 : vector<32x128xi1>, vector<32x128xf32>
      %and3A_1156 = arith.constant 2 : i32
      %and3A_1157 = vector.broadcast %and3A_1156 : i32 to vector<1x1xi32>
      %and3A_1158 = arith.andi %broadcast_in_dim3A_1058, %and3A_1157 : vector<1x1xi32>
      %ne3A_1159 = arith.constant 0 : i32
      %ne3A_1160 = vector.broadcast %ne3A_1159 : i32 to vector<1x1xi32>
      %ne3A_1161 = arith.cmpi ne, %and3A_1158, %ne3A_1160 : vector<1x1xi32>
      %broadcast_in_dim3A_1162 = vector.shape_cast %ne3A_1161 : vector<1x1xi1> to vector<1x1xi1>
      %broadcast_in_dim3A_1163 = vector.broadcast %broadcast_in_dim3A_1162 : vector<1x1xi1> to vector<32x128xi1>
      %select_n3A_1164 = arith.select %broadcast_in_dim3A_1163, %select_n3A_1110, %select_n3A_1101 : vector<32x128xi1>, vector<32x128xf32>
      %and3A_1165 = arith.constant 2 : i32
      %and3A_1166 = vector.broadcast %and3A_1165 : i32 to vector<1x1xi32>
      %and3A_1167 = arith.andi %broadcast_in_dim3A_1058, %and3A_1166 : vector<1x1xi32>
      %ne3A_1168 = arith.constant 0 : i32
      %ne3A_1169 = vector.broadcast %ne3A_1168 : i32 to vector<1x1xi32>
      %ne3A_1170 = arith.cmpi ne, %and3A_1167, %ne3A_1169 : vector<1x1xi32>
      %broadcast_in_dim3A_1171 = vector.shape_cast %ne3A_1170 : vector<1x1xi1> to vector<1x1xi1>
      %broadcast_in_dim3A_1172 = vector.broadcast %broadcast_in_dim3A_1171 : vector<1x1xi1> to vector<32x128xi1>
      %select_n3A_1173 = arith.select %broadcast_in_dim3A_1172, %select_n3A_1128, %select_n3A_1119 : vector<32x128xi1>, vector<32x128xf32>
      %and3A_1174 = arith.constant 2 : i32
      %and3A_1175 = vector.broadcast %and3A_1174 : i32 to vector<1x1xi32>
      %and3A_1176 = arith.andi %broadcast_in_dim3A_1058, %and3A_1175 : vector<1x1xi32>
      %ne3A_1177 = arith.constant 0 : i32
      %ne3A_1178 = vector.broadcast %ne3A_1177 : i32 to vector<1x1xi32>
      %ne3A_1179 = arith.cmpi ne, %and3A_1176, %ne3A_1178 : vector<1x1xi32>
      %broadcast_in_dim3A_1180 = vector.shape_cast %ne3A_1179 : vector<1x1xi1> to vector<1x1xi1>
      %broadcast_in_dim3A_1181 = vector.broadcast %broadcast_in_dim3A_1180 : vector<1x1xi1> to vector<32x128xi1>
      %select_n3A_1182 = arith.select %broadcast_in_dim3A_1181, %select_n3A_1146, %select_n3A_1137 : vector<32x128xi1>, vector<32x128xf32>
      %and3A_1183 = arith.constant 4 : i32
      %and3A_1184 = vector.broadcast %and3A_1183 : i32 to vector<1x1xi32>
      %and3A_1185 = arith.andi %broadcast_in_dim3A_1058, %and3A_1184 : vector<1x1xi32>
      %ne3A_1186 = arith.constant 0 : i32
      %ne3A_1187 = vector.broadcast %ne3A_1186 : i32 to vector<1x1xi32>
      %ne3A_1188 = arith.cmpi ne, %and3A_1185, %ne3A_1187 : vector<1x1xi32>
      %broadcast_in_dim3A_1189 = vector.shape_cast %ne3A_1188 : vector<1x1xi1> to vector<1x1xi1>
      %broadcast_in_dim3A_1190 = vector.broadcast %broadcast_in_dim3A_1189 : vector<1x1xi1> to vector<32x128xi1>
      %select_n3A_1191 = arith.select %broadcast_in_dim3A_1190, %select_n3A_1164, %select_n3A_1155 : vector<32x128xi1>, vector<32x128xf32>
      %and3A_1192 = arith.constant 4 : i32
      %and3A_1193 = vector.broadcast %and3A_1192 : i32 to vector<1x1xi32>
      %and3A_1194 = arith.andi %broadcast_in_dim3A_1058, %and3A_1193 : vector<1x1xi32>
      %ne3A_1195 = arith.constant 0 : i32
      %ne3A_1196 = vector.broadcast %ne3A_1195 : i32 to vector<1x1xi32>
      %ne3A_1197 = arith.cmpi ne, %and3A_1194, %ne3A_1196 : vector<1x1xi32>
      %broadcast_in_dim3A_1198 = vector.shape_cast %ne3A_1197 : vector<1x1xi1> to vector<1x1xi1>
      %broadcast_in_dim3A_1199 = vector.broadcast %broadcast_in_dim3A_1198 : vector<1x1xi1> to vector<32x128xi1>
      %select_n3A_1200 = arith.select %broadcast_in_dim3A_1199, %select_n3A_1182, %select_n3A_1173 : vector<32x128xi1>, vector<32x128xf32>
      %and3A_1201 = arith.constant 8 : i32
      %and3A_1202 = vector.broadcast %and3A_1201 : i32 to vector<1x1xi32>
      %and3A_1203 = arith.andi %broadcast_in_dim3A_1058, %and3A_1202 : vector<1x1xi32>
      %ne3A_1204 = arith.constant 0 : i32
      %ne3A_1205 = vector.broadcast %ne3A_1204 : i32 to vector<1x1xi32>
      %ne3A_1206 = arith.cmpi ne, %and3A_1203, %ne3A_1205 : vector<1x1xi32>
      %broadcast_in_dim3A_1207 = vector.shape_cast %ne3A_1206 : vector<1x1xi1> to vector<1x1xi1>
      %broadcast_in_dim3A_1208 = vector.broadcast %broadcast_in_dim3A_1207 : vector<1x1xi1> to vector<32x128xi1>
      %select_n3A_1209 = arith.select %broadcast_in_dim3A_1208, %select_n3A_1200, %select_n3A_1191 : vector<32x128xi1>, vector<32x128xf32>
      %mul3A_1210 = vector.broadcast %select_n3A_1065 : vector<1x1xf32> to vector<32x128xf32>
      %mul3A_1211 = arith.mulf %mul3A_1210, %select_n3A_1209 : vector<32x128xf32>
      %sub3A_1212 = arith.subf %while3A_81, %mul3A_1211 : vector<32x128xf32>
      %jit3A_1213 = arith.constant 16 : i32
      %broadcast_in_dim3A_1214 = vector.broadcast %jit3A_1213 : i32 to vector<16x1xi32>
      %select_n3A_1215 = arith.select %ge3A_1053, %iota3A_17, %broadcast_in_dim3A_1214 : vector<16x1xi1>, vector<16x1xi32>
      %reduce_min3A_1216 = vector.shape_cast %select_n3A_1215 : vector<16x1xi32> to vector<1x16x1xi32>
      %reduce_min3A_1217 = arith.constant dense<2147483647> : vector<1xi32>
      %reduce_min3A_1218 = vector.multi_reduction <minsi>, %reduce_min3A_1216, %reduce_min3A_1217 [1, 2] : vector<1x16x1xi32> to vector<1xi32>
      %reduce_min3A_1219 = vector.shape_cast %reduce_min3A_1218 : vector<1xi32> to vector<1x1x1xi32>
      %reduce_min3A_1220 = vector.extract %reduce_min3A_1219[0, 0, 0] : i32 from vector<1x1x1xi32>
      %add3A_1221 = arith.constant 1 : i32
      %add3A_1222 = arith.addi %reduce_min3A_1220, %add3A_1221 : i32
      %min3A_1223 = arith.constant 16 : i32
      %min3A_1224 = arith.minsi %add3A_1222, %min3A_1223 : i32
      %add3A_1225 = arith.addi %while3A_80, %min3A_1224 : i32
      scf.yield %add3A_1225, %sub3A_1212, %add3A_1075 : i32, vector<32x128xf32>, vector<32x128xf32>
    }
    %slice3A_35 = vector.extract_strided_slice %while3A_34#2 {offsets = [0, 0], sizes = [8, 128], strides = [1, 1]} : vector<32x128xf32> to vector<8x128xf32>
    %swap3A_36 = arith.constant 8 : index
    %swap3A_37 = arith.constant 0 : index
    %swap3A_38 = vector.load %arg10[%swap3A_36, %swap3A_37] : memref<40x128xf32, #tpu.memory_space<vmem>>, vector<8x128xf32>
    tpu.vector_store %arg10[%swap3A_36, %swap3A_37], %slice3A_35 {strides = array<i32>} : memref<40x128xf32, #tpu.memory_space<vmem>>, vector<8x128xf32>,
    %slice3A_39 = vector.extract_strided_slice %while3A_34#1 {offsets = [8, 0], sizes = [24, 128], strides = [1, 1]} : vector<32x128xf32> to vector<24x128xf32>
    %slice3A_40 = vector.extract_strided_slice %while3A_34#2 {offsets = [8, 0], sizes = [24, 128], strides = [1, 1]} : vector<32x128xf32> to vector<24x128xf32>
    %slice3A_41 = vector.extract_strided_slice %get3A_4 {offsets = [16, 0], sizes = [24, 128], strides = [1, 1]} : vector<40x128xf32> to vector<24x128xf32>
    %slice3A_42 = vector.extract_strided_slice %get3A_7 {offsets = [16, 0], sizes = [24, 128], strides = [1, 1]} : vector<40x128xf32> to vector<24x128xf32>
    %slice3A_43 = vector.extract_strided_slice %get3A_10 {offsets = [16, 0], sizes = [24, 128], strides = [1, 1]} : vector<40x128xf32> to vector<24x128xf32>
    %slice3A_44 = vector.extract_strided_slice %get3A_13 {offsets = [16, 0], sizes = [24, 128], strides = [1, 1]} : vector<40x128xf32> to vector<24x128xf32>
    %slice3A_45 = vector.extract_strided_slice %get3A_16 {offsets = [16, 0], sizes = [24, 128], strides = [1, 1]} : vector<40x128xf32> to vector<24x128xf32>
    %slice3A_46 = vector.extract_strided_slice %add3A {offsets = [16, 0], sizes = [24, 128], strides = [1, 1]} : vector<40x128xi32> to vector<24x128xi32>
    %while3A_47 = arith.constant 3072 : i32
    %while3A_48:3 = scf.while (%while3A_80 = %while3A_34#0, %while3A_81 = %slice3A_39, %while3A_82 = %slice3A_40) : (i32, vector<24x128xf32>, vector<24x128xf32>) -> (i32, vector<24x128xf32>, vector<24x128xf32>) {
      %lt3A = arith.cmpi slt, %while3A_80, %while3A_47 : i32
      scf.condition(%lt3A) %while3A_80, %while3A_81, %while3A_82 : i32, vector<24x128xf32>, vector<24x128xf32>
    } do {
    ^bb0(%while3A_80: i32, %while3A_81: vector<24x128xf32>, %while3A_82: vector<24x128xf32>):
      %add3A_83 = arith.constant 0 : i32
      %add3A_84 = arith.addi %while3A_80, %add3A_83 : i32
      %get3A_85 = arith.index_cast %add3A_84 : i32 to index
      %get3A_86 = memref.load %arg0[%get3A_85] : memref<5120xf32, #tpu.memory_space<smem>>
      %get3A_87 = arith.index_cast %add3A_84 : i32 to index
      %get3A_88 = memref.load %arg1[%get3A_87] : memref<5120xf32, #tpu.memory_space<smem>>
      %get3A_89 = arith.index_cast %add3A_84 : i32 to index
      %get3A_90 = memref.load %arg2[%get3A_89] : memref<5120xf32, #tpu.memory_space<smem>>
      %get3A_91 = arith.index_cast %add3A_84 : i32 to index
      %get3A_92 = memref.load %arg3[%get3A_91] : memref<5120xf32, #tpu.memory_space<smem>>
      %get3A_93 = arith.index_cast %add3A_84 : i32 to index
      %get3A_94 = memref.load %arg4[%get3A_93] : memref<5120xf32, #tpu.memory_space<smem>>
      %ge3A = arith.constant 4.000000e+00 : f32
      %ge3A_95 = arith.cmpf oge, %get3A_94, %ge3A : f32
      %jit3A = arith.constant 8.192000e+03 : f32
      %jit3A_96 = arith.constant 0.000000e+00 : f32
      %select_n3A = arith.select %ge3A_95, %jit3A, %jit3A_96 : f32
      %min3A = vector.broadcast %get3A_90 : f32 to vector<24x128xf32>
      %min3A_97 = arith.minimumf %slice3A_43, %min3A : vector<24x128xf32>
      %max3A = vector.broadcast %get3A_86 : f32 to vector<24x128xf32>
      %max3A_98 = arith.maximumf %slice3A_41, %max3A : vector<24x128xf32>
      %sub3A = arith.subf %min3A_97, %max3A_98 : vector<24x128xf32>
      %max3A_99 = arith.constant 0.000000e+00 : f32
      %max3A_100 = vector.broadcast %max3A_99 : f32 to vector<24x128xf32>
      %max3A_101 = arith.maximumf %sub3A, %max3A_100 : vector<24x128xf32>
      %min3A_102 = vector.broadcast %get3A_92 : f32 to vector<24x128xf32>
      %min3A_103 = arith.minimumf %slice3A_44, %min3A_102 : vector<24x128xf32>
      %max3A_104 = vector.broadcast %get3A_88 : f32 to vector<24x128xf32>
      %max3A_105 = arith.maximumf %slice3A_42, %max3A_104 : vector<24x128xf32>
      %sub3A_106 = arith.subf %min3A_103, %max3A_105 : vector<24x128xf32>
      %max3A_107 = arith.constant 0.000000e+00 : f32
      %max3A_108 = vector.broadcast %max3A_107 : f32 to vector<24x128xf32>
      %max3A_109 = arith.maximumf %sub3A_106, %max3A_108 : vector<24x128xf32>
      %mul3A_110 = arith.mulf %max3A_101, %max3A_109 : vector<24x128xf32>
      %add3A_111 = vector.broadcast %get3A_94 : f32 to vector<24x128xf32>
      %add3A_112 = arith.addf %add3A_111, %slice3A_45 : vector<24x128xf32>
      %sub3A_113 = arith.subf %add3A_112, %mul3A_110 : vector<24x128xf32>
      %add3A_114 = arith.constant 1.000000e-10 : f32
      %add3A_115 = vector.broadcast %add3A_114 : f32 to vector<24x128xf32>
      %add3A_116 = arith.addf %sub3A_113, %add3A_115 : vector<24x128xf32>
      %div3A = arith.divf %mul3A_110, %add3A_116 : vector<24x128xf32>
      %ge3A_117 = arith.constant 2.000000e-01 : f32
      %ge3A_118 = vector.broadcast %ge3A_117 : f32 to vector<24x128xf32>
      %ge3A_119 = arith.cmpf oge, %div3A, %ge3A_118 : vector<24x128xf32>
      %gt3A = vector.broadcast %add3A_84 : i32 to vector<24x128xi32>
      %gt3A_120 = arith.cmpi sgt, %slice3A_46, %gt3A : vector<24x128xi32>
      %and3A = arith.andi %ge3A_119, %gt3A_120 : vector<24x128xi1>
      %jit3A_121 = arith.constant 0.000000e+00 : f32
      %broadcast_in_dim3A_122 = vector.broadcast %jit3A_121 : f32 to vector<24x128xf32>
      %select_n3A_123 = arith.select %and3A, %while3A_81, %broadcast_in_dim3A_122 : vector<24x128xi1>, vector<24x128xf32>
      %eq3A = vector.broadcast %add3A_84 : i32 to vector<24x128xi32>
      %eq3A_124 = arith.cmpi eq, %slice3A_46, %eq3A : vector<24x128xi32>
      %mul3A_125 = vector.broadcast %select_n3A : f32 to vector<24x128xf32>
      %mul3A_126 = arith.mulf %while3A_81, %mul3A_125 : vector<24x128xf32>
      %jit3A_127 = arith.constant 0.000000e+00 : f32
      %broadcast_in_dim3A_128 = vector.broadcast %jit3A_127 : f32 to vector<24x128xf32>
      %select_n3A_129 = arith.select %eq3A_124, %mul3A_126, %broadcast_in_dim3A_128 : vector<24x128xi1>, vector<24x128xf32>
      %add3A_130 = arith.addf %select_n3A_123, %select_n3A_129 : vector<24x128xf32>
      %reduce_sum3A = arith.constant dense<0.000000e+00> : vector<128xf32>
      %reduce_sum3A_131 = vector.multi_reduction <add>, %add3A_130, %reduce_sum3A [0] : vector<24x128xf32> to vector<128xf32>
      %broadcast_in_dim3A_132 = vector.shape_cast %reduce_sum3A_131 : vector<128xf32> to vector<1x128xf32>
      %add3A_133 = arith.constant 1 : i32
      %add3A_134 = arith.addi %while3A_80, %add3A_133 : i32
      %get3A_135 = arith.index_cast %add3A_134 : i32 to index
      %get3A_136 = memref.load %arg0[%get3A_135] : memref<5120xf32, #tpu.memory_space<smem>>
      %get3A_137 = arith.index_cast %add3A_134 : i32 to index
      %get3A_138 = memref.load %arg1[%get3A_137] : memref<5120xf32, #tpu.memory_space<smem>>
      %get3A_139 = arith.index_cast %add3A_134 : i32 to index
      %get3A_140 = memref.load %arg2[%get3A_139] : memref<5120xf32, #tpu.memory_space<smem>>
      %get3A_141 = arith.index_cast %add3A_134 : i32 to index
      %get3A_142 = memref.load %arg3[%get3A_141] : memref<5120xf32, #tpu.memory_space<smem>>
      %get3A_143 = arith.index_cast %add3A_134 : i32 to index
      %get3A_144 = memref.load %arg4[%get3A_143] : memref<5120xf32, #tpu.memory_space<smem>>
      %ge3A_145 = arith.constant 4.000000e+00 : f32
      %ge3A_146 = arith.cmpf oge, %get3A_144, %ge3A_145 : f32
      %jit3A_147 = arith.constant 8.192000e+03 : f32
      %jit3A_148 = arith.constant 0.000000e+00 : f32
      %select_n3A_149 = arith.select %ge3A_146, %jit3A_147, %jit3A_148 : f32
      %min3A_150 = vector.broadcast %get3A_140 : f32 to vector<24x128xf32>
      %min3A_151 = arith.minimumf %slice3A_43, %min3A_150 : vector<24x128xf32>
      %max3A_152 = vector.broadcast %get3A_136 : f32 to vector<24x128xf32>
      %max3A_153 = arith.maximumf %slice3A_41, %max3A_152 : vector<24x128xf32>
      %sub3A_154 = arith.subf %min3A_151, %max3A_153 : vector<24x128xf32>
      %max3A_155 = arith.constant 0.000000e+00 : f32
      %max3A_156 = vector.broadcast %max3A_155 : f32 to vector<24x128xf32>
      %max3A_157 = arith.maximumf %sub3A_154, %max3A_156 : vector<24x128xf32>
      %min3A_158 = vector.broadcast %get3A_142 : f32 to vector<24x128xf32>
      %min3A_159 = arith.minimumf %slice3A_44, %min3A_158 : vector<24x128xf32>
      %max3A_160 = vector.broadcast %get3A_138 : f32 to vector<24x128xf32>
      %max3A_161 = arith.maximumf %slice3A_42, %max3A_160 : vector<24x128xf32>
      %sub3A_162 = arith.subf %min3A_159, %max3A_161 : vector<24x128xf32>
      %max3A_163 = arith.constant 0.000000e+00 : f32
      %max3A_164 = vector.broadcast %max3A_163 : f32 to vector<24x128xf32>
      %max3A_165 = arith.maximumf %sub3A_162, %max3A_164 : vector<24x128xf32>
      %mul3A_166 = arith.mulf %max3A_157, %max3A_165 : vector<24x128xf32>
      %add3A_167 = vector.broadcast %get3A_144 : f32 to vector<24x128xf32>
      %add3A_168 = arith.addf %add3A_167, %slice3A_45 : vector<24x128xf32>
      %sub3A_169 = arith.subf %add3A_168, %mul3A_166 : vector<24x128xf32>
      %add3A_170 = arith.constant 1.000000e-10 : f32
      %add3A_171 = vector.broadcast %add3A_170 : f32 to vector<24x128xf32>
      %add3A_172 = arith.addf %sub3A_169, %add3A_171 : vector<24x128xf32>
      %div3A_173 = arith.divf %mul3A_166, %add3A_172 : vector<24x128xf32>
      %ge3A_174 = arith.constant 2.000000e-01 : f32
      %ge3A_175 = vector.broadcast %ge3A_174 : f32 to vector<24x128xf32>
      %ge3A_176 = arith.cmpf oge, %div3A_173, %ge3A_175 : vector<24x128xf32>
      %gt3A_177 = vector.broadcast %add3A_134 : i32 to vector<24x128xi32>
      %gt3A_178 = arith.cmpi sgt, %slice3A_46, %gt3A_177 : vector<24x128xi32>
      %and3A_179 = arith.andi %ge3A_176, %gt3A_178 : vector<24x128xi1>
      %jit3A_180 = arith.constant 0.000000e+00 : f32
      %broadcast_in_dim3A_181 = vector.broadcast %jit3A_180 : f32 to vector<24x128xf32>
      %select_n3A_182 = arith.select %and3A_179, %while3A_81, %broadcast_in_dim3A_181 : vector<24x128xi1>, vector<24x128xf32>
      %eq3A_183 = vector.broadcast %add3A_134 : i32 to vector<24x128xi32>
      %eq3A_184 = arith.cmpi eq, %slice3A_46, %eq3A_183 : vector<24x128xi32>
      %mul3A_185 = vector.broadcast %select_n3A_149 : f32 to vector<24x128xf32>
      %mul3A_186 = arith.mulf %while3A_81, %mul3A_185 : vector<24x128xf32>
      %jit3A_187 = arith.constant 0.000000e+00 : f32
      %broadcast_in_dim3A_188 = vector.broadcast %jit3A_187 : f32 to vector<24x128xf32>
      %select_n3A_189 = arith.select %eq3A_184, %mul3A_186, %broadcast_in_dim3A_188 : vector<24x128xi1>, vector<24x128xf32>
      %add3A_190 = arith.addf %select_n3A_182, %select_n3A_189 : vector<24x128xf32>
      %reduce_sum3A_191 = arith.constant dense<0.000000e+00> : vector<128xf32>
      %reduce_sum3A_192 = vector.multi_reduction <add>, %add3A_190, %reduce_sum3A_191 [0] : vector<24x128xf32> to vector<128xf32>
      %broadcast_in_dim3A_193 = vector.shape_cast %reduce_sum3A_192 : vector<128xf32> to vector<1x128xf32>
      %add3A_194 = arith.constant 2 : i32
      %add3A_195 = arith.addi %while3A_80, %add3A_194 : i32
      %get3A_196 = arith.index_cast %add3A_195 : i32 to index
      %get3A_197 = memref.load %arg0[%get3A_196] : memref<5120xf32, #tpu.memory_space<smem>>
      %get3A_198 = arith.index_cast %add3A_195 : i32 to index
      %get3A_199 = memref.load %arg1[%get3A_198] : memref<5120xf32, #tpu.memory_space<smem>>
      %get3A_200 = arith.index_cast %add3A_195 : i32 to index
      %get3A_201 = memref.load %arg2[%get3A_200] : memref<5120xf32, #tpu.memory_space<smem>>
      %get3A_202 = arith.index_cast %add3A_195 : i32 to index
      %get3A_203 = memref.load %arg3[%get3A_202] : memref<5120xf32, #tpu.memory_space<smem>>
      %get3A_204 = arith.index_cast %add3A_195 : i32 to index
      %get3A_205 = memref.load %arg4[%get3A_204] : memref<5120xf32, #tpu.memory_space<smem>>
      %ge3A_206 = arith.constant 4.000000e+00 : f32
      %ge3A_207 = arith.cmpf oge, %get3A_205, %ge3A_206 : f32
      %jit3A_208 = arith.constant 8.192000e+03 : f32
      %jit3A_209 = arith.constant 0.000000e+00 : f32
      %select_n3A_210 = arith.select %ge3A_207, %jit3A_208, %jit3A_209 : f32
      %min3A_211 = vector.broadcast %get3A_201 : f32 to vector<24x128xf32>
      %min3A_212 = arith.minimumf %slice3A_43, %min3A_211 : vector<24x128xf32>
      %max3A_213 = vector.broadcast %get3A_197 : f32 to vector<24x128xf32>
      %max3A_214 = arith.maximumf %slice3A_41, %max3A_213 : vector<24x128xf32>
      %sub3A_215 = arith.subf %min3A_212, %max3A_214 : vector<24x128xf32>
      %max3A_216 = arith.constant 0.000000e+00 : f32
      %max3A_217 = vector.broadcast %max3A_216 : f32 to vector<24x128xf32>
      %max3A_218 = arith.maximumf %sub3A_215, %max3A_217 : vector<24x128xf32>
      %min3A_219 = vector.broadcast %get3A_203 : f32 to vector<24x128xf32>
      %min3A_220 = arith.minimumf %slice3A_44, %min3A_219 : vector<24x128xf32>
      %max3A_221 = vector.broadcast %get3A_199 : f32 to vector<24x128xf32>
      %max3A_222 = arith.maximumf %slice3A_42, %max3A_221 : vector<24x128xf32>
      %sub3A_223 = arith.subf %min3A_220, %max3A_222 : vector<24x128xf32>
      %max3A_224 = arith.constant 0.000000e+00 : f32
      %max3A_225 = vector.broadcast %max3A_224 : f32 to vector<24x128xf32>
      %max3A_226 = arith.maximumf %sub3A_223, %max3A_225 : vector<24x128xf32>
      %mul3A_227 = arith.mulf %max3A_218, %max3A_226 : vector<24x128xf32>
      %add3A_228 = vector.broadcast %get3A_205 : f32 to vector<24x128xf32>
      %add3A_229 = arith.addf %add3A_228, %slice3A_45 : vector<24x128xf32>
      %sub3A_230 = arith.subf %add3A_229, %mul3A_227 : vector<24x128xf32>
      %add3A_231 = arith.constant 1.000000e-10 : f32
      %add3A_232 = vector.broadcast %add3A_231 : f32 to vector<24x128xf32>
      %add3A_233 = arith.addf %sub3A_230, %add3A_232 : vector<24x128xf32>
      %div3A_234 = arith.divf %mul3A_227, %add3A_233 : vector<24x128xf32>
      %ge3A_235 = arith.constant 2.000000e-01 : f32
      %ge3A_236 = vector.broadcast %ge3A_235 : f32 to vector<24x128xf32>
      %ge3A_237 = arith.cmpf oge, %div3A_234, %ge3A_236 : vector<24x128xf32>
      %gt3A_238 = vector.broadcast %add3A_195 : i32 to vector<24x128xi32>
      %gt3A_239 = arith.cmpi sgt, %slice3A_46, %gt3A_238 : vector<24x128xi32>
      %and3A_240 = arith.andi %ge3A_237, %gt3A_239 : vector<24x128xi1>
      %jit3A_241 = arith.constant 0.000000e+00 : f32
      %broadcast_in_dim3A_242 = vector.broadcast %jit3A_241 : f32 to vector<24x128xf32>
      %select_n3A_243 = arith.select %and3A_240, %while3A_81, %broadcast_in_dim3A_242 : vector<24x128xi1>, vector<24x128xf32>
      %eq3A_244 = vector.broadcast %add3A_195 : i32 to vector<24x128xi32>
      %eq3A_245 = arith.cmpi eq, %slice3A_46, %eq3A_244 : vector<24x128xi32>
      %mul3A_246 = vector.broadcast %select_n3A_210 : f32 to vector<24x128xf32>
      %mul3A_247 = arith.mulf %while3A_81, %mul3A_246 : vector<24x128xf32>
      %jit3A_248 = arith.constant 0.000000e+00 : f32
      %broadcast_in_dim3A_249 = vector.broadcast %jit3A_248 : f32 to vector<24x128xf32>
      %select_n3A_250 = arith.select %eq3A_245, %mul3A_247, %broadcast_in_dim3A_249 : vector<24x128xi1>, vector<24x128xf32>
      %add3A_251 = arith.addf %select_n3A_243, %select_n3A_250 : vector<24x128xf32>
      %reduce_sum3A_252 = arith.constant dense<0.000000e+00> : vector<128xf32>
      %reduce_sum3A_253 = vector.multi_reduction <add>, %add3A_251, %reduce_sum3A_252 [0] : vector<24x128xf32> to vector<128xf32>
      %broadcast_in_dim3A_254 = vector.shape_cast %reduce_sum3A_253 : vector<128xf32> to vector<1x128xf32>
      %add3A_255 = arith.constant 3 : i32
      %add3A_256 = arith.addi %while3A_80, %add3A_255 : i32
      %get3A_257 = arith.index_cast %add3A_256 : i32 to index
      %get3A_258 = memref.load %arg0[%get3A_257] : memref<5120xf32, #tpu.memory_space<smem>>
      %get3A_259 = arith.index_cast %add3A_256 : i32 to index
      %get3A_260 = memref.load %arg1[%get3A_259] : memref<5120xf32, #tpu.memory_space<smem>>
      %get3A_261 = arith.index_cast %add3A_256 : i32 to index
      %get3A_262 = memref.load %arg2[%get3A_261] : memref<5120xf32, #tpu.memory_space<smem>>
      %get3A_263 = arith.index_cast %add3A_256 : i32 to index
      %get3A_264 = memref.load %arg3[%get3A_263] : memref<5120xf32, #tpu.memory_space<smem>>
      %get3A_265 = arith.index_cast %add3A_256 : i32 to index
      %get3A_266 = memref.load %arg4[%get3A_265] : memref<5120xf32, #tpu.memory_space<smem>>
      %ge3A_267 = arith.constant 4.000000e+00 : f32
      %ge3A_268 = arith.cmpf oge, %get3A_266, %ge3A_267 : f32
      %jit3A_269 = arith.constant 8.192000e+03 : f32
      %jit3A_270 = arith.constant 0.000000e+00 : f32
      %select_n3A_271 = arith.select %ge3A_268, %jit3A_269, %jit3A_270 : f32
      %min3A_272 = vector.broadcast %get3A_262 : f32 to vector<24x128xf32>
      %min3A_273 = arith.minimumf %slice3A_43, %min3A_272 : vector<24x128xf32>
      %max3A_274 = vector.broadcast %get3A_258 : f32 to vector<24x128xf32>
      %max3A_275 = arith.maximumf %slice3A_41, %max3A_274 : vector<24x128xf32>
      %sub3A_276 = arith.subf %min3A_273, %max3A_275 : vector<24x128xf32>
      %max3A_277 = arith.constant 0.000000e+00 : f32
      %max3A_278 = vector.broadcast %max3A_277 : f32 to vector<24x128xf32>
      %max3A_279 = arith.maximumf %sub3A_276, %max3A_278 : vector<24x128xf32>
      %min3A_280 = vector.broadcast %get3A_264 : f32 to vector<24x128xf32>
      %min3A_281 = arith.minimumf %slice3A_44, %min3A_280 : vector<24x128xf32>
      %max3A_282 = vector.broadcast %get3A_260 : f32 to vector<24x128xf32>
      %max3A_283 = arith.maximumf %slice3A_42, %max3A_282 : vector<24x128xf32>
      %sub3A_284 = arith.subf %min3A_281, %max3A_283 : vector<24x128xf32>
      %max3A_285 = arith.constant 0.000000e+00 : f32
      %max3A_286 = vector.broadcast %max3A_285 : f32 to vector<24x128xf32>
      %max3A_287 = arith.maximumf %sub3A_284, %max3A_286 : vector<24x128xf32>
      %mul3A_288 = arith.mulf %max3A_279, %max3A_287 : vector<24x128xf32>
      %add3A_289 = vector.broadcast %get3A_266 : f32 to vector<24x128xf32>
      %add3A_290 = arith.addf %add3A_289, %slice3A_45 : vector<24x128xf32>
      %sub3A_291 = arith.subf %add3A_290, %mul3A_288 : vector<24x128xf32>
      %add3A_292 = arith.constant 1.000000e-10 : f32
      %add3A_293 = vector.broadcast %add3A_292 : f32 to vector<24x128xf32>
      %add3A_294 = arith.addf %sub3A_291, %add3A_293 : vector<24x128xf32>
      %div3A_295 = arith.divf %mul3A_288, %add3A_294 : vector<24x128xf32>
      %ge3A_296 = arith.constant 2.000000e-01 : f32
      %ge3A_297 = vector.broadcast %ge3A_296 : f32 to vector<24x128xf32>
      %ge3A_298 = arith.cmpf oge, %div3A_295, %ge3A_297 : vector<24x128xf32>
      %gt3A_299 = vector.broadcast %add3A_256 : i32 to vector<24x128xi32>
      %gt3A_300 = arith.cmpi sgt, %slice3A_46, %gt3A_299 : vector<24x128xi32>
      %and3A_301 = arith.andi %ge3A_298, %gt3A_300 : vector<24x128xi1>
      %jit3A_302 = arith.constant 0.000000e+00 : f32
      %broadcast_in_dim3A_303 = vector.broadcast %jit3A_302 : f32 to vector<24x128xf32>
      %select_n3A_304 = arith.select %and3A_301, %while3A_81, %broadcast_in_dim3A_303 : vector<24x128xi1>, vector<24x128xf32>
      %eq3A_305 = vector.broadcast %add3A_256 : i32 to vector<24x128xi32>
      %eq3A_306 = arith.cmpi eq, %slice3A_46, %eq3A_305 : vector<24x128xi32>
      %mul3A_307 = vector.broadcast %select_n3A_271 : f32 to vector<24x128xf32>
      %mul3A_308 = arith.mulf %while3A_81, %mul3A_307 : vector<24x128xf32>
      %jit3A_309 = arith.constant 0.000000e+00 : f32
      %broadcast_in_dim3A_310 = vector.broadcast %jit3A_309 : f32 to vector<24x128xf32>
      %select_n3A_311 = arith.select %eq3A_306, %mul3A_308, %broadcast_in_dim3A_310 : vector<24x128xi1>, vector<24x128xf32>
      %add3A_312 = arith.addf %select_n3A_304, %select_n3A_311 : vector<24x128xf32>
      %reduce_sum3A_313 = arith.constant dense<0.000000e+00> : vector<128xf32>
      %reduce_sum3A_314 = vector.multi_reduction <add>, %add3A_312, %reduce_sum3A_313 [0] : vector<24x128xf32> to vector<128xf32>
      %broadcast_in_dim3A_315 = vector.shape_cast %reduce_sum3A_314 : vector<128xf32> to vector<1x128xf32>
      %add3A_316 = arith.constant 4 : i32
      %add3A_317 = arith.addi %while3A_80, %add3A_316 : i32
      %get3A_318 = arith.index_cast %add3A_317 : i32 to index
      %get3A_319 = memref.load %arg0[%get3A_318] : memref<5120xf32, #tpu.memory_space<smem>>
      %get3A_320 = arith.index_cast %add3A_317 : i32 to index
      %get3A_321 = memref.load %arg1[%get3A_320] : memref<5120xf32, #tpu.memory_space<smem>>
      %get3A_322 = arith.index_cast %add3A_317 : i32 to index
      %get3A_323 = memref.load %arg2[%get3A_322] : memref<5120xf32, #tpu.memory_space<smem>>
      %get3A_324 = arith.index_cast %add3A_317 : i32 to index
      %get3A_325 = memref.load %arg3[%get3A_324] : memref<5120xf32, #tpu.memory_space<smem>>
      %get3A_326 = arith.index_cast %add3A_317 : i32 to index
      %get3A_327 = memref.load %arg4[%get3A_326] : memref<5120xf32, #tpu.memory_space<smem>>
      %ge3A_328 = arith.constant 4.000000e+00 : f32
      %ge3A_329 = arith.cmpf oge, %get3A_327, %ge3A_328 : f32
      %jit3A_330 = arith.constant 8.192000e+03 : f32
      %jit3A_331 = arith.constant 0.000000e+00 : f32
      %select_n3A_332 = arith.select %ge3A_329, %jit3A_330, %jit3A_331 : f32
      %min3A_333 = vector.broadcast %get3A_323 : f32 to vector<24x128xf32>
      %min3A_334 = arith.minimumf %slice3A_43, %min3A_333 : vector<24x128xf32>
      %max3A_335 = vector.broadcast %get3A_319 : f32 to vector<24x128xf32>
      %max3A_336 = arith.maximumf %slice3A_41, %max3A_335 : vector<24x128xf32>
      %sub3A_337 = arith.subf %min3A_334, %max3A_336 : vector<24x128xf32>
      %max3A_338 = arith.constant 0.000000e+00 : f32
      %max3A_339 = vector.broadcast %max3A_338 : f32 to vector<24x128xf32>
      %max3A_340 = arith.maximumf %sub3A_337, %max3A_339 : vector<24x128xf32>
      %min3A_341 = vector.broadcast %get3A_325 : f32 to vector<24x128xf32>
      %min3A_342 = arith.minimumf %slice3A_44, %min3A_341 : vector<24x128xf32>
      %max3A_343 = vector.broadcast %get3A_321 : f32 to vector<24x128xf32>
      %max3A_344 = arith.maximumf %slice3A_42, %max3A_343 : vector<24x128xf32>
      %sub3A_345 = arith.subf %min3A_342, %max3A_344 : vector<24x128xf32>
      %max3A_346 = arith.constant 0.000000e+00 : f32
      %max3A_347 = vector.broadcast %max3A_346 : f32 to vector<24x128xf32>
      %max3A_348 = arith.maximumf %sub3A_345, %max3A_347 : vector<24x128xf32>
      %mul3A_349 = arith.mulf %max3A_340, %max3A_348 : vector<24x128xf32>
      %add3A_350 = vector.broadcast %get3A_327 : f32 to vector<24x128xf32>
      %add3A_351 = arith.addf %add3A_350, %slice3A_45 : vector<24x128xf32>
      %sub3A_352 = arith.subf %add3A_351, %mul3A_349 : vector<24x128xf32>
      %add3A_353 = arith.constant 1.000000e-10 : f32
      %add3A_354 = vector.broadcast %add3A_353 : f32 to vector<24x128xf32>
      %add3A_355 = arith.addf %sub3A_352, %add3A_354 : vector<24x128xf32>
      %div3A_356 = arith.divf %mul3A_349, %add3A_355 : vector<24x128xf32>
      %ge3A_357 = arith.constant 2.000000e-01 : f32
      %ge3A_358 = vector.broadcast %ge3A_357 : f32 to vector<24x128xf32>
      %ge3A_359 = arith.cmpf oge, %div3A_356, %ge3A_358 : vector<24x128xf32>
      %gt3A_360 = vector.broadcast %add3A_317 : i32 to vector<24x128xi32>
      %gt3A_361 = arith.cmpi sgt, %slice3A_46, %gt3A_360 : vector<24x128xi32>
      %and3A_362 = arith.andi %ge3A_359, %gt3A_361 : vector<24x128xi1>
      %jit3A_363 = arith.constant 0.000000e+00 : f32
      %broadcast_in_dim3A_364 = vector.broadcast %jit3A_363 : f32 to vector<24x128xf32>
      %select_n3A_365 = arith.select %and3A_362, %while3A_81, %broadcast_in_dim3A_364 : vector<24x128xi1>, vector<24x128xf32>
      %eq3A_366 = vector.broadcast %add3A_317 : i32 to vector<24x128xi32>
      %eq3A_367 = arith.cmpi eq, %slice3A_46, %eq3A_366 : vector<24x128xi32>
      %mul3A_368 = vector.broadcast %select_n3A_332 : f32 to vector<24x128xf32>
      %mul3A_369 = arith.mulf %while3A_81, %mul3A_368 : vector<24x128xf32>
      %jit3A_370 = arith.constant 0.000000e+00 : f32
      %broadcast_in_dim3A_371 = vector.broadcast %jit3A_370 : f32 to vector<24x128xf32>
      %select_n3A_372 = arith.select %eq3A_367, %mul3A_369, %broadcast_in_dim3A_371 : vector<24x128xi1>, vector<24x128xf32>
      %add3A_373 = arith.addf %select_n3A_365, %select_n3A_372 : vector<24x128xf32>
      %reduce_sum3A_374 = arith.constant dense<0.000000e+00> : vector<128xf32>
      %reduce_sum3A_375 = vector.multi_reduction <add>, %add3A_373, %reduce_sum3A_374 [0] : vector<24x128xf32> to vector<128xf32>
      %broadcast_in_dim3A_376 = vector.shape_cast %reduce_sum3A_375 : vector<128xf32> to vector<1x128xf32>
      %add3A_377 = arith.constant 5 : i32
      %add3A_378 = arith.addi %while3A_80, %add3A_377 : i32
      %get3A_379 = arith.index_cast %add3A_378 : i32 to index
      %get3A_380 = memref.load %arg0[%get3A_379] : memref<5120xf32, #tpu.memory_space<smem>>
      %get3A_381 = arith.index_cast %add3A_378 : i32 to index
      %get3A_382 = memref.load %arg1[%get3A_381] : memref<5120xf32, #tpu.memory_space<smem>>
      %get3A_383 = arith.index_cast %add3A_378 : i32 to index
      %get3A_384 = memref.load %arg2[%get3A_383] : memref<5120xf32, #tpu.memory_space<smem>>
      %get3A_385 = arith.index_cast %add3A_378 : i32 to index
      %get3A_386 = memref.load %arg3[%get3A_385] : memref<5120xf32, #tpu.memory_space<smem>>
      %get3A_387 = arith.index_cast %add3A_378 : i32 to index
      %get3A_388 = memref.load %arg4[%get3A_387] : memref<5120xf32, #tpu.memory_space<smem>>
      %ge3A_389 = arith.constant 4.000000e+00 : f32
      %ge3A_390 = arith.cmpf oge, %get3A_388, %ge3A_389 : f32
      %jit3A_391 = arith.constant 8.192000e+03 : f32
      %jit3A_392 = arith.constant 0.000000e+00 : f32
      %select_n3A_393 = arith.select %ge3A_390, %jit3A_391, %jit3A_392 : f32
      %min3A_394 = vector.broadcast %get3A_384 : f32 to vector<24x128xf32>
      %min3A_395 = arith.minimumf %slice3A_43, %min3A_394 : vector<24x128xf32>
      %max3A_396 = vector.broadcast %get3A_380 : f32 to vector<24x128xf32>
      %max3A_397 = arith.maximumf %slice3A_41, %max3A_396 : vector<24x128xf32>
      %sub3A_398 = arith.subf %min3A_395, %max3A_397 : vector<24x128xf32>
      %max3A_399 = arith.constant 0.000000e+00 : f32
      %max3A_400 = vector.broadcast %max3A_399 : f32 to vector<24x128xf32>
      %max3A_401 = arith.maximumf %sub3A_398, %max3A_400 : vector<24x128xf32>
      %min3A_402 = vector.broadcast %get3A_386 : f32 to vector<24x128xf32>
      %min3A_403 = arith.minimumf %slice3A_44, %min3A_402 : vector<24x128xf32>
      %max3A_404 = vector.broadcast %get3A_382 : f32 to vector<24x128xf32>
      %max3A_405 = arith.maximumf %slice3A_42, %max3A_404 : vector<24x128xf32>
      %sub3A_406 = arith.subf %min3A_403, %max3A_405 : vector<24x128xf32>
      %max3A_407 = arith.constant 0.000000e+00 : f32
      %max3A_408 = vector.broadcast %max3A_407 : f32 to vector<24x128xf32>
      %max3A_409 = arith.maximumf %sub3A_406, %max3A_408 : vector<24x128xf32>
      %mul3A_410 = arith.mulf %max3A_401, %max3A_409 : vector<24x128xf32>
      %add3A_411 = vector.broadcast %get3A_388 : f32 to vector<24x128xf32>
      %add3A_412 = arith.addf %add3A_411, %slice3A_45 : vector<24x128xf32>
      %sub3A_413 = arith.subf %add3A_412, %mul3A_410 : vector<24x128xf32>
      %add3A_414 = arith.constant 1.000000e-10 : f32
      %add3A_415 = vector.broadcast %add3A_414 : f32 to vector<24x128xf32>
      %add3A_416 = arith.addf %sub3A_413, %add3A_415 : vector<24x128xf32>
      %div3A_417 = arith.divf %mul3A_410, %add3A_416 : vector<24x128xf32>
      %ge3A_418 = arith.constant 2.000000e-01 : f32
      %ge3A_419 = vector.broadcast %ge3A_418 : f32 to vector<24x128xf32>
      %ge3A_420 = arith.cmpf oge, %div3A_417, %ge3A_419 : vector<24x128xf32>
      %gt3A_421 = vector.broadcast %add3A_378 : i32 to vector<24x128xi32>
      %gt3A_422 = arith.cmpi sgt, %slice3A_46, %gt3A_421 : vector<24x128xi32>
      %and3A_423 = arith.andi %ge3A_420, %gt3A_422 : vector<24x128xi1>
      %jit3A_424 = arith.constant 0.000000e+00 : f32
      %broadcast_in_dim3A_425 = vector.broadcast %jit3A_424 : f32 to vector<24x128xf32>
      %select_n3A_426 = arith.select %and3A_423, %while3A_81, %broadcast_in_dim3A_425 : vector<24x128xi1>, vector<24x128xf32>
      %eq3A_427 = vector.broadcast %add3A_378 : i32 to vector<24x128xi32>
      %eq3A_428 = arith.cmpi eq, %slice3A_46, %eq3A_427 : vector<24x128xi32>
      %mul3A_429 = vector.broadcast %select_n3A_393 : f32 to vector<24x128xf32>
      %mul3A_430 = arith.mulf %while3A_81, %mul3A_429 : vector<24x128xf32>
      %jit3A_431 = arith.constant 0.000000e+00 : f32
      %broadcast_in_dim3A_432 = vector.broadcast %jit3A_431 : f32 to vector<24x128xf32>
      %select_n3A_433 = arith.select %eq3A_428, %mul3A_430, %broadcast_in_dim3A_432 : vector<24x128xi1>, vector<24x128xf32>
      %add3A_434 = arith.addf %select_n3A_426, %select_n3A_433 : vector<24x128xf32>
      %reduce_sum3A_435 = arith.constant dense<0.000000e+00> : vector<128xf32>
      %reduce_sum3A_436 = vector.multi_reduction <add>, %add3A_434, %reduce_sum3A_435 [0] : vector<24x128xf32> to vector<128xf32>
      %broadcast_in_dim3A_437 = vector.shape_cast %reduce_sum3A_436 : vector<128xf32> to vector<1x128xf32>
      %add3A_438 = arith.constant 6 : i32
      %add3A_439 = arith.addi %while3A_80, %add3A_438 : i32
      %get3A_440 = arith.index_cast %add3A_439 : i32 to index
      %get3A_441 = memref.load %arg0[%get3A_440] : memref<5120xf32, #tpu.memory_space<smem>>
      %get3A_442 = arith.index_cast %add3A_439 : i32 to index
      %get3A_443 = memref.load %arg1[%get3A_442] : memref<5120xf32, #tpu.memory_space<smem>>
      %get3A_444 = arith.index_cast %add3A_439 : i32 to index
      %get3A_445 = memref.load %arg2[%get3A_444] : memref<5120xf32, #tpu.memory_space<smem>>
      %get3A_446 = arith.index_cast %add3A_439 : i32 to index
      %get3A_447 = memref.load %arg3[%get3A_446] : memref<5120xf32, #tpu.memory_space<smem>>
      %get3A_448 = arith.index_cast %add3A_439 : i32 to index
      %get3A_449 = memref.load %arg4[%get3A_448] : memref<5120xf32, #tpu.memory_space<smem>>
      %ge3A_450 = arith.constant 4.000000e+00 : f32
      %ge3A_451 = arith.cmpf oge, %get3A_449, %ge3A_450 : f32
      %jit3A_452 = arith.constant 8.192000e+03 : f32
      %jit3A_453 = arith.constant 0.000000e+00 : f32
      %select_n3A_454 = arith.select %ge3A_451, %jit3A_452, %jit3A_453 : f32
      %min3A_455 = vector.broadcast %get3A_445 : f32 to vector<24x128xf32>
      %min3A_456 = arith.minimumf %slice3A_43, %min3A_455 : vector<24x128xf32>
      %max3A_457 = vector.broadcast %get3A_441 : f32 to vector<24x128xf32>
      %max3A_458 = arith.maximumf %slice3A_41, %max3A_457 : vector<24x128xf32>
      %sub3A_459 = arith.subf %min3A_456, %max3A_458 : vector<24x128xf32>
      %max3A_460 = arith.constant 0.000000e+00 : f32
      %max3A_461 = vector.broadcast %max3A_460 : f32 to vector<24x128xf32>
      %max3A_462 = arith.maximumf %sub3A_459, %max3A_461 : vector<24x128xf32>
      %min3A_463 = vector.broadcast %get3A_447 : f32 to vector<24x128xf32>
      %min3A_464 = arith.minimumf %slice3A_44, %min3A_463 : vector<24x128xf32>
      %max3A_465 = vector.broadcast %get3A_443 : f32 to vector<24x128xf32>
      %max3A_466 = arith.maximumf %slice3A_42, %max3A_465 : vector<24x128xf32>
      %sub3A_467 = arith.subf %min3A_464, %max3A_466 : vector<24x128xf32>
      %max3A_468 = arith.constant 0.000000e+00 : f32
      %max3A_469 = vector.broadcast %max3A_468 : f32 to vector<24x128xf32>
      %max3A_470 = arith.maximumf %sub3A_467, %max3A_469 : vector<24x128xf32>
      %mul3A_471 = arith.mulf %max3A_462, %max3A_470 : vector<24x128xf32>
      %add3A_472 = vector.broadcast %get3A_449 : f32 to vector<24x128xf32>
      %add3A_473 = arith.addf %add3A_472, %slice3A_45 : vector<24x128xf32>
      %sub3A_474 = arith.subf %add3A_473, %mul3A_471 : vector<24x128xf32>
      %add3A_475 = arith.constant 1.000000e-10 : f32
      %add3A_476 = vector.broadcast %add3A_475 : f32 to vector<24x128xf32>
      %add3A_477 = arith.addf %sub3A_474, %add3A_476 : vector<24x128xf32>
      %div3A_478 = arith.divf %mul3A_471, %add3A_477 : vector<24x128xf32>
      %ge3A_479 = arith.constant 2.000000e-01 : f32
      %ge3A_480 = vector.broadcast %ge3A_479 : f32 to vector<24x128xf32>
      %ge3A_481 = arith.cmpf oge, %div3A_478, %ge3A_480 : vector<24x128xf32>
      %gt3A_482 = vector.broadcast %add3A_439 : i32 to vector<24x128xi32>
      %gt3A_483 = arith.cmpi sgt, %slice3A_46, %gt3A_482 : vector<24x128xi32>
      %and3A_484 = arith.andi %ge3A_481, %gt3A_483 : vector<24x128xi1>
      %jit3A_485 = arith.constant 0.000000e+00 : f32
      %broadcast_in_dim3A_486 = vector.broadcast %jit3A_485 : f32 to vector<24x128xf32>
      %select_n3A_487 = arith.select %and3A_484, %while3A_81, %broadcast_in_dim3A_486 : vector<24x128xi1>, vector<24x128xf32>
      %eq3A_488 = vector.broadcast %add3A_439 : i32 to vector<24x128xi32>
      %eq3A_489 = arith.cmpi eq, %slice3A_46, %eq3A_488 : vector<24x128xi32>
      %mul3A_490 = vector.broadcast %select_n3A_454 : f32 to vector<24x128xf32>
      %mul3A_491 = arith.mulf %while3A_81, %mul3A_490 : vector<24x128xf32>
      %jit3A_492 = arith.constant 0.000000e+00 : f32
      %broadcast_in_dim3A_493 = vector.broadcast %jit3A_492 : f32 to vector<24x128xf32>
      %select_n3A_494 = arith.select %eq3A_489, %mul3A_491, %broadcast_in_dim3A_493 : vector<24x128xi1>, vector<24x128xf32>
      %add3A_495 = arith.addf %select_n3A_487, %select_n3A_494 : vector<24x128xf32>
      %reduce_sum3A_496 = arith.constant dense<0.000000e+00> : vector<128xf32>
      %reduce_sum3A_497 = vector.multi_reduction <add>, %add3A_495, %reduce_sum3A_496 [0] : vector<24x128xf32> to vector<128xf32>
      %broadcast_in_dim3A_498 = vector.shape_cast %reduce_sum3A_497 : vector<128xf32> to vector<1x128xf32>
      %add3A_499 = arith.constant 7 : i32
      %add3A_500 = arith.addi %while3A_80, %add3A_499 : i32
      %get3A_501 = arith.index_cast %add3A_500 : i32 to index
      %get3A_502 = memref.load %arg0[%get3A_501] : memref<5120xf32, #tpu.memory_space<smem>>
      %get3A_503 = arith.index_cast %add3A_500 : i32 to index
      %get3A_504 = memref.load %arg1[%get3A_503] : memref<5120xf32, #tpu.memory_space<smem>>
      %get3A_505 = arith.index_cast %add3A_500 : i32 to index
      %get3A_506 = memref.load %arg2[%get3A_505] : memref<5120xf32, #tpu.memory_space<smem>>
      %get3A_507 = arith.index_cast %add3A_500 : i32 to index
      %get3A_508 = memref.load %arg3[%get3A_507] : memref<5120xf32, #tpu.memory_space<smem>>
      %get3A_509 = arith.index_cast %add3A_500 : i32 to index
      %get3A_510 = memref.load %arg4[%get3A_509] : memref<5120xf32, #tpu.memory_space<smem>>
      %ge3A_511 = arith.constant 4.000000e+00 : f32
      %ge3A_512 = arith.cmpf oge, %get3A_510, %ge3A_511 : f32
      %jit3A_513 = arith.constant 8.192000e+03 : f32
      %jit3A_514 = arith.constant 0.000000e+00 : f32
      %select_n3A_515 = arith.select %ge3A_512, %jit3A_513, %jit3A_514 : f32
      %min3A_516 = vector.broadcast %get3A_506 : f32 to vector<24x128xf32>
      %min3A_517 = arith.minimumf %slice3A_43, %min3A_516 : vector<24x128xf32>
      %max3A_518 = vector.broadcast %get3A_502 : f32 to vector<24x128xf32>
      %max3A_519 = arith.maximumf %slice3A_41, %max3A_518 : vector<24x128xf32>
      %sub3A_520 = arith.subf %min3A_517, %max3A_519 : vector<24x128xf32>
      %max3A_521 = arith.constant 0.000000e+00 : f32
      %max3A_522 = vector.broadcast %max3A_521 : f32 to vector<24x128xf32>
      %max3A_523 = arith.maximumf %sub3A_520, %max3A_522 : vector<24x128xf32>
      %min3A_524 = vector.broadcast %get3A_508 : f32 to vector<24x128xf32>
      %min3A_525 = arith.minimumf %slice3A_44, %min3A_524 : vector<24x128xf32>
      %max3A_526 = vector.broadcast %get3A_504 : f32 to vector<24x128xf32>
      %max3A_527 = arith.maximumf %slice3A_42, %max3A_526 : vector<24x128xf32>
      %sub3A_528 = arith.subf %min3A_525, %max3A_527 : vector<24x128xf32>
      %max3A_529 = arith.constant 0.000000e+00 : f32
      %max3A_530 = vector.broadcast %max3A_529 : f32 to vector<24x128xf32>
      %max3A_531 = arith.maximumf %sub3A_528, %max3A_530 : vector<24x128xf32>
      %mul3A_532 = arith.mulf %max3A_523, %max3A_531 : vector<24x128xf32>
      %add3A_533 = vector.broadcast %get3A_510 : f32 to vector<24x128xf32>
      %add3A_534 = arith.addf %add3A_533, %slice3A_45 : vector<24x128xf32>
      %sub3A_535 = arith.subf %add3A_534, %mul3A_532 : vector<24x128xf32>
      %add3A_536 = arith.constant 1.000000e-10 : f32
      %add3A_537 = vector.broadcast %add3A_536 : f32 to vector<24x128xf32>
      %add3A_538 = arith.addf %sub3A_535, %add3A_537 : vector<24x128xf32>
      %div3A_539 = arith.divf %mul3A_532, %add3A_538 : vector<24x128xf32>
      %ge3A_540 = arith.constant 2.000000e-01 : f32
      %ge3A_541 = vector.broadcast %ge3A_540 : f32 to vector<24x128xf32>
      %ge3A_542 = arith.cmpf oge, %div3A_539, %ge3A_541 : vector<24x128xf32>
      %gt3A_543 = vector.broadcast %add3A_500 : i32 to vector<24x128xi32>
      %gt3A_544 = arith.cmpi sgt, %slice3A_46, %gt3A_543 : vector<24x128xi32>
      %and3A_545 = arith.andi %ge3A_542, %gt3A_544 : vector<24x128xi1>
      %jit3A_546 = arith.constant 0.000000e+00 : f32
      %broadcast_in_dim3A_547 = vector.broadcast %jit3A_546 : f32 to vector<24x128xf32>
      %select_n3A_548 = arith.select %and3A_545, %while3A_81, %broadcast_in_dim3A_547 : vector<24x128xi1>, vector<24x128xf32>
      %eq3A_549 = vector.broadcast %add3A_500 : i32 to vector<24x128xi32>
      %eq3A_550 = arith.cmpi eq, %slice3A_46, %eq3A_549 : vector<24x128xi32>
      %mul3A_551 = vector.broadcast %select_n3A_515 : f32 to vector<24x128xf32>
      %mul3A_552 = arith.mulf %while3A_81, %mul3A_551 : vector<24x128xf32>
      %jit3A_553 = arith.constant 0.000000e+00 : f32
      %broadcast_in_dim3A_554 = vector.broadcast %jit3A_553 : f32 to vector<24x128xf32>
      %select_n3A_555 = arith.select %eq3A_550, %mul3A_552, %broadcast_in_dim3A_554 : vector<24x128xi1>, vector<24x128xf32>
      %add3A_556 = arith.addf %select_n3A_548, %select_n3A_555 : vector<24x128xf32>
      %reduce_sum3A_557 = arith.constant dense<0.000000e+00> : vector<128xf32>
      %reduce_sum3A_558 = vector.multi_reduction <add>, %add3A_556, %reduce_sum3A_557 [0] : vector<24x128xf32> to vector<128xf32>
      %broadcast_in_dim3A_559 = vector.shape_cast %reduce_sum3A_558 : vector<128xf32> to vector<1x128xf32>
      %add3A_560 = arith.constant 8 : i32
      %add3A_561 = arith.addi %while3A_80, %add3A_560 : i32
      %get3A_562 = arith.index_cast %add3A_561 : i32 to index
      %get3A_563 = memref.load %arg0[%get3A_562] : memref<5120xf32, #tpu.memory_space<smem>>
      %get3A_564 = arith.index_cast %add3A_561 : i32 to index
      %get3A_565 = memref.load %arg1[%get3A_564] : memref<5120xf32, #tpu.memory_space<smem>>
      %get3A_566 = arith.index_cast %add3A_561 : i32 to index
      %get3A_567 = memref.load %arg2[%get3A_566] : memref<5120xf32, #tpu.memory_space<smem>>
      %get3A_568 = arith.index_cast %add3A_561 : i32 to index
      %get3A_569 = memref.load %arg3[%get3A_568] : memref<5120xf32, #tpu.memory_space<smem>>
      %get3A_570 = arith.index_cast %add3A_561 : i32 to index
      %get3A_571 = memref.load %arg4[%get3A_570] : memref<5120xf32, #tpu.memory_space<smem>>
      %ge3A_572 = arith.constant 4.000000e+00 : f32
      %ge3A_573 = arith.cmpf oge, %get3A_571, %ge3A_572 : f32
      %jit3A_574 = arith.constant 8.192000e+03 : f32
      %jit3A_575 = arith.constant 0.000000e+00 : f32
      %select_n3A_576 = arith.select %ge3A_573, %jit3A_574, %jit3A_575 : f32
      %min3A_577 = vector.broadcast %get3A_567 : f32 to vector<24x128xf32>
      %min3A_578 = arith.minimumf %slice3A_43, %min3A_577 : vector<24x128xf32>
      %max3A_579 = vector.broadcast %get3A_563 : f32 to vector<24x128xf32>
      %max3A_580 = arith.maximumf %slice3A_41, %max3A_579 : vector<24x128xf32>
      %sub3A_581 = arith.subf %min3A_578, %max3A_580 : vector<24x128xf32>
      %max3A_582 = arith.constant 0.000000e+00 : f32
      %max3A_583 = vector.broadcast %max3A_582 : f32 to vector<24x128xf32>
      %max3A_584 = arith.maximumf %sub3A_581, %max3A_583 : vector<24x128xf32>
      %min3A_585 = vector.broadcast %get3A_569 : f32 to vector<24x128xf32>
      %min3A_586 = arith.minimumf %slice3A_44, %min3A_585 : vector<24x128xf32>
      %max3A_587 = vector.broadcast %get3A_565 : f32 to vector<24x128xf32>
      %max3A_588 = arith.maximumf %slice3A_42, %max3A_587 : vector<24x128xf32>
      %sub3A_589 = arith.subf %min3A_586, %max3A_588 : vector<24x128xf32>
      %max3A_590 = arith.constant 0.000000e+00 : f32
      %max3A_591 = vector.broadcast %max3A_590 : f32 to vector<24x128xf32>
      %max3A_592 = arith.maximumf %sub3A_589, %max3A_591 : vector<24x128xf32>
      %mul3A_593 = arith.mulf %max3A_584, %max3A_592 : vector<24x128xf32>
      %add3A_594 = vector.broadcast %get3A_571 : f32 to vector<24x128xf32>
      %add3A_595 = arith.addf %add3A_594, %slice3A_45 : vector<24x128xf32>
      %sub3A_596 = arith.subf %add3A_595, %mul3A_593 : vector<24x128xf32>
      %add3A_597 = arith.constant 1.000000e-10 : f32
      %add3A_598 = vector.broadcast %add3A_597 : f32 to vector<24x128xf32>
      %add3A_599 = arith.addf %sub3A_596, %add3A_598 : vector<24x128xf32>
      %div3A_600 = arith.divf %mul3A_593, %add3A_599 : vector<24x128xf32>
      %ge3A_601 = arith.constant 2.000000e-01 : f32
      %ge3A_602 = vector.broadcast %ge3A_601 : f32 to vector<24x128xf32>
      %ge3A_603 = arith.cmpf oge, %div3A_600, %ge3A_602 : vector<24x128xf32>
      %gt3A_604 = vector.broadcast %add3A_561 : i32 to vector<24x128xi32>
      %gt3A_605 = arith.cmpi sgt, %slice3A_46, %gt3A_604 : vector<24x128xi32>
      %and3A_606 = arith.andi %ge3A_603, %gt3A_605 : vector<24x128xi1>
      %jit3A_607 = arith.constant 0.000000e+00 : f32
      %broadcast_in_dim3A_608 = vector.broadcast %jit3A_607 : f32 to vector<24x128xf32>
      %select_n3A_609 = arith.select %and3A_606, %while3A_81, %broadcast_in_dim3A_608 : vector<24x128xi1>, vector<24x128xf32>
      %eq3A_610 = vector.broadcast %add3A_561 : i32 to vector<24x128xi32>
      %eq3A_611 = arith.cmpi eq, %slice3A_46, %eq3A_610 : vector<24x128xi32>
      %mul3A_612 = vector.broadcast %select_n3A_576 : f32 to vector<24x128xf32>
      %mul3A_613 = arith.mulf %while3A_81, %mul3A_612 : vector<24x128xf32>
      %jit3A_614 = arith.constant 0.000000e+00 : f32
      %broadcast_in_dim3A_615 = vector.broadcast %jit3A_614 : f32 to vector<24x128xf32>
      %select_n3A_616 = arith.select %eq3A_611, %mul3A_613, %broadcast_in_dim3A_615 : vector<24x128xi1>, vector<24x128xf32>
      %add3A_617 = arith.addf %select_n3A_609, %select_n3A_616 : vector<24x128xf32>
      %reduce_sum3A_618 = arith.constant dense<0.000000e+00> : vector<128xf32>
      %reduce_sum3A_619 = vector.multi_reduction <add>, %add3A_617, %reduce_sum3A_618 [0] : vector<24x128xf32> to vector<128xf32>
      %broadcast_in_dim3A_620 = vector.shape_cast %reduce_sum3A_619 : vector<128xf32> to vector<1x128xf32>
      %add3A_621 = arith.constant 9 : i32
      %add3A_622 = arith.addi %while3A_80, %add3A_621 : i32
      %get3A_623 = arith.index_cast %add3A_622 : i32 to index
      %get3A_624 = memref.load %arg0[%get3A_623] : memref<5120xf32, #tpu.memory_space<smem>>
      %get3A_625 = arith.index_cast %add3A_622 : i32 to index
      %get3A_626 = memref.load %arg1[%get3A_625] : memref<5120xf32, #tpu.memory_space<smem>>
      %get3A_627 = arith.index_cast %add3A_622 : i32 to index
      %get3A_628 = memref.load %arg2[%get3A_627] : memref<5120xf32, #tpu.memory_space<smem>>
      %get3A_629 = arith.index_cast %add3A_622 : i32 to index
      %get3A_630 = memref.load %arg3[%get3A_629] : memref<5120xf32, #tpu.memory_space<smem>>
      %get3A_631 = arith.index_cast %add3A_622 : i32 to index
      %get3A_632 = memref.load %arg4[%get3A_631] : memref<5120xf32, #tpu.memory_space<smem>>
      %ge3A_633 = arith.constant 4.000000e+00 : f32
      %ge3A_634 = arith.cmpf oge, %get3A_632, %ge3A_633 : f32
      %jit3A_635 = arith.constant 8.192000e+03 : f32
      %jit3A_636 = arith.constant 0.000000e+00 : f32
      %select_n3A_637 = arith.select %ge3A_634, %jit3A_635, %jit3A_636 : f32
      %min3A_638 = vector.broadcast %get3A_628 : f32 to vector<24x128xf32>
      %min3A_639 = arith.minimumf %slice3A_43, %min3A_638 : vector<24x128xf32>
      %max3A_640 = vector.broadcast %get3A_624 : f32 to vector<24x128xf32>
      %max3A_641 = arith.maximumf %slice3A_41, %max3A_640 : vector<24x128xf32>
      %sub3A_642 = arith.subf %min3A_639, %max3A_641 : vector<24x128xf32>
      %max3A_643 = arith.constant 0.000000e+00 : f32
      %max3A_644 = vector.broadcast %max3A_643 : f32 to vector<24x128xf32>
      %max3A_645 = arith.maximumf %sub3A_642, %max3A_644 : vector<24x128xf32>
      %min3A_646 = vector.broadcast %get3A_630 : f32 to vector<24x128xf32>
      %min3A_647 = arith.minimumf %slice3A_44, %min3A_646 : vector<24x128xf32>
      %max3A_648 = vector.broadcast %get3A_626 : f32 to vector<24x128xf32>
      %max3A_649 = arith.maximumf %slice3A_42, %max3A_648 : vector<24x128xf32>
      %sub3A_650 = arith.subf %min3A_647, %max3A_649 : vector<24x128xf32>
      %max3A_651 = arith.constant 0.000000e+00 : f32
      %max3A_652 = vector.broadcast %max3A_651 : f32 to vector<24x128xf32>
      %max3A_653 = arith.maximumf %sub3A_650, %max3A_652 : vector<24x128xf32>
      %mul3A_654 = arith.mulf %max3A_645, %max3A_653 : vector<24x128xf32>
      %add3A_655 = vector.broadcast %get3A_632 : f32 to vector<24x128xf32>
      %add3A_656 = arith.addf %add3A_655, %slice3A_45 : vector<24x128xf32>
      %sub3A_657 = arith.subf %add3A_656, %mul3A_654 : vector<24x128xf32>
      %add3A_658 = arith.constant 1.000000e-10 : f32
      %add3A_659 = vector.broadcast %add3A_658 : f32 to vector<24x128xf32>
      %add3A_660 = arith.addf %sub3A_657, %add3A_659 : vector<24x128xf32>
      %div3A_661 = arith.divf %mul3A_654, %add3A_660 : vector<24x128xf32>
      %ge3A_662 = arith.constant 2.000000e-01 : f32
      %ge3A_663 = vector.broadcast %ge3A_662 : f32 to vector<24x128xf32>
      %ge3A_664 = arith.cmpf oge, %div3A_661, %ge3A_663 : vector<24x128xf32>
      %gt3A_665 = vector.broadcast %add3A_622 : i32 to vector<24x128xi32>
      %gt3A_666 = arith.cmpi sgt, %slice3A_46, %gt3A_665 : vector<24x128xi32>
      %and3A_667 = arith.andi %ge3A_664, %gt3A_666 : vector<24x128xi1>
      %jit3A_668 = arith.constant 0.000000e+00 : f32
      %broadcast_in_dim3A_669 = vector.broadcast %jit3A_668 : f32 to vector<24x128xf32>
      %select_n3A_670 = arith.select %and3A_667, %while3A_81, %broadcast_in_dim3A_669 : vector<24x128xi1>, vector<24x128xf32>
      %eq3A_671 = vector.broadcast %add3A_622 : i32 to vector<24x128xi32>
      %eq3A_672 = arith.cmpi eq, %slice3A_46, %eq3A_671 : vector<24x128xi32>
      %mul3A_673 = vector.broadcast %select_n3A_637 : f32 to vector<24x128xf32>
      %mul3A_674 = arith.mulf %while3A_81, %mul3A_673 : vector<24x128xf32>
      %jit3A_675 = arith.constant 0.000000e+00 : f32
      %broadcast_in_dim3A_676 = vector.broadcast %jit3A_675 : f32 to vector<24x128xf32>
      %select_n3A_677 = arith.select %eq3A_672, %mul3A_674, %broadcast_in_dim3A_676 : vector<24x128xi1>, vector<24x128xf32>
      %add3A_678 = arith.addf %select_n3A_670, %select_n3A_677 : vector<24x128xf32>
      %reduce_sum3A_679 = arith.constant dense<0.000000e+00> : vector<128xf32>
      %reduce_sum3A_680 = vector.multi_reduction <add>, %add3A_678, %reduce_sum3A_679 [0] : vector<24x128xf32> to vector<128xf32>
      %broadcast_in_dim3A_681 = vector.shape_cast %reduce_sum3A_680 : vector<128xf32> to vector<1x128xf32>
      %add3A_682 = arith.constant 10 : i32
      %add3A_683 = arith.addi %while3A_80, %add3A_682 : i32
      %get3A_684 = arith.index_cast %add3A_683 : i32 to index
      %get3A_685 = memref.load %arg0[%get3A_684] : memref<5120xf32, #tpu.memory_space<smem>>
      %get3A_686 = arith.index_cast %add3A_683 : i32 to index
      %get3A_687 = memref.load %arg1[%get3A_686] : memref<5120xf32, #tpu.memory_space<smem>>
      %get3A_688 = arith.index_cast %add3A_683 : i32 to index
      %get3A_689 = memref.load %arg2[%get3A_688] : memref<5120xf32, #tpu.memory_space<smem>>
      %get3A_690 = arith.index_cast %add3A_683 : i32 to index
      %get3A_691 = memref.load %arg3[%get3A_690] : memref<5120xf32, #tpu.memory_space<smem>>
      %get3A_692 = arith.index_cast %add3A_683 : i32 to index
      %get3A_693 = memref.load %arg4[%get3A_692] : memref<5120xf32, #tpu.memory_space<smem>>
      %ge3A_694 = arith.constant 4.000000e+00 : f32
      %ge3A_695 = arith.cmpf oge, %get3A_693, %ge3A_694 : f32
      %jit3A_696 = arith.constant 8.192000e+03 : f32
      %jit3A_697 = arith.constant 0.000000e+00 : f32
      %select_n3A_698 = arith.select %ge3A_695, %jit3A_696, %jit3A_697 : f32
      %min3A_699 = vector.broadcast %get3A_689 : f32 to vector<24x128xf32>
      %min3A_700 = arith.minimumf %slice3A_43, %min3A_699 : vector<24x128xf32>
      %max3A_701 = vector.broadcast %get3A_685 : f32 to vector<24x128xf32>
      %max3A_702 = arith.maximumf %slice3A_41, %max3A_701 : vector<24x128xf32>
      %sub3A_703 = arith.subf %min3A_700, %max3A_702 : vector<24x128xf32>
      %max3A_704 = arith.constant 0.000000e+00 : f32
      %max3A_705 = vector.broadcast %max3A_704 : f32 to vector<24x128xf32>
      %max3A_706 = arith.maximumf %sub3A_703, %max3A_705 : vector<24x128xf32>
      %min3A_707 = vector.broadcast %get3A_691 : f32 to vector<24x128xf32>
      %min3A_708 = arith.minimumf %slice3A_44, %min3A_707 : vector<24x128xf32>
      %max3A_709 = vector.broadcast %get3A_687 : f32 to vector<24x128xf32>
      %max3A_710 = arith.maximumf %slice3A_42, %max3A_709 : vector<24x128xf32>
      %sub3A_711 = arith.subf %min3A_708, %max3A_710 : vector<24x128xf32>
      %max3A_712 = arith.constant 0.000000e+00 : f32
      %max3A_713 = vector.broadcast %max3A_712 : f32 to vector<24x128xf32>
      %max3A_714 = arith.maximumf %sub3A_711, %max3A_713 : vector<24x128xf32>
      %mul3A_715 = arith.mulf %max3A_706, %max3A_714 : vector<24x128xf32>
      %add3A_716 = vector.broadcast %get3A_693 : f32 to vector<24x128xf32>
      %add3A_717 = arith.addf %add3A_716, %slice3A_45 : vector<24x128xf32>
      %sub3A_718 = arith.subf %add3A_717, %mul3A_715 : vector<24x128xf32>
      %add3A_719 = arith.constant 1.000000e-10 : f32
      %add3A_720 = vector.broadcast %add3A_719 : f32 to vector<24x128xf32>
      %add3A_721 = arith.addf %sub3A_718, %add3A_720 : vector<24x128xf32>
      %div3A_722 = arith.divf %mul3A_715, %add3A_721 : vector<24x128xf32>
      %ge3A_723 = arith.constant 2.000000e-01 : f32
      %ge3A_724 = vector.broadcast %ge3A_723 : f32 to vector<24x128xf32>
      %ge3A_725 = arith.cmpf oge, %div3A_722, %ge3A_724 : vector<24x128xf32>
      %gt3A_726 = vector.broadcast %add3A_683 : i32 to vector<24x128xi32>
      %gt3A_727 = arith.cmpi sgt, %slice3A_46, %gt3A_726 : vector<24x128xi32>
      %and3A_728 = arith.andi %ge3A_725, %gt3A_727 : vector<24x128xi1>
      %jit3A_729 = arith.constant 0.000000e+00 : f32
      %broadcast_in_dim3A_730 = vector.broadcast %jit3A_729 : f32 to vector<24x128xf32>
      %select_n3A_731 = arith.select %and3A_728, %while3A_81, %broadcast_in_dim3A_730 : vector<24x128xi1>, vector<24x128xf32>
      %eq3A_732 = vector.broadcast %add3A_683 : i32 to vector<24x128xi32>
      %eq3A_733 = arith.cmpi eq, %slice3A_46, %eq3A_732 : vector<24x128xi32>
      %mul3A_734 = vector.broadcast %select_n3A_698 : f32 to vector<24x128xf32>
      %mul3A_735 = arith.mulf %while3A_81, %mul3A_734 : vector<24x128xf32>
      %jit3A_736 = arith.constant 0.000000e+00 : f32
      %broadcast_in_dim3A_737 = vector.broadcast %jit3A_736 : f32 to vector<24x128xf32>
      %select_n3A_738 = arith.select %eq3A_733, %mul3A_735, %broadcast_in_dim3A_737 : vector<24x128xi1>, vector<24x128xf32>
      %add3A_739 = arith.addf %select_n3A_731, %select_n3A_738 : vector<24x128xf32>
      %reduce_sum3A_740 = arith.constant dense<0.000000e+00> : vector<128xf32>
      %reduce_sum3A_741 = vector.multi_reduction <add>, %add3A_739, %reduce_sum3A_740 [0] : vector<24x128xf32> to vector<128xf32>
      %broadcast_in_dim3A_742 = vector.shape_cast %reduce_sum3A_741 : vector<128xf32> to vector<1x128xf32>
      %add3A_743 = arith.constant 11 : i32
      %add3A_744 = arith.addi %while3A_80, %add3A_743 : i32
      %get3A_745 = arith.index_cast %add3A_744 : i32 to index
      %get3A_746 = memref.load %arg0[%get3A_745] : memref<5120xf32, #tpu.memory_space<smem>>
      %get3A_747 = arith.index_cast %add3A_744 : i32 to index
      %get3A_748 = memref.load %arg1[%get3A_747] : memref<5120xf32, #tpu.memory_space<smem>>
      %get3A_749 = arith.index_cast %add3A_744 : i32 to index
      %get3A_750 = memref.load %arg2[%get3A_749] : memref<5120xf32, #tpu.memory_space<smem>>
      %get3A_751 = arith.index_cast %add3A_744 : i32 to index
      %get3A_752 = memref.load %arg3[%get3A_751] : memref<5120xf32, #tpu.memory_space<smem>>
      %get3A_753 = arith.index_cast %add3A_744 : i32 to index
      %get3A_754 = memref.load %arg4[%get3A_753] : memref<5120xf32, #tpu.memory_space<smem>>
      %ge3A_755 = arith.constant 4.000000e+00 : f32
      %ge3A_756 = arith.cmpf oge, %get3A_754, %ge3A_755 : f32
      %jit3A_757 = arith.constant 8.192000e+03 : f32
      %jit3A_758 = arith.constant 0.000000e+00 : f32
      %select_n3A_759 = arith.select %ge3A_756, %jit3A_757, %jit3A_758 : f32
      %min3A_760 = vector.broadcast %get3A_750 : f32 to vector<24x128xf32>
      %min3A_761 = arith.minimumf %slice3A_43, %min3A_760 : vector<24x128xf32>
      %max3A_762 = vector.broadcast %get3A_746 : f32 to vector<24x128xf32>
      %max3A_763 = arith.maximumf %slice3A_41, %max3A_762 : vector<24x128xf32>
      %sub3A_764 = arith.subf %min3A_761, %max3A_763 : vector<24x128xf32>
      %max3A_765 = arith.constant 0.000000e+00 : f32
      %max3A_766 = vector.broadcast %max3A_765 : f32 to vector<24x128xf32>
      %max3A_767 = arith.maximumf %sub3A_764, %max3A_766 : vector<24x128xf32>
      %min3A_768 = vector.broadcast %get3A_752 : f32 to vector<24x128xf32>
      %min3A_769 = arith.minimumf %slice3A_44, %min3A_768 : vector<24x128xf32>
      %max3A_770 = vector.broadcast %get3A_748 : f32 to vector<24x128xf32>
      %max3A_771 = arith.maximumf %slice3A_42, %max3A_770 : vector<24x128xf32>
      %sub3A_772 = arith.subf %min3A_769, %max3A_771 : vector<24x128xf32>
      %max3A_773 = arith.constant 0.000000e+00 : f32
      %max3A_774 = vector.broadcast %max3A_773 : f32 to vector<24x128xf32>
      %max3A_775 = arith.maximumf %sub3A_772, %max3A_774 : vector<24x128xf32>
      %mul3A_776 = arith.mulf %max3A_767, %max3A_775 : vector<24x128xf32>
      %add3A_777 = vector.broadcast %get3A_754 : f32 to vector<24x128xf32>
      %add3A_778 = arith.addf %add3A_777, %slice3A_45 : vector<24x128xf32>
      %sub3A_779 = arith.subf %add3A_778, %mul3A_776 : vector<24x128xf32>
      %add3A_780 = arith.constant 1.000000e-10 : f32
      %add3A_781 = vector.broadcast %add3A_780 : f32 to vector<24x128xf32>
      %add3A_782 = arith.addf %sub3A_779, %add3A_781 : vector<24x128xf32>
      %div3A_783 = arith.divf %mul3A_776, %add3A_782 : vector<24x128xf32>
      %ge3A_784 = arith.constant 2.000000e-01 : f32
      %ge3A_785 = vector.broadcast %ge3A_784 : f32 to vector<24x128xf32>
      %ge3A_786 = arith.cmpf oge, %div3A_783, %ge3A_785 : vector<24x128xf32>
      %gt3A_787 = vector.broadcast %add3A_744 : i32 to vector<24x128xi32>
      %gt3A_788 = arith.cmpi sgt, %slice3A_46, %gt3A_787 : vector<24x128xi32>
      %and3A_789 = arith.andi %ge3A_786, %gt3A_788 : vector<24x128xi1>
      %jit3A_790 = arith.constant 0.000000e+00 : f32
      %broadcast_in_dim3A_791 = vector.broadcast %jit3A_790 : f32 to vector<24x128xf32>
      %select_n3A_792 = arith.select %and3A_789, %while3A_81, %broadcast_in_dim3A_791 : vector<24x128xi1>, vector<24x128xf32>
      %eq3A_793 = vector.broadcast %add3A_744 : i32 to vector<24x128xi32>
      %eq3A_794 = arith.cmpi eq, %slice3A_46, %eq3A_793 : vector<24x128xi32>
      %mul3A_795 = vector.broadcast %select_n3A_759 : f32 to vector<24x128xf32>
      %mul3A_796 = arith.mulf %while3A_81, %mul3A_795 : vector<24x128xf32>
      %jit3A_797 = arith.constant 0.000000e+00 : f32
      %broadcast_in_dim3A_798 = vector.broadcast %jit3A_797 : f32 to vector<24x128xf32>
      %select_n3A_799 = arith.select %eq3A_794, %mul3A_796, %broadcast_in_dim3A_798 : vector<24x128xi1>, vector<24x128xf32>
      %add3A_800 = arith.addf %select_n3A_792, %select_n3A_799 : vector<24x128xf32>
      %reduce_sum3A_801 = arith.constant dense<0.000000e+00> : vector<128xf32>
      %reduce_sum3A_802 = vector.multi_reduction <add>, %add3A_800, %reduce_sum3A_801 [0] : vector<24x128xf32> to vector<128xf32>
      %broadcast_in_dim3A_803 = vector.shape_cast %reduce_sum3A_802 : vector<128xf32> to vector<1x128xf32>
      %add3A_804 = arith.constant 12 : i32
      %add3A_805 = arith.addi %while3A_80, %add3A_804 : i32
      %get3A_806 = arith.index_cast %add3A_805 : i32 to index
      %get3A_807 = memref.load %arg0[%get3A_806] : memref<5120xf32, #tpu.memory_space<smem>>
      %get3A_808 = arith.index_cast %add3A_805 : i32 to index
      %get3A_809 = memref.load %arg1[%get3A_808] : memref<5120xf32, #tpu.memory_space<smem>>
      %get3A_810 = arith.index_cast %add3A_805 : i32 to index
      %get3A_811 = memref.load %arg2[%get3A_810] : memref<5120xf32, #tpu.memory_space<smem>>
      %get3A_812 = arith.index_cast %add3A_805 : i32 to index
      %get3A_813 = memref.load %arg3[%get3A_812] : memref<5120xf32, #tpu.memory_space<smem>>
      %get3A_814 = arith.index_cast %add3A_805 : i32 to index
      %get3A_815 = memref.load %arg4[%get3A_814] : memref<5120xf32, #tpu.memory_space<smem>>
      %ge3A_816 = arith.constant 4.000000e+00 : f32
      %ge3A_817 = arith.cmpf oge, %get3A_815, %ge3A_816 : f32
      %jit3A_818 = arith.constant 8.192000e+03 : f32
      %jit3A_819 = arith.constant 0.000000e+00 : f32
      %select_n3A_820 = arith.select %ge3A_817, %jit3A_818, %jit3A_819 : f32
      %min3A_821 = vector.broadcast %get3A_811 : f32 to vector<24x128xf32>
      %min3A_822 = arith.minimumf %slice3A_43, %min3A_821 : vector<24x128xf32>
      %max3A_823 = vector.broadcast %get3A_807 : f32 to vector<24x128xf32>
      %max3A_824 = arith.maximumf %slice3A_41, %max3A_823 : vector<24x128xf32>
      %sub3A_825 = arith.subf %min3A_822, %max3A_824 : vector<24x128xf32>
      %max3A_826 = arith.constant 0.000000e+00 : f32
      %max3A_827 = vector.broadcast %max3A_826 : f32 to vector<24x128xf32>
      %max3A_828 = arith.maximumf %sub3A_825, %max3A_827 : vector<24x128xf32>
      %min3A_829 = vector.broadcast %get3A_813 : f32 to vector<24x128xf32>
      %min3A_830 = arith.minimumf %slice3A_44, %min3A_829 : vector<24x128xf32>
      %max3A_831 = vector.broadcast %get3A_809 : f32 to vector<24x128xf32>
      %max3A_832 = arith.maximumf %slice3A_42, %max3A_831 : vector<24x128xf32>
      %sub3A_833 = arith.subf %min3A_830, %max3A_832 : vector<24x128xf32>
      %max3A_834 = arith.constant 0.000000e+00 : f32
      %max3A_835 = vector.broadcast %max3A_834 : f32 to vector<24x128xf32>
      %max3A_836 = arith.maximumf %sub3A_833, %max3A_835 : vector<24x128xf32>
      %mul3A_837 = arith.mulf %max3A_828, %max3A_836 : vector<24x128xf32>
      %add3A_838 = vector.broadcast %get3A_815 : f32 to vector<24x128xf32>
      %add3A_839 = arith.addf %add3A_838, %slice3A_45 : vector<24x128xf32>
      %sub3A_840 = arith.subf %add3A_839, %mul3A_837 : vector<24x128xf32>
      %add3A_841 = arith.constant 1.000000e-10 : f32
      %add3A_842 = vector.broadcast %add3A_841 : f32 to vector<24x128xf32>
      %add3A_843 = arith.addf %sub3A_840, %add3A_842 : vector<24x128xf32>
      %div3A_844 = arith.divf %mul3A_837, %add3A_843 : vector<24x128xf32>
      %ge3A_845 = arith.constant 2.000000e-01 : f32
      %ge3A_846 = vector.broadcast %ge3A_845 : f32 to vector<24x128xf32>
      %ge3A_847 = arith.cmpf oge, %div3A_844, %ge3A_846 : vector<24x128xf32>
      %gt3A_848 = vector.broadcast %add3A_805 : i32 to vector<24x128xi32>
      %gt3A_849 = arith.cmpi sgt, %slice3A_46, %gt3A_848 : vector<24x128xi32>
      %and3A_850 = arith.andi %ge3A_847, %gt3A_849 : vector<24x128xi1>
      %jit3A_851 = arith.constant 0.000000e+00 : f32
      %broadcast_in_dim3A_852 = vector.broadcast %jit3A_851 : f32 to vector<24x128xf32>
      %select_n3A_853 = arith.select %and3A_850, %while3A_81, %broadcast_in_dim3A_852 : vector<24x128xi1>, vector<24x128xf32>
      %eq3A_854 = vector.broadcast %add3A_805 : i32 to vector<24x128xi32>
      %eq3A_855 = arith.cmpi eq, %slice3A_46, %eq3A_854 : vector<24x128xi32>
      %mul3A_856 = vector.broadcast %select_n3A_820 : f32 to vector<24x128xf32>
      %mul3A_857 = arith.mulf %while3A_81, %mul3A_856 : vector<24x128xf32>
      %jit3A_858 = arith.constant 0.000000e+00 : f32
      %broadcast_in_dim3A_859 = vector.broadcast %jit3A_858 : f32 to vector<24x128xf32>
      %select_n3A_860 = arith.select %eq3A_855, %mul3A_857, %broadcast_in_dim3A_859 : vector<24x128xi1>, vector<24x128xf32>
      %add3A_861 = arith.addf %select_n3A_853, %select_n3A_860 : vector<24x128xf32>
      %reduce_sum3A_862 = arith.constant dense<0.000000e+00> : vector<128xf32>
      %reduce_sum3A_863 = vector.multi_reduction <add>, %add3A_861, %reduce_sum3A_862 [0] : vector<24x128xf32> to vector<128xf32>
      %broadcast_in_dim3A_864 = vector.shape_cast %reduce_sum3A_863 : vector<128xf32> to vector<1x128xf32>
      %add3A_865 = arith.constant 13 : i32
      %add3A_866 = arith.addi %while3A_80, %add3A_865 : i32
      %get3A_867 = arith.index_cast %add3A_866 : i32 to index
      %get3A_868 = memref.load %arg0[%get3A_867] : memref<5120xf32, #tpu.memory_space<smem>>
      %get3A_869 = arith.index_cast %add3A_866 : i32 to index
      %get3A_870 = memref.load %arg1[%get3A_869] : memref<5120xf32, #tpu.memory_space<smem>>
      %get3A_871 = arith.index_cast %add3A_866 : i32 to index
      %get3A_872 = memref.load %arg2[%get3A_871] : memref<5120xf32, #tpu.memory_space<smem>>
      %get3A_873 = arith.index_cast %add3A_866 : i32 to index
      %get3A_874 = memref.load %arg3[%get3A_873] : memref<5120xf32, #tpu.memory_space<smem>>
      %get3A_875 = arith.index_cast %add3A_866 : i32 to index
      %get3A_876 = memref.load %arg4[%get3A_875] : memref<5120xf32, #tpu.memory_space<smem>>
      %ge3A_877 = arith.constant 4.000000e+00 : f32
      %ge3A_878 = arith.cmpf oge, %get3A_876, %ge3A_877 : f32
      %jit3A_879 = arith.constant 8.192000e+03 : f32
      %jit3A_880 = arith.constant 0.000000e+00 : f32
      %select_n3A_881 = arith.select %ge3A_878, %jit3A_879, %jit3A_880 : f32
      %min3A_882 = vector.broadcast %get3A_872 : f32 to vector<24x128xf32>
      %min3A_883 = arith.minimumf %slice3A_43, %min3A_882 : vector<24x128xf32>
      %max3A_884 = vector.broadcast %get3A_868 : f32 to vector<24x128xf32>
      %max3A_885 = arith.maximumf %slice3A_41, %max3A_884 : vector<24x128xf32>
      %sub3A_886 = arith.subf %min3A_883, %max3A_885 : vector<24x128xf32>
      %max3A_887 = arith.constant 0.000000e+00 : f32
      %max3A_888 = vector.broadcast %max3A_887 : f32 to vector<24x128xf32>
      %max3A_889 = arith.maximumf %sub3A_886, %max3A_888 : vector<24x128xf32>
      %min3A_890 = vector.broadcast %get3A_874 : f32 to vector<24x128xf32>
      %min3A_891 = arith.minimumf %slice3A_44, %min3A_890 : vector<24x128xf32>
      %max3A_892 = vector.broadcast %get3A_870 : f32 to vector<24x128xf32>
      %max3A_893 = arith.maximumf %slice3A_42, %max3A_892 : vector<24x128xf32>
      %sub3A_894 = arith.subf %min3A_891, %max3A_893 : vector<24x128xf32>
      %max3A_895 = arith.constant 0.000000e+00 : f32
      %max3A_896 = vector.broadcast %max3A_895 : f32 to vector<24x128xf32>
      %max3A_897 = arith.maximumf %sub3A_894, %max3A_896 : vector<24x128xf32>
      %mul3A_898 = arith.mulf %max3A_889, %max3A_897 : vector<24x128xf32>
      %add3A_899 = vector.broadcast %get3A_876 : f32 to vector<24x128xf32>
      %add3A_900 = arith.addf %add3A_899, %slice3A_45 : vector<24x128xf32>
      %sub3A_901 = arith.subf %add3A_900, %mul3A_898 : vector<24x128xf32>
      %add3A_902 = arith.constant 1.000000e-10 : f32
      %add3A_903 = vector.broadcast %add3A_902 : f32 to vector<24x128xf32>
      %add3A_904 = arith.addf %sub3A_901, %add3A_903 : vector<24x128xf32>
      %div3A_905 = arith.divf %mul3A_898, %add3A_904 : vector<24x128xf32>
      %ge3A_906 = arith.constant 2.000000e-01 : f32
      %ge3A_907 = vector.broadcast %ge3A_906 : f32 to vector<24x128xf32>
      %ge3A_908 = arith.cmpf oge, %div3A_905, %ge3A_907 : vector<24x128xf32>
      %gt3A_909 = vector.broadcast %add3A_866 : i32 to vector<24x128xi32>
      %gt3A_910 = arith.cmpi sgt, %slice3A_46, %gt3A_909 : vector<24x128xi32>
      %and3A_911 = arith.andi %ge3A_908, %gt3A_910 : vector<24x128xi1>
      %jit3A_912 = arith.constant 0.000000e+00 : f32
      %broadcast_in_dim3A_913 = vector.broadcast %jit3A_912 : f32 to vector<24x128xf32>
      %select_n3A_914 = arith.select %and3A_911, %while3A_81, %broadcast_in_dim3A_913 : vector<24x128xi1>, vector<24x128xf32>
      %eq3A_915 = vector.broadcast %add3A_866 : i32 to vector<24x128xi32>
      %eq3A_916 = arith.cmpi eq, %slice3A_46, %eq3A_915 : vector<24x128xi32>
      %mul3A_917 = vector.broadcast %select_n3A_881 : f32 to vector<24x128xf32>
      %mul3A_918 = arith.mulf %while3A_81, %mul3A_917 : vector<24x128xf32>
      %jit3A_919 = arith.constant 0.000000e+00 : f32
      %broadcast_in_dim3A_920 = vector.broadcast %jit3A_919 : f32 to vector<24x128xf32>
      %select_n3A_921 = arith.select %eq3A_916, %mul3A_918, %broadcast_in_dim3A_920 : vector<24x128xi1>, vector<24x128xf32>
      %add3A_922 = arith.addf %select_n3A_914, %select_n3A_921 : vector<24x128xf32>
      %reduce_sum3A_923 = arith.constant dense<0.000000e+00> : vector<128xf32>
      %reduce_sum3A_924 = vector.multi_reduction <add>, %add3A_922, %reduce_sum3A_923 [0] : vector<24x128xf32> to vector<128xf32>
      %broadcast_in_dim3A_925 = vector.shape_cast %reduce_sum3A_924 : vector<128xf32> to vector<1x128xf32>
      %add3A_926 = arith.constant 14 : i32
      %add3A_927 = arith.addi %while3A_80, %add3A_926 : i32
      %get3A_928 = arith.index_cast %add3A_927 : i32 to index
      %get3A_929 = memref.load %arg0[%get3A_928] : memref<5120xf32, #tpu.memory_space<smem>>
      %get3A_930 = arith.index_cast %add3A_927 : i32 to index
      %get3A_931 = memref.load %arg1[%get3A_930] : memref<5120xf32, #tpu.memory_space<smem>>
      %get3A_932 = arith.index_cast %add3A_927 : i32 to index
      %get3A_933 = memref.load %arg2[%get3A_932] : memref<5120xf32, #tpu.memory_space<smem>>
      %get3A_934 = arith.index_cast %add3A_927 : i32 to index
      %get3A_935 = memref.load %arg3[%get3A_934] : memref<5120xf32, #tpu.memory_space<smem>>
      %get3A_936 = arith.index_cast %add3A_927 : i32 to index
      %get3A_937 = memref.load %arg4[%get3A_936] : memref<5120xf32, #tpu.memory_space<smem>>
      %ge3A_938 = arith.constant 4.000000e+00 : f32
      %ge3A_939 = arith.cmpf oge, %get3A_937, %ge3A_938 : f32
      %jit3A_940 = arith.constant 8.192000e+03 : f32
      %jit3A_941 = arith.constant 0.000000e+00 : f32
      %select_n3A_942 = arith.select %ge3A_939, %jit3A_940, %jit3A_941 : f32
      %min3A_943 = vector.broadcast %get3A_933 : f32 to vector<24x128xf32>
      %min3A_944 = arith.minimumf %slice3A_43, %min3A_943 : vector<24x128xf32>
      %max3A_945 = vector.broadcast %get3A_929 : f32 to vector<24x128xf32>
      %max3A_946 = arith.maximumf %slice3A_41, %max3A_945 : vector<24x128xf32>
      %sub3A_947 = arith.subf %min3A_944, %max3A_946 : vector<24x128xf32>
      %max3A_948 = arith.constant 0.000000e+00 : f32
      %max3A_949 = vector.broadcast %max3A_948 : f32 to vector<24x128xf32>
      %max3A_950 = arith.maximumf %sub3A_947, %max3A_949 : vector<24x128xf32>
      %min3A_951 = vector.broadcast %get3A_935 : f32 to vector<24x128xf32>
      %min3A_952 = arith.minimumf %slice3A_44, %min3A_951 : vector<24x128xf32>
      %max3A_953 = vector.broadcast %get3A_931 : f32 to vector<24x128xf32>
      %max3A_954 = arith.maximumf %slice3A_42, %max3A_953 : vector<24x128xf32>
      %sub3A_955 = arith.subf %min3A_952, %max3A_954 : vector<24x128xf32>
      %max3A_956 = arith.constant 0.000000e+00 : f32
      %max3A_957 = vector.broadcast %max3A_956 : f32 to vector<24x128xf32>
      %max3A_958 = arith.maximumf %sub3A_955, %max3A_957 : vector<24x128xf32>
      %mul3A_959 = arith.mulf %max3A_950, %max3A_958 : vector<24x128xf32>
      %add3A_960 = vector.broadcast %get3A_937 : f32 to vector<24x128xf32>
      %add3A_961 = arith.addf %add3A_960, %slice3A_45 : vector<24x128xf32>
      %sub3A_962 = arith.subf %add3A_961, %mul3A_959 : vector<24x128xf32>
      %add3A_963 = arith.constant 1.000000e-10 : f32
      %add3A_964 = vector.broadcast %add3A_963 : f32 to vector<24x128xf32>
      %add3A_965 = arith.addf %sub3A_962, %add3A_964 : vector<24x128xf32>
      %div3A_966 = arith.divf %mul3A_959, %add3A_965 : vector<24x128xf32>
      %ge3A_967 = arith.constant 2.000000e-01 : f32
      %ge3A_968 = vector.broadcast %ge3A_967 : f32 to vector<24x128xf32>
      %ge3A_969 = arith.cmpf oge, %div3A_966, %ge3A_968 : vector<24x128xf32>
      %gt3A_970 = vector.broadcast %add3A_927 : i32 to vector<24x128xi32>
      %gt3A_971 = arith.cmpi sgt, %slice3A_46, %gt3A_970 : vector<24x128xi32>
      %and3A_972 = arith.andi %ge3A_969, %gt3A_971 : vector<24x128xi1>
      %jit3A_973 = arith.constant 0.000000e+00 : f32
      %broadcast_in_dim3A_974 = vector.broadcast %jit3A_973 : f32 to vector<24x128xf32>
      %select_n3A_975 = arith.select %and3A_972, %while3A_81, %broadcast_in_dim3A_974 : vector<24x128xi1>, vector<24x128xf32>
      %eq3A_976 = vector.broadcast %add3A_927 : i32 to vector<24x128xi32>
      %eq3A_977 = arith.cmpi eq, %slice3A_46, %eq3A_976 : vector<24x128xi32>
      %mul3A_978 = vector.broadcast %select_n3A_942 : f32 to vector<24x128xf32>
      %mul3A_979 = arith.mulf %while3A_81, %mul3A_978 : vector<24x128xf32>
      %jit3A_980 = arith.constant 0.000000e+00 : f32
      %broadcast_in_dim3A_981 = vector.broadcast %jit3A_980 : f32 to vector<24x128xf32>
      %select_n3A_982 = arith.select %eq3A_977, %mul3A_979, %broadcast_in_dim3A_981 : vector<24x128xi1>, vector<24x128xf32>
      %add3A_983 = arith.addf %select_n3A_975, %select_n3A_982 : vector<24x128xf32>
      %reduce_sum3A_984 = arith.constant dense<0.000000e+00> : vector<128xf32>
      %reduce_sum3A_985 = vector.multi_reduction <add>, %add3A_983, %reduce_sum3A_984 [0] : vector<24x128xf32> to vector<128xf32>
      %broadcast_in_dim3A_986 = vector.shape_cast %reduce_sum3A_985 : vector<128xf32> to vector<1x128xf32>
      %add3A_987 = arith.constant 15 : i32
      %add3A_988 = arith.addi %while3A_80, %add3A_987 : i32
      %get3A_989 = arith.index_cast %add3A_988 : i32 to index
      %get3A_990 = memref.load %arg0[%get3A_989] : memref<5120xf32, #tpu.memory_space<smem>>
      %get3A_991 = arith.index_cast %add3A_988 : i32 to index
      %get3A_992 = memref.load %arg1[%get3A_991] : memref<5120xf32, #tpu.memory_space<smem>>
      %get3A_993 = arith.index_cast %add3A_988 : i32 to index
      %get3A_994 = memref.load %arg2[%get3A_993] : memref<5120xf32, #tpu.memory_space<smem>>
      %get3A_995 = arith.index_cast %add3A_988 : i32 to index
      %get3A_996 = memref.load %arg3[%get3A_995] : memref<5120xf32, #tpu.memory_space<smem>>
      %get3A_997 = arith.index_cast %add3A_988 : i32 to index
      %get3A_998 = memref.load %arg4[%get3A_997] : memref<5120xf32, #tpu.memory_space<smem>>
      %ge3A_999 = arith.constant 4.000000e+00 : f32
      %ge3A_1000 = arith.cmpf oge, %get3A_998, %ge3A_999 : f32
      %jit3A_1001 = arith.constant 8.192000e+03 : f32
      %jit3A_1002 = arith.constant 0.000000e+00 : f32
      %select_n3A_1003 = arith.select %ge3A_1000, %jit3A_1001, %jit3A_1002 : f32
      %min3A_1004 = vector.broadcast %get3A_994 : f32 to vector<24x128xf32>
      %min3A_1005 = arith.minimumf %slice3A_43, %min3A_1004 : vector<24x128xf32>
      %max3A_1006 = vector.broadcast %get3A_990 : f32 to vector<24x128xf32>
      %max3A_1007 = arith.maximumf %slice3A_41, %max3A_1006 : vector<24x128xf32>
      %sub3A_1008 = arith.subf %min3A_1005, %max3A_1007 : vector<24x128xf32>
      %max3A_1009 = arith.constant 0.000000e+00 : f32
      %max3A_1010 = vector.broadcast %max3A_1009 : f32 to vector<24x128xf32>
      %max3A_1011 = arith.maximumf %sub3A_1008, %max3A_1010 : vector<24x128xf32>
      %min3A_1012 = vector.broadcast %get3A_996 : f32 to vector<24x128xf32>
      %min3A_1013 = arith.minimumf %slice3A_44, %min3A_1012 : vector<24x128xf32>
      %max3A_1014 = vector.broadcast %get3A_992 : f32 to vector<24x128xf32>
      %max3A_1015 = arith.maximumf %slice3A_42, %max3A_1014 : vector<24x128xf32>
      %sub3A_1016 = arith.subf %min3A_1013, %max3A_1015 : vector<24x128xf32>
      %max3A_1017 = arith.constant 0.000000e+00 : f32
      %max3A_1018 = vector.broadcast %max3A_1017 : f32 to vector<24x128xf32>
      %max3A_1019 = arith.maximumf %sub3A_1016, %max3A_1018 : vector<24x128xf32>
      %mul3A_1020 = arith.mulf %max3A_1011, %max3A_1019 : vector<24x128xf32>
      %add3A_1021 = vector.broadcast %get3A_998 : f32 to vector<24x128xf32>
      %add3A_1022 = arith.addf %add3A_1021, %slice3A_45 : vector<24x128xf32>
      %sub3A_1023 = arith.subf %add3A_1022, %mul3A_1020 : vector<24x128xf32>
      %add3A_1024 = arith.constant 1.000000e-10 : f32
      %add3A_1025 = vector.broadcast %add3A_1024 : f32 to vector<24x128xf32>
      %add3A_1026 = arith.addf %sub3A_1023, %add3A_1025 : vector<24x128xf32>
      %div3A_1027 = arith.divf %mul3A_1020, %add3A_1026 : vector<24x128xf32>
      %ge3A_1028 = arith.constant 2.000000e-01 : f32
      %ge3A_1029 = vector.broadcast %ge3A_1028 : f32 to vector<24x128xf32>
      %ge3A_1030 = arith.cmpf oge, %div3A_1027, %ge3A_1029 : vector<24x128xf32>
      %gt3A_1031 = vector.broadcast %add3A_988 : i32 to vector<24x128xi32>
      %gt3A_1032 = arith.cmpi sgt, %slice3A_46, %gt3A_1031 : vector<24x128xi32>
      %and3A_1033 = arith.andi %ge3A_1030, %gt3A_1032 : vector<24x128xi1>
      %jit3A_1034 = arith.constant 0.000000e+00 : f32
      %broadcast_in_dim3A_1035 = vector.broadcast %jit3A_1034 : f32 to vector<24x128xf32>
      %select_n3A_1036 = arith.select %and3A_1033, %while3A_81, %broadcast_in_dim3A_1035 : vector<24x128xi1>, vector<24x128xf32>
      %eq3A_1037 = vector.broadcast %add3A_988 : i32 to vector<24x128xi32>
      %eq3A_1038 = arith.cmpi eq, %slice3A_46, %eq3A_1037 : vector<24x128xi32>
      %mul3A_1039 = vector.broadcast %select_n3A_1003 : f32 to vector<24x128xf32>
      %mul3A_1040 = arith.mulf %while3A_81, %mul3A_1039 : vector<24x128xf32>
      %jit3A_1041 = arith.constant 0.000000e+00 : f32
      %broadcast_in_dim3A_1042 = vector.broadcast %jit3A_1041 : f32 to vector<24x128xf32>
      %select_n3A_1043 = arith.select %eq3A_1038, %mul3A_1040, %broadcast_in_dim3A_1042 : vector<24x128xi1>, vector<24x128xf32>
      %add3A_1044 = arith.addf %select_n3A_1036, %select_n3A_1043 : vector<24x128xf32>
      %reduce_sum3A_1045 = arith.constant dense<0.000000e+00> : vector<128xf32>
      %reduce_sum3A_1046 = vector.multi_reduction <add>, %add3A_1044, %reduce_sum3A_1045 [0] : vector<24x128xf32> to vector<128xf32>
      %broadcast_in_dim3A_1047 = vector.shape_cast %reduce_sum3A_1046 : vector<128xf32> to vector<1x128xf32>
      %concatenate3A = tpu.concatenate %broadcast_in_dim3A_132, %broadcast_in_dim3A_193, %broadcast_in_dim3A_254, %broadcast_in_dim3A_315, %broadcast_in_dim3A_376, %broadcast_in_dim3A_437, %broadcast_in_dim3A_498, %broadcast_in_dim3A_559, %broadcast_in_dim3A_620, %broadcast_in_dim3A_681, %broadcast_in_dim3A_742, %broadcast_in_dim3A_803, %broadcast_in_dim3A_864, %broadcast_in_dim3A_925, %broadcast_in_dim3A_986, %broadcast_in_dim3A_1047 in 0 : vector<1x128xf32>, vector<1x128xf32>, vector<1x128xf32>, vector<1x128xf32>, vector<1x128xf32>, vector<1x128xf32>, vector<1x128xf32>, vector<1x128xf32>, vector<1x128xf32>, vector<1x128xf32>, vector<1x128xf32>, vector<1x128xf32>, vector<1x128xf32>, vector<1x128xf32>, vector<1x128xf32>, vector<1x128xf32> -> vector<16x128xf32>
      %reduce_sum3A_1048 = arith.constant dense<0.000000e+00> : vector<16xf32>
      %reduce_sum3A_1049 = vector.multi_reduction <add>, %concatenate3A, %reduce_sum3A_1048 [1] : vector<16x128xf32> to vector<16xf32>
      %broadcast_in_dim3A_1050 = vector.shape_cast %reduce_sum3A_1049 : vector<16xf32> to vector<16x1xf32>
      %ge3A_1051 = arith.constant 8.202000e+03 : f32
      %ge3A_1052 = vector.broadcast %ge3A_1051 : f32 to vector<16x1xf32>
      %ge3A_1053 = arith.cmpf oge, %broadcast_in_dim3A_1050, %ge3A_1052 : vector<16x1xf32>
      %jit3A_1054 = arith.constant 16 : i32
      %broadcast_in_dim3A_1055 = vector.broadcast %jit3A_1054 : i32 to vector<16x1xi32>
      %select_n3A_1056 = arith.select %ge3A_1053, %iota3A_17, %broadcast_in_dim3A_1055 : vector<16x1xi1>, vector<16x1xi32>
      %reduce_min3A = arith.constant dense<2147483647> : vector<1xi32>
      %reduce_min3A_1057 = vector.multi_reduction <minsi>, %select_n3A_1056, %reduce_min3A [0] : vector<16x1xi32> to vector<1xi32>
      %broadcast_in_dim3A_1058 = vector.shape_cast %reduce_min3A_1057 : vector<1xi32> to vector<1x1xi32>
      %lt3A = arith.constant 16 : i32
      %lt3A_1059 = vector.broadcast %lt3A : i32 to vector<1x1xi32>
      %lt3A_1060 = arith.cmpi slt, %broadcast_in_dim3A_1058, %lt3A_1059 : vector<1x1xi32>
      %jit3A_1061 = arith.constant 1.000000e+00 : f32
      %jit3A_1062 = arith.constant 0.000000e+00 : f32
      %broadcast_in_dim3A_1063 = vector.broadcast %jit3A_1061 : f32 to vector<1x1xf32>
      %broadcast_in_dim3A_1064 = vector.broadcast %jit3A_1062 : f32 to vector<1x1xf32>
      %select_n3A_1065 = arith.select %lt3A_1060, %broadcast_in_dim3A_1063, %broadcast_in_dim3A_1064 : vector<1x1xi1>, vector<1x1xf32>
      %add3A_1066 = vector.broadcast %while3A_80 : i32 to vector<1x1xi32>
      %add3A_1067 = arith.addi %add3A_1066, %broadcast_in_dim3A_1058 : vector<1x1xi32>
      %eq3A_1068 = vector.broadcast %add3A_1067 : vector<1x1xi32> to vector<24x128xi32>
      %eq3A_1069 = arith.cmpi eq, %slice3A_46, %eq3A_1068 : vector<24x128xi32>
      %jit3A_1070 = arith.constant 0.000000e+00 : f32
      %broadcast_in_dim3A_1071 = vector.shape_cast %select_n3A_1065 : vector<1x1xf32> to vector<1x1xf32>
      %broadcast_in_dim3A_1072 = vector.broadcast %broadcast_in_dim3A_1071 : vector<1x1xf32> to vector<24x128xf32>
      %broadcast_in_dim3A_1073 = vector.broadcast %jit3A_1070 : f32 to vector<24x128xf32>
      %select_n3A_1074 = arith.select %eq3A_1069, %broadcast_in_dim3A_1072, %broadcast_in_dim3A_1073 : vector<24x128xi1>, vector<24x128xf32>
      %add3A_1075 = arith.addf %while3A_82, %select_n3A_1074 : vector<24x128xf32>
      %and3A_1076 = arith.constant 1 : i32
      %and3A_1077 = vector.broadcast %and3A_1076 : i32 to vector<1x1xi32>
      %and3A_1078 = arith.andi %broadcast_in_dim3A_1058, %and3A_1077 : vector<1x1xi32>
      %ne3A = arith.constant 0 : i32
      %ne3A_1079 = vector.broadcast %ne3A : i32 to vector<1x1xi32>
      %ne3A_1080 = arith.cmpi ne, %and3A_1078, %ne3A_1079 : vector<1x1xi32>
      %broadcast_in_dim3A_1081 = vector.shape_cast %ne3A_1080 : vector<1x1xi1> to vector<1x1xi1>
      %broadcast_in_dim3A_1082 = vector.broadcast %broadcast_in_dim3A_1081 : vector<1x1xi1> to vector<24x128xi1>
      %select_n3A_1083 = arith.select %broadcast_in_dim3A_1082, %select_n3A_182, %select_n3A_123 : vector<24x128xi1>, vector<24x128xf32>
      %and3A_1084 = arith.constant 1 : i32
      %and3A_1085 = vector.broadcast %and3A_1084 : i32 to vector<1x1xi32>
      %and3A_1086 = arith.andi %broadcast_in_dim3A_1058, %and3A_1085 : vector<1x1xi32>
      %ne3A_1087 = arith.constant 0 : i32
      %ne3A_1088 = vector.broadcast %ne3A_1087 : i32 to vector<1x1xi32>
      %ne3A_1089 = arith.cmpi ne, %and3A_1086, %ne3A_1088 : vector<1x1xi32>
      %broadcast_in_dim3A_1090 = vector.shape_cast %ne3A_1089 : vector<1x1xi1> to vector<1x1xi1>
      %broadcast_in_dim3A_1091 = vector.broadcast %broadcast_in_dim3A_1090 : vector<1x1xi1> to vector<24x128xi1>
      %select_n3A_1092 = arith.select %broadcast_in_dim3A_1091, %select_n3A_304, %select_n3A_243 : vector<24x128xi1>, vector<24x128xf32>
      %and3A_1093 = arith.constant 1 : i32
      %and3A_1094 = vector.broadcast %and3A_1093 : i32 to vector<1x1xi32>
      %and3A_1095 = arith.andi %broadcast_in_dim3A_1058, %and3A_1094 : vector<1x1xi32>
      %ne3A_1096 = arith.constant 0 : i32
      %ne3A_1097 = vector.broadcast %ne3A_1096 : i32 to vector<1x1xi32>
      %ne3A_1098 = arith.cmpi ne, %and3A_1095, %ne3A_1097 : vector<1x1xi32>
      %broadcast_in_dim3A_1099 = vector.shape_cast %ne3A_1098 : vector<1x1xi1> to vector<1x1xi1>
      %broadcast_in_dim3A_1100 = vector.broadcast %broadcast_in_dim3A_1099 : vector<1x1xi1> to vector<24x128xi1>
      %select_n3A_1101 = arith.select %broadcast_in_dim3A_1100, %select_n3A_426, %select_n3A_365 : vector<24x128xi1>, vector<24x128xf32>
      %and3A_1102 = arith.constant 1 : i32
      %and3A_1103 = vector.broadcast %and3A_1102 : i32 to vector<1x1xi32>
      %and3A_1104 = arith.andi %broadcast_in_dim3A_1058, %and3A_1103 : vector<1x1xi32>
      %ne3A_1105 = arith.constant 0 : i32
      %ne3A_1106 = vector.broadcast %ne3A_1105 : i32 to vector<1x1xi32>
      %ne3A_1107 = arith.cmpi ne, %and3A_1104, %ne3A_1106 : vector<1x1xi32>
      %broadcast_in_dim3A_1108 = vector.shape_cast %ne3A_1107 : vector<1x1xi1> to vector<1x1xi1>
      %broadcast_in_dim3A_1109 = vector.broadcast %broadcast_in_dim3A_1108 : vector<1x1xi1> to vector<24x128xi1>
      %select_n3A_1110 = arith.select %broadcast_in_dim3A_1109, %select_n3A_548, %select_n3A_487 : vector<24x128xi1>, vector<24x128xf32>
      %and3A_1111 = arith.constant 1 : i32
      %and3A_1112 = vector.broadcast %and3A_1111 : i32 to vector<1x1xi32>
      %and3A_1113 = arith.andi %broadcast_in_dim3A_1058, %and3A_1112 : vector<1x1xi32>
      %ne3A_1114 = arith.constant 0 : i32
      %ne3A_1115 = vector.broadcast %ne3A_1114 : i32 to vector<1x1xi32>
      %ne3A_1116 = arith.cmpi ne, %and3A_1113, %ne3A_1115 : vector<1x1xi32>
      %broadcast_in_dim3A_1117 = vector.shape_cast %ne3A_1116 : vector<1x1xi1> to vector<1x1xi1>
      %broadcast_in_dim3A_1118 = vector.broadcast %broadcast_in_dim3A_1117 : vector<1x1xi1> to vector<24x128xi1>
      %select_n3A_1119 = arith.select %broadcast_in_dim3A_1118, %select_n3A_670, %select_n3A_609 : vector<24x128xi1>, vector<24x128xf32>
      %and3A_1120 = arith.constant 1 : i32
      %and3A_1121 = vector.broadcast %and3A_1120 : i32 to vector<1x1xi32>
      %and3A_1122 = arith.andi %broadcast_in_dim3A_1058, %and3A_1121 : vector<1x1xi32>
      %ne3A_1123 = arith.constant 0 : i32
      %ne3A_1124 = vector.broadcast %ne3A_1123 : i32 to vector<1x1xi32>
      %ne3A_1125 = arith.cmpi ne, %and3A_1122, %ne3A_1124 : vector<1x1xi32>
      %broadcast_in_dim3A_1126 = vector.shape_cast %ne3A_1125 : vector<1x1xi1> to vector<1x1xi1>
      %broadcast_in_dim3A_1127 = vector.broadcast %broadcast_in_dim3A_1126 : vector<1x1xi1> to vector<24x128xi1>
      %select_n3A_1128 = arith.select %broadcast_in_dim3A_1127, %select_n3A_792, %select_n3A_731 : vector<24x128xi1>, vector<24x128xf32>
      %and3A_1129 = arith.constant 1 : i32
      %and3A_1130 = vector.broadcast %and3A_1129 : i32 to vector<1x1xi32>
      %and3A_1131 = arith.andi %broadcast_in_dim3A_1058, %and3A_1130 : vector<1x1xi32>
      %ne3A_1132 = arith.constant 0 : i32
      %ne3A_1133 = vector.broadcast %ne3A_1132 : i32 to vector<1x1xi32>
      %ne3A_1134 = arith.cmpi ne, %and3A_1131, %ne3A_1133 : vector<1x1xi32>
      %broadcast_in_dim3A_1135 = vector.shape_cast %ne3A_1134 : vector<1x1xi1> to vector<1x1xi1>
      %broadcast_in_dim3A_1136 = vector.broadcast %broadcast_in_dim3A_1135 : vector<1x1xi1> to vector<24x128xi1>
      %select_n3A_1137 = arith.select %broadcast_in_dim3A_1136, %select_n3A_914, %select_n3A_853 : vector<24x128xi1>, vector<24x128xf32>
      %and3A_1138 = arith.constant 1 : i32
      %and3A_1139 = vector.broadcast %and3A_1138 : i32 to vector<1x1xi32>
      %and3A_1140 = arith.andi %broadcast_in_dim3A_1058, %and3A_1139 : vector<1x1xi32>
      %ne3A_1141 = arith.constant 0 : i32
      %ne3A_1142 = vector.broadcast %ne3A_1141 : i32 to vector<1x1xi32>
      %ne3A_1143 = arith.cmpi ne, %and3A_1140, %ne3A_1142 : vector<1x1xi32>
      %broadcast_in_dim3A_1144 = vector.shape_cast %ne3A_1143 : vector<1x1xi1> to vector<1x1xi1>
      %broadcast_in_dim3A_1145 = vector.broadcast %broadcast_in_dim3A_1144 : vector<1x1xi1> to vector<24x128xi1>
      %select_n3A_1146 = arith.select %broadcast_in_dim3A_1145, %select_n3A_1036, %select_n3A_975 : vector<24x128xi1>, vector<24x128xf32>
      %and3A_1147 = arith.constant 2 : i32
      %and3A_1148 = vector.broadcast %and3A_1147 : i32 to vector<1x1xi32>
      %and3A_1149 = arith.andi %broadcast_in_dim3A_1058, %and3A_1148 : vector<1x1xi32>
      %ne3A_1150 = arith.constant 0 : i32
      %ne3A_1151 = vector.broadcast %ne3A_1150 : i32 to vector<1x1xi32>
      %ne3A_1152 = arith.cmpi ne, %and3A_1149, %ne3A_1151 : vector<1x1xi32>
      %broadcast_in_dim3A_1153 = vector.shape_cast %ne3A_1152 : vector<1x1xi1> to vector<1x1xi1>
      %broadcast_in_dim3A_1154 = vector.broadcast %broadcast_in_dim3A_1153 : vector<1x1xi1> to vector<24x128xi1>
      %select_n3A_1155 = arith.select %broadcast_in_dim3A_1154, %select_n3A_1092, %select_n3A_1083 : vector<24x128xi1>, vector<24x128xf32>
      %and3A_1156 = arith.constant 2 : i32
      %and3A_1157 = vector.broadcast %and3A_1156 : i32 to vector<1x1xi32>
      %and3A_1158 = arith.andi %broadcast_in_dim3A_1058, %and3A_1157 : vector<1x1xi32>
      %ne3A_1159 = arith.constant 0 : i32
      %ne3A_1160 = vector.broadcast %ne3A_1159 : i32 to vector<1x1xi32>
      %ne3A_1161 = arith.cmpi ne, %and3A_1158, %ne3A_1160 : vector<1x1xi32>
      %broadcast_in_dim3A_1162 = vector.shape_cast %ne3A_1161 : vector<1x1xi1> to vector<1x1xi1>
      %broadcast_in_dim3A_1163 = vector.broadcast %broadcast_in_dim3A_1162 : vector<1x1xi1> to vector<24x128xi1>
      %select_n3A_1164 = arith.select %broadcast_in_dim3A_1163, %select_n3A_1110, %select_n3A_1101 : vector<24x128xi1>, vector<24x128xf32>
      %and3A_1165 = arith.constant 2 : i32
      %and3A_1166 = vector.broadcast %and3A_1165 : i32 to vector<1x1xi32>
      %and3A_1167 = arith.andi %broadcast_in_dim3A_1058, %and3A_1166 : vector<1x1xi32>
      %ne3A_1168 = arith.constant 0 : i32
      %ne3A_1169 = vector.broadcast %ne3A_1168 : i32 to vector<1x1xi32>
      %ne3A_1170 = arith.cmpi ne, %and3A_1167, %ne3A_1169 : vector<1x1xi32>
      %broadcast_in_dim3A_1171 = vector.shape_cast %ne3A_1170 : vector<1x1xi1> to vector<1x1xi1>
      %broadcast_in_dim3A_1172 = vector.broadcast %broadcast_in_dim3A_1171 : vector<1x1xi1> to vector<24x128xi1>
      %select_n3A_1173 = arith.select %broadcast_in_dim3A_1172, %select_n3A_1128, %select_n3A_1119 : vector<24x128xi1>, vector<24x128xf32>
      %and3A_1174 = arith.constant 2 : i32
      %and3A_1175 = vector.broadcast %and3A_1174 : i32 to vector<1x1xi32>
      %and3A_1176 = arith.andi %broadcast_in_dim3A_1058, %and3A_1175 : vector<1x1xi32>
      %ne3A_1177 = arith.constant 0 : i32
      %ne3A_1178 = vector.broadcast %ne3A_1177 : i32 to vector<1x1xi32>
      %ne3A_1179 = arith.cmpi ne, %and3A_1176, %ne3A_1178 : vector<1x1xi32>
      %broadcast_in_dim3A_1180 = vector.shape_cast %ne3A_1179 : vector<1x1xi1> to vector<1x1xi1>
      %broadcast_in_dim3A_1181 = vector.broadcast %broadcast_in_dim3A_1180 : vector<1x1xi1> to vector<24x128xi1>
      %select_n3A_1182 = arith.select %broadcast_in_dim3A_1181, %select_n3A_1146, %select_n3A_1137 : vector<24x128xi1>, vector<24x128xf32>
      %and3A_1183 = arith.constant 4 : i32
      %and3A_1184 = vector.broadcast %and3A_1183 : i32 to vector<1x1xi32>
      %and3A_1185 = arith.andi %broadcast_in_dim3A_1058, %and3A_1184 : vector<1x1xi32>
      %ne3A_1186 = arith.constant 0 : i32
      %ne3A_1187 = vector.broadcast %ne3A_1186 : i32 to vector<1x1xi32>
      %ne3A_1188 = arith.cmpi ne, %and3A_1185, %ne3A_1187 : vector<1x1xi32>
      %broadcast_in_dim3A_1189 = vector.shape_cast %ne3A_1188 : vector<1x1xi1> to vector<1x1xi1>
      %broadcast_in_dim3A_1190 = vector.broadcast %broadcast_in_dim3A_1189 : vector<1x1xi1> to vector<24x128xi1>
      %select_n3A_1191 = arith.select %broadcast_in_dim3A_1190, %select_n3A_1164, %select_n3A_1155 : vector<24x128xi1>, vector<24x128xf32>
      %and3A_1192 = arith.constant 4 : i32
      %and3A_1193 = vector.broadcast %and3A_1192 : i32 to vector<1x1xi32>
      %and3A_1194 = arith.andi %broadcast_in_dim3A_1058, %and3A_1193 : vector<1x1xi32>
      %ne3A_1195 = arith.constant 0 : i32
      %ne3A_1196 = vector.broadcast %ne3A_1195 : i32 to vector<1x1xi32>
      %ne3A_1197 = arith.cmpi ne, %and3A_1194, %ne3A_1196 : vector<1x1xi32>
      %broadcast_in_dim3A_1198 = vector.shape_cast %ne3A_1197 : vector<1x1xi1> to vector<1x1xi1>
      %broadcast_in_dim3A_1199 = vector.broadcast %broadcast_in_dim3A_1198 : vector<1x1xi1> to vector<24x128xi1>
      %select_n3A_1200 = arith.select %broadcast_in_dim3A_1199, %select_n3A_1182, %select_n3A_1173 : vector<24x128xi1>, vector<24x128xf32>
      %and3A_1201 = arith.constant 8 : i32
      %and3A_1202 = vector.broadcast %and3A_1201 : i32 to vector<1x1xi32>
      %and3A_1203 = arith.andi %broadcast_in_dim3A_1058, %and3A_1202 : vector<1x1xi32>
      %ne3A_1204 = arith.constant 0 : i32
      %ne3A_1205 = vector.broadcast %ne3A_1204 : i32 to vector<1x1xi32>
      %ne3A_1206 = arith.cmpi ne, %and3A_1203, %ne3A_1205 : vector<1x1xi32>
      %broadcast_in_dim3A_1207 = vector.shape_cast %ne3A_1206 : vector<1x1xi1> to vector<1x1xi1>
      %broadcast_in_dim3A_1208 = vector.broadcast %broadcast_in_dim3A_1207 : vector<1x1xi1> to vector<24x128xi1>
      %select_n3A_1209 = arith.select %broadcast_in_dim3A_1208, %select_n3A_1200, %select_n3A_1191 : vector<24x128xi1>, vector<24x128xf32>
      %mul3A_1210 = vector.broadcast %select_n3A_1065 : vector<1x1xf32> to vector<24x128xf32>
      %mul3A_1211 = arith.mulf %mul3A_1210, %select_n3A_1209 : vector<24x128xf32>
      %sub3A_1212 = arith.subf %while3A_81, %mul3A_1211 : vector<24x128xf32>
      %jit3A_1213 = arith.constant 16 : i32
      %broadcast_in_dim3A_1214 = vector.broadcast %jit3A_1213 : i32 to vector<16x1xi32>
      %select_n3A_1215 = arith.select %ge3A_1053, %iota3A_17, %broadcast_in_dim3A_1214 : vector<16x1xi1>, vector<16x1xi32>
      %reduce_min3A_1216 = vector.shape_cast %select_n3A_1215 : vector<16x1xi32> to vector<1x16x1xi32>
      %reduce_min3A_1217 = arith.constant dense<2147483647> : vector<1xi32>
      %reduce_min3A_1218 = vector.multi_reduction <minsi>, %reduce_min3A_1216, %reduce_min3A_1217 [1, 2] : vector<1x16x1xi32> to vector<1xi32>
      %reduce_min3A_1219 = vector.shape_cast %reduce_min3A_1218 : vector<1xi32> to vector<1x1x1xi32>
      %reduce_min3A_1220 = vector.extract %reduce_min3A_1219[0, 0, 0] : i32 from vector<1x1x1xi32>
      %add3A_1221 = arith.constant 1 : i32
      %add3A_1222 = arith.addi %reduce_min3A_1220, %add3A_1221 : i32
      %min3A_1223 = arith.constant 16 : i32
      %min3A_1224 = arith.minsi %add3A_1222, %min3A_1223 : i32
      %add3A_1225 = arith.addi %while3A_80, %min3A_1224 : i32
      scf.yield %add3A_1225, %sub3A_1212, %add3A_1075 : i32, vector<24x128xf32>, vector<24x128xf32>
    }
    %slice3A_49 = vector.extract_strided_slice %while3A_48#2 {offsets = [0, 0], sizes = [8, 128], strides = [1, 1]} : vector<24x128xf32> to vector<8x128xf32>
    %swap3A_50 = arith.constant 16 : index
    %swap3A_51 = arith.constant 0 : index
    %swap3A_52 = vector.load %arg10[%swap3A_50, %swap3A_51] : memref<40x128xf32, #tpu.memory_space<vmem>>, vector<8x128xf32>
    tpu.vector_store %arg10[%swap3A_50, %swap3A_51], %slice3A_49 {strides = array<i32>} : memref<40x128xf32, #tpu.memory_space<vmem>>, vector<8x128xf32>,
    %slice3A_53 = vector.extract_strided_slice %while3A_48#1 {offsets = [8, 0], sizes = [16, 128], strides = [1, 1]} : vector<24x128xf32> to vector<16x128xf32>
    %slice3A_54 = vector.extract_strided_slice %while3A_48#2 {offsets = [8, 0], sizes = [16, 128], strides = [1, 1]} : vector<24x128xf32> to vector<16x128xf32>
    %slice3A_55 = vector.extract_strided_slice %get3A_4 {offsets = [24, 0], sizes = [16, 128], strides = [1, 1]} : vector<40x128xf32> to vector<16x128xf32>
    %slice3A_56 = vector.extract_strided_slice %get3A_7 {offsets = [24, 0], sizes = [16, 128], strides = [1, 1]} : vector<40x128xf32> to vector<16x128xf32>
    %slice3A_57 = vector.extract_strided_slice %get3A_10 {offsets = [24, 0], sizes = [16, 128], strides = [1, 1]} : vector<40x128xf32> to vector<16x128xf32>
    %slice3A_58 = vector.extract_strided_slice %get3A_13 {offsets = [24, 0], sizes = [16, 128], strides = [1, 1]} : vector<40x128xf32> to vector<16x128xf32>
    %slice3A_59 = vector.extract_strided_slice %get3A_16 {offsets = [24, 0], sizes = [16, 128], strides = [1, 1]} : vector<40x128xf32> to vector<16x128xf32>
    %slice3A_60 = vector.extract_strided_slice %add3A {offsets = [24, 0], sizes = [16, 128], strides = [1, 1]} : vector<40x128xi32> to vector<16x128xi32>
    %while3A_61 = arith.constant 4096 : i32
    %while3A_62:3 = scf.while (%while3A_80 = %while3A_48#0, %while3A_81 = %slice3A_53, %while3A_82 = %slice3A_54) : (i32, vector<16x128xf32>, vector<16x128xf32>) -> (i32, vector<16x128xf32>, vector<16x128xf32>) {
      %lt3A = arith.cmpi slt, %while3A_80, %while3A_61 : i32
      scf.condition(%lt3A) %while3A_80, %while3A_81, %while3A_82 : i32, vector<16x128xf32>, vector<16x128xf32>
    } do {
    ^bb0(%while3A_80: i32, %while3A_81: vector<16x128xf32>, %while3A_82: vector<16x128xf32>):
      %add3A_83 = arith.constant 0 : i32
      %add3A_84 = arith.addi %while3A_80, %add3A_83 : i32
      %get3A_85 = arith.index_cast %add3A_84 : i32 to index
      %get3A_86 = memref.load %arg0[%get3A_85] : memref<5120xf32, #tpu.memory_space<smem>>
      %get3A_87 = arith.index_cast %add3A_84 : i32 to index
      %get3A_88 = memref.load %arg1[%get3A_87] : memref<5120xf32, #tpu.memory_space<smem>>
      %get3A_89 = arith.index_cast %add3A_84 : i32 to index
      %get3A_90 = memref.load %arg2[%get3A_89] : memref<5120xf32, #tpu.memory_space<smem>>
      %get3A_91 = arith.index_cast %add3A_84 : i32 to index
      %get3A_92 = memref.load %arg3[%get3A_91] : memref<5120xf32, #tpu.memory_space<smem>>
      %get3A_93 = arith.index_cast %add3A_84 : i32 to index
      %get3A_94 = memref.load %arg4[%get3A_93] : memref<5120xf32, #tpu.memory_space<smem>>
      %ge3A = arith.constant 4.000000e+00 : f32
      %ge3A_95 = arith.cmpf oge, %get3A_94, %ge3A : f32
      %jit3A = arith.constant 8.192000e+03 : f32
      %jit3A_96 = arith.constant 0.000000e+00 : f32
      %select_n3A = arith.select %ge3A_95, %jit3A, %jit3A_96 : f32
      %min3A = vector.broadcast %get3A_90 : f32 to vector<16x128xf32>
      %min3A_97 = arith.minimumf %slice3A_57, %min3A : vector<16x128xf32>
      %max3A = vector.broadcast %get3A_86 : f32 to vector<16x128xf32>
      %max3A_98 = arith.maximumf %slice3A_55, %max3A : vector<16x128xf32>
      %sub3A = arith.subf %min3A_97, %max3A_98 : vector<16x128xf32>
      %max3A_99 = arith.constant 0.000000e+00 : f32
      %max3A_100 = vector.broadcast %max3A_99 : f32 to vector<16x128xf32>
      %max3A_101 = arith.maximumf %sub3A, %max3A_100 : vector<16x128xf32>
      %min3A_102 = vector.broadcast %get3A_92 : f32 to vector<16x128xf32>
      %min3A_103 = arith.minimumf %slice3A_58, %min3A_102 : vector<16x128xf32>
      %max3A_104 = vector.broadcast %get3A_88 : f32 to vector<16x128xf32>
      %max3A_105 = arith.maximumf %slice3A_56, %max3A_104 : vector<16x128xf32>
      %sub3A_106 = arith.subf %min3A_103, %max3A_105 : vector<16x128xf32>
      %max3A_107 = arith.constant 0.000000e+00 : f32
      %max3A_108 = vector.broadcast %max3A_107 : f32 to vector<16x128xf32>
      %max3A_109 = arith.maximumf %sub3A_106, %max3A_108 : vector<16x128xf32>
      %mul3A_110 = arith.mulf %max3A_101, %max3A_109 : vector<16x128xf32>
      %add3A_111 = vector.broadcast %get3A_94 : f32 to vector<16x128xf32>
      %add3A_112 = arith.addf %add3A_111, %slice3A_59 : vector<16x128xf32>
      %sub3A_113 = arith.subf %add3A_112, %mul3A_110 : vector<16x128xf32>
      %add3A_114 = arith.constant 1.000000e-10 : f32
      %add3A_115 = vector.broadcast %add3A_114 : f32 to vector<16x128xf32>
      %add3A_116 = arith.addf %sub3A_113, %add3A_115 : vector<16x128xf32>
      %div3A = arith.divf %mul3A_110, %add3A_116 : vector<16x128xf32>
      %ge3A_117 = arith.constant 2.000000e-01 : f32
      %ge3A_118 = vector.broadcast %ge3A_117 : f32 to vector<16x128xf32>
      %ge3A_119 = arith.cmpf oge, %div3A, %ge3A_118 : vector<16x128xf32>
      %gt3A = vector.broadcast %add3A_84 : i32 to vector<16x128xi32>
      %gt3A_120 = arith.cmpi sgt, %slice3A_60, %gt3A : vector<16x128xi32>
      %and3A = arith.andi %ge3A_119, %gt3A_120 : vector<16x128xi1>
      %jit3A_121 = arith.constant 0.000000e+00 : f32
      %broadcast_in_dim3A_122 = vector.broadcast %jit3A_121 : f32 to vector<16x128xf32>
      %select_n3A_123 = arith.select %and3A, %while3A_81, %broadcast_in_dim3A_122 : vector<16x128xi1>, vector<16x128xf32>
      %eq3A = vector.broadcast %add3A_84 : i32 to vector<16x128xi32>
      %eq3A_124 = arith.cmpi eq, %slice3A_60, %eq3A : vector<16x128xi32>
      %mul3A_125 = vector.broadcast %select_n3A : f32 to vector<16x128xf32>
      %mul3A_126 = arith.mulf %while3A_81, %mul3A_125 : vector<16x128xf32>
      %jit3A_127 = arith.constant 0.000000e+00 : f32
      %broadcast_in_dim3A_128 = vector.broadcast %jit3A_127 : f32 to vector<16x128xf32>
      %select_n3A_129 = arith.select %eq3A_124, %mul3A_126, %broadcast_in_dim3A_128 : vector<16x128xi1>, vector<16x128xf32>
      %add3A_130 = arith.addf %select_n3A_123, %select_n3A_129 : vector<16x128xf32>
      %reduce_sum3A = arith.constant dense<0.000000e+00> : vector<128xf32>
      %reduce_sum3A_131 = vector.multi_reduction <add>, %add3A_130, %reduce_sum3A [0] : vector<16x128xf32> to vector<128xf32>
      %broadcast_in_dim3A_132 = vector.shape_cast %reduce_sum3A_131 : vector<128xf32> to vector<1x128xf32>
      %add3A_133 = arith.constant 1 : i32
      %add3A_134 = arith.addi %while3A_80, %add3A_133 : i32
      %get3A_135 = arith.index_cast %add3A_134 : i32 to index
      %get3A_136 = memref.load %arg0[%get3A_135] : memref<5120xf32, #tpu.memory_space<smem>>
      %get3A_137 = arith.index_cast %add3A_134 : i32 to index
      %get3A_138 = memref.load %arg1[%get3A_137] : memref<5120xf32, #tpu.memory_space<smem>>
      %get3A_139 = arith.index_cast %add3A_134 : i32 to index
      %get3A_140 = memref.load %arg2[%get3A_139] : memref<5120xf32, #tpu.memory_space<smem>>
      %get3A_141 = arith.index_cast %add3A_134 : i32 to index
      %get3A_142 = memref.load %arg3[%get3A_141] : memref<5120xf32, #tpu.memory_space<smem>>
      %get3A_143 = arith.index_cast %add3A_134 : i32 to index
      %get3A_144 = memref.load %arg4[%get3A_143] : memref<5120xf32, #tpu.memory_space<smem>>
      %ge3A_145 = arith.constant 4.000000e+00 : f32
      %ge3A_146 = arith.cmpf oge, %get3A_144, %ge3A_145 : f32
      %jit3A_147 = arith.constant 8.192000e+03 : f32
      %jit3A_148 = arith.constant 0.000000e+00 : f32
      %select_n3A_149 = arith.select %ge3A_146, %jit3A_147, %jit3A_148 : f32
      %min3A_150 = vector.broadcast %get3A_140 : f32 to vector<16x128xf32>
      %min3A_151 = arith.minimumf %slice3A_57, %min3A_150 : vector<16x128xf32>
      %max3A_152 = vector.broadcast %get3A_136 : f32 to vector<16x128xf32>
      %max3A_153 = arith.maximumf %slice3A_55, %max3A_152 : vector<16x128xf32>
      %sub3A_154 = arith.subf %min3A_151, %max3A_153 : vector<16x128xf32>
      %max3A_155 = arith.constant 0.000000e+00 : f32
      %max3A_156 = vector.broadcast %max3A_155 : f32 to vector<16x128xf32>
      %max3A_157 = arith.maximumf %sub3A_154, %max3A_156 : vector<16x128xf32>
      %min3A_158 = vector.broadcast %get3A_142 : f32 to vector<16x128xf32>
      %min3A_159 = arith.minimumf %slice3A_58, %min3A_158 : vector<16x128xf32>
      %max3A_160 = vector.broadcast %get3A_138 : f32 to vector<16x128xf32>
      %max3A_161 = arith.maximumf %slice3A_56, %max3A_160 : vector<16x128xf32>
      %sub3A_162 = arith.subf %min3A_159, %max3A_161 : vector<16x128xf32>
      %max3A_163 = arith.constant 0.000000e+00 : f32
      %max3A_164 = vector.broadcast %max3A_163 : f32 to vector<16x128xf32>
      %max3A_165 = arith.maximumf %sub3A_162, %max3A_164 : vector<16x128xf32>
      %mul3A_166 = arith.mulf %max3A_157, %max3A_165 : vector<16x128xf32>
      %add3A_167 = vector.broadcast %get3A_144 : f32 to vector<16x128xf32>
      %add3A_168 = arith.addf %add3A_167, %slice3A_59 : vector<16x128xf32>
      %sub3A_169 = arith.subf %add3A_168, %mul3A_166 : vector<16x128xf32>
      %add3A_170 = arith.constant 1.000000e-10 : f32
      %add3A_171 = vector.broadcast %add3A_170 : f32 to vector<16x128xf32>
      %add3A_172 = arith.addf %sub3A_169, %add3A_171 : vector<16x128xf32>
      %div3A_173 = arith.divf %mul3A_166, %add3A_172 : vector<16x128xf32>
      %ge3A_174 = arith.constant 2.000000e-01 : f32
      %ge3A_175 = vector.broadcast %ge3A_174 : f32 to vector<16x128xf32>
      %ge3A_176 = arith.cmpf oge, %div3A_173, %ge3A_175 : vector<16x128xf32>
      %gt3A_177 = vector.broadcast %add3A_134 : i32 to vector<16x128xi32>
      %gt3A_178 = arith.cmpi sgt, %slice3A_60, %gt3A_177 : vector<16x128xi32>
      %and3A_179 = arith.andi %ge3A_176, %gt3A_178 : vector<16x128xi1>
      %jit3A_180 = arith.constant 0.000000e+00 : f32
      %broadcast_in_dim3A_181 = vector.broadcast %jit3A_180 : f32 to vector<16x128xf32>
      %select_n3A_182 = arith.select %and3A_179, %while3A_81, %broadcast_in_dim3A_181 : vector<16x128xi1>, vector<16x128xf32>
      %eq3A_183 = vector.broadcast %add3A_134 : i32 to vector<16x128xi32>
      %eq3A_184 = arith.cmpi eq, %slice3A_60, %eq3A_183 : vector<16x128xi32>
      %mul3A_185 = vector.broadcast %select_n3A_149 : f32 to vector<16x128xf32>
      %mul3A_186 = arith.mulf %while3A_81, %mul3A_185 : vector<16x128xf32>
      %jit3A_187 = arith.constant 0.000000e+00 : f32
      %broadcast_in_dim3A_188 = vector.broadcast %jit3A_187 : f32 to vector<16x128xf32>
      %select_n3A_189 = arith.select %eq3A_184, %mul3A_186, %broadcast_in_dim3A_188 : vector<16x128xi1>, vector<16x128xf32>
      %add3A_190 = arith.addf %select_n3A_182, %select_n3A_189 : vector<16x128xf32>
      %reduce_sum3A_191 = arith.constant dense<0.000000e+00> : vector<128xf32>
      %reduce_sum3A_192 = vector.multi_reduction <add>, %add3A_190, %reduce_sum3A_191 [0] : vector<16x128xf32> to vector<128xf32>
      %broadcast_in_dim3A_193 = vector.shape_cast %reduce_sum3A_192 : vector<128xf32> to vector<1x128xf32>
      %add3A_194 = arith.constant 2 : i32
      %add3A_195 = arith.addi %while3A_80, %add3A_194 : i32
      %get3A_196 = arith.index_cast %add3A_195 : i32 to index
      %get3A_197 = memref.load %arg0[%get3A_196] : memref<5120xf32, #tpu.memory_space<smem>>
      %get3A_198 = arith.index_cast %add3A_195 : i32 to index
      %get3A_199 = memref.load %arg1[%get3A_198] : memref<5120xf32, #tpu.memory_space<smem>>
      %get3A_200 = arith.index_cast %add3A_195 : i32 to index
      %get3A_201 = memref.load %arg2[%get3A_200] : memref<5120xf32, #tpu.memory_space<smem>>
      %get3A_202 = arith.index_cast %add3A_195 : i32 to index
      %get3A_203 = memref.load %arg3[%get3A_202] : memref<5120xf32, #tpu.memory_space<smem>>
      %get3A_204 = arith.index_cast %add3A_195 : i32 to index
      %get3A_205 = memref.load %arg4[%get3A_204] : memref<5120xf32, #tpu.memory_space<smem>>
      %ge3A_206 = arith.constant 4.000000e+00 : f32
      %ge3A_207 = arith.cmpf oge, %get3A_205, %ge3A_206 : f32
      %jit3A_208 = arith.constant 8.192000e+03 : f32
      %jit3A_209 = arith.constant 0.000000e+00 : f32
      %select_n3A_210 = arith.select %ge3A_207, %jit3A_208, %jit3A_209 : f32
      %min3A_211 = vector.broadcast %get3A_201 : f32 to vector<16x128xf32>
      %min3A_212 = arith.minimumf %slice3A_57, %min3A_211 : vector<16x128xf32>
      %max3A_213 = vector.broadcast %get3A_197 : f32 to vector<16x128xf32>
      %max3A_214 = arith.maximumf %slice3A_55, %max3A_213 : vector<16x128xf32>
      %sub3A_215 = arith.subf %min3A_212, %max3A_214 : vector<16x128xf32>
      %max3A_216 = arith.constant 0.000000e+00 : f32
      %max3A_217 = vector.broadcast %max3A_216 : f32 to vector<16x128xf32>
      %max3A_218 = arith.maximumf %sub3A_215, %max3A_217 : vector<16x128xf32>
      %min3A_219 = vector.broadcast %get3A_203 : f32 to vector<16x128xf32>
      %min3A_220 = arith.minimumf %slice3A_58, %min3A_219 : vector<16x128xf32>
      %max3A_221 = vector.broadcast %get3A_199 : f32 to vector<16x128xf32>
      %max3A_222 = arith.maximumf %slice3A_56, %max3A_221 : vector<16x128xf32>
      %sub3A_223 = arith.subf %min3A_220, %max3A_222 : vector<16x128xf32>
      %max3A_224 = arith.constant 0.000000e+00 : f32
      %max3A_225 = vector.broadcast %max3A_224 : f32 to vector<16x128xf32>
      %max3A_226 = arith.maximumf %sub3A_223, %max3A_225 : vector<16x128xf32>
      %mul3A_227 = arith.mulf %max3A_218, %max3A_226 : vector<16x128xf32>
      %add3A_228 = vector.broadcast %get3A_205 : f32 to vector<16x128xf32>
      %add3A_229 = arith.addf %add3A_228, %slice3A_59 : vector<16x128xf32>
      %sub3A_230 = arith.subf %add3A_229, %mul3A_227 : vector<16x128xf32>
      %add3A_231 = arith.constant 1.000000e-10 : f32
      %add3A_232 = vector.broadcast %add3A_231 : f32 to vector<16x128xf32>
      %add3A_233 = arith.addf %sub3A_230, %add3A_232 : vector<16x128xf32>
      %div3A_234 = arith.divf %mul3A_227, %add3A_233 : vector<16x128xf32>
      %ge3A_235 = arith.constant 2.000000e-01 : f32
      %ge3A_236 = vector.broadcast %ge3A_235 : f32 to vector<16x128xf32>
      %ge3A_237 = arith.cmpf oge, %div3A_234, %ge3A_236 : vector<16x128xf32>
      %gt3A_238 = vector.broadcast %add3A_195 : i32 to vector<16x128xi32>
      %gt3A_239 = arith.cmpi sgt, %slice3A_60, %gt3A_238 : vector<16x128xi32>
      %and3A_240 = arith.andi %ge3A_237, %gt3A_239 : vector<16x128xi1>
      %jit3A_241 = arith.constant 0.000000e+00 : f32
      %broadcast_in_dim3A_242 = vector.broadcast %jit3A_241 : f32 to vector<16x128xf32>
      %select_n3A_243 = arith.select %and3A_240, %while3A_81, %broadcast_in_dim3A_242 : vector<16x128xi1>, vector<16x128xf32>
      %eq3A_244 = vector.broadcast %add3A_195 : i32 to vector<16x128xi32>
      %eq3A_245 = arith.cmpi eq, %slice3A_60, %eq3A_244 : vector<16x128xi32>
      %mul3A_246 = vector.broadcast %select_n3A_210 : f32 to vector<16x128xf32>
      %mul3A_247 = arith.mulf %while3A_81, %mul3A_246 : vector<16x128xf32>
      %jit3A_248 = arith.constant 0.000000e+00 : f32
      %broadcast_in_dim3A_249 = vector.broadcast %jit3A_248 : f32 to vector<16x128xf32>
      %select_n3A_250 = arith.select %eq3A_245, %mul3A_247, %broadcast_in_dim3A_249 : vector<16x128xi1>, vector<16x128xf32>
      %add3A_251 = arith.addf %select_n3A_243, %select_n3A_250 : vector<16x128xf32>
      %reduce_sum3A_252 = arith.constant dense<0.000000e+00> : vector<128xf32>
      %reduce_sum3A_253 = vector.multi_reduction <add>, %add3A_251, %reduce_sum3A_252 [0] : vector<16x128xf32> to vector<128xf32>
      %broadcast_in_dim3A_254 = vector.shape_cast %reduce_sum3A_253 : vector<128xf32> to vector<1x128xf32>
      %add3A_255 = arith.constant 3 : i32
      %add3A_256 = arith.addi %while3A_80, %add3A_255 : i32
      %get3A_257 = arith.index_cast %add3A_256 : i32 to index
      %get3A_258 = memref.load %arg0[%get3A_257] : memref<5120xf32, #tpu.memory_space<smem>>
      %get3A_259 = arith.index_cast %add3A_256 : i32 to index
      %get3A_260 = memref.load %arg1[%get3A_259] : memref<5120xf32, #tpu.memory_space<smem>>
      %get3A_261 = arith.index_cast %add3A_256 : i32 to index
      %get3A_262 = memref.load %arg2[%get3A_261] : memref<5120xf32, #tpu.memory_space<smem>>
      %get3A_263 = arith.index_cast %add3A_256 : i32 to index
      %get3A_264 = memref.load %arg3[%get3A_263] : memref<5120xf32, #tpu.memory_space<smem>>
      %get3A_265 = arith.index_cast %add3A_256 : i32 to index
      %get3A_266 = memref.load %arg4[%get3A_265] : memref<5120xf32, #tpu.memory_space<smem>>
      %ge3A_267 = arith.constant 4.000000e+00 : f32
      %ge3A_268 = arith.cmpf oge, %get3A_266, %ge3A_267 : f32
      %jit3A_269 = arith.constant 8.192000e+03 : f32
      %jit3A_270 = arith.constant 0.000000e+00 : f32
      %select_n3A_271 = arith.select %ge3A_268, %jit3A_269, %jit3A_270 : f32
      %min3A_272 = vector.broadcast %get3A_262 : f32 to vector<16x128xf32>
      %min3A_273 = arith.minimumf %slice3A_57, %min3A_272 : vector<16x128xf32>
      %max3A_274 = vector.broadcast %get3A_258 : f32 to vector<16x128xf32>
      %max3A_275 = arith.maximumf %slice3A_55, %max3A_274 : vector<16x128xf32>
      %sub3A_276 = arith.subf %min3A_273, %max3A_275 : vector<16x128xf32>
      %max3A_277 = arith.constant 0.000000e+00 : f32
      %max3A_278 = vector.broadcast %max3A_277 : f32 to vector<16x128xf32>
      %max3A_279 = arith.maximumf %sub3A_276, %max3A_278 : vector<16x128xf32>
      %min3A_280 = vector.broadcast %get3A_264 : f32 to vector<16x128xf32>
      %min3A_281 = arith.minimumf %slice3A_58, %min3A_280 : vector<16x128xf32>
      %max3A_282 = vector.broadcast %get3A_260 : f32 to vector<16x128xf32>
      %max3A_283 = arith.maximumf %slice3A_56, %max3A_282 : vector<16x128xf32>
      %sub3A_284 = arith.subf %min3A_281, %max3A_283 : vector<16x128xf32>
      %max3A_285 = arith.constant 0.000000e+00 : f32
      %max3A_286 = vector.broadcast %max3A_285 : f32 to vector<16x128xf32>
      %max3A_287 = arith.maximumf %sub3A_284, %max3A_286 : vector<16x128xf32>
      %mul3A_288 = arith.mulf %max3A_279, %max3A_287 : vector<16x128xf32>
      %add3A_289 = vector.broadcast %get3A_266 : f32 to vector<16x128xf32>
      %add3A_290 = arith.addf %add3A_289, %slice3A_59 : vector<16x128xf32>
      %sub3A_291 = arith.subf %add3A_290, %mul3A_288 : vector<16x128xf32>
      %add3A_292 = arith.constant 1.000000e-10 : f32
      %add3A_293 = vector.broadcast %add3A_292 : f32 to vector<16x128xf32>
      %add3A_294 = arith.addf %sub3A_291, %add3A_293 : vector<16x128xf32>
      %div3A_295 = arith.divf %mul3A_288, %add3A_294 : vector<16x128xf32>
      %ge3A_296 = arith.constant 2.000000e-01 : f32
      %ge3A_297 = vector.broadcast %ge3A_296 : f32 to vector<16x128xf32>
      %ge3A_298 = arith.cmpf oge, %div3A_295, %ge3A_297 : vector<16x128xf32>
      %gt3A_299 = vector.broadcast %add3A_256 : i32 to vector<16x128xi32>
      %gt3A_300 = arith.cmpi sgt, %slice3A_60, %gt3A_299 : vector<16x128xi32>
      %and3A_301 = arith.andi %ge3A_298, %gt3A_300 : vector<16x128xi1>
      %jit3A_302 = arith.constant 0.000000e+00 : f32
      %broadcast_in_dim3A_303 = vector.broadcast %jit3A_302 : f32 to vector<16x128xf32>
      %select_n3A_304 = arith.select %and3A_301, %while3A_81, %broadcast_in_dim3A_303 : vector<16x128xi1>, vector<16x128xf32>
      %eq3A_305 = vector.broadcast %add3A_256 : i32 to vector<16x128xi32>
      %eq3A_306 = arith.cmpi eq, %slice3A_60, %eq3A_305 : vector<16x128xi32>
      %mul3A_307 = vector.broadcast %select_n3A_271 : f32 to vector<16x128xf32>
      %mul3A_308 = arith.mulf %while3A_81, %mul3A_307 : vector<16x128xf32>
      %jit3A_309 = arith.constant 0.000000e+00 : f32
      %broadcast_in_dim3A_310 = vector.broadcast %jit3A_309 : f32 to vector<16x128xf32>
      %select_n3A_311 = arith.select %eq3A_306, %mul3A_308, %broadcast_in_dim3A_310 : vector<16x128xi1>, vector<16x128xf32>
      %add3A_312 = arith.addf %select_n3A_304, %select_n3A_311 : vector<16x128xf32>
      %reduce_sum3A_313 = arith.constant dense<0.000000e+00> : vector<128xf32>
      %reduce_sum3A_314 = vector.multi_reduction <add>, %add3A_312, %reduce_sum3A_313 [0] : vector<16x128xf32> to vector<128xf32>
      %broadcast_in_dim3A_315 = vector.shape_cast %reduce_sum3A_314 : vector<128xf32> to vector<1x128xf32>
      %add3A_316 = arith.constant 4 : i32
      %add3A_317 = arith.addi %while3A_80, %add3A_316 : i32
      %get3A_318 = arith.index_cast %add3A_317 : i32 to index
      %get3A_319 = memref.load %arg0[%get3A_318] : memref<5120xf32, #tpu.memory_space<smem>>
      %get3A_320 = arith.index_cast %add3A_317 : i32 to index
      %get3A_321 = memref.load %arg1[%get3A_320] : memref<5120xf32, #tpu.memory_space<smem>>
      %get3A_322 = arith.index_cast %add3A_317 : i32 to index
      %get3A_323 = memref.load %arg2[%get3A_322] : memref<5120xf32, #tpu.memory_space<smem>>
      %get3A_324 = arith.index_cast %add3A_317 : i32 to index
      %get3A_325 = memref.load %arg3[%get3A_324] : memref<5120xf32, #tpu.memory_space<smem>>
      %get3A_326 = arith.index_cast %add3A_317 : i32 to index
      %get3A_327 = memref.load %arg4[%get3A_326] : memref<5120xf32, #tpu.memory_space<smem>>
      %ge3A_328 = arith.constant 4.000000e+00 : f32
      %ge3A_329 = arith.cmpf oge, %get3A_327, %ge3A_328 : f32
      %jit3A_330 = arith.constant 8.192000e+03 : f32
      %jit3A_331 = arith.constant 0.000000e+00 : f32
      %select_n3A_332 = arith.select %ge3A_329, %jit3A_330, %jit3A_331 : f32
      %min3A_333 = vector.broadcast %get3A_323 : f32 to vector<16x128xf32>
      %min3A_334 = arith.minimumf %slice3A_57, %min3A_333 : vector<16x128xf32>
      %max3A_335 = vector.broadcast %get3A_319 : f32 to vector<16x128xf32>
      %max3A_336 = arith.maximumf %slice3A_55, %max3A_335 : vector<16x128xf32>
      %sub3A_337 = arith.subf %min3A_334, %max3A_336 : vector<16x128xf32>
      %max3A_338 = arith.constant 0.000000e+00 : f32
      %max3A_339 = vector.broadcast %max3A_338 : f32 to vector<16x128xf32>
      %max3A_340 = arith.maximumf %sub3A_337, %max3A_339 : vector<16x128xf32>
      %min3A_341 = vector.broadcast %get3A_325 : f32 to vector<16x128xf32>
      %min3A_342 = arith.minimumf %slice3A_58, %min3A_341 : vector<16x128xf32>
      %max3A_343 = vector.broadcast %get3A_321 : f32 to vector<16x128xf32>
      %max3A_344 = arith.maximumf %slice3A_56, %max3A_343 : vector<16x128xf32>
      %sub3A_345 = arith.subf %min3A_342, %max3A_344 : vector<16x128xf32>
      %max3A_346 = arith.constant 0.000000e+00 : f32
      %max3A_347 = vector.broadcast %max3A_346 : f32 to vector<16x128xf32>
      %max3A_348 = arith.maximumf %sub3A_345, %max3A_347 : vector<16x128xf32>
      %mul3A_349 = arith.mulf %max3A_340, %max3A_348 : vector<16x128xf32>
      %add3A_350 = vector.broadcast %get3A_327 : f32 to vector<16x128xf32>
      %add3A_351 = arith.addf %add3A_350, %slice3A_59 : vector<16x128xf32>
      %sub3A_352 = arith.subf %add3A_351, %mul3A_349 : vector<16x128xf32>
      %add3A_353 = arith.constant 1.000000e-10 : f32
      %add3A_354 = vector.broadcast %add3A_353 : f32 to vector<16x128xf32>
      %add3A_355 = arith.addf %sub3A_352, %add3A_354 : vector<16x128xf32>
      %div3A_356 = arith.divf %mul3A_349, %add3A_355 : vector<16x128xf32>
      %ge3A_357 = arith.constant 2.000000e-01 : f32
      %ge3A_358 = vector.broadcast %ge3A_357 : f32 to vector<16x128xf32>
      %ge3A_359 = arith.cmpf oge, %div3A_356, %ge3A_358 : vector<16x128xf32>
      %gt3A_360 = vector.broadcast %add3A_317 : i32 to vector<16x128xi32>
      %gt3A_361 = arith.cmpi sgt, %slice3A_60, %gt3A_360 : vector<16x128xi32>
      %and3A_362 = arith.andi %ge3A_359, %gt3A_361 : vector<16x128xi1>
      %jit3A_363 = arith.constant 0.000000e+00 : f32
      %broadcast_in_dim3A_364 = vector.broadcast %jit3A_363 : f32 to vector<16x128xf32>
      %select_n3A_365 = arith.select %and3A_362, %while3A_81, %broadcast_in_dim3A_364 : vector<16x128xi1>, vector<16x128xf32>
      %eq3A_366 = vector.broadcast %add3A_317 : i32 to vector<16x128xi32>
      %eq3A_367 = arith.cmpi eq, %slice3A_60, %eq3A_366 : vector<16x128xi32>
      %mul3A_368 = vector.broadcast %select_n3A_332 : f32 to vector<16x128xf32>
      %mul3A_369 = arith.mulf %while3A_81, %mul3A_368 : vector<16x128xf32>
      %jit3A_370 = arith.constant 0.000000e+00 : f32
      %broadcast_in_dim3A_371 = vector.broadcast %jit3A_370 : f32 to vector<16x128xf32>
      %select_n3A_372 = arith.select %eq3A_367, %mul3A_369, %broadcast_in_dim3A_371 : vector<16x128xi1>, vector<16x128xf32>
      %add3A_373 = arith.addf %select_n3A_365, %select_n3A_372 : vector<16x128xf32>
      %reduce_sum3A_374 = arith.constant dense<0.000000e+00> : vector<128xf32>
      %reduce_sum3A_375 = vector.multi_reduction <add>, %add3A_373, %reduce_sum3A_374 [0] : vector<16x128xf32> to vector<128xf32>
      %broadcast_in_dim3A_376 = vector.shape_cast %reduce_sum3A_375 : vector<128xf32> to vector<1x128xf32>
      %add3A_377 = arith.constant 5 : i32
      %add3A_378 = arith.addi %while3A_80, %add3A_377 : i32
      %get3A_379 = arith.index_cast %add3A_378 : i32 to index
      %get3A_380 = memref.load %arg0[%get3A_379] : memref<5120xf32, #tpu.memory_space<smem>>
      %get3A_381 = arith.index_cast %add3A_378 : i32 to index
      %get3A_382 = memref.load %arg1[%get3A_381] : memref<5120xf32, #tpu.memory_space<smem>>
      %get3A_383 = arith.index_cast %add3A_378 : i32 to index
      %get3A_384 = memref.load %arg2[%get3A_383] : memref<5120xf32, #tpu.memory_space<smem>>
      %get3A_385 = arith.index_cast %add3A_378 : i32 to index
      %get3A_386 = memref.load %arg3[%get3A_385] : memref<5120xf32, #tpu.memory_space<smem>>
      %get3A_387 = arith.index_cast %add3A_378 : i32 to index
      %get3A_388 = memref.load %arg4[%get3A_387] : memref<5120xf32, #tpu.memory_space<smem>>
      %ge3A_389 = arith.constant 4.000000e+00 : f32
      %ge3A_390 = arith.cmpf oge, %get3A_388, %ge3A_389 : f32
      %jit3A_391 = arith.constant 8.192000e+03 : f32
      %jit3A_392 = arith.constant 0.000000e+00 : f32
      %select_n3A_393 = arith.select %ge3A_390, %jit3A_391, %jit3A_392 : f32
      %min3A_394 = vector.broadcast %get3A_384 : f32 to vector<16x128xf32>
      %min3A_395 = arith.minimumf %slice3A_57, %min3A_394 : vector<16x128xf32>
      %max3A_396 = vector.broadcast %get3A_380 : f32 to vector<16x128xf32>
      %max3A_397 = arith.maximumf %slice3A_55, %max3A_396 : vector<16x128xf32>
      %sub3A_398 = arith.subf %min3A_395, %max3A_397 : vector<16x128xf32>
      %max3A_399 = arith.constant 0.000000e+00 : f32
      %max3A_400 = vector.broadcast %max3A_399 : f32 to vector<16x128xf32>
      %max3A_401 = arith.maximumf %sub3A_398, %max3A_400 : vector<16x128xf32>
      %min3A_402 = vector.broadcast %get3A_386 : f32 to vector<16x128xf32>
      %min3A_403 = arith.minimumf %slice3A_58, %min3A_402 : vector<16x128xf32>
      %max3A_404 = vector.broadcast %get3A_382 : f32 to vector<16x128xf32>
      %max3A_405 = arith.maximumf %slice3A_56, %max3A_404 : vector<16x128xf32>
      %sub3A_406 = arith.subf %min3A_403, %max3A_405 : vector<16x128xf32>
      %max3A_407 = arith.constant 0.000000e+00 : f32
      %max3A_408 = vector.broadcast %max3A_407 : f32 to vector<16x128xf32>
      %max3A_409 = arith.maximumf %sub3A_406, %max3A_408 : vector<16x128xf32>
      %mul3A_410 = arith.mulf %max3A_401, %max3A_409 : vector<16x128xf32>
      %add3A_411 = vector.broadcast %get3A_388 : f32 to vector<16x128xf32>
      %add3A_412 = arith.addf %add3A_411, %slice3A_59 : vector<16x128xf32>
      %sub3A_413 = arith.subf %add3A_412, %mul3A_410 : vector<16x128xf32>
      %add3A_414 = arith.constant 1.000000e-10 : f32
      %add3A_415 = vector.broadcast %add3A_414 : f32 to vector<16x128xf32>
      %add3A_416 = arith.addf %sub3A_413, %add3A_415 : vector<16x128xf32>
      %div3A_417 = arith.divf %mul3A_410, %add3A_416 : vector<16x128xf32>
      %ge3A_418 = arith.constant 2.000000e-01 : f32
      %ge3A_419 = vector.broadcast %ge3A_418 : f32 to vector<16x128xf32>
      %ge3A_420 = arith.cmpf oge, %div3A_417, %ge3A_419 : vector<16x128xf32>
      %gt3A_421 = vector.broadcast %add3A_378 : i32 to vector<16x128xi32>
      %gt3A_422 = arith.cmpi sgt, %slice3A_60, %gt3A_421 : vector<16x128xi32>
      %and3A_423 = arith.andi %ge3A_420, %gt3A_422 : vector<16x128xi1>
      %jit3A_424 = arith.constant 0.000000e+00 : f32
      %broadcast_in_dim3A_425 = vector.broadcast %jit3A_424 : f32 to vector<16x128xf32>
      %select_n3A_426 = arith.select %and3A_423, %while3A_81, %broadcast_in_dim3A_425 : vector<16x128xi1>, vector<16x128xf32>
      %eq3A_427 = vector.broadcast %add3A_378 : i32 to vector<16x128xi32>
      %eq3A_428 = arith.cmpi eq, %slice3A_60, %eq3A_427 : vector<16x128xi32>
      %mul3A_429 = vector.broadcast %select_n3A_393 : f32 to vector<16x128xf32>
      %mul3A_430 = arith.mulf %while3A_81, %mul3A_429 : vector<16x128xf32>
      %jit3A_431 = arith.constant 0.000000e+00 : f32
      %broadcast_in_dim3A_432 = vector.broadcast %jit3A_431 : f32 to vector<16x128xf32>
      %select_n3A_433 = arith.select %eq3A_428, %mul3A_430, %broadcast_in_dim3A_432 : vector<16x128xi1>, vector<16x128xf32>
      %add3A_434 = arith.addf %select_n3A_426, %select_n3A_433 : vector<16x128xf32>
      %reduce_sum3A_435 = arith.constant dense<0.000000e+00> : vector<128xf32>
      %reduce_sum3A_436 = vector.multi_reduction <add>, %add3A_434, %reduce_sum3A_435 [0] : vector<16x128xf32> to vector<128xf32>
      %broadcast_in_dim3A_437 = vector.shape_cast %reduce_sum3A_436 : vector<128xf32> to vector<1x128xf32>
      %add3A_438 = arith.constant 6 : i32
      %add3A_439 = arith.addi %while3A_80, %add3A_438 : i32
      %get3A_440 = arith.index_cast %add3A_439 : i32 to index
      %get3A_441 = memref.load %arg0[%get3A_440] : memref<5120xf32, #tpu.memory_space<smem>>
      %get3A_442 = arith.index_cast %add3A_439 : i32 to index
      %get3A_443 = memref.load %arg1[%get3A_442] : memref<5120xf32, #tpu.memory_space<smem>>
      %get3A_444 = arith.index_cast %add3A_439 : i32 to index
      %get3A_445 = memref.load %arg2[%get3A_444] : memref<5120xf32, #tpu.memory_space<smem>>
      %get3A_446 = arith.index_cast %add3A_439 : i32 to index
      %get3A_447 = memref.load %arg3[%get3A_446] : memref<5120xf32, #tpu.memory_space<smem>>
      %get3A_448 = arith.index_cast %add3A_439 : i32 to index
      %get3A_449 = memref.load %arg4[%get3A_448] : memref<5120xf32, #tpu.memory_space<smem>>
      %ge3A_450 = arith.constant 4.000000e+00 : f32
      %ge3A_451 = arith.cmpf oge, %get3A_449, %ge3A_450 : f32
      %jit3A_452 = arith.constant 8.192000e+03 : f32
      %jit3A_453 = arith.constant 0.000000e+00 : f32
      %select_n3A_454 = arith.select %ge3A_451, %jit3A_452, %jit3A_453 : f32
      %min3A_455 = vector.broadcast %get3A_445 : f32 to vector<16x128xf32>
      %min3A_456 = arith.minimumf %slice3A_57, %min3A_455 : vector<16x128xf32>
      %max3A_457 = vector.broadcast %get3A_441 : f32 to vector<16x128xf32>
      %max3A_458 = arith.maximumf %slice3A_55, %max3A_457 : vector<16x128xf32>
      %sub3A_459 = arith.subf %min3A_456, %max3A_458 : vector<16x128xf32>
      %max3A_460 = arith.constant 0.000000e+00 : f32
      %max3A_461 = vector.broadcast %max3A_460 : f32 to vector<16x128xf32>
      %max3A_462 = arith.maximumf %sub3A_459, %max3A_461 : vector<16x128xf32>
      %min3A_463 = vector.broadcast %get3A_447 : f32 to vector<16x128xf32>
      %min3A_464 = arith.minimumf %slice3A_58, %min3A_463 : vector<16x128xf32>
      %max3A_465 = vector.broadcast %get3A_443 : f32 to vector<16x128xf32>
      %max3A_466 = arith.maximumf %slice3A_56, %max3A_465 : vector<16x128xf32>
      %sub3A_467 = arith.subf %min3A_464, %max3A_466 : vector<16x128xf32>
      %max3A_468 = arith.constant 0.000000e+00 : f32
      %max3A_469 = vector.broadcast %max3A_468 : f32 to vector<16x128xf32>
      %max3A_470 = arith.maximumf %sub3A_467, %max3A_469 : vector<16x128xf32>
      %mul3A_471 = arith.mulf %max3A_462, %max3A_470 : vector<16x128xf32>
      %add3A_472 = vector.broadcast %get3A_449 : f32 to vector<16x128xf32>
      %add3A_473 = arith.addf %add3A_472, %slice3A_59 : vector<16x128xf32>
      %sub3A_474 = arith.subf %add3A_473, %mul3A_471 : vector<16x128xf32>
      %add3A_475 = arith.constant 1.000000e-10 : f32
      %add3A_476 = vector.broadcast %add3A_475 : f32 to vector<16x128xf32>
      %add3A_477 = arith.addf %sub3A_474, %add3A_476 : vector<16x128xf32>
      %div3A_478 = arith.divf %mul3A_471, %add3A_477 : vector<16x128xf32>
      %ge3A_479 = arith.constant 2.000000e-01 : f32
      %ge3A_480 = vector.broadcast %ge3A_479 : f32 to vector<16x128xf32>
      %ge3A_481 = arith.cmpf oge, %div3A_478, %ge3A_480 : vector<16x128xf32>
      %gt3A_482 = vector.broadcast %add3A_439 : i32 to vector<16x128xi32>
      %gt3A_483 = arith.cmpi sgt, %slice3A_60, %gt3A_482 : vector<16x128xi32>
      %and3A_484 = arith.andi %ge3A_481, %gt3A_483 : vector<16x128xi1>
      %jit3A_485 = arith.constant 0.000000e+00 : f32
      %broadcast_in_dim3A_486 = vector.broadcast %jit3A_485 : f32 to vector<16x128xf32>
      %select_n3A_487 = arith.select %and3A_484, %while3A_81, %broadcast_in_dim3A_486 : vector<16x128xi1>, vector<16x128xf32>
      %eq3A_488 = vector.broadcast %add3A_439 : i32 to vector<16x128xi32>
      %eq3A_489 = arith.cmpi eq, %slice3A_60, %eq3A_488 : vector<16x128xi32>
      %mul3A_490 = vector.broadcast %select_n3A_454 : f32 to vector<16x128xf32>
      %mul3A_491 = arith.mulf %while3A_81, %mul3A_490 : vector<16x128xf32>
      %jit3A_492 = arith.constant 0.000000e+00 : f32
      %broadcast_in_dim3A_493 = vector.broadcast %jit3A_492 : f32 to vector<16x128xf32>
      %select_n3A_494 = arith.select %eq3A_489, %mul3A_491, %broadcast_in_dim3A_493 : vector<16x128xi1>, vector<16x128xf32>
      %add3A_495 = arith.addf %select_n3A_487, %select_n3A_494 : vector<16x128xf32>
      %reduce_sum3A_496 = arith.constant dense<0.000000e+00> : vector<128xf32>
      %reduce_sum3A_497 = vector.multi_reduction <add>, %add3A_495, %reduce_sum3A_496 [0] : vector<16x128xf32> to vector<128xf32>
      %broadcast_in_dim3A_498 = vector.shape_cast %reduce_sum3A_497 : vector<128xf32> to vector<1x128xf32>
      %add3A_499 = arith.constant 7 : i32
      %add3A_500 = arith.addi %while3A_80, %add3A_499 : i32
      %get3A_501 = arith.index_cast %add3A_500 : i32 to index
      %get3A_502 = memref.load %arg0[%get3A_501] : memref<5120xf32, #tpu.memory_space<smem>>
      %get3A_503 = arith.index_cast %add3A_500 : i32 to index
      %get3A_504 = memref.load %arg1[%get3A_503] : memref<5120xf32, #tpu.memory_space<smem>>
      %get3A_505 = arith.index_cast %add3A_500 : i32 to index
      %get3A_506 = memref.load %arg2[%get3A_505] : memref<5120xf32, #tpu.memory_space<smem>>
      %get3A_507 = arith.index_cast %add3A_500 : i32 to index
      %get3A_508 = memref.load %arg3[%get3A_507] : memref<5120xf32, #tpu.memory_space<smem>>
      %get3A_509 = arith.index_cast %add3A_500 : i32 to index
      %get3A_510 = memref.load %arg4[%get3A_509] : memref<5120xf32, #tpu.memory_space<smem>>
      %ge3A_511 = arith.constant 4.000000e+00 : f32
      %ge3A_512 = arith.cmpf oge, %get3A_510, %ge3A_511 : f32
      %jit3A_513 = arith.constant 8.192000e+03 : f32
      %jit3A_514 = arith.constant 0.000000e+00 : f32
      %select_n3A_515 = arith.select %ge3A_512, %jit3A_513, %jit3A_514 : f32
      %min3A_516 = vector.broadcast %get3A_506 : f32 to vector<16x128xf32>
      %min3A_517 = arith.minimumf %slice3A_57, %min3A_516 : vector<16x128xf32>
      %max3A_518 = vector.broadcast %get3A_502 : f32 to vector<16x128xf32>
      %max3A_519 = arith.maximumf %slice3A_55, %max3A_518 : vector<16x128xf32>
      %sub3A_520 = arith.subf %min3A_517, %max3A_519 : vector<16x128xf32>
      %max3A_521 = arith.constant 0.000000e+00 : f32
      %max3A_522 = vector.broadcast %max3A_521 : f32 to vector<16x128xf32>
      %max3A_523 = arith.maximumf %sub3A_520, %max3A_522 : vector<16x128xf32>
      %min3A_524 = vector.broadcast %get3A_508 : f32 to vector<16x128xf32>
      %min3A_525 = arith.minimumf %slice3A_58, %min3A_524 : vector<16x128xf32>
      %max3A_526 = vector.broadcast %get3A_504 : f32 to vector<16x128xf32>
      %max3A_527 = arith.maximumf %slice3A_56, %max3A_526 : vector<16x128xf32>
      %sub3A_528 = arith.subf %min3A_525, %max3A_527 : vector<16x128xf32>
      %max3A_529 = arith.constant 0.000000e+00 : f32
      %max3A_530 = vector.broadcast %max3A_529 : f32 to vector<16x128xf32>
      %max3A_531 = arith.maximumf %sub3A_528, %max3A_530 : vector<16x128xf32>
      %mul3A_532 = arith.mulf %max3A_523, %max3A_531 : vector<16x128xf32>
      %add3A_533 = vector.broadcast %get3A_510 : f32 to vector<16x128xf32>
      %add3A_534 = arith.addf %add3A_533, %slice3A_59 : vector<16x128xf32>
      %sub3A_535 = arith.subf %add3A_534, %mul3A_532 : vector<16x128xf32>
      %add3A_536 = arith.constant 1.000000e-10 : f32
      %add3A_537 = vector.broadcast %add3A_536 : f32 to vector<16x128xf32>
      %add3A_538 = arith.addf %sub3A_535, %add3A_537 : vector<16x128xf32>
      %div3A_539 = arith.divf %mul3A_532, %add3A_538 : vector<16x128xf32>
      %ge3A_540 = arith.constant 2.000000e-01 : f32
      %ge3A_541 = vector.broadcast %ge3A_540 : f32 to vector<16x128xf32>
      %ge3A_542 = arith.cmpf oge, %div3A_539, %ge3A_541 : vector<16x128xf32>
      %gt3A_543 = vector.broadcast %add3A_500 : i32 to vector<16x128xi32>
      %gt3A_544 = arith.cmpi sgt, %slice3A_60, %gt3A_543 : vector<16x128xi32>
      %and3A_545 = arith.andi %ge3A_542, %gt3A_544 : vector<16x128xi1>
      %jit3A_546 = arith.constant 0.000000e+00 : f32
      %broadcast_in_dim3A_547 = vector.broadcast %jit3A_546 : f32 to vector<16x128xf32>
      %select_n3A_548 = arith.select %and3A_545, %while3A_81, %broadcast_in_dim3A_547 : vector<16x128xi1>, vector<16x128xf32>
      %eq3A_549 = vector.broadcast %add3A_500 : i32 to vector<16x128xi32>
      %eq3A_550 = arith.cmpi eq, %slice3A_60, %eq3A_549 : vector<16x128xi32>
      %mul3A_551 = vector.broadcast %select_n3A_515 : f32 to vector<16x128xf32>
      %mul3A_552 = arith.mulf %while3A_81, %mul3A_551 : vector<16x128xf32>
      %jit3A_553 = arith.constant 0.000000e+00 : f32
      %broadcast_in_dim3A_554 = vector.broadcast %jit3A_553 : f32 to vector<16x128xf32>
      %select_n3A_555 = arith.select %eq3A_550, %mul3A_552, %broadcast_in_dim3A_554 : vector<16x128xi1>, vector<16x128xf32>
      %add3A_556 = arith.addf %select_n3A_548, %select_n3A_555 : vector<16x128xf32>
      %reduce_sum3A_557 = arith.constant dense<0.000000e+00> : vector<128xf32>
      %reduce_sum3A_558 = vector.multi_reduction <add>, %add3A_556, %reduce_sum3A_557 [0] : vector<16x128xf32> to vector<128xf32>
      %broadcast_in_dim3A_559 = vector.shape_cast %reduce_sum3A_558 : vector<128xf32> to vector<1x128xf32>
      %add3A_560 = arith.constant 8 : i32
      %add3A_561 = arith.addi %while3A_80, %add3A_560 : i32
      %get3A_562 = arith.index_cast %add3A_561 : i32 to index
      %get3A_563 = memref.load %arg0[%get3A_562] : memref<5120xf32, #tpu.memory_space<smem>>
      %get3A_564 = arith.index_cast %add3A_561 : i32 to index
      %get3A_565 = memref.load %arg1[%get3A_564] : memref<5120xf32, #tpu.memory_space<smem>>
      %get3A_566 = arith.index_cast %add3A_561 : i32 to index
      %get3A_567 = memref.load %arg2[%get3A_566] : memref<5120xf32, #tpu.memory_space<smem>>
      %get3A_568 = arith.index_cast %add3A_561 : i32 to index
      %get3A_569 = memref.load %arg3[%get3A_568] : memref<5120xf32, #tpu.memory_space<smem>>
      %get3A_570 = arith.index_cast %add3A_561 : i32 to index
      %get3A_571 = memref.load %arg4[%get3A_570] : memref<5120xf32, #tpu.memory_space<smem>>
      %ge3A_572 = arith.constant 4.000000e+00 : f32
      %ge3A_573 = arith.cmpf oge, %get3A_571, %ge3A_572 : f32
      %jit3A_574 = arith.constant 8.192000e+03 : f32
      %jit3A_575 = arith.constant 0.000000e+00 : f32
      %select_n3A_576 = arith.select %ge3A_573, %jit3A_574, %jit3A_575 : f32
      %min3A_577 = vector.broadcast %get3A_567 : f32 to vector<16x128xf32>
      %min3A_578 = arith.minimumf %slice3A_57, %min3A_577 : vector<16x128xf32>
      %max3A_579 = vector.broadcast %get3A_563 : f32 to vector<16x128xf32>
      %max3A_580 = arith.maximumf %slice3A_55, %max3A_579 : vector<16x128xf32>
      %sub3A_581 = arith.subf %min3A_578, %max3A_580 : vector<16x128xf32>
      %max3A_582 = arith.constant 0.000000e+00 : f32
      %max3A_583 = vector.broadcast %max3A_582 : f32 to vector<16x128xf32>
      %max3A_584 = arith.maximumf %sub3A_581, %max3A_583 : vector<16x128xf32>
      %min3A_585 = vector.broadcast %get3A_569 : f32 to vector<16x128xf32>
      %min3A_586 = arith.minimumf %slice3A_58, %min3A_585 : vector<16x128xf32>
      %max3A_587 = vector.broadcast %get3A_565 : f32 to vector<16x128xf32>
      %max3A_588 = arith.maximumf %slice3A_56, %max3A_587 : vector<16x128xf32>
      %sub3A_589 = arith.subf %min3A_586, %max3A_588 : vector<16x128xf32>
      %max3A_590 = arith.constant 0.000000e+00 : f32
      %max3A_591 = vector.broadcast %max3A_590 : f32 to vector<16x128xf32>
      %max3A_592 = arith.maximumf %sub3A_589, %max3A_591 : vector<16x128xf32>
      %mul3A_593 = arith.mulf %max3A_584, %max3A_592 : vector<16x128xf32>
      %add3A_594 = vector.broadcast %get3A_571 : f32 to vector<16x128xf32>
      %add3A_595 = arith.addf %add3A_594, %slice3A_59 : vector<16x128xf32>
      %sub3A_596 = arith.subf %add3A_595, %mul3A_593 : vector<16x128xf32>
      %add3A_597 = arith.constant 1.000000e-10 : f32
      %add3A_598 = vector.broadcast %add3A_597 : f32 to vector<16x128xf32>
      %add3A_599 = arith.addf %sub3A_596, %add3A_598 : vector<16x128xf32>
      %div3A_600 = arith.divf %mul3A_593, %add3A_599 : vector<16x128xf32>
      %ge3A_601 = arith.constant 2.000000e-01 : f32
      %ge3A_602 = vector.broadcast %ge3A_601 : f32 to vector<16x128xf32>
      %ge3A_603 = arith.cmpf oge, %div3A_600, %ge3A_602 : vector<16x128xf32>
      %gt3A_604 = vector.broadcast %add3A_561 : i32 to vector<16x128xi32>
      %gt3A_605 = arith.cmpi sgt, %slice3A_60, %gt3A_604 : vector<16x128xi32>
      %and3A_606 = arith.andi %ge3A_603, %gt3A_605 : vector<16x128xi1>
      %jit3A_607 = arith.constant 0.000000e+00 : f32
      %broadcast_in_dim3A_608 = vector.broadcast %jit3A_607 : f32 to vector<16x128xf32>
      %select_n3A_609 = arith.select %and3A_606, %while3A_81, %broadcast_in_dim3A_608 : vector<16x128xi1>, vector<16x128xf32>
      %eq3A_610 = vector.broadcast %add3A_561 : i32 to vector<16x128xi32>
      %eq3A_611 = arith.cmpi eq, %slice3A_60, %eq3A_610 : vector<16x128xi32>
      %mul3A_612 = vector.broadcast %select_n3A_576 : f32 to vector<16x128xf32>
      %mul3A_613 = arith.mulf %while3A_81, %mul3A_612 : vector<16x128xf32>
      %jit3A_614 = arith.constant 0.000000e+00 : f32
      %broadcast_in_dim3A_615 = vector.broadcast %jit3A_614 : f32 to vector<16x128xf32>
      %select_n3A_616 = arith.select %eq3A_611, %mul3A_613, %broadcast_in_dim3A_615 : vector<16x128xi1>, vector<16x128xf32>
      %add3A_617 = arith.addf %select_n3A_609, %select_n3A_616 : vector<16x128xf32>
      %reduce_sum3A_618 = arith.constant dense<0.000000e+00> : vector<128xf32>
      %reduce_sum3A_619 = vector.multi_reduction <add>, %add3A_617, %reduce_sum3A_618 [0] : vector<16x128xf32> to vector<128xf32>
      %broadcast_in_dim3A_620 = vector.shape_cast %reduce_sum3A_619 : vector<128xf32> to vector<1x128xf32>
      %add3A_621 = arith.constant 9 : i32
      %add3A_622 = arith.addi %while3A_80, %add3A_621 : i32
      %get3A_623 = arith.index_cast %add3A_622 : i32 to index
      %get3A_624 = memref.load %arg0[%get3A_623] : memref<5120xf32, #tpu.memory_space<smem>>
      %get3A_625 = arith.index_cast %add3A_622 : i32 to index
      %get3A_626 = memref.load %arg1[%get3A_625] : memref<5120xf32, #tpu.memory_space<smem>>
      %get3A_627 = arith.index_cast %add3A_622 : i32 to index
      %get3A_628 = memref.load %arg2[%get3A_627] : memref<5120xf32, #tpu.memory_space<smem>>
      %get3A_629 = arith.index_cast %add3A_622 : i32 to index
      %get3A_630 = memref.load %arg3[%get3A_629] : memref<5120xf32, #tpu.memory_space<smem>>
      %get3A_631 = arith.index_cast %add3A_622 : i32 to index
      %get3A_632 = memref.load %arg4[%get3A_631] : memref<5120xf32, #tpu.memory_space<smem>>
      %ge3A_633 = arith.constant 4.000000e+00 : f32
      %ge3A_634 = arith.cmpf oge, %get3A_632, %ge3A_633 : f32
      %jit3A_635 = arith.constant 8.192000e+03 : f32
      %jit3A_636 = arith.constant 0.000000e+00 : f32
      %select_n3A_637 = arith.select %ge3A_634, %jit3A_635, %jit3A_636 : f32
      %min3A_638 = vector.broadcast %get3A_628 : f32 to vector<16x128xf32>
      %min3A_639 = arith.minimumf %slice3A_57, %min3A_638 : vector<16x128xf32>
      %max3A_640 = vector.broadcast %get3A_624 : f32 to vector<16x128xf32>
      %max3A_641 = arith.maximumf %slice3A_55, %max3A_640 : vector<16x128xf32>
      %sub3A_642 = arith.subf %min3A_639, %max3A_641 : vector<16x128xf32>
      %max3A_643 = arith.constant 0.000000e+00 : f32
      %max3A_644 = vector.broadcast %max3A_643 : f32 to vector<16x128xf32>
      %max3A_645 = arith.maximumf %sub3A_642, %max3A_644 : vector<16x128xf32>
      %min3A_646 = vector.broadcast %get3A_630 : f32 to vector<16x128xf32>
      %min3A_647 = arith.minimumf %slice3A_58, %min3A_646 : vector<16x128xf32>
      %max3A_648 = vector.broadcast %get3A_626 : f32 to vector<16x128xf32>
      %max3A_649 = arith.maximumf %slice3A_56, %max3A_648 : vector<16x128xf32>
      %sub3A_650 = arith.subf %min3A_647, %max3A_649 : vector<16x128xf32>
      %max3A_651 = arith.constant 0.000000e+00 : f32
      %max3A_652 = vector.broadcast %max3A_651 : f32 to vector<16x128xf32>
      %max3A_653 = arith.maximumf %sub3A_650, %max3A_652 : vector<16x128xf32>
      %mul3A_654 = arith.mulf %max3A_645, %max3A_653 : vector<16x128xf32>
      %add3A_655 = vector.broadcast %get3A_632 : f32 to vector<16x128xf32>
      %add3A_656 = arith.addf %add3A_655, %slice3A_59 : vector<16x128xf32>
      %sub3A_657 = arith.subf %add3A_656, %mul3A_654 : vector<16x128xf32>
      %add3A_658 = arith.constant 1.000000e-10 : f32
      %add3A_659 = vector.broadcast %add3A_658 : f32 to vector<16x128xf32>
      %add3A_660 = arith.addf %sub3A_657, %add3A_659 : vector<16x128xf32>
      %div3A_661 = arith.divf %mul3A_654, %add3A_660 : vector<16x128xf32>
      %ge3A_662 = arith.constant 2.000000e-01 : f32
      %ge3A_663 = vector.broadcast %ge3A_662 : f32 to vector<16x128xf32>
      %ge3A_664 = arith.cmpf oge, %div3A_661, %ge3A_663 : vector<16x128xf32>
      %gt3A_665 = vector.broadcast %add3A_622 : i32 to vector<16x128xi32>
      %gt3A_666 = arith.cmpi sgt, %slice3A_60, %gt3A_665 : vector<16x128xi32>
      %and3A_667 = arith.andi %ge3A_664, %gt3A_666 : vector<16x128xi1>
      %jit3A_668 = arith.constant 0.000000e+00 : f32
      %broadcast_in_dim3A_669 = vector.broadcast %jit3A_668 : f32 to vector<16x128xf32>
      %select_n3A_670 = arith.select %and3A_667, %while3A_81, %broadcast_in_dim3A_669 : vector<16x128xi1>, vector<16x128xf32>
      %eq3A_671 = vector.broadcast %add3A_622 : i32 to vector<16x128xi32>
      %eq3A_672 = arith.cmpi eq, %slice3A_60, %eq3A_671 : vector<16x128xi32>
      %mul3A_673 = vector.broadcast %select_n3A_637 : f32 to vector<16x128xf32>
      %mul3A_674 = arith.mulf %while3A_81, %mul3A_673 : vector<16x128xf32>
      %jit3A_675 = arith.constant 0.000000e+00 : f32
      %broadcast_in_dim3A_676 = vector.broadcast %jit3A_675 : f32 to vector<16x128xf32>
      %select_n3A_677 = arith.select %eq3A_672, %mul3A_674, %broadcast_in_dim3A_676 : vector<16x128xi1>, vector<16x128xf32>
      %add3A_678 = arith.addf %select_n3A_670, %select_n3A_677 : vector<16x128xf32>
      %reduce_sum3A_679 = arith.constant dense<0.000000e+00> : vector<128xf32>
      %reduce_sum3A_680 = vector.multi_reduction <add>, %add3A_678, %reduce_sum3A_679 [0] : vector<16x128xf32> to vector<128xf32>
      %broadcast_in_dim3A_681 = vector.shape_cast %reduce_sum3A_680 : vector<128xf32> to vector<1x128xf32>
      %add3A_682 = arith.constant 10 : i32
      %add3A_683 = arith.addi %while3A_80, %add3A_682 : i32
      %get3A_684 = arith.index_cast %add3A_683 : i32 to index
      %get3A_685 = memref.load %arg0[%get3A_684] : memref<5120xf32, #tpu.memory_space<smem>>
      %get3A_686 = arith.index_cast %add3A_683 : i32 to index
      %get3A_687 = memref.load %arg1[%get3A_686] : memref<5120xf32, #tpu.memory_space<smem>>
      %get3A_688 = arith.index_cast %add3A_683 : i32 to index
      %get3A_689 = memref.load %arg2[%get3A_688] : memref<5120xf32, #tpu.memory_space<smem>>
      %get3A_690 = arith.index_cast %add3A_683 : i32 to index
      %get3A_691 = memref.load %arg3[%get3A_690] : memref<5120xf32, #tpu.memory_space<smem>>
      %get3A_692 = arith.index_cast %add3A_683 : i32 to index
      %get3A_693 = memref.load %arg4[%get3A_692] : memref<5120xf32, #tpu.memory_space<smem>>
      %ge3A_694 = arith.constant 4.000000e+00 : f32
      %ge3A_695 = arith.cmpf oge, %get3A_693, %ge3A_694 : f32
      %jit3A_696 = arith.constant 8.192000e+03 : f32
      %jit3A_697 = arith.constant 0.000000e+00 : f32
      %select_n3A_698 = arith.select %ge3A_695, %jit3A_696, %jit3A_697 : f32
      %min3A_699 = vector.broadcast %get3A_689 : f32 to vector<16x128xf32>
      %min3A_700 = arith.minimumf %slice3A_57, %min3A_699 : vector<16x128xf32>
      %max3A_701 = vector.broadcast %get3A_685 : f32 to vector<16x128xf32>
      %max3A_702 = arith.maximumf %slice3A_55, %max3A_701 : vector<16x128xf32>
      %sub3A_703 = arith.subf %min3A_700, %max3A_702 : vector<16x128xf32>
      %max3A_704 = arith.constant 0.000000e+00 : f32
      %max3A_705 = vector.broadcast %max3A_704 : f32 to vector<16x128xf32>
      %max3A_706 = arith.maximumf %sub3A_703, %max3A_705 : vector<16x128xf32>
      %min3A_707 = vector.broadcast %get3A_691 : f32 to vector<16x128xf32>
      %min3A_708 = arith.minimumf %slice3A_58, %min3A_707 : vector<16x128xf32>
      %max3A_709 = vector.broadcast %get3A_687 : f32 to vector<16x128xf32>
      %max3A_710 = arith.maximumf %slice3A_56, %max3A_709 : vector<16x128xf32>
      %sub3A_711 = arith.subf %min3A_708, %max3A_710 : vector<16x128xf32>
      %max3A_712 = arith.constant 0.000000e+00 : f32
      %max3A_713 = vector.broadcast %max3A_712 : f32 to vector<16x128xf32>
      %max3A_714 = arith.maximumf %sub3A_711, %max3A_713 : vector<16x128xf32>
      %mul3A_715 = arith.mulf %max3A_706, %max3A_714 : vector<16x128xf32>
      %add3A_716 = vector.broadcast %get3A_693 : f32 to vector<16x128xf32>
      %add3A_717 = arith.addf %add3A_716, %slice3A_59 : vector<16x128xf32>
      %sub3A_718 = arith.subf %add3A_717, %mul3A_715 : vector<16x128xf32>
      %add3A_719 = arith.constant 1.000000e-10 : f32
      %add3A_720 = vector.broadcast %add3A_719 : f32 to vector<16x128xf32>
      %add3A_721 = arith.addf %sub3A_718, %add3A_720 : vector<16x128xf32>
      %div3A_722 = arith.divf %mul3A_715, %add3A_721 : vector<16x128xf32>
      %ge3A_723 = arith.constant 2.000000e-01 : f32
      %ge3A_724 = vector.broadcast %ge3A_723 : f32 to vector<16x128xf32>
      %ge3A_725 = arith.cmpf oge, %div3A_722, %ge3A_724 : vector<16x128xf32>
      %gt3A_726 = vector.broadcast %add3A_683 : i32 to vector<16x128xi32>
      %gt3A_727 = arith.cmpi sgt, %slice3A_60, %gt3A_726 : vector<16x128xi32>
      %and3A_728 = arith.andi %ge3A_725, %gt3A_727 : vector<16x128xi1>
      %jit3A_729 = arith.constant 0.000000e+00 : f32
      %broadcast_in_dim3A_730 = vector.broadcast %jit3A_729 : f32 to vector<16x128xf32>
      %select_n3A_731 = arith.select %and3A_728, %while3A_81, %broadcast_in_dim3A_730 : vector<16x128xi1>, vector<16x128xf32>
      %eq3A_732 = vector.broadcast %add3A_683 : i32 to vector<16x128xi32>
      %eq3A_733 = arith.cmpi eq, %slice3A_60, %eq3A_732 : vector<16x128xi32>
      %mul3A_734 = vector.broadcast %select_n3A_698 : f32 to vector<16x128xf32>
      %mul3A_735 = arith.mulf %while3A_81, %mul3A_734 : vector<16x128xf32>
      %jit3A_736 = arith.constant 0.000000e+00 : f32
      %broadcast_in_dim3A_737 = vector.broadcast %jit3A_736 : f32 to vector<16x128xf32>
      %select_n3A_738 = arith.select %eq3A_733, %mul3A_735, %broadcast_in_dim3A_737 : vector<16x128xi1>, vector<16x128xf32>
      %add3A_739 = arith.addf %select_n3A_731, %select_n3A_738 : vector<16x128xf32>
      %reduce_sum3A_740 = arith.constant dense<0.000000e+00> : vector<128xf32>
      %reduce_sum3A_741 = vector.multi_reduction <add>, %add3A_739, %reduce_sum3A_740 [0] : vector<16x128xf32> to vector<128xf32>
      %broadcast_in_dim3A_742 = vector.shape_cast %reduce_sum3A_741 : vector<128xf32> to vector<1x128xf32>
      %add3A_743 = arith.constant 11 : i32
      %add3A_744 = arith.addi %while3A_80, %add3A_743 : i32
      %get3A_745 = arith.index_cast %add3A_744 : i32 to index
      %get3A_746 = memref.load %arg0[%get3A_745] : memref<5120xf32, #tpu.memory_space<smem>>
      %get3A_747 = arith.index_cast %add3A_744 : i32 to index
      %get3A_748 = memref.load %arg1[%get3A_747] : memref<5120xf32, #tpu.memory_space<smem>>
      %get3A_749 = arith.index_cast %add3A_744 : i32 to index
      %get3A_750 = memref.load %arg2[%get3A_749] : memref<5120xf32, #tpu.memory_space<smem>>
      %get3A_751 = arith.index_cast %add3A_744 : i32 to index
      %get3A_752 = memref.load %arg3[%get3A_751] : memref<5120xf32, #tpu.memory_space<smem>>
      %get3A_753 = arith.index_cast %add3A_744 : i32 to index
      %get3A_754 = memref.load %arg4[%get3A_753] : memref<5120xf32, #tpu.memory_space<smem>>
      %ge3A_755 = arith.constant 4.000000e+00 : f32
      %ge3A_756 = arith.cmpf oge, %get3A_754, %ge3A_755 : f32
      %jit3A_757 = arith.constant 8.192000e+03 : f32
      %jit3A_758 = arith.constant 0.000000e+00 : f32
      %select_n3A_759 = arith.select %ge3A_756, %jit3A_757, %jit3A_758 : f32
      %min3A_760 = vector.broadcast %get3A_750 : f32 to vector<16x128xf32>
      %min3A_761 = arith.minimumf %slice3A_57, %min3A_760 : vector<16x128xf32>
      %max3A_762 = vector.broadcast %get3A_746 : f32 to vector<16x128xf32>
      %max3A_763 = arith.maximumf %slice3A_55, %max3A_762 : vector<16x128xf32>
      %sub3A_764 = arith.subf %min3A_761, %max3A_763 : vector<16x128xf32>
      %max3A_765 = arith.constant 0.000000e+00 : f32
      %max3A_766 = vector.broadcast %max3A_765 : f32 to vector<16x128xf32>
      %max3A_767 = arith.maximumf %sub3A_764, %max3A_766 : vector<16x128xf32>
      %min3A_768 = vector.broadcast %get3A_752 : f32 to vector<16x128xf32>
      %min3A_769 = arith.minimumf %slice3A_58, %min3A_768 : vector<16x128xf32>
      %max3A_770 = vector.broadcast %get3A_748 : f32 to vector<16x128xf32>
      %max3A_771 = arith.maximumf %slice3A_56, %max3A_770 : vector<16x128xf32>
      %sub3A_772 = arith.subf %min3A_769, %max3A_771 : vector<16x128xf32>
      %max3A_773 = arith.constant 0.000000e+00 : f32
      %max3A_774 = vector.broadcast %max3A_773 : f32 to vector<16x128xf32>
      %max3A_775 = arith.maximumf %sub3A_772, %max3A_774 : vector<16x128xf32>
      %mul3A_776 = arith.mulf %max3A_767, %max3A_775 : vector<16x128xf32>
      %add3A_777 = vector.broadcast %get3A_754 : f32 to vector<16x128xf32>
      %add3A_778 = arith.addf %add3A_777, %slice3A_59 : vector<16x128xf32>
      %sub3A_779 = arith.subf %add3A_778, %mul3A_776 : vector<16x128xf32>
      %add3A_780 = arith.constant 1.000000e-10 : f32
      %add3A_781 = vector.broadcast %add3A_780 : f32 to vector<16x128xf32>
      %add3A_782 = arith.addf %sub3A_779, %add3A_781 : vector<16x128xf32>
      %div3A_783 = arith.divf %mul3A_776, %add3A_782 : vector<16x128xf32>
      %ge3A_784 = arith.constant 2.000000e-01 : f32
      %ge3A_785 = vector.broadcast %ge3A_784 : f32 to vector<16x128xf32>
      %ge3A_786 = arith.cmpf oge, %div3A_783, %ge3A_785 : vector<16x128xf32>
      %gt3A_787 = vector.broadcast %add3A_744 : i32 to vector<16x128xi32>
      %gt3A_788 = arith.cmpi sgt, %slice3A_60, %gt3A_787 : vector<16x128xi32>
      %and3A_789 = arith.andi %ge3A_786, %gt3A_788 : vector<16x128xi1>
      %jit3A_790 = arith.constant 0.000000e+00 : f32
      %broadcast_in_dim3A_791 = vector.broadcast %jit3A_790 : f32 to vector<16x128xf32>
      %select_n3A_792 = arith.select %and3A_789, %while3A_81, %broadcast_in_dim3A_791 : vector<16x128xi1>, vector<16x128xf32>
      %eq3A_793 = vector.broadcast %add3A_744 : i32 to vector<16x128xi32>
      %eq3A_794 = arith.cmpi eq, %slice3A_60, %eq3A_793 : vector<16x128xi32>
      %mul3A_795 = vector.broadcast %select_n3A_759 : f32 to vector<16x128xf32>
      %mul3A_796 = arith.mulf %while3A_81, %mul3A_795 : vector<16x128xf32>
      %jit3A_797 = arith.constant 0.000000e+00 : f32
      %broadcast_in_dim3A_798 = vector.broadcast %jit3A_797 : f32 to vector<16x128xf32>
      %select_n3A_799 = arith.select %eq3A_794, %mul3A_796, %broadcast_in_dim3A_798 : vector<16x128xi1>, vector<16x128xf32>
      %add3A_800 = arith.addf %select_n3A_792, %select_n3A_799 : vector<16x128xf32>
      %reduce_sum3A_801 = arith.constant dense<0.000000e+00> : vector<128xf32>
      %reduce_sum3A_802 = vector.multi_reduction <add>, %add3A_800, %reduce_sum3A_801 [0] : vector<16x128xf32> to vector<128xf32>
      %broadcast_in_dim3A_803 = vector.shape_cast %reduce_sum3A_802 : vector<128xf32> to vector<1x128xf32>
      %add3A_804 = arith.constant 12 : i32
      %add3A_805 = arith.addi %while3A_80, %add3A_804 : i32
      %get3A_806 = arith.index_cast %add3A_805 : i32 to index
      %get3A_807 = memref.load %arg0[%get3A_806] : memref<5120xf32, #tpu.memory_space<smem>>
      %get3A_808 = arith.index_cast %add3A_805 : i32 to index
      %get3A_809 = memref.load %arg1[%get3A_808] : memref<5120xf32, #tpu.memory_space<smem>>
      %get3A_810 = arith.index_cast %add3A_805 : i32 to index
      %get3A_811 = memref.load %arg2[%get3A_810] : memref<5120xf32, #tpu.memory_space<smem>>
      %get3A_812 = arith.index_cast %add3A_805 : i32 to index
      %get3A_813 = memref.load %arg3[%get3A_812] : memref<5120xf32, #tpu.memory_space<smem>>
      %get3A_814 = arith.index_cast %add3A_805 : i32 to index
      %get3A_815 = memref.load %arg4[%get3A_814] : memref<5120xf32, #tpu.memory_space<smem>>
      %ge3A_816 = arith.constant 4.000000e+00 : f32
      %ge3A_817 = arith.cmpf oge, %get3A_815, %ge3A_816 : f32
      %jit3A_818 = arith.constant 8.192000e+03 : f32
      %jit3A_819 = arith.constant 0.000000e+00 : f32
      %select_n3A_820 = arith.select %ge3A_817, %jit3A_818, %jit3A_819 : f32
      %min3A_821 = vector.broadcast %get3A_811 : f32 to vector<16x128xf32>
      %min3A_822 = arith.minimumf %slice3A_57, %min3A_821 : vector<16x128xf32>
      %max3A_823 = vector.broadcast %get3A_807 : f32 to vector<16x128xf32>
      %max3A_824 = arith.maximumf %slice3A_55, %max3A_823 : vector<16x128xf32>
      %sub3A_825 = arith.subf %min3A_822, %max3A_824 : vector<16x128xf32>
      %max3A_826 = arith.constant 0.000000e+00 : f32
      %max3A_827 = vector.broadcast %max3A_826 : f32 to vector<16x128xf32>
      %max3A_828 = arith.maximumf %sub3A_825, %max3A_827 : vector<16x128xf32>
      %min3A_829 = vector.broadcast %get3A_813 : f32 to vector<16x128xf32>
      %min3A_830 = arith.minimumf %slice3A_58, %min3A_829 : vector<16x128xf32>
      %max3A_831 = vector.broadcast %get3A_809 : f32 to vector<16x128xf32>
      %max3A_832 = arith.maximumf %slice3A_56, %max3A_831 : vector<16x128xf32>
      %sub3A_833 = arith.subf %min3A_830, %max3A_832 : vector<16x128xf32>
      %max3A_834 = arith.constant 0.000000e+00 : f32
      %max3A_835 = vector.broadcast %max3A_834 : f32 to vector<16x128xf32>
      %max3A_836 = arith.maximumf %sub3A_833, %max3A_835 : vector<16x128xf32>
      %mul3A_837 = arith.mulf %max3A_828, %max3A_836 : vector<16x128xf32>
      %add3A_838 = vector.broadcast %get3A_815 : f32 to vector<16x128xf32>
      %add3A_839 = arith.addf %add3A_838, %slice3A_59 : vector<16x128xf32>
      %sub3A_840 = arith.subf %add3A_839, %mul3A_837 : vector<16x128xf32>
      %add3A_841 = arith.constant 1.000000e-10 : f32
      %add3A_842 = vector.broadcast %add3A_841 : f32 to vector<16x128xf32>
      %add3A_843 = arith.addf %sub3A_840, %add3A_842 : vector<16x128xf32>
      %div3A_844 = arith.divf %mul3A_837, %add3A_843 : vector<16x128xf32>
      %ge3A_845 = arith.constant 2.000000e-01 : f32
      %ge3A_846 = vector.broadcast %ge3A_845 : f32 to vector<16x128xf32>
      %ge3A_847 = arith.cmpf oge, %div3A_844, %ge3A_846 : vector<16x128xf32>
      %gt3A_848 = vector.broadcast %add3A_805 : i32 to vector<16x128xi32>
      %gt3A_849 = arith.cmpi sgt, %slice3A_60, %gt3A_848 : vector<16x128xi32>
      %and3A_850 = arith.andi %ge3A_847, %gt3A_849 : vector<16x128xi1>
      %jit3A_851 = arith.constant 0.000000e+00 : f32
      %broadcast_in_dim3A_852 = vector.broadcast %jit3A_851 : f32 to vector<16x128xf32>
      %select_n3A_853 = arith.select %and3A_850, %while3A_81, %broadcast_in_dim3A_852 : vector<16x128xi1>, vector<16x128xf32>
      %eq3A_854 = vector.broadcast %add3A_805 : i32 to vector<16x128xi32>
      %eq3A_855 = arith.cmpi eq, %slice3A_60, %eq3A_854 : vector<16x128xi32>
      %mul3A_856 = vector.broadcast %select_n3A_820 : f32 to vector<16x128xf32>
      %mul3A_857 = arith.mulf %while3A_81, %mul3A_856 : vector<16x128xf32>
      %jit3A_858 = arith.constant 0.000000e+00 : f32
      %broadcast_in_dim3A_859 = vector.broadcast %jit3A_858 : f32 to vector<16x128xf32>
      %select_n3A_860 = arith.select %eq3A_855, %mul3A_857, %broadcast_in_dim3A_859 : vector<16x128xi1>, vector<16x128xf32>
      %add3A_861 = arith.addf %select_n3A_853, %select_n3A_860 : vector<16x128xf32>
      %reduce_sum3A_862 = arith.constant dense<0.000000e+00> : vector<128xf32>
      %reduce_sum3A_863 = vector.multi_reduction <add>, %add3A_861, %reduce_sum3A_862 [0] : vector<16x128xf32> to vector<128xf32>
      %broadcast_in_dim3A_864 = vector.shape_cast %reduce_sum3A_863 : vector<128xf32> to vector<1x128xf32>
      %add3A_865 = arith.constant 13 : i32
      %add3A_866 = arith.addi %while3A_80, %add3A_865 : i32
      %get3A_867 = arith.index_cast %add3A_866 : i32 to index
      %get3A_868 = memref.load %arg0[%get3A_867] : memref<5120xf32, #tpu.memory_space<smem>>
      %get3A_869 = arith.index_cast %add3A_866 : i32 to index
      %get3A_870 = memref.load %arg1[%get3A_869] : memref<5120xf32, #tpu.memory_space<smem>>
      %get3A_871 = arith.index_cast %add3A_866 : i32 to index
      %get3A_872 = memref.load %arg2[%get3A_871] : memref<5120xf32, #tpu.memory_space<smem>>
      %get3A_873 = arith.index_cast %add3A_866 : i32 to index
      %get3A_874 = memref.load %arg3[%get3A_873] : memref<5120xf32, #tpu.memory_space<smem>>
      %get3A_875 = arith.index_cast %add3A_866 : i32 to index
      %get3A_876 = memref.load %arg4[%get3A_875] : memref<5120xf32, #tpu.memory_space<smem>>
      %ge3A_877 = arith.constant 4.000000e+00 : f32
      %ge3A_878 = arith.cmpf oge, %get3A_876, %ge3A_877 : f32
      %jit3A_879 = arith.constant 8.192000e+03 : f32
      %jit3A_880 = arith.constant 0.000000e+00 : f32
      %select_n3A_881 = arith.select %ge3A_878, %jit3A_879, %jit3A_880 : f32
      %min3A_882 = vector.broadcast %get3A_872 : f32 to vector<16x128xf32>
      %min3A_883 = arith.minimumf %slice3A_57, %min3A_882 : vector<16x128xf32>
      %max3A_884 = vector.broadcast %get3A_868 : f32 to vector<16x128xf32>
      %max3A_885 = arith.maximumf %slice3A_55, %max3A_884 : vector<16x128xf32>
      %sub3A_886 = arith.subf %min3A_883, %max3A_885 : vector<16x128xf32>
      %max3A_887 = arith.constant 0.000000e+00 : f32
      %max3A_888 = vector.broadcast %max3A_887 : f32 to vector<16x128xf32>
      %max3A_889 = arith.maximumf %sub3A_886, %max3A_888 : vector<16x128xf32>
      %min3A_890 = vector.broadcast %get3A_874 : f32 to vector<16x128xf32>
      %min3A_891 = arith.minimumf %slice3A_58, %min3A_890 : vector<16x128xf32>
      %max3A_892 = vector.broadcast %get3A_870 : f32 to vector<16x128xf32>
      %max3A_893 = arith.maximumf %slice3A_56, %max3A_892 : vector<16x128xf32>
      %sub3A_894 = arith.subf %min3A_891, %max3A_893 : vector<16x128xf32>
      %max3A_895 = arith.constant 0.000000e+00 : f32
      %max3A_896 = vector.broadcast %max3A_895 : f32 to vector<16x128xf32>
      %max3A_897 = arith.maximumf %sub3A_894, %max3A_896 : vector<16x128xf32>
      %mul3A_898 = arith.mulf %max3A_889, %max3A_897 : vector<16x128xf32>
      %add3A_899 = vector.broadcast %get3A_876 : f32 to vector<16x128xf32>
      %add3A_900 = arith.addf %add3A_899, %slice3A_59 : vector<16x128xf32>
      %sub3A_901 = arith.subf %add3A_900, %mul3A_898 : vector<16x128xf32>
      %add3A_902 = arith.constant 1.000000e-10 : f32
      %add3A_903 = vector.broadcast %add3A_902 : f32 to vector<16x128xf32>
      %add3A_904 = arith.addf %sub3A_901, %add3A_903 : vector<16x128xf32>
      %div3A_905 = arith.divf %mul3A_898, %add3A_904 : vector<16x128xf32>
      %ge3A_906 = arith.constant 2.000000e-01 : f32
      %ge3A_907 = vector.broadcast %ge3A_906 : f32 to vector<16x128xf32>
      %ge3A_908 = arith.cmpf oge, %div3A_905, %ge3A_907 : vector<16x128xf32>
      %gt3A_909 = vector.broadcast %add3A_866 : i32 to vector<16x128xi32>
      %gt3A_910 = arith.cmpi sgt, %slice3A_60, %gt3A_909 : vector<16x128xi32>
      %and3A_911 = arith.andi %ge3A_908, %gt3A_910 : vector<16x128xi1>
      %jit3A_912 = arith.constant 0.000000e+00 : f32
      %broadcast_in_dim3A_913 = vector.broadcast %jit3A_912 : f32 to vector<16x128xf32>
      %select_n3A_914 = arith.select %and3A_911, %while3A_81, %broadcast_in_dim3A_913 : vector<16x128xi1>, vector<16x128xf32>
      %eq3A_915 = vector.broadcast %add3A_866 : i32 to vector<16x128xi32>
      %eq3A_916 = arith.cmpi eq, %slice3A_60, %eq3A_915 : vector<16x128xi32>
      %mul3A_917 = vector.broadcast %select_n3A_881 : f32 to vector<16x128xf32>
      %mul3A_918 = arith.mulf %while3A_81, %mul3A_917 : vector<16x128xf32>
      %jit3A_919 = arith.constant 0.000000e+00 : f32
      %broadcast_in_dim3A_920 = vector.broadcast %jit3A_919 : f32 to vector<16x128xf32>
      %select_n3A_921 = arith.select %eq3A_916, %mul3A_918, %broadcast_in_dim3A_920 : vector<16x128xi1>, vector<16x128xf32>
      %add3A_922 = arith.addf %select_n3A_914, %select_n3A_921 : vector<16x128xf32>
      %reduce_sum3A_923 = arith.constant dense<0.000000e+00> : vector<128xf32>
      %reduce_sum3A_924 = vector.multi_reduction <add>, %add3A_922, %reduce_sum3A_923 [0] : vector<16x128xf32> to vector<128xf32>
      %broadcast_in_dim3A_925 = vector.shape_cast %reduce_sum3A_924 : vector<128xf32> to vector<1x128xf32>
      %add3A_926 = arith.constant 14 : i32
      %add3A_927 = arith.addi %while3A_80, %add3A_926 : i32
      %get3A_928 = arith.index_cast %add3A_927 : i32 to index
      %get3A_929 = memref.load %arg0[%get3A_928] : memref<5120xf32, #tpu.memory_space<smem>>
      %get3A_930 = arith.index_cast %add3A_927 : i32 to index
      %get3A_931 = memref.load %arg1[%get3A_930] : memref<5120xf32, #tpu.memory_space<smem>>
      %get3A_932 = arith.index_cast %add3A_927 : i32 to index
      %get3A_933 = memref.load %arg2[%get3A_932] : memref<5120xf32, #tpu.memory_space<smem>>
      %get3A_934 = arith.index_cast %add3A_927 : i32 to index
      %get3A_935 = memref.load %arg3[%get3A_934] : memref<5120xf32, #tpu.memory_space<smem>>
      %get3A_936 = arith.index_cast %add3A_927 : i32 to index
      %get3A_937 = memref.load %arg4[%get3A_936] : memref<5120xf32, #tpu.memory_space<smem>>
      %ge3A_938 = arith.constant 4.000000e+00 : f32
      %ge3A_939 = arith.cmpf oge, %get3A_937, %ge3A_938 : f32
      %jit3A_940 = arith.constant 8.192000e+03 : f32
      %jit3A_941 = arith.constant 0.000000e+00 : f32
      %select_n3A_942 = arith.select %ge3A_939, %jit3A_940, %jit3A_941 : f32
      %min3A_943 = vector.broadcast %get3A_933 : f32 to vector<16x128xf32>
      %min3A_944 = arith.minimumf %slice3A_57, %min3A_943 : vector<16x128xf32>
      %max3A_945 = vector.broadcast %get3A_929 : f32 to vector<16x128xf32>
      %max3A_946 = arith.maximumf %slice3A_55, %max3A_945 : vector<16x128xf32>
      %sub3A_947 = arith.subf %min3A_944, %max3A_946 : vector<16x128xf32>
      %max3A_948 = arith.constant 0.000000e+00 : f32
      %max3A_949 = vector.broadcast %max3A_948 : f32 to vector<16x128xf32>
      %max3A_950 = arith.maximumf %sub3A_947, %max3A_949 : vector<16x128xf32>
      %min3A_951 = vector.broadcast %get3A_935 : f32 to vector<16x128xf32>
      %min3A_952 = arith.minimumf %slice3A_58, %min3A_951 : vector<16x128xf32>
      %max3A_953 = vector.broadcast %get3A_931 : f32 to vector<16x128xf32>
      %max3A_954 = arith.maximumf %slice3A_56, %max3A_953 : vector<16x128xf32>
      %sub3A_955 = arith.subf %min3A_952, %max3A_954 : vector<16x128xf32>
      %max3A_956 = arith.constant 0.000000e+00 : f32
      %max3A_957 = vector.broadcast %max3A_956 : f32 to vector<16x128xf32>
      %max3A_958 = arith.maximumf %sub3A_955, %max3A_957 : vector<16x128xf32>
      %mul3A_959 = arith.mulf %max3A_950, %max3A_958 : vector<16x128xf32>
      %add3A_960 = vector.broadcast %get3A_937 : f32 to vector<16x128xf32>
      %add3A_961 = arith.addf %add3A_960, %slice3A_59 : vector<16x128xf32>
      %sub3A_962 = arith.subf %add3A_961, %mul3A_959 : vector<16x128xf32>
      %add3A_963 = arith.constant 1.000000e-10 : f32
      %add3A_964 = vector.broadcast %add3A_963 : f32 to vector<16x128xf32>
      %add3A_965 = arith.addf %sub3A_962, %add3A_964 : vector<16x128xf32>
      %div3A_966 = arith.divf %mul3A_959, %add3A_965 : vector<16x128xf32>
      %ge3A_967 = arith.constant 2.000000e-01 : f32
      %ge3A_968 = vector.broadcast %ge3A_967 : f32 to vector<16x128xf32>
      %ge3A_969 = arith.cmpf oge, %div3A_966, %ge3A_968 : vector<16x128xf32>
      %gt3A_970 = vector.broadcast %add3A_927 : i32 to vector<16x128xi32>
      %gt3A_971 = arith.cmpi sgt, %slice3A_60, %gt3A_970 : vector<16x128xi32>
      %and3A_972 = arith.andi %ge3A_969, %gt3A_971 : vector<16x128xi1>
      %jit3A_973 = arith.constant 0.000000e+00 : f32
      %broadcast_in_dim3A_974 = vector.broadcast %jit3A_973 : f32 to vector<16x128xf32>
      %select_n3A_975 = arith.select %and3A_972, %while3A_81, %broadcast_in_dim3A_974 : vector<16x128xi1>, vector<16x128xf32>
      %eq3A_976 = vector.broadcast %add3A_927 : i32 to vector<16x128xi32>
      %eq3A_977 = arith.cmpi eq, %slice3A_60, %eq3A_976 : vector<16x128xi32>
      %mul3A_978 = vector.broadcast %select_n3A_942 : f32 to vector<16x128xf32>
      %mul3A_979 = arith.mulf %while3A_81, %mul3A_978 : vector<16x128xf32>
      %jit3A_980 = arith.constant 0.000000e+00 : f32
      %broadcast_in_dim3A_981 = vector.broadcast %jit3A_980 : f32 to vector<16x128xf32>
      %select_n3A_982 = arith.select %eq3A_977, %mul3A_979, %broadcast_in_dim3A_981 : vector<16x128xi1>, vector<16x128xf32>
      %add3A_983 = arith.addf %select_n3A_975, %select_n3A_982 : vector<16x128xf32>
      %reduce_sum3A_984 = arith.constant dense<0.000000e+00> : vector<128xf32>
      %reduce_sum3A_985 = vector.multi_reduction <add>, %add3A_983, %reduce_sum3A_984 [0] : vector<16x128xf32> to vector<128xf32>
      %broadcast_in_dim3A_986 = vector.shape_cast %reduce_sum3A_985 : vector<128xf32> to vector<1x128xf32>
      %add3A_987 = arith.constant 15 : i32
      %add3A_988 = arith.addi %while3A_80, %add3A_987 : i32
      %get3A_989 = arith.index_cast %add3A_988 : i32 to index
      %get3A_990 = memref.load %arg0[%get3A_989] : memref<5120xf32, #tpu.memory_space<smem>>
      %get3A_991 = arith.index_cast %add3A_988 : i32 to index
      %get3A_992 = memref.load %arg1[%get3A_991] : memref<5120xf32, #tpu.memory_space<smem>>
      %get3A_993 = arith.index_cast %add3A_988 : i32 to index
      %get3A_994 = memref.load %arg2[%get3A_993] : memref<5120xf32, #tpu.memory_space<smem>>
      %get3A_995 = arith.index_cast %add3A_988 : i32 to index
      %get3A_996 = memref.load %arg3[%get3A_995] : memref<5120xf32, #tpu.memory_space<smem>>
      %get3A_997 = arith.index_cast %add3A_988 : i32 to index
      %get3A_998 = memref.load %arg4[%get3A_997] : memref<5120xf32, #tpu.memory_space<smem>>
      %ge3A_999 = arith.constant 4.000000e+00 : f32
      %ge3A_1000 = arith.cmpf oge, %get3A_998, %ge3A_999 : f32
      %jit3A_1001 = arith.constant 8.192000e+03 : f32
      %jit3A_1002 = arith.constant 0.000000e+00 : f32
      %select_n3A_1003 = arith.select %ge3A_1000, %jit3A_1001, %jit3A_1002 : f32
      %min3A_1004 = vector.broadcast %get3A_994 : f32 to vector<16x128xf32>
      %min3A_1005 = arith.minimumf %slice3A_57, %min3A_1004 : vector<16x128xf32>
      %max3A_1006 = vector.broadcast %get3A_990 : f32 to vector<16x128xf32>
      %max3A_1007 = arith.maximumf %slice3A_55, %max3A_1006 : vector<16x128xf32>
      %sub3A_1008 = arith.subf %min3A_1005, %max3A_1007 : vector<16x128xf32>
      %max3A_1009 = arith.constant 0.000000e+00 : f32
      %max3A_1010 = vector.broadcast %max3A_1009 : f32 to vector<16x128xf32>
      %max3A_1011 = arith.maximumf %sub3A_1008, %max3A_1010 : vector<16x128xf32>
      %min3A_1012 = vector.broadcast %get3A_996 : f32 to vector<16x128xf32>
      %min3A_1013 = arith.minimumf %slice3A_58, %min3A_1012 : vector<16x128xf32>
      %max3A_1014 = vector.broadcast %get3A_992 : f32 to vector<16x128xf32>
      %max3A_1015 = arith.maximumf %slice3A_56, %max3A_1014 : vector<16x128xf32>
      %sub3A_1016 = arith.subf %min3A_1013, %max3A_1015 : vector<16x128xf32>
      %max3A_1017 = arith.constant 0.000000e+00 : f32
      %max3A_1018 = vector.broadcast %max3A_1017 : f32 to vector<16x128xf32>
      %max3A_1019 = arith.maximumf %sub3A_1016, %max3A_1018 : vector<16x128xf32>
      %mul3A_1020 = arith.mulf %max3A_1011, %max3A_1019 : vector<16x128xf32>
      %add3A_1021 = vector.broadcast %get3A_998 : f32 to vector<16x128xf32>
      %add3A_1022 = arith.addf %add3A_1021, %slice3A_59 : vector<16x128xf32>
      %sub3A_1023 = arith.subf %add3A_1022, %mul3A_1020 : vector<16x128xf32>
      %add3A_1024 = arith.constant 1.000000e-10 : f32
      %add3A_1025 = vector.broadcast %add3A_1024 : f32 to vector<16x128xf32>
      %add3A_1026 = arith.addf %sub3A_1023, %add3A_1025 : vector<16x128xf32>
      %div3A_1027 = arith.divf %mul3A_1020, %add3A_1026 : vector<16x128xf32>
      %ge3A_1028 = arith.constant 2.000000e-01 : f32
      %ge3A_1029 = vector.broadcast %ge3A_1028 : f32 to vector<16x128xf32>
      %ge3A_1030 = arith.cmpf oge, %div3A_1027, %ge3A_1029 : vector<16x128xf32>
      %gt3A_1031 = vector.broadcast %add3A_988 : i32 to vector<16x128xi32>
      %gt3A_1032 = arith.cmpi sgt, %slice3A_60, %gt3A_1031 : vector<16x128xi32>
      %and3A_1033 = arith.andi %ge3A_1030, %gt3A_1032 : vector<16x128xi1>
      %jit3A_1034 = arith.constant 0.000000e+00 : f32
      %broadcast_in_dim3A_1035 = vector.broadcast %jit3A_1034 : f32 to vector<16x128xf32>
      %select_n3A_1036 = arith.select %and3A_1033, %while3A_81, %broadcast_in_dim3A_1035 : vector<16x128xi1>, vector<16x128xf32>
      %eq3A_1037 = vector.broadcast %add3A_988 : i32 to vector<16x128xi32>
      %eq3A_1038 = arith.cmpi eq, %slice3A_60, %eq3A_1037 : vector<16x128xi32>
      %mul3A_1039 = vector.broadcast %select_n3A_1003 : f32 to vector<16x128xf32>
      %mul3A_1040 = arith.mulf %while3A_81, %mul3A_1039 : vector<16x128xf32>
      %jit3A_1041 = arith.constant 0.000000e+00 : f32
      %broadcast_in_dim3A_1042 = vector.broadcast %jit3A_1041 : f32 to vector<16x128xf32>
      %select_n3A_1043 = arith.select %eq3A_1038, %mul3A_1040, %broadcast_in_dim3A_1042 : vector<16x128xi1>, vector<16x128xf32>
      %add3A_1044 = arith.addf %select_n3A_1036, %select_n3A_1043 : vector<16x128xf32>
      %reduce_sum3A_1045 = arith.constant dense<0.000000e+00> : vector<128xf32>
      %reduce_sum3A_1046 = vector.multi_reduction <add>, %add3A_1044, %reduce_sum3A_1045 [0] : vector<16x128xf32> to vector<128xf32>
      %broadcast_in_dim3A_1047 = vector.shape_cast %reduce_sum3A_1046 : vector<128xf32> to vector<1x128xf32>
      %concatenate3A = tpu.concatenate %broadcast_in_dim3A_132, %broadcast_in_dim3A_193, %broadcast_in_dim3A_254, %broadcast_in_dim3A_315, %broadcast_in_dim3A_376, %broadcast_in_dim3A_437, %broadcast_in_dim3A_498, %broadcast_in_dim3A_559, %broadcast_in_dim3A_620, %broadcast_in_dim3A_681, %broadcast_in_dim3A_742, %broadcast_in_dim3A_803, %broadcast_in_dim3A_864, %broadcast_in_dim3A_925, %broadcast_in_dim3A_986, %broadcast_in_dim3A_1047 in 0 : vector<1x128xf32>, vector<1x128xf32>, vector<1x128xf32>, vector<1x128xf32>, vector<1x128xf32>, vector<1x128xf32>, vector<1x128xf32>, vector<1x128xf32>, vector<1x128xf32>, vector<1x128xf32>, vector<1x128xf32>, vector<1x128xf32>, vector<1x128xf32>, vector<1x128xf32>, vector<1x128xf32>, vector<1x128xf32> -> vector<16x128xf32>
      %reduce_sum3A_1048 = arith.constant dense<0.000000e+00> : vector<16xf32>
      %reduce_sum3A_1049 = vector.multi_reduction <add>, %concatenate3A, %reduce_sum3A_1048 [1] : vector<16x128xf32> to vector<16xf32>
      %broadcast_in_dim3A_1050 = vector.shape_cast %reduce_sum3A_1049 : vector<16xf32> to vector<16x1xf32>
      %ge3A_1051 = arith.constant 8.202000e+03 : f32
      %ge3A_1052 = vector.broadcast %ge3A_1051 : f32 to vector<16x1xf32>
      %ge3A_1053 = arith.cmpf oge, %broadcast_in_dim3A_1050, %ge3A_1052 : vector<16x1xf32>
      %jit3A_1054 = arith.constant 16 : i32
      %broadcast_in_dim3A_1055 = vector.broadcast %jit3A_1054 : i32 to vector<16x1xi32>
      %select_n3A_1056 = arith.select %ge3A_1053, %iota3A_17, %broadcast_in_dim3A_1055 : vector<16x1xi1>, vector<16x1xi32>
      %reduce_min3A = arith.constant dense<2147483647> : vector<1xi32>
      %reduce_min3A_1057 = vector.multi_reduction <minsi>, %select_n3A_1056, %reduce_min3A [0] : vector<16x1xi32> to vector<1xi32>
      %broadcast_in_dim3A_1058 = vector.shape_cast %reduce_min3A_1057 : vector<1xi32> to vector<1x1xi32>
      %lt3A = arith.constant 16 : i32
      %lt3A_1059 = vector.broadcast %lt3A : i32 to vector<1x1xi32>
      %lt3A_1060 = arith.cmpi slt, %broadcast_in_dim3A_1058, %lt3A_1059 : vector<1x1xi32>
      %jit3A_1061 = arith.constant 1.000000e+00 : f32
      %jit3A_1062 = arith.constant 0.000000e+00 : f32
      %broadcast_in_dim3A_1063 = vector.broadcast %jit3A_1061 : f32 to vector<1x1xf32>
      %broadcast_in_dim3A_1064 = vector.broadcast %jit3A_1062 : f32 to vector<1x1xf32>
      %select_n3A_1065 = arith.select %lt3A_1060, %broadcast_in_dim3A_1063, %broadcast_in_dim3A_1064 : vector<1x1xi1>, vector<1x1xf32>
      %add3A_1066 = vector.broadcast %while3A_80 : i32 to vector<1x1xi32>
      %add3A_1067 = arith.addi %add3A_1066, %broadcast_in_dim3A_1058 : vector<1x1xi32>
      %eq3A_1068 = vector.broadcast %add3A_1067 : vector<1x1xi32> to vector<16x128xi32>
      %eq3A_1069 = arith.cmpi eq, %slice3A_60, %eq3A_1068 : vector<16x128xi32>
      %jit3A_1070 = arith.constant 0.000000e+00 : f32
      %broadcast_in_dim3A_1071 = vector.shape_cast %select_n3A_1065 : vector<1x1xf32> to vector<1x1xf32>
      %broadcast_in_dim3A_1072 = vector.broadcast %broadcast_in_dim3A_1071 : vector<1x1xf32> to vector<16x128xf32>
      %broadcast_in_dim3A_1073 = vector.broadcast %jit3A_1070 : f32 to vector<16x128xf32>
      %select_n3A_1074 = arith.select %eq3A_1069, %broadcast_in_dim3A_1072, %broadcast_in_dim3A_1073 : vector<16x128xi1>, vector<16x128xf32>
      %add3A_1075 = arith.addf %while3A_82, %select_n3A_1074 : vector<16x128xf32>
      %and3A_1076 = arith.constant 1 : i32
      %and3A_1077 = vector.broadcast %and3A_1076 : i32 to vector<1x1xi32>
      %and3A_1078 = arith.andi %broadcast_in_dim3A_1058, %and3A_1077 : vector<1x1xi32>
      %ne3A = arith.constant 0 : i32
      %ne3A_1079 = vector.broadcast %ne3A : i32 to vector<1x1xi32>
      %ne3A_1080 = arith.cmpi ne, %and3A_1078, %ne3A_1079 : vector<1x1xi32>
      %broadcast_in_dim3A_1081 = vector.shape_cast %ne3A_1080 : vector<1x1xi1> to vector<1x1xi1>
      %broadcast_in_dim3A_1082 = vector.broadcast %broadcast_in_dim3A_1081 : vector<1x1xi1> to vector<16x128xi1>
      %select_n3A_1083 = arith.select %broadcast_in_dim3A_1082, %select_n3A_182, %select_n3A_123 : vector<16x128xi1>, vector<16x128xf32>
      %and3A_1084 = arith.constant 1 : i32
      %and3A_1085 = vector.broadcast %and3A_1084 : i32 to vector<1x1xi32>
      %and3A_1086 = arith.andi %broadcast_in_dim3A_1058, %and3A_1085 : vector<1x1xi32>
      %ne3A_1087 = arith.constant 0 : i32
      %ne3A_1088 = vector.broadcast %ne3A_1087 : i32 to vector<1x1xi32>
      %ne3A_1089 = arith.cmpi ne, %and3A_1086, %ne3A_1088 : vector<1x1xi32>
      %broadcast_in_dim3A_1090 = vector.shape_cast %ne3A_1089 : vector<1x1xi1> to vector<1x1xi1>
      %broadcast_in_dim3A_1091 = vector.broadcast %broadcast_in_dim3A_1090 : vector<1x1xi1> to vector<16x128xi1>
      %select_n3A_1092 = arith.select %broadcast_in_dim3A_1091, %select_n3A_304, %select_n3A_243 : vector<16x128xi1>, vector<16x128xf32>
      %and3A_1093 = arith.constant 1 : i32
      %and3A_1094 = vector.broadcast %and3A_1093 : i32 to vector<1x1xi32>
      %and3A_1095 = arith.andi %broadcast_in_dim3A_1058, %and3A_1094 : vector<1x1xi32>
      %ne3A_1096 = arith.constant 0 : i32
      %ne3A_1097 = vector.broadcast %ne3A_1096 : i32 to vector<1x1xi32>
      %ne3A_1098 = arith.cmpi ne, %and3A_1095, %ne3A_1097 : vector<1x1xi32>
      %broadcast_in_dim3A_1099 = vector.shape_cast %ne3A_1098 : vector<1x1xi1> to vector<1x1xi1>
      %broadcast_in_dim3A_1100 = vector.broadcast %broadcast_in_dim3A_1099 : vector<1x1xi1> to vector<16x128xi1>
      %select_n3A_1101 = arith.select %broadcast_in_dim3A_1100, %select_n3A_426, %select_n3A_365 : vector<16x128xi1>, vector<16x128xf32>
      %and3A_1102 = arith.constant 1 : i32
      %and3A_1103 = vector.broadcast %and3A_1102 : i32 to vector<1x1xi32>
      %and3A_1104 = arith.andi %broadcast_in_dim3A_1058, %and3A_1103 : vector<1x1xi32>
      %ne3A_1105 = arith.constant 0 : i32
      %ne3A_1106 = vector.broadcast %ne3A_1105 : i32 to vector<1x1xi32>
      %ne3A_1107 = arith.cmpi ne, %and3A_1104, %ne3A_1106 : vector<1x1xi32>
      %broadcast_in_dim3A_1108 = vector.shape_cast %ne3A_1107 : vector<1x1xi1> to vector<1x1xi1>
      %broadcast_in_dim3A_1109 = vector.broadcast %broadcast_in_dim3A_1108 : vector<1x1xi1> to vector<16x128xi1>
      %select_n3A_1110 = arith.select %broadcast_in_dim3A_1109, %select_n3A_548, %select_n3A_487 : vector<16x128xi1>, vector<16x128xf32>
      %and3A_1111 = arith.constant 1 : i32
      %and3A_1112 = vector.broadcast %and3A_1111 : i32 to vector<1x1xi32>
      %and3A_1113 = arith.andi %broadcast_in_dim3A_1058, %and3A_1112 : vector<1x1xi32>
      %ne3A_1114 = arith.constant 0 : i32
      %ne3A_1115 = vector.broadcast %ne3A_1114 : i32 to vector<1x1xi32>
      %ne3A_1116 = arith.cmpi ne, %and3A_1113, %ne3A_1115 : vector<1x1xi32>
      %broadcast_in_dim3A_1117 = vector.shape_cast %ne3A_1116 : vector<1x1xi1> to vector<1x1xi1>
      %broadcast_in_dim3A_1118 = vector.broadcast %broadcast_in_dim3A_1117 : vector<1x1xi1> to vector<16x128xi1>
      %select_n3A_1119 = arith.select %broadcast_in_dim3A_1118, %select_n3A_670, %select_n3A_609 : vector<16x128xi1>, vector<16x128xf32>
      %and3A_1120 = arith.constant 1 : i32
      %and3A_1121 = vector.broadcast %and3A_1120 : i32 to vector<1x1xi32>
      %and3A_1122 = arith.andi %broadcast_in_dim3A_1058, %and3A_1121 : vector<1x1xi32>
      %ne3A_1123 = arith.constant 0 : i32
      %ne3A_1124 = vector.broadcast %ne3A_1123 : i32 to vector<1x1xi32>
      %ne3A_1125 = arith.cmpi ne, %and3A_1122, %ne3A_1124 : vector<1x1xi32>
      %broadcast_in_dim3A_1126 = vector.shape_cast %ne3A_1125 : vector<1x1xi1> to vector<1x1xi1>
      %broadcast_in_dim3A_1127 = vector.broadcast %broadcast_in_dim3A_1126 : vector<1x1xi1> to vector<16x128xi1>
      %select_n3A_1128 = arith.select %broadcast_in_dim3A_1127, %select_n3A_792, %select_n3A_731 : vector<16x128xi1>, vector<16x128xf32>
      %and3A_1129 = arith.constant 1 : i32
      %and3A_1130 = vector.broadcast %and3A_1129 : i32 to vector<1x1xi32>
      %and3A_1131 = arith.andi %broadcast_in_dim3A_1058, %and3A_1130 : vector<1x1xi32>
      %ne3A_1132 = arith.constant 0 : i32
      %ne3A_1133 = vector.broadcast %ne3A_1132 : i32 to vector<1x1xi32>
      %ne3A_1134 = arith.cmpi ne, %and3A_1131, %ne3A_1133 : vector<1x1xi32>
      %broadcast_in_dim3A_1135 = vector.shape_cast %ne3A_1134 : vector<1x1xi1> to vector<1x1xi1>
      %broadcast_in_dim3A_1136 = vector.broadcast %broadcast_in_dim3A_1135 : vector<1x1xi1> to vector<16x128xi1>
      %select_n3A_1137 = arith.select %broadcast_in_dim3A_1136, %select_n3A_914, %select_n3A_853 : vector<16x128xi1>, vector<16x128xf32>
      %and3A_1138 = arith.constant 1 : i32
      %and3A_1139 = vector.broadcast %and3A_1138 : i32 to vector<1x1xi32>
      %and3A_1140 = arith.andi %broadcast_in_dim3A_1058, %and3A_1139 : vector<1x1xi32>
      %ne3A_1141 = arith.constant 0 : i32
      %ne3A_1142 = vector.broadcast %ne3A_1141 : i32 to vector<1x1xi32>
      %ne3A_1143 = arith.cmpi ne, %and3A_1140, %ne3A_1142 : vector<1x1xi32>
      %broadcast_in_dim3A_1144 = vector.shape_cast %ne3A_1143 : vector<1x1xi1> to vector<1x1xi1>
      %broadcast_in_dim3A_1145 = vector.broadcast %broadcast_in_dim3A_1144 : vector<1x1xi1> to vector<16x128xi1>
      %select_n3A_1146 = arith.select %broadcast_in_dim3A_1145, %select_n3A_1036, %select_n3A_975 : vector<16x128xi1>, vector<16x128xf32>
      %and3A_1147 = arith.constant 2 : i32
      %and3A_1148 = vector.broadcast %and3A_1147 : i32 to vector<1x1xi32>
      %and3A_1149 = arith.andi %broadcast_in_dim3A_1058, %and3A_1148 : vector<1x1xi32>
      %ne3A_1150 = arith.constant 0 : i32
      %ne3A_1151 = vector.broadcast %ne3A_1150 : i32 to vector<1x1xi32>
      %ne3A_1152 = arith.cmpi ne, %and3A_1149, %ne3A_1151 : vector<1x1xi32>
      %broadcast_in_dim3A_1153 = vector.shape_cast %ne3A_1152 : vector<1x1xi1> to vector<1x1xi1>
      %broadcast_in_dim3A_1154 = vector.broadcast %broadcast_in_dim3A_1153 : vector<1x1xi1> to vector<16x128xi1>
      %select_n3A_1155 = arith.select %broadcast_in_dim3A_1154, %select_n3A_1092, %select_n3A_1083 : vector<16x128xi1>, vector<16x128xf32>
      %and3A_1156 = arith.constant 2 : i32
      %and3A_1157 = vector.broadcast %and3A_1156 : i32 to vector<1x1xi32>
      %and3A_1158 = arith.andi %broadcast_in_dim3A_1058, %and3A_1157 : vector<1x1xi32>
      %ne3A_1159 = arith.constant 0 : i32
      %ne3A_1160 = vector.broadcast %ne3A_1159 : i32 to vector<1x1xi32>
      %ne3A_1161 = arith.cmpi ne, %and3A_1158, %ne3A_1160 : vector<1x1xi32>
      %broadcast_in_dim3A_1162 = vector.shape_cast %ne3A_1161 : vector<1x1xi1> to vector<1x1xi1>
      %broadcast_in_dim3A_1163 = vector.broadcast %broadcast_in_dim3A_1162 : vector<1x1xi1> to vector<16x128xi1>
      %select_n3A_1164 = arith.select %broadcast_in_dim3A_1163, %select_n3A_1110, %select_n3A_1101 : vector<16x128xi1>, vector<16x128xf32>
      %and3A_1165 = arith.constant 2 : i32
      %and3A_1166 = vector.broadcast %and3A_1165 : i32 to vector<1x1xi32>
      %and3A_1167 = arith.andi %broadcast_in_dim3A_1058, %and3A_1166 : vector<1x1xi32>
      %ne3A_1168 = arith.constant 0 : i32
      %ne3A_1169 = vector.broadcast %ne3A_1168 : i32 to vector<1x1xi32>
      %ne3A_1170 = arith.cmpi ne, %and3A_1167, %ne3A_1169 : vector<1x1xi32>
      %broadcast_in_dim3A_1171 = vector.shape_cast %ne3A_1170 : vector<1x1xi1> to vector<1x1xi1>
      %broadcast_in_dim3A_1172 = vector.broadcast %broadcast_in_dim3A_1171 : vector<1x1xi1> to vector<16x128xi1>
      %select_n3A_1173 = arith.select %broadcast_in_dim3A_1172, %select_n3A_1128, %select_n3A_1119 : vector<16x128xi1>, vector<16x128xf32>
      %and3A_1174 = arith.constant 2 : i32
      %and3A_1175 = vector.broadcast %and3A_1174 : i32 to vector<1x1xi32>
      %and3A_1176 = arith.andi %broadcast_in_dim3A_1058, %and3A_1175 : vector<1x1xi32>
      %ne3A_1177 = arith.constant 0 : i32
      %ne3A_1178 = vector.broadcast %ne3A_1177 : i32 to vector<1x1xi32>
      %ne3A_1179 = arith.cmpi ne, %and3A_1176, %ne3A_1178 : vector<1x1xi32>
      %broadcast_in_dim3A_1180 = vector.shape_cast %ne3A_1179 : vector<1x1xi1> to vector<1x1xi1>
      %broadcast_in_dim3A_1181 = vector.broadcast %broadcast_in_dim3A_1180 : vector<1x1xi1> to vector<16x128xi1>
      %select_n3A_1182 = arith.select %broadcast_in_dim3A_1181, %select_n3A_1146, %select_n3A_1137 : vector<16x128xi1>, vector<16x128xf32>
      %and3A_1183 = arith.constant 4 : i32
      %and3A_1184 = vector.broadcast %and3A_1183 : i32 to vector<1x1xi32>
      %and3A_1185 = arith.andi %broadcast_in_dim3A_1058, %and3A_1184 : vector<1x1xi32>
      %ne3A_1186 = arith.constant 0 : i32
      %ne3A_1187 = vector.broadcast %ne3A_1186 : i32 to vector<1x1xi32>
      %ne3A_1188 = arith.cmpi ne, %and3A_1185, %ne3A_1187 : vector<1x1xi32>
      %broadcast_in_dim3A_1189 = vector.shape_cast %ne3A_1188 : vector<1x1xi1> to vector<1x1xi1>
      %broadcast_in_dim3A_1190 = vector.broadcast %broadcast_in_dim3A_1189 : vector<1x1xi1> to vector<16x128xi1>
      %select_n3A_1191 = arith.select %broadcast_in_dim3A_1190, %select_n3A_1164, %select_n3A_1155 : vector<16x128xi1>, vector<16x128xf32>
      %and3A_1192 = arith.constant 4 : i32
      %and3A_1193 = vector.broadcast %and3A_1192 : i32 to vector<1x1xi32>
      %and3A_1194 = arith.andi %broadcast_in_dim3A_1058, %and3A_1193 : vector<1x1xi32>
      %ne3A_1195 = arith.constant 0 : i32
      %ne3A_1196 = vector.broadcast %ne3A_1195 : i32 to vector<1x1xi32>
      %ne3A_1197 = arith.cmpi ne, %and3A_1194, %ne3A_1196 : vector<1x1xi32>
      %broadcast_in_dim3A_1198 = vector.shape_cast %ne3A_1197 : vector<1x1xi1> to vector<1x1xi1>
      %broadcast_in_dim3A_1199 = vector.broadcast %broadcast_in_dim3A_1198 : vector<1x1xi1> to vector<16x128xi1>
      %select_n3A_1200 = arith.select %broadcast_in_dim3A_1199, %select_n3A_1182, %select_n3A_1173 : vector<16x128xi1>, vector<16x128xf32>
      %and3A_1201 = arith.constant 8 : i32
      %and3A_1202 = vector.broadcast %and3A_1201 : i32 to vector<1x1xi32>
      %and3A_1203 = arith.andi %broadcast_in_dim3A_1058, %and3A_1202 : vector<1x1xi32>
      %ne3A_1204 = arith.constant 0 : i32
      %ne3A_1205 = vector.broadcast %ne3A_1204 : i32 to vector<1x1xi32>
      %ne3A_1206 = arith.cmpi ne, %and3A_1203, %ne3A_1205 : vector<1x1xi32>
      %broadcast_in_dim3A_1207 = vector.shape_cast %ne3A_1206 : vector<1x1xi1> to vector<1x1xi1>
      %broadcast_in_dim3A_1208 = vector.broadcast %broadcast_in_dim3A_1207 : vector<1x1xi1> to vector<16x128xi1>
      %select_n3A_1209 = arith.select %broadcast_in_dim3A_1208, %select_n3A_1200, %select_n3A_1191 : vector<16x128xi1>, vector<16x128xf32>
      %mul3A_1210 = vector.broadcast %select_n3A_1065 : vector<1x1xf32> to vector<16x128xf32>
      %mul3A_1211 = arith.mulf %mul3A_1210, %select_n3A_1209 : vector<16x128xf32>
      %sub3A_1212 = arith.subf %while3A_81, %mul3A_1211 : vector<16x128xf32>
      %jit3A_1213 = arith.constant 16 : i32
      %broadcast_in_dim3A_1214 = vector.broadcast %jit3A_1213 : i32 to vector<16x1xi32>
      %select_n3A_1215 = arith.select %ge3A_1053, %iota3A_17, %broadcast_in_dim3A_1214 : vector<16x1xi1>, vector<16x1xi32>
      %reduce_min3A_1216 = vector.shape_cast %select_n3A_1215 : vector<16x1xi32> to vector<1x16x1xi32>
      %reduce_min3A_1217 = arith.constant dense<2147483647> : vector<1xi32>
      %reduce_min3A_1218 = vector.multi_reduction <minsi>, %reduce_min3A_1216, %reduce_min3A_1217 [1, 2] : vector<1x16x1xi32> to vector<1xi32>
      %reduce_min3A_1219 = vector.shape_cast %reduce_min3A_1218 : vector<1xi32> to vector<1x1x1xi32>
      %reduce_min3A_1220 = vector.extract %reduce_min3A_1219[0, 0, 0] : i32 from vector<1x1x1xi32>
      %add3A_1221 = arith.constant 1 : i32
      %add3A_1222 = arith.addi %reduce_min3A_1220, %add3A_1221 : i32
      %min3A_1223 = arith.constant 16 : i32
      %min3A_1224 = arith.minsi %add3A_1222, %min3A_1223 : i32
      %add3A_1225 = arith.addi %while3A_80, %min3A_1224 : i32
      scf.yield %add3A_1225, %sub3A_1212, %add3A_1075 : i32, vector<16x128xf32>, vector<16x128xf32>
    }
    %slice3A_63 = vector.extract_strided_slice %while3A_62#2 {offsets = [0, 0], sizes = [8, 128], strides = [1, 1]} : vector<16x128xf32> to vector<8x128xf32>
    %swap3A_64 = arith.constant 24 : index
    %swap3A_65 = arith.constant 0 : index
    %swap3A_66 = vector.load %arg10[%swap3A_64, %swap3A_65] : memref<40x128xf32, #tpu.memory_space<vmem>>, vector<8x128xf32>
    tpu.vector_store %arg10[%swap3A_64, %swap3A_65], %slice3A_63 {strides = array<i32>} : memref<40x128xf32, #tpu.memory_space<vmem>>, vector<8x128xf32>,
    %slice3A_67 = vector.extract_strided_slice %while3A_62#1 {offsets = [8, 0], sizes = [8, 128], strides = [1, 1]} : vector<16x128xf32> to vector<8x128xf32>
    %slice3A_68 = vector.extract_strided_slice %while3A_62#2 {offsets = [8, 0], sizes = [8, 128], strides = [1, 1]} : vector<16x128xf32> to vector<8x128xf32>
    %slice3A_69 = vector.extract_strided_slice %get3A_4 {offsets = [32, 0], sizes = [8, 128], strides = [1, 1]} : vector<40x128xf32> to vector<8x128xf32>
    %slice3A_70 = vector.extract_strided_slice %get3A_7 {offsets = [32, 0], sizes = [8, 128], strides = [1, 1]} : vector<40x128xf32> to vector<8x128xf32>
    %slice3A_71 = vector.extract_strided_slice %get3A_10 {offsets = [32, 0], sizes = [8, 128], strides = [1, 1]} : vector<40x128xf32> to vector<8x128xf32>
    %slice3A_72 = vector.extract_strided_slice %get3A_13 {offsets = [32, 0], sizes = [8, 128], strides = [1, 1]} : vector<40x128xf32> to vector<8x128xf32>
    %slice3A_73 = vector.extract_strided_slice %get3A_16 {offsets = [32, 0], sizes = [8, 128], strides = [1, 1]} : vector<40x128xf32> to vector<8x128xf32>
    %slice3A_74 = vector.extract_strided_slice %add3A {offsets = [32, 0], sizes = [8, 128], strides = [1, 1]} : vector<40x128xi32> to vector<8x128xi32>
    %while3A_75 = arith.constant 5000 : i32
    %while3A_76:3 = scf.while (%while3A_80 = %while3A_62#0, %while3A_81 = %slice3A_67, %while3A_82 = %slice3A_68) : (i32, vector<8x128xf32>, vector<8x128xf32>) -> (i32, vector<8x128xf32>, vector<8x128xf32>) {
      %lt3A = arith.cmpi slt, %while3A_80, %while3A_75 : i32
      scf.condition(%lt3A) %while3A_80, %while3A_81, %while3A_82 : i32, vector<8x128xf32>, vector<8x128xf32>
    } do {
    ^bb0(%while3A_80: i32, %while3A_81: vector<8x128xf32>, %while3A_82: vector<8x128xf32>):
      %add3A_83 = arith.constant 0 : i32
      %add3A_84 = arith.addi %while3A_80, %add3A_83 : i32
      %get3A_85 = arith.index_cast %add3A_84 : i32 to index
      %get3A_86 = memref.load %arg0[%get3A_85] : memref<5120xf32, #tpu.memory_space<smem>>
      %get3A_87 = arith.index_cast %add3A_84 : i32 to index
      %get3A_88 = memref.load %arg1[%get3A_87] : memref<5120xf32, #tpu.memory_space<smem>>
      %get3A_89 = arith.index_cast %add3A_84 : i32 to index
      %get3A_90 = memref.load %arg2[%get3A_89] : memref<5120xf32, #tpu.memory_space<smem>>
      %get3A_91 = arith.index_cast %add3A_84 : i32 to index
      %get3A_92 = memref.load %arg3[%get3A_91] : memref<5120xf32, #tpu.memory_space<smem>>
      %get3A_93 = arith.index_cast %add3A_84 : i32 to index
      %get3A_94 = memref.load %arg4[%get3A_93] : memref<5120xf32, #tpu.memory_space<smem>>
      %ge3A = arith.constant 4.000000e+00 : f32
      %ge3A_95 = arith.cmpf oge, %get3A_94, %ge3A : f32
      %jit3A = arith.constant 8.192000e+03 : f32
      %jit3A_96 = arith.constant 0.000000e+00 : f32
      %select_n3A = arith.select %ge3A_95, %jit3A, %jit3A_96 : f32
      %min3A = vector.broadcast %get3A_90 : f32 to vector<8x128xf32>
      %min3A_97 = arith.minimumf %slice3A_71, %min3A : vector<8x128xf32>
      %max3A = vector.broadcast %get3A_86 : f32 to vector<8x128xf32>
      %max3A_98 = arith.maximumf %slice3A_69, %max3A : vector<8x128xf32>
      %sub3A = arith.subf %min3A_97, %max3A_98 : vector<8x128xf32>
      %max3A_99 = arith.constant 0.000000e+00 : f32
      %max3A_100 = vector.broadcast %max3A_99 : f32 to vector<8x128xf32>
      %max3A_101 = arith.maximumf %sub3A, %max3A_100 : vector<8x128xf32>
      %min3A_102 = vector.broadcast %get3A_92 : f32 to vector<8x128xf32>
      %min3A_103 = arith.minimumf %slice3A_72, %min3A_102 : vector<8x128xf32>
      %max3A_104 = vector.broadcast %get3A_88 : f32 to vector<8x128xf32>
      %max3A_105 = arith.maximumf %slice3A_70, %max3A_104 : vector<8x128xf32>
      %sub3A_106 = arith.subf %min3A_103, %max3A_105 : vector<8x128xf32>
      %max3A_107 = arith.constant 0.000000e+00 : f32
      %max3A_108 = vector.broadcast %max3A_107 : f32 to vector<8x128xf32>
      %max3A_109 = arith.maximumf %sub3A_106, %max3A_108 : vector<8x128xf32>
      %mul3A_110 = arith.mulf %max3A_101, %max3A_109 : vector<8x128xf32>
      %add3A_111 = vector.broadcast %get3A_94 : f32 to vector<8x128xf32>
      %add3A_112 = arith.addf %add3A_111, %slice3A_73 : vector<8x128xf32>
      %sub3A_113 = arith.subf %add3A_112, %mul3A_110 : vector<8x128xf32>
      %add3A_114 = arith.constant 1.000000e-10 : f32
      %add3A_115 = vector.broadcast %add3A_114 : f32 to vector<8x128xf32>
      %add3A_116 = arith.addf %sub3A_113, %add3A_115 : vector<8x128xf32>
      %div3A = arith.divf %mul3A_110, %add3A_116 : vector<8x128xf32>
      %ge3A_117 = arith.constant 2.000000e-01 : f32
      %ge3A_118 = vector.broadcast %ge3A_117 : f32 to vector<8x128xf32>
      %ge3A_119 = arith.cmpf oge, %div3A, %ge3A_118 : vector<8x128xf32>
      %gt3A = vector.broadcast %add3A_84 : i32 to vector<8x128xi32>
      %gt3A_120 = arith.cmpi sgt, %slice3A_74, %gt3A : vector<8x128xi32>
      %and3A = arith.andi %ge3A_119, %gt3A_120 : vector<8x128xi1>
      %jit3A_121 = arith.constant 0.000000e+00 : f32
      %broadcast_in_dim3A_122 = vector.broadcast %jit3A_121 : f32 to vector<8x128xf32>
      %select_n3A_123 = arith.select %and3A, %while3A_81, %broadcast_in_dim3A_122 : vector<8x128xi1>, vector<8x128xf32>
      %eq3A = vector.broadcast %add3A_84 : i32 to vector<8x128xi32>
      %eq3A_124 = arith.cmpi eq, %slice3A_74, %eq3A : vector<8x128xi32>
      %mul3A_125 = vector.broadcast %select_n3A : f32 to vector<8x128xf32>
      %mul3A_126 = arith.mulf %while3A_81, %mul3A_125 : vector<8x128xf32>
      %jit3A_127 = arith.constant 0.000000e+00 : f32
      %broadcast_in_dim3A_128 = vector.broadcast %jit3A_127 : f32 to vector<8x128xf32>
      %select_n3A_129 = arith.select %eq3A_124, %mul3A_126, %broadcast_in_dim3A_128 : vector<8x128xi1>, vector<8x128xf32>
      %add3A_130 = arith.addf %select_n3A_123, %select_n3A_129 : vector<8x128xf32>
      %reduce_sum3A = arith.constant dense<0.000000e+00> : vector<128xf32>
      %reduce_sum3A_131 = vector.multi_reduction <add>, %add3A_130, %reduce_sum3A [0] : vector<8x128xf32> to vector<128xf32>
      %broadcast_in_dim3A_132 = vector.shape_cast %reduce_sum3A_131 : vector<128xf32> to vector<1x128xf32>
      %add3A_133 = arith.constant 1 : i32
      %add3A_134 = arith.addi %while3A_80, %add3A_133 : i32
      %get3A_135 = arith.index_cast %add3A_134 : i32 to index
      %get3A_136 = memref.load %arg0[%get3A_135] : memref<5120xf32, #tpu.memory_space<smem>>
      %get3A_137 = arith.index_cast %add3A_134 : i32 to index
      %get3A_138 = memref.load %arg1[%get3A_137] : memref<5120xf32, #tpu.memory_space<smem>>
      %get3A_139 = arith.index_cast %add3A_134 : i32 to index
      %get3A_140 = memref.load %arg2[%get3A_139] : memref<5120xf32, #tpu.memory_space<smem>>
      %get3A_141 = arith.index_cast %add3A_134 : i32 to index
      %get3A_142 = memref.load %arg3[%get3A_141] : memref<5120xf32, #tpu.memory_space<smem>>
      %get3A_143 = arith.index_cast %add3A_134 : i32 to index
      %get3A_144 = memref.load %arg4[%get3A_143] : memref<5120xf32, #tpu.memory_space<smem>>
      %ge3A_145 = arith.constant 4.000000e+00 : f32
      %ge3A_146 = arith.cmpf oge, %get3A_144, %ge3A_145 : f32
      %jit3A_147 = arith.constant 8.192000e+03 : f32
      %jit3A_148 = arith.constant 0.000000e+00 : f32
      %select_n3A_149 = arith.select %ge3A_146, %jit3A_147, %jit3A_148 : f32
      %min3A_150 = vector.broadcast %get3A_140 : f32 to vector<8x128xf32>
      %min3A_151 = arith.minimumf %slice3A_71, %min3A_150 : vector<8x128xf32>
      %max3A_152 = vector.broadcast %get3A_136 : f32 to vector<8x128xf32>
      %max3A_153 = arith.maximumf %slice3A_69, %max3A_152 : vector<8x128xf32>
      %sub3A_154 = arith.subf %min3A_151, %max3A_153 : vector<8x128xf32>
      %max3A_155 = arith.constant 0.000000e+00 : f32
      %max3A_156 = vector.broadcast %max3A_155 : f32 to vector<8x128xf32>
      %max3A_157 = arith.maximumf %sub3A_154, %max3A_156 : vector<8x128xf32>
      %min3A_158 = vector.broadcast %get3A_142 : f32 to vector<8x128xf32>
      %min3A_159 = arith.minimumf %slice3A_72, %min3A_158 : vector<8x128xf32>
      %max3A_160 = vector.broadcast %get3A_138 : f32 to vector<8x128xf32>
      %max3A_161 = arith.maximumf %slice3A_70, %max3A_160 : vector<8x128xf32>
      %sub3A_162 = arith.subf %min3A_159, %max3A_161 : vector<8x128xf32>
      %max3A_163 = arith.constant 0.000000e+00 : f32
      %max3A_164 = vector.broadcast %max3A_163 : f32 to vector<8x128xf32>
      %max3A_165 = arith.maximumf %sub3A_162, %max3A_164 : vector<8x128xf32>
      %mul3A_166 = arith.mulf %max3A_157, %max3A_165 : vector<8x128xf32>
      %add3A_167 = vector.broadcast %get3A_144 : f32 to vector<8x128xf32>
      %add3A_168 = arith.addf %add3A_167, %slice3A_73 : vector<8x128xf32>
      %sub3A_169 = arith.subf %add3A_168, %mul3A_166 : vector<8x128xf32>
      %add3A_170 = arith.constant 1.000000e-10 : f32
      %add3A_171 = vector.broadcast %add3A_170 : f32 to vector<8x128xf32>
      %add3A_172 = arith.addf %sub3A_169, %add3A_171 : vector<8x128xf32>
      %div3A_173 = arith.divf %mul3A_166, %add3A_172 : vector<8x128xf32>
      %ge3A_174 = arith.constant 2.000000e-01 : f32
      %ge3A_175 = vector.broadcast %ge3A_174 : f32 to vector<8x128xf32>
      %ge3A_176 = arith.cmpf oge, %div3A_173, %ge3A_175 : vector<8x128xf32>
      %gt3A_177 = vector.broadcast %add3A_134 : i32 to vector<8x128xi32>
      %gt3A_178 = arith.cmpi sgt, %slice3A_74, %gt3A_177 : vector<8x128xi32>
      %and3A_179 = arith.andi %ge3A_176, %gt3A_178 : vector<8x128xi1>
      %jit3A_180 = arith.constant 0.000000e+00 : f32
      %broadcast_in_dim3A_181 = vector.broadcast %jit3A_180 : f32 to vector<8x128xf32>
      %select_n3A_182 = arith.select %and3A_179, %while3A_81, %broadcast_in_dim3A_181 : vector<8x128xi1>, vector<8x128xf32>
      %eq3A_183 = vector.broadcast %add3A_134 : i32 to vector<8x128xi32>
      %eq3A_184 = arith.cmpi eq, %slice3A_74, %eq3A_183 : vector<8x128xi32>
      %mul3A_185 = vector.broadcast %select_n3A_149 : f32 to vector<8x128xf32>
      %mul3A_186 = arith.mulf %while3A_81, %mul3A_185 : vector<8x128xf32>
      %jit3A_187 = arith.constant 0.000000e+00 : f32
      %broadcast_in_dim3A_188 = vector.broadcast %jit3A_187 : f32 to vector<8x128xf32>
      %select_n3A_189 = arith.select %eq3A_184, %mul3A_186, %broadcast_in_dim3A_188 : vector<8x128xi1>, vector<8x128xf32>
      %add3A_190 = arith.addf %select_n3A_182, %select_n3A_189 : vector<8x128xf32>
      %reduce_sum3A_191 = arith.constant dense<0.000000e+00> : vector<128xf32>
      %reduce_sum3A_192 = vector.multi_reduction <add>, %add3A_190, %reduce_sum3A_191 [0] : vector<8x128xf32> to vector<128xf32>
      %broadcast_in_dim3A_193 = vector.shape_cast %reduce_sum3A_192 : vector<128xf32> to vector<1x128xf32>
      %add3A_194 = arith.constant 2 : i32
      %add3A_195 = arith.addi %while3A_80, %add3A_194 : i32
      %get3A_196 = arith.index_cast %add3A_195 : i32 to index
      %get3A_197 = memref.load %arg0[%get3A_196] : memref<5120xf32, #tpu.memory_space<smem>>
      %get3A_198 = arith.index_cast %add3A_195 : i32 to index
      %get3A_199 = memref.load %arg1[%get3A_198] : memref<5120xf32, #tpu.memory_space<smem>>
      %get3A_200 = arith.index_cast %add3A_195 : i32 to index
      %get3A_201 = memref.load %arg2[%get3A_200] : memref<5120xf32, #tpu.memory_space<smem>>
      %get3A_202 = arith.index_cast %add3A_195 : i32 to index
      %get3A_203 = memref.load %arg3[%get3A_202] : memref<5120xf32, #tpu.memory_space<smem>>
      %get3A_204 = arith.index_cast %add3A_195 : i32 to index
      %get3A_205 = memref.load %arg4[%get3A_204] : memref<5120xf32, #tpu.memory_space<smem>>
      %ge3A_206 = arith.constant 4.000000e+00 : f32
      %ge3A_207 = arith.cmpf oge, %get3A_205, %ge3A_206 : f32
      %jit3A_208 = arith.constant 8.192000e+03 : f32
      %jit3A_209 = arith.constant 0.000000e+00 : f32
      %select_n3A_210 = arith.select %ge3A_207, %jit3A_208, %jit3A_209 : f32
      %min3A_211 = vector.broadcast %get3A_201 : f32 to vector<8x128xf32>
      %min3A_212 = arith.minimumf %slice3A_71, %min3A_211 : vector<8x128xf32>
      %max3A_213 = vector.broadcast %get3A_197 : f32 to vector<8x128xf32>
      %max3A_214 = arith.maximumf %slice3A_69, %max3A_213 : vector<8x128xf32>
      %sub3A_215 = arith.subf %min3A_212, %max3A_214 : vector<8x128xf32>
      %max3A_216 = arith.constant 0.000000e+00 : f32
      %max3A_217 = vector.broadcast %max3A_216 : f32 to vector<8x128xf32>
      %max3A_218 = arith.maximumf %sub3A_215, %max3A_217 : vector<8x128xf32>
      %min3A_219 = vector.broadcast %get3A_203 : f32 to vector<8x128xf32>
      %min3A_220 = arith.minimumf %slice3A_72, %min3A_219 : vector<8x128xf32>
      %max3A_221 = vector.broadcast %get3A_199 : f32 to vector<8x128xf32>
      %max3A_222 = arith.maximumf %slice3A_70, %max3A_221 : vector<8x128xf32>
      %sub3A_223 = arith.subf %min3A_220, %max3A_222 : vector<8x128xf32>
      %max3A_224 = arith.constant 0.000000e+00 : f32
      %max3A_225 = vector.broadcast %max3A_224 : f32 to vector<8x128xf32>
      %max3A_226 = arith.maximumf %sub3A_223, %max3A_225 : vector<8x128xf32>
      %mul3A_227 = arith.mulf %max3A_218, %max3A_226 : vector<8x128xf32>
      %add3A_228 = vector.broadcast %get3A_205 : f32 to vector<8x128xf32>
      %add3A_229 = arith.addf %add3A_228, %slice3A_73 : vector<8x128xf32>
      %sub3A_230 = arith.subf %add3A_229, %mul3A_227 : vector<8x128xf32>
      %add3A_231 = arith.constant 1.000000e-10 : f32
      %add3A_232 = vector.broadcast %add3A_231 : f32 to vector<8x128xf32>
      %add3A_233 = arith.addf %sub3A_230, %add3A_232 : vector<8x128xf32>
      %div3A_234 = arith.divf %mul3A_227, %add3A_233 : vector<8x128xf32>
      %ge3A_235 = arith.constant 2.000000e-01 : f32
      %ge3A_236 = vector.broadcast %ge3A_235 : f32 to vector<8x128xf32>
      %ge3A_237 = arith.cmpf oge, %div3A_234, %ge3A_236 : vector<8x128xf32>
      %gt3A_238 = vector.broadcast %add3A_195 : i32 to vector<8x128xi32>
      %gt3A_239 = arith.cmpi sgt, %slice3A_74, %gt3A_238 : vector<8x128xi32>
      %and3A_240 = arith.andi %ge3A_237, %gt3A_239 : vector<8x128xi1>
      %jit3A_241 = arith.constant 0.000000e+00 : f32
      %broadcast_in_dim3A_242 = vector.broadcast %jit3A_241 : f32 to vector<8x128xf32>
      %select_n3A_243 = arith.select %and3A_240, %while3A_81, %broadcast_in_dim3A_242 : vector<8x128xi1>, vector<8x128xf32>
      %eq3A_244 = vector.broadcast %add3A_195 : i32 to vector<8x128xi32>
      %eq3A_245 = arith.cmpi eq, %slice3A_74, %eq3A_244 : vector<8x128xi32>
      %mul3A_246 = vector.broadcast %select_n3A_210 : f32 to vector<8x128xf32>
      %mul3A_247 = arith.mulf %while3A_81, %mul3A_246 : vector<8x128xf32>
      %jit3A_248 = arith.constant 0.000000e+00 : f32
      %broadcast_in_dim3A_249 = vector.broadcast %jit3A_248 : f32 to vector<8x128xf32>
      %select_n3A_250 = arith.select %eq3A_245, %mul3A_247, %broadcast_in_dim3A_249 : vector<8x128xi1>, vector<8x128xf32>
      %add3A_251 = arith.addf %select_n3A_243, %select_n3A_250 : vector<8x128xf32>
      %reduce_sum3A_252 = arith.constant dense<0.000000e+00> : vector<128xf32>
      %reduce_sum3A_253 = vector.multi_reduction <add>, %add3A_251, %reduce_sum3A_252 [0] : vector<8x128xf32> to vector<128xf32>
      %broadcast_in_dim3A_254 = vector.shape_cast %reduce_sum3A_253 : vector<128xf32> to vector<1x128xf32>
      %add3A_255 = arith.constant 3 : i32
      %add3A_256 = arith.addi %while3A_80, %add3A_255 : i32
      %get3A_257 = arith.index_cast %add3A_256 : i32 to index
      %get3A_258 = memref.load %arg0[%get3A_257] : memref<5120xf32, #tpu.memory_space<smem>>
      %get3A_259 = arith.index_cast %add3A_256 : i32 to index
      %get3A_260 = memref.load %arg1[%get3A_259] : memref<5120xf32, #tpu.memory_space<smem>>
      %get3A_261 = arith.index_cast %add3A_256 : i32 to index
      %get3A_262 = memref.load %arg2[%get3A_261] : memref<5120xf32, #tpu.memory_space<smem>>
      %get3A_263 = arith.index_cast %add3A_256 : i32 to index
      %get3A_264 = memref.load %arg3[%get3A_263] : memref<5120xf32, #tpu.memory_space<smem>>
      %get3A_265 = arith.index_cast %add3A_256 : i32 to index
      %get3A_266 = memref.load %arg4[%get3A_265] : memref<5120xf32, #tpu.memory_space<smem>>
      %ge3A_267 = arith.constant 4.000000e+00 : f32
      %ge3A_268 = arith.cmpf oge, %get3A_266, %ge3A_267 : f32
      %jit3A_269 = arith.constant 8.192000e+03 : f32
      %jit3A_270 = arith.constant 0.000000e+00 : f32
      %select_n3A_271 = arith.select %ge3A_268, %jit3A_269, %jit3A_270 : f32
      %min3A_272 = vector.broadcast %get3A_262 : f32 to vector<8x128xf32>
      %min3A_273 = arith.minimumf %slice3A_71, %min3A_272 : vector<8x128xf32>
      %max3A_274 = vector.broadcast %get3A_258 : f32 to vector<8x128xf32>
      %max3A_275 = arith.maximumf %slice3A_69, %max3A_274 : vector<8x128xf32>
      %sub3A_276 = arith.subf %min3A_273, %max3A_275 : vector<8x128xf32>
      %max3A_277 = arith.constant 0.000000e+00 : f32
      %max3A_278 = vector.broadcast %max3A_277 : f32 to vector<8x128xf32>
      %max3A_279 = arith.maximumf %sub3A_276, %max3A_278 : vector<8x128xf32>
      %min3A_280 = vector.broadcast %get3A_264 : f32 to vector<8x128xf32>
      %min3A_281 = arith.minimumf %slice3A_72, %min3A_280 : vector<8x128xf32>
      %max3A_282 = vector.broadcast %get3A_260 : f32 to vector<8x128xf32>
      %max3A_283 = arith.maximumf %slice3A_70, %max3A_282 : vector<8x128xf32>
      %sub3A_284 = arith.subf %min3A_281, %max3A_283 : vector<8x128xf32>
      %max3A_285 = arith.constant 0.000000e+00 : f32
      %max3A_286 = vector.broadcast %max3A_285 : f32 to vector<8x128xf32>
      %max3A_287 = arith.maximumf %sub3A_284, %max3A_286 : vector<8x128xf32>
      %mul3A_288 = arith.mulf %max3A_279, %max3A_287 : vector<8x128xf32>
      %add3A_289 = vector.broadcast %get3A_266 : f32 to vector<8x128xf32>
      %add3A_290 = arith.addf %add3A_289, %slice3A_73 : vector<8x128xf32>
      %sub3A_291 = arith.subf %add3A_290, %mul3A_288 : vector<8x128xf32>
      %add3A_292 = arith.constant 1.000000e-10 : f32
      %add3A_293 = vector.broadcast %add3A_292 : f32 to vector<8x128xf32>
      %add3A_294 = arith.addf %sub3A_291, %add3A_293 : vector<8x128xf32>
      %div3A_295 = arith.divf %mul3A_288, %add3A_294 : vector<8x128xf32>
      %ge3A_296 = arith.constant 2.000000e-01 : f32
      %ge3A_297 = vector.broadcast %ge3A_296 : f32 to vector<8x128xf32>
      %ge3A_298 = arith.cmpf oge, %div3A_295, %ge3A_297 : vector<8x128xf32>
      %gt3A_299 = vector.broadcast %add3A_256 : i32 to vector<8x128xi32>
      %gt3A_300 = arith.cmpi sgt, %slice3A_74, %gt3A_299 : vector<8x128xi32>
      %and3A_301 = arith.andi %ge3A_298, %gt3A_300 : vector<8x128xi1>
      %jit3A_302 = arith.constant 0.000000e+00 : f32
      %broadcast_in_dim3A_303 = vector.broadcast %jit3A_302 : f32 to vector<8x128xf32>
      %select_n3A_304 = arith.select %and3A_301, %while3A_81, %broadcast_in_dim3A_303 : vector<8x128xi1>, vector<8x128xf32>
      %eq3A_305 = vector.broadcast %add3A_256 : i32 to vector<8x128xi32>
      %eq3A_306 = arith.cmpi eq, %slice3A_74, %eq3A_305 : vector<8x128xi32>
      %mul3A_307 = vector.broadcast %select_n3A_271 : f32 to vector<8x128xf32>
      %mul3A_308 = arith.mulf %while3A_81, %mul3A_307 : vector<8x128xf32>
      %jit3A_309 = arith.constant 0.000000e+00 : f32
      %broadcast_in_dim3A_310 = vector.broadcast %jit3A_309 : f32 to vector<8x128xf32>
      %select_n3A_311 = arith.select %eq3A_306, %mul3A_308, %broadcast_in_dim3A_310 : vector<8x128xi1>, vector<8x128xf32>
      %add3A_312 = arith.addf %select_n3A_304, %select_n3A_311 : vector<8x128xf32>
      %reduce_sum3A_313 = arith.constant dense<0.000000e+00> : vector<128xf32>
      %reduce_sum3A_314 = vector.multi_reduction <add>, %add3A_312, %reduce_sum3A_313 [0] : vector<8x128xf32> to vector<128xf32>
      %broadcast_in_dim3A_315 = vector.shape_cast %reduce_sum3A_314 : vector<128xf32> to vector<1x128xf32>
      %add3A_316 = arith.constant 4 : i32
      %add3A_317 = arith.addi %while3A_80, %add3A_316 : i32
      %get3A_318 = arith.index_cast %add3A_317 : i32 to index
      %get3A_319 = memref.load %arg0[%get3A_318] : memref<5120xf32, #tpu.memory_space<smem>>
      %get3A_320 = arith.index_cast %add3A_317 : i32 to index
      %get3A_321 = memref.load %arg1[%get3A_320] : memref<5120xf32, #tpu.memory_space<smem>>
      %get3A_322 = arith.index_cast %add3A_317 : i32 to index
      %get3A_323 = memref.load %arg2[%get3A_322] : memref<5120xf32, #tpu.memory_space<smem>>
      %get3A_324 = arith.index_cast %add3A_317 : i32 to index
      %get3A_325 = memref.load %arg3[%get3A_324] : memref<5120xf32, #tpu.memory_space<smem>>
      %get3A_326 = arith.index_cast %add3A_317 : i32 to index
      %get3A_327 = memref.load %arg4[%get3A_326] : memref<5120xf32, #tpu.memory_space<smem>>
      %ge3A_328 = arith.constant 4.000000e+00 : f32
      %ge3A_329 = arith.cmpf oge, %get3A_327, %ge3A_328 : f32
      %jit3A_330 = arith.constant 8.192000e+03 : f32
      %jit3A_331 = arith.constant 0.000000e+00 : f32
      %select_n3A_332 = arith.select %ge3A_329, %jit3A_330, %jit3A_331 : f32
      %min3A_333 = vector.broadcast %get3A_323 : f32 to vector<8x128xf32>
      %min3A_334 = arith.minimumf %slice3A_71, %min3A_333 : vector<8x128xf32>
      %max3A_335 = vector.broadcast %get3A_319 : f32 to vector<8x128xf32>
      %max3A_336 = arith.maximumf %slice3A_69, %max3A_335 : vector<8x128xf32>
      %sub3A_337 = arith.subf %min3A_334, %max3A_336 : vector<8x128xf32>
      %max3A_338 = arith.constant 0.000000e+00 : f32
      %max3A_339 = vector.broadcast %max3A_338 : f32 to vector<8x128xf32>
      %max3A_340 = arith.maximumf %sub3A_337, %max3A_339 : vector<8x128xf32>
      %min3A_341 = vector.broadcast %get3A_325 : f32 to vector<8x128xf32>
      %min3A_342 = arith.minimumf %slice3A_72, %min3A_341 : vector<8x128xf32>
      %max3A_343 = vector.broadcast %get3A_321 : f32 to vector<8x128xf32>
      %max3A_344 = arith.maximumf %slice3A_70, %max3A_343 : vector<8x128xf32>
      %sub3A_345 = arith.subf %min3A_342, %max3A_344 : vector<8x128xf32>
      %max3A_346 = arith.constant 0.000000e+00 : f32
      %max3A_347 = vector.broadcast %max3A_346 : f32 to vector<8x128xf32>
      %max3A_348 = arith.maximumf %sub3A_345, %max3A_347 : vector<8x128xf32>
      %mul3A_349 = arith.mulf %max3A_340, %max3A_348 : vector<8x128xf32>
      %add3A_350 = vector.broadcast %get3A_327 : f32 to vector<8x128xf32>
      %add3A_351 = arith.addf %add3A_350, %slice3A_73 : vector<8x128xf32>
      %sub3A_352 = arith.subf %add3A_351, %mul3A_349 : vector<8x128xf32>
      %add3A_353 = arith.constant 1.000000e-10 : f32
      %add3A_354 = vector.broadcast %add3A_353 : f32 to vector<8x128xf32>
      %add3A_355 = arith.addf %sub3A_352, %add3A_354 : vector<8x128xf32>
      %div3A_356 = arith.divf %mul3A_349, %add3A_355 : vector<8x128xf32>
      %ge3A_357 = arith.constant 2.000000e-01 : f32
      %ge3A_358 = vector.broadcast %ge3A_357 : f32 to vector<8x128xf32>
      %ge3A_359 = arith.cmpf oge, %div3A_356, %ge3A_358 : vector<8x128xf32>
      %gt3A_360 = vector.broadcast %add3A_317 : i32 to vector<8x128xi32>
      %gt3A_361 = arith.cmpi sgt, %slice3A_74, %gt3A_360 : vector<8x128xi32>
      %and3A_362 = arith.andi %ge3A_359, %gt3A_361 : vector<8x128xi1>
      %jit3A_363 = arith.constant 0.000000e+00 : f32
      %broadcast_in_dim3A_364 = vector.broadcast %jit3A_363 : f32 to vector<8x128xf32>
      %select_n3A_365 = arith.select %and3A_362, %while3A_81, %broadcast_in_dim3A_364 : vector<8x128xi1>, vector<8x128xf32>
      %eq3A_366 = vector.broadcast %add3A_317 : i32 to vector<8x128xi32>
      %eq3A_367 = arith.cmpi eq, %slice3A_74, %eq3A_366 : vector<8x128xi32>
      %mul3A_368 = vector.broadcast %select_n3A_332 : f32 to vector<8x128xf32>
      %mul3A_369 = arith.mulf %while3A_81, %mul3A_368 : vector<8x128xf32>
      %jit3A_370 = arith.constant 0.000000e+00 : f32
      %broadcast_in_dim3A_371 = vector.broadcast %jit3A_370 : f32 to vector<8x128xf32>
      %select_n3A_372 = arith.select %eq3A_367, %mul3A_369, %broadcast_in_dim3A_371 : vector<8x128xi1>, vector<8x128xf32>
      %add3A_373 = arith.addf %select_n3A_365, %select_n3A_372 : vector<8x128xf32>
      %reduce_sum3A_374 = arith.constant dense<0.000000e+00> : vector<128xf32>
      %reduce_sum3A_375 = vector.multi_reduction <add>, %add3A_373, %reduce_sum3A_374 [0] : vector<8x128xf32> to vector<128xf32>
      %broadcast_in_dim3A_376 = vector.shape_cast %reduce_sum3A_375 : vector<128xf32> to vector<1x128xf32>
      %add3A_377 = arith.constant 5 : i32
      %add3A_378 = arith.addi %while3A_80, %add3A_377 : i32
      %get3A_379 = arith.index_cast %add3A_378 : i32 to index
      %get3A_380 = memref.load %arg0[%get3A_379] : memref<5120xf32, #tpu.memory_space<smem>>
      %get3A_381 = arith.index_cast %add3A_378 : i32 to index
      %get3A_382 = memref.load %arg1[%get3A_381] : memref<5120xf32, #tpu.memory_space<smem>>
      %get3A_383 = arith.index_cast %add3A_378 : i32 to index
      %get3A_384 = memref.load %arg2[%get3A_383] : memref<5120xf32, #tpu.memory_space<smem>>
      %get3A_385 = arith.index_cast %add3A_378 : i32 to index
      %get3A_386 = memref.load %arg3[%get3A_385] : memref<5120xf32, #tpu.memory_space<smem>>
      %get3A_387 = arith.index_cast %add3A_378 : i32 to index
      %get3A_388 = memref.load %arg4[%get3A_387] : memref<5120xf32, #tpu.memory_space<smem>>
      %ge3A_389 = arith.constant 4.000000e+00 : f32
      %ge3A_390 = arith.cmpf oge, %get3A_388, %ge3A_389 : f32
      %jit3A_391 = arith.constant 8.192000e+03 : f32
      %jit3A_392 = arith.constant 0.000000e+00 : f32
      %select_n3A_393 = arith.select %ge3A_390, %jit3A_391, %jit3A_392 : f32
      %min3A_394 = vector.broadcast %get3A_384 : f32 to vector<8x128xf32>
      %min3A_395 = arith.minimumf %slice3A_71, %min3A_394 : vector<8x128xf32>
      %max3A_396 = vector.broadcast %get3A_380 : f32 to vector<8x128xf32>
      %max3A_397 = arith.maximumf %slice3A_69, %max3A_396 : vector<8x128xf32>
      %sub3A_398 = arith.subf %min3A_395, %max3A_397 : vector<8x128xf32>
      %max3A_399 = arith.constant 0.000000e+00 : f32
      %max3A_400 = vector.broadcast %max3A_399 : f32 to vector<8x128xf32>
      %max3A_401 = arith.maximumf %sub3A_398, %max3A_400 : vector<8x128xf32>
      %min3A_402 = vector.broadcast %get3A_386 : f32 to vector<8x128xf32>
      %min3A_403 = arith.minimumf %slice3A_72, %min3A_402 : vector<8x128xf32>
      %max3A_404 = vector.broadcast %get3A_382 : f32 to vector<8x128xf32>
      %max3A_405 = arith.maximumf %slice3A_70, %max3A_404 : vector<8x128xf32>
      %sub3A_406 = arith.subf %min3A_403, %max3A_405 : vector<8x128xf32>
      %max3A_407 = arith.constant 0.000000e+00 : f32
      %max3A_408 = vector.broadcast %max3A_407 : f32 to vector<8x128xf32>
      %max3A_409 = arith.maximumf %sub3A_406, %max3A_408 : vector<8x128xf32>
      %mul3A_410 = arith.mulf %max3A_401, %max3A_409 : vector<8x128xf32>
      %add3A_411 = vector.broadcast %get3A_388 : f32 to vector<8x128xf32>
      %add3A_412 = arith.addf %add3A_411, %slice3A_73 : vector<8x128xf32>
      %sub3A_413 = arith.subf %add3A_412, %mul3A_410 : vector<8x128xf32>
      %add3A_414 = arith.constant 1.000000e-10 : f32
      %add3A_415 = vector.broadcast %add3A_414 : f32 to vector<8x128xf32>
      %add3A_416 = arith.addf %sub3A_413, %add3A_415 : vector<8x128xf32>
      %div3A_417 = arith.divf %mul3A_410, %add3A_416 : vector<8x128xf32>
      %ge3A_418 = arith.constant 2.000000e-01 : f32
      %ge3A_419 = vector.broadcast %ge3A_418 : f32 to vector<8x128xf32>
      %ge3A_420 = arith.cmpf oge, %div3A_417, %ge3A_419 : vector<8x128xf32>
      %gt3A_421 = vector.broadcast %add3A_378 : i32 to vector<8x128xi32>
      %gt3A_422 = arith.cmpi sgt, %slice3A_74, %gt3A_421 : vector<8x128xi32>
      %and3A_423 = arith.andi %ge3A_420, %gt3A_422 : vector<8x128xi1>
      %jit3A_424 = arith.constant 0.000000e+00 : f32
      %broadcast_in_dim3A_425 = vector.broadcast %jit3A_424 : f32 to vector<8x128xf32>
      %select_n3A_426 = arith.select %and3A_423, %while3A_81, %broadcast_in_dim3A_425 : vector<8x128xi1>, vector<8x128xf32>
      %eq3A_427 = vector.broadcast %add3A_378 : i32 to vector<8x128xi32>
      %eq3A_428 = arith.cmpi eq, %slice3A_74, %eq3A_427 : vector<8x128xi32>
      %mul3A_429 = vector.broadcast %select_n3A_393 : f32 to vector<8x128xf32>
      %mul3A_430 = arith.mulf %while3A_81, %mul3A_429 : vector<8x128xf32>
      %jit3A_431 = arith.constant 0.000000e+00 : f32
      %broadcast_in_dim3A_432 = vector.broadcast %jit3A_431 : f32 to vector<8x128xf32>
      %select_n3A_433 = arith.select %eq3A_428, %mul3A_430, %broadcast_in_dim3A_432 : vector<8x128xi1>, vector<8x128xf32>
      %add3A_434 = arith.addf %select_n3A_426, %select_n3A_433 : vector<8x128xf32>
      %reduce_sum3A_435 = arith.constant dense<0.000000e+00> : vector<128xf32>
      %reduce_sum3A_436 = vector.multi_reduction <add>, %add3A_434, %reduce_sum3A_435 [0] : vector<8x128xf32> to vector<128xf32>
      %broadcast_in_dim3A_437 = vector.shape_cast %reduce_sum3A_436 : vector<128xf32> to vector<1x128xf32>
      %add3A_438 = arith.constant 6 : i32
      %add3A_439 = arith.addi %while3A_80, %add3A_438 : i32
      %get3A_440 = arith.index_cast %add3A_439 : i32 to index
      %get3A_441 = memref.load %arg0[%get3A_440] : memref<5120xf32, #tpu.memory_space<smem>>
      %get3A_442 = arith.index_cast %add3A_439 : i32 to index
      %get3A_443 = memref.load %arg1[%get3A_442] : memref<5120xf32, #tpu.memory_space<smem>>
      %get3A_444 = arith.index_cast %add3A_439 : i32 to index
      %get3A_445 = memref.load %arg2[%get3A_444] : memref<5120xf32, #tpu.memory_space<smem>>
      %get3A_446 = arith.index_cast %add3A_439 : i32 to index
      %get3A_447 = memref.load %arg3[%get3A_446] : memref<5120xf32, #tpu.memory_space<smem>>
      %get3A_448 = arith.index_cast %add3A_439 : i32 to index
      %get3A_449 = memref.load %arg4[%get3A_448] : memref<5120xf32, #tpu.memory_space<smem>>
      %ge3A_450 = arith.constant 4.000000e+00 : f32
      %ge3A_451 = arith.cmpf oge, %get3A_449, %ge3A_450 : f32
      %jit3A_452 = arith.constant 8.192000e+03 : f32
      %jit3A_453 = arith.constant 0.000000e+00 : f32
      %select_n3A_454 = arith.select %ge3A_451, %jit3A_452, %jit3A_453 : f32
      %min3A_455 = vector.broadcast %get3A_445 : f32 to vector<8x128xf32>
      %min3A_456 = arith.minimumf %slice3A_71, %min3A_455 : vector<8x128xf32>
      %max3A_457 = vector.broadcast %get3A_441 : f32 to vector<8x128xf32>
      %max3A_458 = arith.maximumf %slice3A_69, %max3A_457 : vector<8x128xf32>
      %sub3A_459 = arith.subf %min3A_456, %max3A_458 : vector<8x128xf32>
      %max3A_460 = arith.constant 0.000000e+00 : f32
      %max3A_461 = vector.broadcast %max3A_460 : f32 to vector<8x128xf32>
      %max3A_462 = arith.maximumf %sub3A_459, %max3A_461 : vector<8x128xf32>
      %min3A_463 = vector.broadcast %get3A_447 : f32 to vector<8x128xf32>
      %min3A_464 = arith.minimumf %slice3A_72, %min3A_463 : vector<8x128xf32>
      %max3A_465 = vector.broadcast %get3A_443 : f32 to vector<8x128xf32>
      %max3A_466 = arith.maximumf %slice3A_70, %max3A_465 : vector<8x128xf32>
      %sub3A_467 = arith.subf %min3A_464, %max3A_466 : vector<8x128xf32>
      %max3A_468 = arith.constant 0.000000e+00 : f32
      %max3A_469 = vector.broadcast %max3A_468 : f32 to vector<8x128xf32>
      %max3A_470 = arith.maximumf %sub3A_467, %max3A_469 : vector<8x128xf32>
      %mul3A_471 = arith.mulf %max3A_462, %max3A_470 : vector<8x128xf32>
      %add3A_472 = vector.broadcast %get3A_449 : f32 to vector<8x128xf32>
      %add3A_473 = arith.addf %add3A_472, %slice3A_73 : vector<8x128xf32>
      %sub3A_474 = arith.subf %add3A_473, %mul3A_471 : vector<8x128xf32>
      %add3A_475 = arith.constant 1.000000e-10 : f32
      %add3A_476 = vector.broadcast %add3A_475 : f32 to vector<8x128xf32>
      %add3A_477 = arith.addf %sub3A_474, %add3A_476 : vector<8x128xf32>
      %div3A_478 = arith.divf %mul3A_471, %add3A_477 : vector<8x128xf32>
      %ge3A_479 = arith.constant 2.000000e-01 : f32
      %ge3A_480 = vector.broadcast %ge3A_479 : f32 to vector<8x128xf32>
      %ge3A_481 = arith.cmpf oge, %div3A_478, %ge3A_480 : vector<8x128xf32>
      %gt3A_482 = vector.broadcast %add3A_439 : i32 to vector<8x128xi32>
      %gt3A_483 = arith.cmpi sgt, %slice3A_74, %gt3A_482 : vector<8x128xi32>
      %and3A_484 = arith.andi %ge3A_481, %gt3A_483 : vector<8x128xi1>
      %jit3A_485 = arith.constant 0.000000e+00 : f32
      %broadcast_in_dim3A_486 = vector.broadcast %jit3A_485 : f32 to vector<8x128xf32>
      %select_n3A_487 = arith.select %and3A_484, %while3A_81, %broadcast_in_dim3A_486 : vector<8x128xi1>, vector<8x128xf32>
      %eq3A_488 = vector.broadcast %add3A_439 : i32 to vector<8x128xi32>
      %eq3A_489 = arith.cmpi eq, %slice3A_74, %eq3A_488 : vector<8x128xi32>
      %mul3A_490 = vector.broadcast %select_n3A_454 : f32 to vector<8x128xf32>
      %mul3A_491 = arith.mulf %while3A_81, %mul3A_490 : vector<8x128xf32>
      %jit3A_492 = arith.constant 0.000000e+00 : f32
      %broadcast_in_dim3A_493 = vector.broadcast %jit3A_492 : f32 to vector<8x128xf32>
      %select_n3A_494 = arith.select %eq3A_489, %mul3A_491, %broadcast_in_dim3A_493 : vector<8x128xi1>, vector<8x128xf32>
      %add3A_495 = arith.addf %select_n3A_487, %select_n3A_494 : vector<8x128xf32>
      %reduce_sum3A_496 = arith.constant dense<0.000000e+00> : vector<128xf32>
      %reduce_sum3A_497 = vector.multi_reduction <add>, %add3A_495, %reduce_sum3A_496 [0] : vector<8x128xf32> to vector<128xf32>
      %broadcast_in_dim3A_498 = vector.shape_cast %reduce_sum3A_497 : vector<128xf32> to vector<1x128xf32>
      %add3A_499 = arith.constant 7 : i32
      %add3A_500 = arith.addi %while3A_80, %add3A_499 : i32
      %get3A_501 = arith.index_cast %add3A_500 : i32 to index
      %get3A_502 = memref.load %arg0[%get3A_501] : memref<5120xf32, #tpu.memory_space<smem>>
      %get3A_503 = arith.index_cast %add3A_500 : i32 to index
      %get3A_504 = memref.load %arg1[%get3A_503] : memref<5120xf32, #tpu.memory_space<smem>>
      %get3A_505 = arith.index_cast %add3A_500 : i32 to index
      %get3A_506 = memref.load %arg2[%get3A_505] : memref<5120xf32, #tpu.memory_space<smem>>
      %get3A_507 = arith.index_cast %add3A_500 : i32 to index
      %get3A_508 = memref.load %arg3[%get3A_507] : memref<5120xf32, #tpu.memory_space<smem>>
      %get3A_509 = arith.index_cast %add3A_500 : i32 to index
      %get3A_510 = memref.load %arg4[%get3A_509] : memref<5120xf32, #tpu.memory_space<smem>>
      %ge3A_511 = arith.constant 4.000000e+00 : f32
      %ge3A_512 = arith.cmpf oge, %get3A_510, %ge3A_511 : f32
      %jit3A_513 = arith.constant 8.192000e+03 : f32
      %jit3A_514 = arith.constant 0.000000e+00 : f32
      %select_n3A_515 = arith.select %ge3A_512, %jit3A_513, %jit3A_514 : f32
      %min3A_516 = vector.broadcast %get3A_506 : f32 to vector<8x128xf32>
      %min3A_517 = arith.minimumf %slice3A_71, %min3A_516 : vector<8x128xf32>
      %max3A_518 = vector.broadcast %get3A_502 : f32 to vector<8x128xf32>
      %max3A_519 = arith.maximumf %slice3A_69, %max3A_518 : vector<8x128xf32>
      %sub3A_520 = arith.subf %min3A_517, %max3A_519 : vector<8x128xf32>
      %max3A_521 = arith.constant 0.000000e+00 : f32
      %max3A_522 = vector.broadcast %max3A_521 : f32 to vector<8x128xf32>
      %max3A_523 = arith.maximumf %sub3A_520, %max3A_522 : vector<8x128xf32>
      %min3A_524 = vector.broadcast %get3A_508 : f32 to vector<8x128xf32>
      %min3A_525 = arith.minimumf %slice3A_72, %min3A_524 : vector<8x128xf32>
      %max3A_526 = vector.broadcast %get3A_504 : f32 to vector<8x128xf32>
      %max3A_527 = arith.maximumf %slice3A_70, %max3A_526 : vector<8x128xf32>
      %sub3A_528 = arith.subf %min3A_525, %max3A_527 : vector<8x128xf32>
      %max3A_529 = arith.constant 0.000000e+00 : f32
      %max3A_530 = vector.broadcast %max3A_529 : f32 to vector<8x128xf32>
      %max3A_531 = arith.maximumf %sub3A_528, %max3A_530 : vector<8x128xf32>
      %mul3A_532 = arith.mulf %max3A_523, %max3A_531 : vector<8x128xf32>
      %add3A_533 = vector.broadcast %get3A_510 : f32 to vector<8x128xf32>
      %add3A_534 = arith.addf %add3A_533, %slice3A_73 : vector<8x128xf32>
      %sub3A_535 = arith.subf %add3A_534, %mul3A_532 : vector<8x128xf32>
      %add3A_536 = arith.constant 1.000000e-10 : f32
      %add3A_537 = vector.broadcast %add3A_536 : f32 to vector<8x128xf32>
      %add3A_538 = arith.addf %sub3A_535, %add3A_537 : vector<8x128xf32>
      %div3A_539 = arith.divf %mul3A_532, %add3A_538 : vector<8x128xf32>
      %ge3A_540 = arith.constant 2.000000e-01 : f32
      %ge3A_541 = vector.broadcast %ge3A_540 : f32 to vector<8x128xf32>
      %ge3A_542 = arith.cmpf oge, %div3A_539, %ge3A_541 : vector<8x128xf32>
      %gt3A_543 = vector.broadcast %add3A_500 : i32 to vector<8x128xi32>
      %gt3A_544 = arith.cmpi sgt, %slice3A_74, %gt3A_543 : vector<8x128xi32>
      %and3A_545 = arith.andi %ge3A_542, %gt3A_544 : vector<8x128xi1>
      %jit3A_546 = arith.constant 0.000000e+00 : f32
      %broadcast_in_dim3A_547 = vector.broadcast %jit3A_546 : f32 to vector<8x128xf32>
      %select_n3A_548 = arith.select %and3A_545, %while3A_81, %broadcast_in_dim3A_547 : vector<8x128xi1>, vector<8x128xf32>
      %eq3A_549 = vector.broadcast %add3A_500 : i32 to vector<8x128xi32>
      %eq3A_550 = arith.cmpi eq, %slice3A_74, %eq3A_549 : vector<8x128xi32>
      %mul3A_551 = vector.broadcast %select_n3A_515 : f32 to vector<8x128xf32>
      %mul3A_552 = arith.mulf %while3A_81, %mul3A_551 : vector<8x128xf32>
      %jit3A_553 = arith.constant 0.000000e+00 : f32
      %broadcast_in_dim3A_554 = vector.broadcast %jit3A_553 : f32 to vector<8x128xf32>
      %select_n3A_555 = arith.select %eq3A_550, %mul3A_552, %broadcast_in_dim3A_554 : vector<8x128xi1>, vector<8x128xf32>
      %add3A_556 = arith.addf %select_n3A_548, %select_n3A_555 : vector<8x128xf32>
      %reduce_sum3A_557 = arith.constant dense<0.000000e+00> : vector<128xf32>
      %reduce_sum3A_558 = vector.multi_reduction <add>, %add3A_556, %reduce_sum3A_557 [0] : vector<8x128xf32> to vector<128xf32>
      %broadcast_in_dim3A_559 = vector.shape_cast %reduce_sum3A_558 : vector<128xf32> to vector<1x128xf32>
      %add3A_560 = arith.constant 8 : i32
      %add3A_561 = arith.addi %while3A_80, %add3A_560 : i32
      %get3A_562 = arith.index_cast %add3A_561 : i32 to index
      %get3A_563 = memref.load %arg0[%get3A_562] : memref<5120xf32, #tpu.memory_space<smem>>
      %get3A_564 = arith.index_cast %add3A_561 : i32 to index
      %get3A_565 = memref.load %arg1[%get3A_564] : memref<5120xf32, #tpu.memory_space<smem>>
      %get3A_566 = arith.index_cast %add3A_561 : i32 to index
      %get3A_567 = memref.load %arg2[%get3A_566] : memref<5120xf32, #tpu.memory_space<smem>>
      %get3A_568 = arith.index_cast %add3A_561 : i32 to index
      %get3A_569 = memref.load %arg3[%get3A_568] : memref<5120xf32, #tpu.memory_space<smem>>
      %get3A_570 = arith.index_cast %add3A_561 : i32 to index
      %get3A_571 = memref.load %arg4[%get3A_570] : memref<5120xf32, #tpu.memory_space<smem>>
      %ge3A_572 = arith.constant 4.000000e+00 : f32
      %ge3A_573 = arith.cmpf oge, %get3A_571, %ge3A_572 : f32
      %jit3A_574 = arith.constant 8.192000e+03 : f32
      %jit3A_575 = arith.constant 0.000000e+00 : f32
      %select_n3A_576 = arith.select %ge3A_573, %jit3A_574, %jit3A_575 : f32
      %min3A_577 = vector.broadcast %get3A_567 : f32 to vector<8x128xf32>
      %min3A_578 = arith.minimumf %slice3A_71, %min3A_577 : vector<8x128xf32>
      %max3A_579 = vector.broadcast %get3A_563 : f32 to vector<8x128xf32>
      %max3A_580 = arith.maximumf %slice3A_69, %max3A_579 : vector<8x128xf32>
      %sub3A_581 = arith.subf %min3A_578, %max3A_580 : vector<8x128xf32>
      %max3A_582 = arith.constant 0.000000e+00 : f32
      %max3A_583 = vector.broadcast %max3A_582 : f32 to vector<8x128xf32>
      %max3A_584 = arith.maximumf %sub3A_581, %max3A_583 : vector<8x128xf32>
      %min3A_585 = vector.broadcast %get3A_569 : f32 to vector<8x128xf32>
      %min3A_586 = arith.minimumf %slice3A_72, %min3A_585 : vector<8x128xf32>
      %max3A_587 = vector.broadcast %get3A_565 : f32 to vector<8x128xf32>
      %max3A_588 = arith.maximumf %slice3A_70, %max3A_587 : vector<8x128xf32>
      %sub3A_589 = arith.subf %min3A_586, %max3A_588 : vector<8x128xf32>
      %max3A_590 = arith.constant 0.000000e+00 : f32
      %max3A_591 = vector.broadcast %max3A_590 : f32 to vector<8x128xf32>
      %max3A_592 = arith.maximumf %sub3A_589, %max3A_591 : vector<8x128xf32>
      %mul3A_593 = arith.mulf %max3A_584, %max3A_592 : vector<8x128xf32>
      %add3A_594 = vector.broadcast %get3A_571 : f32 to vector<8x128xf32>
      %add3A_595 = arith.addf %add3A_594, %slice3A_73 : vector<8x128xf32>
      %sub3A_596 = arith.subf %add3A_595, %mul3A_593 : vector<8x128xf32>
      %add3A_597 = arith.constant 1.000000e-10 : f32
      %add3A_598 = vector.broadcast %add3A_597 : f32 to vector<8x128xf32>
      %add3A_599 = arith.addf %sub3A_596, %add3A_598 : vector<8x128xf32>
      %div3A_600 = arith.divf %mul3A_593, %add3A_599 : vector<8x128xf32>
      %ge3A_601 = arith.constant 2.000000e-01 : f32
      %ge3A_602 = vector.broadcast %ge3A_601 : f32 to vector<8x128xf32>
      %ge3A_603 = arith.cmpf oge, %div3A_600, %ge3A_602 : vector<8x128xf32>
      %gt3A_604 = vector.broadcast %add3A_561 : i32 to vector<8x128xi32>
      %gt3A_605 = arith.cmpi sgt, %slice3A_74, %gt3A_604 : vector<8x128xi32>
      %and3A_606 = arith.andi %ge3A_603, %gt3A_605 : vector<8x128xi1>
      %jit3A_607 = arith.constant 0.000000e+00 : f32
      %broadcast_in_dim3A_608 = vector.broadcast %jit3A_607 : f32 to vector<8x128xf32>
      %select_n3A_609 = arith.select %and3A_606, %while3A_81, %broadcast_in_dim3A_608 : vector<8x128xi1>, vector<8x128xf32>
      %eq3A_610 = vector.broadcast %add3A_561 : i32 to vector<8x128xi32>
      %eq3A_611 = arith.cmpi eq, %slice3A_74, %eq3A_610 : vector<8x128xi32>
      %mul3A_612 = vector.broadcast %select_n3A_576 : f32 to vector<8x128xf32>
      %mul3A_613 = arith.mulf %while3A_81, %mul3A_612 : vector<8x128xf32>
      %jit3A_614 = arith.constant 0.000000e+00 : f32
      %broadcast_in_dim3A_615 = vector.broadcast %jit3A_614 : f32 to vector<8x128xf32>
      %select_n3A_616 = arith.select %eq3A_611, %mul3A_613, %broadcast_in_dim3A_615 : vector<8x128xi1>, vector<8x128xf32>
      %add3A_617 = arith.addf %select_n3A_609, %select_n3A_616 : vector<8x128xf32>
      %reduce_sum3A_618 = arith.constant dense<0.000000e+00> : vector<128xf32>
      %reduce_sum3A_619 = vector.multi_reduction <add>, %add3A_617, %reduce_sum3A_618 [0] : vector<8x128xf32> to vector<128xf32>
      %broadcast_in_dim3A_620 = vector.shape_cast %reduce_sum3A_619 : vector<128xf32> to vector<1x128xf32>
      %add3A_621 = arith.constant 9 : i32
      %add3A_622 = arith.addi %while3A_80, %add3A_621 : i32
      %get3A_623 = arith.index_cast %add3A_622 : i32 to index
      %get3A_624 = memref.load %arg0[%get3A_623] : memref<5120xf32, #tpu.memory_space<smem>>
      %get3A_625 = arith.index_cast %add3A_622 : i32 to index
      %get3A_626 = memref.load %arg1[%get3A_625] : memref<5120xf32, #tpu.memory_space<smem>>
      %get3A_627 = arith.index_cast %add3A_622 : i32 to index
      %get3A_628 = memref.load %arg2[%get3A_627] : memref<5120xf32, #tpu.memory_space<smem>>
      %get3A_629 = arith.index_cast %add3A_622 : i32 to index
      %get3A_630 = memref.load %arg3[%get3A_629] : memref<5120xf32, #tpu.memory_space<smem>>
      %get3A_631 = arith.index_cast %add3A_622 : i32 to index
      %get3A_632 = memref.load %arg4[%get3A_631] : memref<5120xf32, #tpu.memory_space<smem>>
      %ge3A_633 = arith.constant 4.000000e+00 : f32
      %ge3A_634 = arith.cmpf oge, %get3A_632, %ge3A_633 : f32
      %jit3A_635 = arith.constant 8.192000e+03 : f32
      %jit3A_636 = arith.constant 0.000000e+00 : f32
      %select_n3A_637 = arith.select %ge3A_634, %jit3A_635, %jit3A_636 : f32
      %min3A_638 = vector.broadcast %get3A_628 : f32 to vector<8x128xf32>
      %min3A_639 = arith.minimumf %slice3A_71, %min3A_638 : vector<8x128xf32>
      %max3A_640 = vector.broadcast %get3A_624 : f32 to vector<8x128xf32>
      %max3A_641 = arith.maximumf %slice3A_69, %max3A_640 : vector<8x128xf32>
      %sub3A_642 = arith.subf %min3A_639, %max3A_641 : vector<8x128xf32>
      %max3A_643 = arith.constant 0.000000e+00 : f32
      %max3A_644 = vector.broadcast %max3A_643 : f32 to vector<8x128xf32>
      %max3A_645 = arith.maximumf %sub3A_642, %max3A_644 : vector<8x128xf32>
      %min3A_646 = vector.broadcast %get3A_630 : f32 to vector<8x128xf32>
      %min3A_647 = arith.minimumf %slice3A_72, %min3A_646 : vector<8x128xf32>
      %max3A_648 = vector.broadcast %get3A_626 : f32 to vector<8x128xf32>
      %max3A_649 = arith.maximumf %slice3A_70, %max3A_648 : vector<8x128xf32>
      %sub3A_650 = arith.subf %min3A_647, %max3A_649 : vector<8x128xf32>
      %max3A_651 = arith.constant 0.000000e+00 : f32
      %max3A_652 = vector.broadcast %max3A_651 : f32 to vector<8x128xf32>
      %max3A_653 = arith.maximumf %sub3A_650, %max3A_652 : vector<8x128xf32>
      %mul3A_654 = arith.mulf %max3A_645, %max3A_653 : vector<8x128xf32>
      %add3A_655 = vector.broadcast %get3A_632 : f32 to vector<8x128xf32>
      %add3A_656 = arith.addf %add3A_655, %slice3A_73 : vector<8x128xf32>
      %sub3A_657 = arith.subf %add3A_656, %mul3A_654 : vector<8x128xf32>
      %add3A_658 = arith.constant 1.000000e-10 : f32
      %add3A_659 = vector.broadcast %add3A_658 : f32 to vector<8x128xf32>
      %add3A_660 = arith.addf %sub3A_657, %add3A_659 : vector<8x128xf32>
      %div3A_661 = arith.divf %mul3A_654, %add3A_660 : vector<8x128xf32>
      %ge3A_662 = arith.constant 2.000000e-01 : f32
      %ge3A_663 = vector.broadcast %ge3A_662 : f32 to vector<8x128xf32>
      %ge3A_664 = arith.cmpf oge, %div3A_661, %ge3A_663 : vector<8x128xf32>
      %gt3A_665 = vector.broadcast %add3A_622 : i32 to vector<8x128xi32>
      %gt3A_666 = arith.cmpi sgt, %slice3A_74, %gt3A_665 : vector<8x128xi32>
      %and3A_667 = arith.andi %ge3A_664, %gt3A_666 : vector<8x128xi1>
      %jit3A_668 = arith.constant 0.000000e+00 : f32
      %broadcast_in_dim3A_669 = vector.broadcast %jit3A_668 : f32 to vector<8x128xf32>
      %select_n3A_670 = arith.select %and3A_667, %while3A_81, %broadcast_in_dim3A_669 : vector<8x128xi1>, vector<8x128xf32>
      %eq3A_671 = vector.broadcast %add3A_622 : i32 to vector<8x128xi32>
      %eq3A_672 = arith.cmpi eq, %slice3A_74, %eq3A_671 : vector<8x128xi32>
      %mul3A_673 = vector.broadcast %select_n3A_637 : f32 to vector<8x128xf32>
      %mul3A_674 = arith.mulf %while3A_81, %mul3A_673 : vector<8x128xf32>
      %jit3A_675 = arith.constant 0.000000e+00 : f32
      %broadcast_in_dim3A_676 = vector.broadcast %jit3A_675 : f32 to vector<8x128xf32>
      %select_n3A_677 = arith.select %eq3A_672, %mul3A_674, %broadcast_in_dim3A_676 : vector<8x128xi1>, vector<8x128xf32>
      %add3A_678 = arith.addf %select_n3A_670, %select_n3A_677 : vector<8x128xf32>
      %reduce_sum3A_679 = arith.constant dense<0.000000e+00> : vector<128xf32>
      %reduce_sum3A_680 = vector.multi_reduction <add>, %add3A_678, %reduce_sum3A_679 [0] : vector<8x128xf32> to vector<128xf32>
      %broadcast_in_dim3A_681 = vector.shape_cast %reduce_sum3A_680 : vector<128xf32> to vector<1x128xf32>
      %add3A_682 = arith.constant 10 : i32
      %add3A_683 = arith.addi %while3A_80, %add3A_682 : i32
      %get3A_684 = arith.index_cast %add3A_683 : i32 to index
      %get3A_685 = memref.load %arg0[%get3A_684] : memref<5120xf32, #tpu.memory_space<smem>>
      %get3A_686 = arith.index_cast %add3A_683 : i32 to index
      %get3A_687 = memref.load %arg1[%get3A_686] : memref<5120xf32, #tpu.memory_space<smem>>
      %get3A_688 = arith.index_cast %add3A_683 : i32 to index
      %get3A_689 = memref.load %arg2[%get3A_688] : memref<5120xf32, #tpu.memory_space<smem>>
      %get3A_690 = arith.index_cast %add3A_683 : i32 to index
      %get3A_691 = memref.load %arg3[%get3A_690] : memref<5120xf32, #tpu.memory_space<smem>>
      %get3A_692 = arith.index_cast %add3A_683 : i32 to index
      %get3A_693 = memref.load %arg4[%get3A_692] : memref<5120xf32, #tpu.memory_space<smem>>
      %ge3A_694 = arith.constant 4.000000e+00 : f32
      %ge3A_695 = arith.cmpf oge, %get3A_693, %ge3A_694 : f32
      %jit3A_696 = arith.constant 8.192000e+03 : f32
      %jit3A_697 = arith.constant 0.000000e+00 : f32
      %select_n3A_698 = arith.select %ge3A_695, %jit3A_696, %jit3A_697 : f32
      %min3A_699 = vector.broadcast %get3A_689 : f32 to vector<8x128xf32>
      %min3A_700 = arith.minimumf %slice3A_71, %min3A_699 : vector<8x128xf32>
      %max3A_701 = vector.broadcast %get3A_685 : f32 to vector<8x128xf32>
      %max3A_702 = arith.maximumf %slice3A_69, %max3A_701 : vector<8x128xf32>
      %sub3A_703 = arith.subf %min3A_700, %max3A_702 : vector<8x128xf32>
      %max3A_704 = arith.constant 0.000000e+00 : f32
      %max3A_705 = vector.broadcast %max3A_704 : f32 to vector<8x128xf32>
      %max3A_706 = arith.maximumf %sub3A_703, %max3A_705 : vector<8x128xf32>
      %min3A_707 = vector.broadcast %get3A_691 : f32 to vector<8x128xf32>
      %min3A_708 = arith.minimumf %slice3A_72, %min3A_707 : vector<8x128xf32>
      %max3A_709 = vector.broadcast %get3A_687 : f32 to vector<8x128xf32>
      %max3A_710 = arith.maximumf %slice3A_70, %max3A_709 : vector<8x128xf32>
      %sub3A_711 = arith.subf %min3A_708, %max3A_710 : vector<8x128xf32>
      %max3A_712 = arith.constant 0.000000e+00 : f32
      %max3A_713 = vector.broadcast %max3A_712 : f32 to vector<8x128xf32>
      %max3A_714 = arith.maximumf %sub3A_711, %max3A_713 : vector<8x128xf32>
      %mul3A_715 = arith.mulf %max3A_706, %max3A_714 : vector<8x128xf32>
      %add3A_716 = vector.broadcast %get3A_693 : f32 to vector<8x128xf32>
      %add3A_717 = arith.addf %add3A_716, %slice3A_73 : vector<8x128xf32>
      %sub3A_718 = arith.subf %add3A_717, %mul3A_715 : vector<8x128xf32>
      %add3A_719 = arith.constant 1.000000e-10 : f32
      %add3A_720 = vector.broadcast %add3A_719 : f32 to vector<8x128xf32>
      %add3A_721 = arith.addf %sub3A_718, %add3A_720 : vector<8x128xf32>
      %div3A_722 = arith.divf %mul3A_715, %add3A_721 : vector<8x128xf32>
      %ge3A_723 = arith.constant 2.000000e-01 : f32
      %ge3A_724 = vector.broadcast %ge3A_723 : f32 to vector<8x128xf32>
      %ge3A_725 = arith.cmpf oge, %div3A_722, %ge3A_724 : vector<8x128xf32>
      %gt3A_726 = vector.broadcast %add3A_683 : i32 to vector<8x128xi32>
      %gt3A_727 = arith.cmpi sgt, %slice3A_74, %gt3A_726 : vector<8x128xi32>
      %and3A_728 = arith.andi %ge3A_725, %gt3A_727 : vector<8x128xi1>
      %jit3A_729 = arith.constant 0.000000e+00 : f32
      %broadcast_in_dim3A_730 = vector.broadcast %jit3A_729 : f32 to vector<8x128xf32>
      %select_n3A_731 = arith.select %and3A_728, %while3A_81, %broadcast_in_dim3A_730 : vector<8x128xi1>, vector<8x128xf32>
      %eq3A_732 = vector.broadcast %add3A_683 : i32 to vector<8x128xi32>
      %eq3A_733 = arith.cmpi eq, %slice3A_74, %eq3A_732 : vector<8x128xi32>
      %mul3A_734 = vector.broadcast %select_n3A_698 : f32 to vector<8x128xf32>
      %mul3A_735 = arith.mulf %while3A_81, %mul3A_734 : vector<8x128xf32>
      %jit3A_736 = arith.constant 0.000000e+00 : f32
      %broadcast_in_dim3A_737 = vector.broadcast %jit3A_736 : f32 to vector<8x128xf32>
      %select_n3A_738 = arith.select %eq3A_733, %mul3A_735, %broadcast_in_dim3A_737 : vector<8x128xi1>, vector<8x128xf32>
      %add3A_739 = arith.addf %select_n3A_731, %select_n3A_738 : vector<8x128xf32>
      %reduce_sum3A_740 = arith.constant dense<0.000000e+00> : vector<128xf32>
      %reduce_sum3A_741 = vector.multi_reduction <add>, %add3A_739, %reduce_sum3A_740 [0] : vector<8x128xf32> to vector<128xf32>
      %broadcast_in_dim3A_742 = vector.shape_cast %reduce_sum3A_741 : vector<128xf32> to vector<1x128xf32>
      %add3A_743 = arith.constant 11 : i32
      %add3A_744 = arith.addi %while3A_80, %add3A_743 : i32
      %get3A_745 = arith.index_cast %add3A_744 : i32 to index
      %get3A_746 = memref.load %arg0[%get3A_745] : memref<5120xf32, #tpu.memory_space<smem>>
      %get3A_747 = arith.index_cast %add3A_744 : i32 to index
      %get3A_748 = memref.load %arg1[%get3A_747] : memref<5120xf32, #tpu.memory_space<smem>>
      %get3A_749 = arith.index_cast %add3A_744 : i32 to index
      %get3A_750 = memref.load %arg2[%get3A_749] : memref<5120xf32, #tpu.memory_space<smem>>
      %get3A_751 = arith.index_cast %add3A_744 : i32 to index
      %get3A_752 = memref.load %arg3[%get3A_751] : memref<5120xf32, #tpu.memory_space<smem>>
      %get3A_753 = arith.index_cast %add3A_744 : i32 to index
      %get3A_754 = memref.load %arg4[%get3A_753] : memref<5120xf32, #tpu.memory_space<smem>>
      %ge3A_755 = arith.constant 4.000000e+00 : f32
      %ge3A_756 = arith.cmpf oge, %get3A_754, %ge3A_755 : f32
      %jit3A_757 = arith.constant 8.192000e+03 : f32
      %jit3A_758 = arith.constant 0.000000e+00 : f32
      %select_n3A_759 = arith.select %ge3A_756, %jit3A_757, %jit3A_758 : f32
      %min3A_760 = vector.broadcast %get3A_750 : f32 to vector<8x128xf32>
      %min3A_761 = arith.minimumf %slice3A_71, %min3A_760 : vector<8x128xf32>
      %max3A_762 = vector.broadcast %get3A_746 : f32 to vector<8x128xf32>
      %max3A_763 = arith.maximumf %slice3A_69, %max3A_762 : vector<8x128xf32>
      %sub3A_764 = arith.subf %min3A_761, %max3A_763 : vector<8x128xf32>
      %max3A_765 = arith.constant 0.000000e+00 : f32
      %max3A_766 = vector.broadcast %max3A_765 : f32 to vector<8x128xf32>
      %max3A_767 = arith.maximumf %sub3A_764, %max3A_766 : vector<8x128xf32>
      %min3A_768 = vector.broadcast %get3A_752 : f32 to vector<8x128xf32>
      %min3A_769 = arith.minimumf %slice3A_72, %min3A_768 : vector<8x128xf32>
      %max3A_770 = vector.broadcast %get3A_748 : f32 to vector<8x128xf32>
      %max3A_771 = arith.maximumf %slice3A_70, %max3A_770 : vector<8x128xf32>
      %sub3A_772 = arith.subf %min3A_769, %max3A_771 : vector<8x128xf32>
      %max3A_773 = arith.constant 0.000000e+00 : f32
      %max3A_774 = vector.broadcast %max3A_773 : f32 to vector<8x128xf32>
      %max3A_775 = arith.maximumf %sub3A_772, %max3A_774 : vector<8x128xf32>
      %mul3A_776 = arith.mulf %max3A_767, %max3A_775 : vector<8x128xf32>
      %add3A_777 = vector.broadcast %get3A_754 : f32 to vector<8x128xf32>
      %add3A_778 = arith.addf %add3A_777, %slice3A_73 : vector<8x128xf32>
      %sub3A_779 = arith.subf %add3A_778, %mul3A_776 : vector<8x128xf32>
      %add3A_780 = arith.constant 1.000000e-10 : f32
      %add3A_781 = vector.broadcast %add3A_780 : f32 to vector<8x128xf32>
      %add3A_782 = arith.addf %sub3A_779, %add3A_781 : vector<8x128xf32>
      %div3A_783 = arith.divf %mul3A_776, %add3A_782 : vector<8x128xf32>
      %ge3A_784 = arith.constant 2.000000e-01 : f32
      %ge3A_785 = vector.broadcast %ge3A_784 : f32 to vector<8x128xf32>
      %ge3A_786 = arith.cmpf oge, %div3A_783, %ge3A_785 : vector<8x128xf32>
      %gt3A_787 = vector.broadcast %add3A_744 : i32 to vector<8x128xi32>
      %gt3A_788 = arith.cmpi sgt, %slice3A_74, %gt3A_787 : vector<8x128xi32>
      %and3A_789 = arith.andi %ge3A_786, %gt3A_788 : vector<8x128xi1>
      %jit3A_790 = arith.constant 0.000000e+00 : f32
      %broadcast_in_dim3A_791 = vector.broadcast %jit3A_790 : f32 to vector<8x128xf32>
      %select_n3A_792 = arith.select %and3A_789, %while3A_81, %broadcast_in_dim3A_791 : vector<8x128xi1>, vector<8x128xf32>
      %eq3A_793 = vector.broadcast %add3A_744 : i32 to vector<8x128xi32>
      %eq3A_794 = arith.cmpi eq, %slice3A_74, %eq3A_793 : vector<8x128xi32>
      %mul3A_795 = vector.broadcast %select_n3A_759 : f32 to vector<8x128xf32>
      %mul3A_796 = arith.mulf %while3A_81, %mul3A_795 : vector<8x128xf32>
      %jit3A_797 = arith.constant 0.000000e+00 : f32
      %broadcast_in_dim3A_798 = vector.broadcast %jit3A_797 : f32 to vector<8x128xf32>
      %select_n3A_799 = arith.select %eq3A_794, %mul3A_796, %broadcast_in_dim3A_798 : vector<8x128xi1>, vector<8x128xf32>
      %add3A_800 = arith.addf %select_n3A_792, %select_n3A_799 : vector<8x128xf32>
      %reduce_sum3A_801 = arith.constant dense<0.000000e+00> : vector<128xf32>
      %reduce_sum3A_802 = vector.multi_reduction <add>, %add3A_800, %reduce_sum3A_801 [0] : vector<8x128xf32> to vector<128xf32>
      %broadcast_in_dim3A_803 = vector.shape_cast %reduce_sum3A_802 : vector<128xf32> to vector<1x128xf32>
      %add3A_804 = arith.constant 12 : i32
      %add3A_805 = arith.addi %while3A_80, %add3A_804 : i32
      %get3A_806 = arith.index_cast %add3A_805 : i32 to index
      %get3A_807 = memref.load %arg0[%get3A_806] : memref<5120xf32, #tpu.memory_space<smem>>
      %get3A_808 = arith.index_cast %add3A_805 : i32 to index
      %get3A_809 = memref.load %arg1[%get3A_808] : memref<5120xf32, #tpu.memory_space<smem>>
      %get3A_810 = arith.index_cast %add3A_805 : i32 to index
      %get3A_811 = memref.load %arg2[%get3A_810] : memref<5120xf32, #tpu.memory_space<smem>>
      %get3A_812 = arith.index_cast %add3A_805 : i32 to index
      %get3A_813 = memref.load %arg3[%get3A_812] : memref<5120xf32, #tpu.memory_space<smem>>
      %get3A_814 = arith.index_cast %add3A_805 : i32 to index
      %get3A_815 = memref.load %arg4[%get3A_814] : memref<5120xf32, #tpu.memory_space<smem>>
      %ge3A_816 = arith.constant 4.000000e+00 : f32
      %ge3A_817 = arith.cmpf oge, %get3A_815, %ge3A_816 : f32
      %jit3A_818 = arith.constant 8.192000e+03 : f32
      %jit3A_819 = arith.constant 0.000000e+00 : f32
      %select_n3A_820 = arith.select %ge3A_817, %jit3A_818, %jit3A_819 : f32
      %min3A_821 = vector.broadcast %get3A_811 : f32 to vector<8x128xf32>
      %min3A_822 = arith.minimumf %slice3A_71, %min3A_821 : vector<8x128xf32>
      %max3A_823 = vector.broadcast %get3A_807 : f32 to vector<8x128xf32>
      %max3A_824 = arith.maximumf %slice3A_69, %max3A_823 : vector<8x128xf32>
      %sub3A_825 = arith.subf %min3A_822, %max3A_824 : vector<8x128xf32>
      %max3A_826 = arith.constant 0.000000e+00 : f32
      %max3A_827 = vector.broadcast %max3A_826 : f32 to vector<8x128xf32>
      %max3A_828 = arith.maximumf %sub3A_825, %max3A_827 : vector<8x128xf32>
      %min3A_829 = vector.broadcast %get3A_813 : f32 to vector<8x128xf32>
      %min3A_830 = arith.minimumf %slice3A_72, %min3A_829 : vector<8x128xf32>
      %max3A_831 = vector.broadcast %get3A_809 : f32 to vector<8x128xf32>
      %max3A_832 = arith.maximumf %slice3A_70, %max3A_831 : vector<8x128xf32>
      %sub3A_833 = arith.subf %min3A_830, %max3A_832 : vector<8x128xf32>
      %max3A_834 = arith.constant 0.000000e+00 : f32
      %max3A_835 = vector.broadcast %max3A_834 : f32 to vector<8x128xf32>
      %max3A_836 = arith.maximumf %sub3A_833, %max3A_835 : vector<8x128xf32>
      %mul3A_837 = arith.mulf %max3A_828, %max3A_836 : vector<8x128xf32>
      %add3A_838 = vector.broadcast %get3A_815 : f32 to vector<8x128xf32>
      %add3A_839 = arith.addf %add3A_838, %slice3A_73 : vector<8x128xf32>
      %sub3A_840 = arith.subf %add3A_839, %mul3A_837 : vector<8x128xf32>
      %add3A_841 = arith.constant 1.000000e-10 : f32
      %add3A_842 = vector.broadcast %add3A_841 : f32 to vector<8x128xf32>
      %add3A_843 = arith.addf %sub3A_840, %add3A_842 : vector<8x128xf32>
      %div3A_844 = arith.divf %mul3A_837, %add3A_843 : vector<8x128xf32>
      %ge3A_845 = arith.constant 2.000000e-01 : f32
      %ge3A_846 = vector.broadcast %ge3A_845 : f32 to vector<8x128xf32>
      %ge3A_847 = arith.cmpf oge, %div3A_844, %ge3A_846 : vector<8x128xf32>
      %gt3A_848 = vector.broadcast %add3A_805 : i32 to vector<8x128xi32>
      %gt3A_849 = arith.cmpi sgt, %slice3A_74, %gt3A_848 : vector<8x128xi32>
      %and3A_850 = arith.andi %ge3A_847, %gt3A_849 : vector<8x128xi1>
      %jit3A_851 = arith.constant 0.000000e+00 : f32
      %broadcast_in_dim3A_852 = vector.broadcast %jit3A_851 : f32 to vector<8x128xf32>
      %select_n3A_853 = arith.select %and3A_850, %while3A_81, %broadcast_in_dim3A_852 : vector<8x128xi1>, vector<8x128xf32>
      %eq3A_854 = vector.broadcast %add3A_805 : i32 to vector<8x128xi32>
      %eq3A_855 = arith.cmpi eq, %slice3A_74, %eq3A_854 : vector<8x128xi32>
      %mul3A_856 = vector.broadcast %select_n3A_820 : f32 to vector<8x128xf32>
      %mul3A_857 = arith.mulf %while3A_81, %mul3A_856 : vector<8x128xf32>
      %jit3A_858 = arith.constant 0.000000e+00 : f32
      %broadcast_in_dim3A_859 = vector.broadcast %jit3A_858 : f32 to vector<8x128xf32>
      %select_n3A_860 = arith.select %eq3A_855, %mul3A_857, %broadcast_in_dim3A_859 : vector<8x128xi1>, vector<8x128xf32>
      %add3A_861 = arith.addf %select_n3A_853, %select_n3A_860 : vector<8x128xf32>
      %reduce_sum3A_862 = arith.constant dense<0.000000e+00> : vector<128xf32>
      %reduce_sum3A_863 = vector.multi_reduction <add>, %add3A_861, %reduce_sum3A_862 [0] : vector<8x128xf32> to vector<128xf32>
      %broadcast_in_dim3A_864 = vector.shape_cast %reduce_sum3A_863 : vector<128xf32> to vector<1x128xf32>
      %add3A_865 = arith.constant 13 : i32
      %add3A_866 = arith.addi %while3A_80, %add3A_865 : i32
      %get3A_867 = arith.index_cast %add3A_866 : i32 to index
      %get3A_868 = memref.load %arg0[%get3A_867] : memref<5120xf32, #tpu.memory_space<smem>>
      %get3A_869 = arith.index_cast %add3A_866 : i32 to index
      %get3A_870 = memref.load %arg1[%get3A_869] : memref<5120xf32, #tpu.memory_space<smem>>
      %get3A_871 = arith.index_cast %add3A_866 : i32 to index
      %get3A_872 = memref.load %arg2[%get3A_871] : memref<5120xf32, #tpu.memory_space<smem>>
      %get3A_873 = arith.index_cast %add3A_866 : i32 to index
      %get3A_874 = memref.load %arg3[%get3A_873] : memref<5120xf32, #tpu.memory_space<smem>>
      %get3A_875 = arith.index_cast %add3A_866 : i32 to index
      %get3A_876 = memref.load %arg4[%get3A_875] : memref<5120xf32, #tpu.memory_space<smem>>
      %ge3A_877 = arith.constant 4.000000e+00 : f32
      %ge3A_878 = arith.cmpf oge, %get3A_876, %ge3A_877 : f32
      %jit3A_879 = arith.constant 8.192000e+03 : f32
      %jit3A_880 = arith.constant 0.000000e+00 : f32
      %select_n3A_881 = arith.select %ge3A_878, %jit3A_879, %jit3A_880 : f32
      %min3A_882 = vector.broadcast %get3A_872 : f32 to vector<8x128xf32>
      %min3A_883 = arith.minimumf %slice3A_71, %min3A_882 : vector<8x128xf32>
      %max3A_884 = vector.broadcast %get3A_868 : f32 to vector<8x128xf32>
      %max3A_885 = arith.maximumf %slice3A_69, %max3A_884 : vector<8x128xf32>
      %sub3A_886 = arith.subf %min3A_883, %max3A_885 : vector<8x128xf32>
      %max3A_887 = arith.constant 0.000000e+00 : f32
      %max3A_888 = vector.broadcast %max3A_887 : f32 to vector<8x128xf32>
      %max3A_889 = arith.maximumf %sub3A_886, %max3A_888 : vector<8x128xf32>
      %min3A_890 = vector.broadcast %get3A_874 : f32 to vector<8x128xf32>
      %min3A_891 = arith.minimumf %slice3A_72, %min3A_890 : vector<8x128xf32>
      %max3A_892 = vector.broadcast %get3A_870 : f32 to vector<8x128xf32>
      %max3A_893 = arith.maximumf %slice3A_70, %max3A_892 : vector<8x128xf32>
      %sub3A_894 = arith.subf %min3A_891, %max3A_893 : vector<8x128xf32>
      %max3A_895 = arith.constant 0.000000e+00 : f32
      %max3A_896 = vector.broadcast %max3A_895 : f32 to vector<8x128xf32>
      %max3A_897 = arith.maximumf %sub3A_894, %max3A_896 : vector<8x128xf32>
      %mul3A_898 = arith.mulf %max3A_889, %max3A_897 : vector<8x128xf32>
      %add3A_899 = vector.broadcast %get3A_876 : f32 to vector<8x128xf32>
      %add3A_900 = arith.addf %add3A_899, %slice3A_73 : vector<8x128xf32>
      %sub3A_901 = arith.subf %add3A_900, %mul3A_898 : vector<8x128xf32>
      %add3A_902 = arith.constant 1.000000e-10 : f32
      %add3A_903 = vector.broadcast %add3A_902 : f32 to vector<8x128xf32>
      %add3A_904 = arith.addf %sub3A_901, %add3A_903 : vector<8x128xf32>
      %div3A_905 = arith.divf %mul3A_898, %add3A_904 : vector<8x128xf32>
      %ge3A_906 = arith.constant 2.000000e-01 : f32
      %ge3A_907 = vector.broadcast %ge3A_906 : f32 to vector<8x128xf32>
      %ge3A_908 = arith.cmpf oge, %div3A_905, %ge3A_907 : vector<8x128xf32>
      %gt3A_909 = vector.broadcast %add3A_866 : i32 to vector<8x128xi32>
      %gt3A_910 = arith.cmpi sgt, %slice3A_74, %gt3A_909 : vector<8x128xi32>
      %and3A_911 = arith.andi %ge3A_908, %gt3A_910 : vector<8x128xi1>
      %jit3A_912 = arith.constant 0.000000e+00 : f32
      %broadcast_in_dim3A_913 = vector.broadcast %jit3A_912 : f32 to vector<8x128xf32>
      %select_n3A_914 = arith.select %and3A_911, %while3A_81, %broadcast_in_dim3A_913 : vector<8x128xi1>, vector<8x128xf32>
      %eq3A_915 = vector.broadcast %add3A_866 : i32 to vector<8x128xi32>
      %eq3A_916 = arith.cmpi eq, %slice3A_74, %eq3A_915 : vector<8x128xi32>
      %mul3A_917 = vector.broadcast %select_n3A_881 : f32 to vector<8x128xf32>
      %mul3A_918 = arith.mulf %while3A_81, %mul3A_917 : vector<8x128xf32>
      %jit3A_919 = arith.constant 0.000000e+00 : f32
      %broadcast_in_dim3A_920 = vector.broadcast %jit3A_919 : f32 to vector<8x128xf32>
      %select_n3A_921 = arith.select %eq3A_916, %mul3A_918, %broadcast_in_dim3A_920 : vector<8x128xi1>, vector<8x128xf32>
      %add3A_922 = arith.addf %select_n3A_914, %select_n3A_921 : vector<8x128xf32>
      %reduce_sum3A_923 = arith.constant dense<0.000000e+00> : vector<128xf32>
      %reduce_sum3A_924 = vector.multi_reduction <add>, %add3A_922, %reduce_sum3A_923 [0] : vector<8x128xf32> to vector<128xf32>
      %broadcast_in_dim3A_925 = vector.shape_cast %reduce_sum3A_924 : vector<128xf32> to vector<1x128xf32>
      %add3A_926 = arith.constant 14 : i32
      %add3A_927 = arith.addi %while3A_80, %add3A_926 : i32
      %get3A_928 = arith.index_cast %add3A_927 : i32 to index
      %get3A_929 = memref.load %arg0[%get3A_928] : memref<5120xf32, #tpu.memory_space<smem>>
      %get3A_930 = arith.index_cast %add3A_927 : i32 to index
      %get3A_931 = memref.load %arg1[%get3A_930] : memref<5120xf32, #tpu.memory_space<smem>>
      %get3A_932 = arith.index_cast %add3A_927 : i32 to index
      %get3A_933 = memref.load %arg2[%get3A_932] : memref<5120xf32, #tpu.memory_space<smem>>
      %get3A_934 = arith.index_cast %add3A_927 : i32 to index
      %get3A_935 = memref.load %arg3[%get3A_934] : memref<5120xf32, #tpu.memory_space<smem>>
      %get3A_936 = arith.index_cast %add3A_927 : i32 to index
      %get3A_937 = memref.load %arg4[%get3A_936] : memref<5120xf32, #tpu.memory_space<smem>>
      %ge3A_938 = arith.constant 4.000000e+00 : f32
      %ge3A_939 = arith.cmpf oge, %get3A_937, %ge3A_938 : f32
      %jit3A_940 = arith.constant 8.192000e+03 : f32
      %jit3A_941 = arith.constant 0.000000e+00 : f32
      %select_n3A_942 = arith.select %ge3A_939, %jit3A_940, %jit3A_941 : f32
      %min3A_943 = vector.broadcast %get3A_933 : f32 to vector<8x128xf32>
      %min3A_944 = arith.minimumf %slice3A_71, %min3A_943 : vector<8x128xf32>
      %max3A_945 = vector.broadcast %get3A_929 : f32 to vector<8x128xf32>
      %max3A_946 = arith.maximumf %slice3A_69, %max3A_945 : vector<8x128xf32>
      %sub3A_947 = arith.subf %min3A_944, %max3A_946 : vector<8x128xf32>
      %max3A_948 = arith.constant 0.000000e+00 : f32
      %max3A_949 = vector.broadcast %max3A_948 : f32 to vector<8x128xf32>
      %max3A_950 = arith.maximumf %sub3A_947, %max3A_949 : vector<8x128xf32>
      %min3A_951 = vector.broadcast %get3A_935 : f32 to vector<8x128xf32>
      %min3A_952 = arith.minimumf %slice3A_72, %min3A_951 : vector<8x128xf32>
      %max3A_953 = vector.broadcast %get3A_931 : f32 to vector<8x128xf32>
      %max3A_954 = arith.maximumf %slice3A_70, %max3A_953 : vector<8x128xf32>
      %sub3A_955 = arith.subf %min3A_952, %max3A_954 : vector<8x128xf32>
      %max3A_956 = arith.constant 0.000000e+00 : f32
      %max3A_957 = vector.broadcast %max3A_956 : f32 to vector<8x128xf32>
      %max3A_958 = arith.maximumf %sub3A_955, %max3A_957 : vector<8x128xf32>
      %mul3A_959 = arith.mulf %max3A_950, %max3A_958 : vector<8x128xf32>
      %add3A_960 = vector.broadcast %get3A_937 : f32 to vector<8x128xf32>
      %add3A_961 = arith.addf %add3A_960, %slice3A_73 : vector<8x128xf32>
      %sub3A_962 = arith.subf %add3A_961, %mul3A_959 : vector<8x128xf32>
      %add3A_963 = arith.constant 1.000000e-10 : f32
      %add3A_964 = vector.broadcast %add3A_963 : f32 to vector<8x128xf32>
      %add3A_965 = arith.addf %sub3A_962, %add3A_964 : vector<8x128xf32>
      %div3A_966 = arith.divf %mul3A_959, %add3A_965 : vector<8x128xf32>
      %ge3A_967 = arith.constant 2.000000e-01 : f32
      %ge3A_968 = vector.broadcast %ge3A_967 : f32 to vector<8x128xf32>
      %ge3A_969 = arith.cmpf oge, %div3A_966, %ge3A_968 : vector<8x128xf32>
      %gt3A_970 = vector.broadcast %add3A_927 : i32 to vector<8x128xi32>
      %gt3A_971 = arith.cmpi sgt, %slice3A_74, %gt3A_970 : vector<8x128xi32>
      %and3A_972 = arith.andi %ge3A_969, %gt3A_971 : vector<8x128xi1>
      %jit3A_973 = arith.constant 0.000000e+00 : f32
      %broadcast_in_dim3A_974 = vector.broadcast %jit3A_973 : f32 to vector<8x128xf32>
      %select_n3A_975 = arith.select %and3A_972, %while3A_81, %broadcast_in_dim3A_974 : vector<8x128xi1>, vector<8x128xf32>
      %eq3A_976 = vector.broadcast %add3A_927 : i32 to vector<8x128xi32>
      %eq3A_977 = arith.cmpi eq, %slice3A_74, %eq3A_976 : vector<8x128xi32>
      %mul3A_978 = vector.broadcast %select_n3A_942 : f32 to vector<8x128xf32>
      %mul3A_979 = arith.mulf %while3A_81, %mul3A_978 : vector<8x128xf32>
      %jit3A_980 = arith.constant 0.000000e+00 : f32
      %broadcast_in_dim3A_981 = vector.broadcast %jit3A_980 : f32 to vector<8x128xf32>
      %select_n3A_982 = arith.select %eq3A_977, %mul3A_979, %broadcast_in_dim3A_981 : vector<8x128xi1>, vector<8x128xf32>
      %add3A_983 = arith.addf %select_n3A_975, %select_n3A_982 : vector<8x128xf32>
      %reduce_sum3A_984 = arith.constant dense<0.000000e+00> : vector<128xf32>
      %reduce_sum3A_985 = vector.multi_reduction <add>, %add3A_983, %reduce_sum3A_984 [0] : vector<8x128xf32> to vector<128xf32>
      %broadcast_in_dim3A_986 = vector.shape_cast %reduce_sum3A_985 : vector<128xf32> to vector<1x128xf32>
      %add3A_987 = arith.constant 15 : i32
      %add3A_988 = arith.addi %while3A_80, %add3A_987 : i32
      %get3A_989 = arith.index_cast %add3A_988 : i32 to index
      %get3A_990 = memref.load %arg0[%get3A_989] : memref<5120xf32, #tpu.memory_space<smem>>
      %get3A_991 = arith.index_cast %add3A_988 : i32 to index
      %get3A_992 = memref.load %arg1[%get3A_991] : memref<5120xf32, #tpu.memory_space<smem>>
      %get3A_993 = arith.index_cast %add3A_988 : i32 to index
      %get3A_994 = memref.load %arg2[%get3A_993] : memref<5120xf32, #tpu.memory_space<smem>>
      %get3A_995 = arith.index_cast %add3A_988 : i32 to index
      %get3A_996 = memref.load %arg3[%get3A_995] : memref<5120xf32, #tpu.memory_space<smem>>
      %get3A_997 = arith.index_cast %add3A_988 : i32 to index
      %get3A_998 = memref.load %arg4[%get3A_997] : memref<5120xf32, #tpu.memory_space<smem>>
      %ge3A_999 = arith.constant 4.000000e+00 : f32
      %ge3A_1000 = arith.cmpf oge, %get3A_998, %ge3A_999 : f32
      %jit3A_1001 = arith.constant 8.192000e+03 : f32
      %jit3A_1002 = arith.constant 0.000000e+00 : f32
      %select_n3A_1003 = arith.select %ge3A_1000, %jit3A_1001, %jit3A_1002 : f32
      %min3A_1004 = vector.broadcast %get3A_994 : f32 to vector<8x128xf32>
      %min3A_1005 = arith.minimumf %slice3A_71, %min3A_1004 : vector<8x128xf32>
      %max3A_1006 = vector.broadcast %get3A_990 : f32 to vector<8x128xf32>
      %max3A_1007 = arith.maximumf %slice3A_69, %max3A_1006 : vector<8x128xf32>
      %sub3A_1008 = arith.subf %min3A_1005, %max3A_1007 : vector<8x128xf32>
      %max3A_1009 = arith.constant 0.000000e+00 : f32
      %max3A_1010 = vector.broadcast %max3A_1009 : f32 to vector<8x128xf32>
      %max3A_1011 = arith.maximumf %sub3A_1008, %max3A_1010 : vector<8x128xf32>
      %min3A_1012 = vector.broadcast %get3A_996 : f32 to vector<8x128xf32>
      %min3A_1013 = arith.minimumf %slice3A_72, %min3A_1012 : vector<8x128xf32>
      %max3A_1014 = vector.broadcast %get3A_992 : f32 to vector<8x128xf32>
      %max3A_1015 = arith.maximumf %slice3A_70, %max3A_1014 : vector<8x128xf32>
      %sub3A_1016 = arith.subf %min3A_1013, %max3A_1015 : vector<8x128xf32>
      %max3A_1017 = arith.constant 0.000000e+00 : f32
      %max3A_1018 = vector.broadcast %max3A_1017 : f32 to vector<8x128xf32>
      %max3A_1019 = arith.maximumf %sub3A_1016, %max3A_1018 : vector<8x128xf32>
      %mul3A_1020 = arith.mulf %max3A_1011, %max3A_1019 : vector<8x128xf32>
      %add3A_1021 = vector.broadcast %get3A_998 : f32 to vector<8x128xf32>
      %add3A_1022 = arith.addf %add3A_1021, %slice3A_73 : vector<8x128xf32>
      %sub3A_1023 = arith.subf %add3A_1022, %mul3A_1020 : vector<8x128xf32>
      %add3A_1024 = arith.constant 1.000000e-10 : f32
      %add3A_1025 = vector.broadcast %add3A_1024 : f32 to vector<8x128xf32>
      %add3A_1026 = arith.addf %sub3A_1023, %add3A_1025 : vector<8x128xf32>
      %div3A_1027 = arith.divf %mul3A_1020, %add3A_1026 : vector<8x128xf32>
      %ge3A_1028 = arith.constant 2.000000e-01 : f32
      %ge3A_1029 = vector.broadcast %ge3A_1028 : f32 to vector<8x128xf32>
      %ge3A_1030 = arith.cmpf oge, %div3A_1027, %ge3A_1029 : vector<8x128xf32>
      %gt3A_1031 = vector.broadcast %add3A_988 : i32 to vector<8x128xi32>
      %gt3A_1032 = arith.cmpi sgt, %slice3A_74, %gt3A_1031 : vector<8x128xi32>
      %and3A_1033 = arith.andi %ge3A_1030, %gt3A_1032 : vector<8x128xi1>
      %jit3A_1034 = arith.constant 0.000000e+00 : f32
      %broadcast_in_dim3A_1035 = vector.broadcast %jit3A_1034 : f32 to vector<8x128xf32>
      %select_n3A_1036 = arith.select %and3A_1033, %while3A_81, %broadcast_in_dim3A_1035 : vector<8x128xi1>, vector<8x128xf32>
      %eq3A_1037 = vector.broadcast %add3A_988 : i32 to vector<8x128xi32>
      %eq3A_1038 = arith.cmpi eq, %slice3A_74, %eq3A_1037 : vector<8x128xi32>
      %mul3A_1039 = vector.broadcast %select_n3A_1003 : f32 to vector<8x128xf32>
      %mul3A_1040 = arith.mulf %while3A_81, %mul3A_1039 : vector<8x128xf32>
      %jit3A_1041 = arith.constant 0.000000e+00 : f32
      %broadcast_in_dim3A_1042 = vector.broadcast %jit3A_1041 : f32 to vector<8x128xf32>
      %select_n3A_1043 = arith.select %eq3A_1038, %mul3A_1040, %broadcast_in_dim3A_1042 : vector<8x128xi1>, vector<8x128xf32>
      %add3A_1044 = arith.addf %select_n3A_1036, %select_n3A_1043 : vector<8x128xf32>
      %reduce_sum3A_1045 = arith.constant dense<0.000000e+00> : vector<128xf32>
      %reduce_sum3A_1046 = vector.multi_reduction <add>, %add3A_1044, %reduce_sum3A_1045 [0] : vector<8x128xf32> to vector<128xf32>
      %broadcast_in_dim3A_1047 = vector.shape_cast %reduce_sum3A_1046 : vector<128xf32> to vector<1x128xf32>
      %concatenate3A = tpu.concatenate %broadcast_in_dim3A_132, %broadcast_in_dim3A_193, %broadcast_in_dim3A_254, %broadcast_in_dim3A_315, %broadcast_in_dim3A_376, %broadcast_in_dim3A_437, %broadcast_in_dim3A_498, %broadcast_in_dim3A_559, %broadcast_in_dim3A_620, %broadcast_in_dim3A_681, %broadcast_in_dim3A_742, %broadcast_in_dim3A_803, %broadcast_in_dim3A_864, %broadcast_in_dim3A_925, %broadcast_in_dim3A_986, %broadcast_in_dim3A_1047 in 0 : vector<1x128xf32>, vector<1x128xf32>, vector<1x128xf32>, vector<1x128xf32>, vector<1x128xf32>, vector<1x128xf32>, vector<1x128xf32>, vector<1x128xf32>, vector<1x128xf32>, vector<1x128xf32>, vector<1x128xf32>, vector<1x128xf32>, vector<1x128xf32>, vector<1x128xf32>, vector<1x128xf32>, vector<1x128xf32> -> vector<16x128xf32>
      %reduce_sum3A_1048 = arith.constant dense<0.000000e+00> : vector<16xf32>
      %reduce_sum3A_1049 = vector.multi_reduction <add>, %concatenate3A, %reduce_sum3A_1048 [1] : vector<16x128xf32> to vector<16xf32>
      %broadcast_in_dim3A_1050 = vector.shape_cast %reduce_sum3A_1049 : vector<16xf32> to vector<16x1xf32>
      %ge3A_1051 = arith.constant 8.202000e+03 : f32
      %ge3A_1052 = vector.broadcast %ge3A_1051 : f32 to vector<16x1xf32>
      %ge3A_1053 = arith.cmpf oge, %broadcast_in_dim3A_1050, %ge3A_1052 : vector<16x1xf32>
      %jit3A_1054 = arith.constant 16 : i32
      %broadcast_in_dim3A_1055 = vector.broadcast %jit3A_1054 : i32 to vector<16x1xi32>
      %select_n3A_1056 = arith.select %ge3A_1053, %iota3A_17, %broadcast_in_dim3A_1055 : vector<16x1xi1>, vector<16x1xi32>
      %reduce_min3A = arith.constant dense<2147483647> : vector<1xi32>
      %reduce_min3A_1057 = vector.multi_reduction <minsi>, %select_n3A_1056, %reduce_min3A [0] : vector<16x1xi32> to vector<1xi32>
      %broadcast_in_dim3A_1058 = vector.shape_cast %reduce_min3A_1057 : vector<1xi32> to vector<1x1xi32>
      %lt3A = arith.constant 16 : i32
      %lt3A_1059 = vector.broadcast %lt3A : i32 to vector<1x1xi32>
      %lt3A_1060 = arith.cmpi slt, %broadcast_in_dim3A_1058, %lt3A_1059 : vector<1x1xi32>
      %jit3A_1061 = arith.constant 1.000000e+00 : f32
      %jit3A_1062 = arith.constant 0.000000e+00 : f32
      %broadcast_in_dim3A_1063 = vector.broadcast %jit3A_1061 : f32 to vector<1x1xf32>
      %broadcast_in_dim3A_1064 = vector.broadcast %jit3A_1062 : f32 to vector<1x1xf32>
      %select_n3A_1065 = arith.select %lt3A_1060, %broadcast_in_dim3A_1063, %broadcast_in_dim3A_1064 : vector<1x1xi1>, vector<1x1xf32>
      %add3A_1066 = vector.broadcast %while3A_80 : i32 to vector<1x1xi32>
      %add3A_1067 = arith.addi %add3A_1066, %broadcast_in_dim3A_1058 : vector<1x1xi32>
      %eq3A_1068 = vector.broadcast %add3A_1067 : vector<1x1xi32> to vector<8x128xi32>
      %eq3A_1069 = arith.cmpi eq, %slice3A_74, %eq3A_1068 : vector<8x128xi32>
      %jit3A_1070 = arith.constant 0.000000e+00 : f32
      %broadcast_in_dim3A_1071 = vector.shape_cast %select_n3A_1065 : vector<1x1xf32> to vector<1x1xf32>
      %broadcast_in_dim3A_1072 = vector.broadcast %broadcast_in_dim3A_1071 : vector<1x1xf32> to vector<8x128xf32>
      %broadcast_in_dim3A_1073 = vector.broadcast %jit3A_1070 : f32 to vector<8x128xf32>
      %select_n3A_1074 = arith.select %eq3A_1069, %broadcast_in_dim3A_1072, %broadcast_in_dim3A_1073 : vector<8x128xi1>, vector<8x128xf32>
      %add3A_1075 = arith.addf %while3A_82, %select_n3A_1074 : vector<8x128xf32>
      %and3A_1076 = arith.constant 1 : i32
      %and3A_1077 = vector.broadcast %and3A_1076 : i32 to vector<1x1xi32>
      %and3A_1078 = arith.andi %broadcast_in_dim3A_1058, %and3A_1077 : vector<1x1xi32>
      %ne3A = arith.constant 0 : i32
      %ne3A_1079 = vector.broadcast %ne3A : i32 to vector<1x1xi32>
      %ne3A_1080 = arith.cmpi ne, %and3A_1078, %ne3A_1079 : vector<1x1xi32>
      %broadcast_in_dim3A_1081 = vector.shape_cast %ne3A_1080 : vector<1x1xi1> to vector<1x1xi1>
      %broadcast_in_dim3A_1082 = vector.broadcast %broadcast_in_dim3A_1081 : vector<1x1xi1> to vector<8x128xi1>
      %select_n3A_1083 = arith.select %broadcast_in_dim3A_1082, %select_n3A_182, %select_n3A_123 : vector<8x128xi1>, vector<8x128xf32>
      %and3A_1084 = arith.constant 1 : i32
      %and3A_1085 = vector.broadcast %and3A_1084 : i32 to vector<1x1xi32>
      %and3A_1086 = arith.andi %broadcast_in_dim3A_1058, %and3A_1085 : vector<1x1xi32>
      %ne3A_1087 = arith.constant 0 : i32
      %ne3A_1088 = vector.broadcast %ne3A_1087 : i32 to vector<1x1xi32>
      %ne3A_1089 = arith.cmpi ne, %and3A_1086, %ne3A_1088 : vector<1x1xi32>
      %broadcast_in_dim3A_1090 = vector.shape_cast %ne3A_1089 : vector<1x1xi1> to vector<1x1xi1>
      %broadcast_in_dim3A_1091 = vector.broadcast %broadcast_in_dim3A_1090 : vector<1x1xi1> to vector<8x128xi1>
      %select_n3A_1092 = arith.select %broadcast_in_dim3A_1091, %select_n3A_304, %select_n3A_243 : vector<8x128xi1>, vector<8x128xf32>
      %and3A_1093 = arith.constant 1 : i32
      %and3A_1094 = vector.broadcast %and3A_1093 : i32 to vector<1x1xi32>
      %and3A_1095 = arith.andi %broadcast_in_dim3A_1058, %and3A_1094 : vector<1x1xi32>
      %ne3A_1096 = arith.constant 0 : i32
      %ne3A_1097 = vector.broadcast %ne3A_1096 : i32 to vector<1x1xi32>
      %ne3A_1098 = arith.cmpi ne, %and3A_1095, %ne3A_1097 : vector<1x1xi32>
      %broadcast_in_dim3A_1099 = vector.shape_cast %ne3A_1098 : vector<1x1xi1> to vector<1x1xi1>
      %broadcast_in_dim3A_1100 = vector.broadcast %broadcast_in_dim3A_1099 : vector<1x1xi1> to vector<8x128xi1>
      %select_n3A_1101 = arith.select %broadcast_in_dim3A_1100, %select_n3A_426, %select_n3A_365 : vector<8x128xi1>, vector<8x128xf32>
      %and3A_1102 = arith.constant 1 : i32
      %and3A_1103 = vector.broadcast %and3A_1102 : i32 to vector<1x1xi32>
      %and3A_1104 = arith.andi %broadcast_in_dim3A_1058, %and3A_1103 : vector<1x1xi32>
      %ne3A_1105 = arith.constant 0 : i32
      %ne3A_1106 = vector.broadcast %ne3A_1105 : i32 to vector<1x1xi32>
      %ne3A_1107 = arith.cmpi ne, %and3A_1104, %ne3A_1106 : vector<1x1xi32>
      %broadcast_in_dim3A_1108 = vector.shape_cast %ne3A_1107 : vector<1x1xi1> to vector<1x1xi1>
      %broadcast_in_dim3A_1109 = vector.broadcast %broadcast_in_dim3A_1108 : vector<1x1xi1> to vector<8x128xi1>
      %select_n3A_1110 = arith.select %broadcast_in_dim3A_1109, %select_n3A_548, %select_n3A_487 : vector<8x128xi1>, vector<8x128xf32>
      %and3A_1111 = arith.constant 1 : i32
      %and3A_1112 = vector.broadcast %and3A_1111 : i32 to vector<1x1xi32>
      %and3A_1113 = arith.andi %broadcast_in_dim3A_1058, %and3A_1112 : vector<1x1xi32>
      %ne3A_1114 = arith.constant 0 : i32
      %ne3A_1115 = vector.broadcast %ne3A_1114 : i32 to vector<1x1xi32>
      %ne3A_1116 = arith.cmpi ne, %and3A_1113, %ne3A_1115 : vector<1x1xi32>
      %broadcast_in_dim3A_1117 = vector.shape_cast %ne3A_1116 : vector<1x1xi1> to vector<1x1xi1>
      %broadcast_in_dim3A_1118 = vector.broadcast %broadcast_in_dim3A_1117 : vector<1x1xi1> to vector<8x128xi1>
      %select_n3A_1119 = arith.select %broadcast_in_dim3A_1118, %select_n3A_670, %select_n3A_609 : vector<8x128xi1>, vector<8x128xf32>
      %and3A_1120 = arith.constant 1 : i32
      %and3A_1121 = vector.broadcast %and3A_1120 : i32 to vector<1x1xi32>
      %and3A_1122 = arith.andi %broadcast_in_dim3A_1058, %and3A_1121 : vector<1x1xi32>
      %ne3A_1123 = arith.constant 0 : i32
      %ne3A_1124 = vector.broadcast %ne3A_1123 : i32 to vector<1x1xi32>
      %ne3A_1125 = arith.cmpi ne, %and3A_1122, %ne3A_1124 : vector<1x1xi32>
      %broadcast_in_dim3A_1126 = vector.shape_cast %ne3A_1125 : vector<1x1xi1> to vector<1x1xi1>
      %broadcast_in_dim3A_1127 = vector.broadcast %broadcast_in_dim3A_1126 : vector<1x1xi1> to vector<8x128xi1>
      %select_n3A_1128 = arith.select %broadcast_in_dim3A_1127, %select_n3A_792, %select_n3A_731 : vector<8x128xi1>, vector<8x128xf32>
      %and3A_1129 = arith.constant 1 : i32
      %and3A_1130 = vector.broadcast %and3A_1129 : i32 to vector<1x1xi32>
      %and3A_1131 = arith.andi %broadcast_in_dim3A_1058, %and3A_1130 : vector<1x1xi32>
      %ne3A_1132 = arith.constant 0 : i32
      %ne3A_1133 = vector.broadcast %ne3A_1132 : i32 to vector<1x1xi32>
      %ne3A_1134 = arith.cmpi ne, %and3A_1131, %ne3A_1133 : vector<1x1xi32>
      %broadcast_in_dim3A_1135 = vector.shape_cast %ne3A_1134 : vector<1x1xi1> to vector<1x1xi1>
      %broadcast_in_dim3A_1136 = vector.broadcast %broadcast_in_dim3A_1135 : vector<1x1xi1> to vector<8x128xi1>
      %select_n3A_1137 = arith.select %broadcast_in_dim3A_1136, %select_n3A_914, %select_n3A_853 : vector<8x128xi1>, vector<8x128xf32>
      %and3A_1138 = arith.constant 1 : i32
      %and3A_1139 = vector.broadcast %and3A_1138 : i32 to vector<1x1xi32>
      %and3A_1140 = arith.andi %broadcast_in_dim3A_1058, %and3A_1139 : vector<1x1xi32>
      %ne3A_1141 = arith.constant 0 : i32
      %ne3A_1142 = vector.broadcast %ne3A_1141 : i32 to vector<1x1xi32>
      %ne3A_1143 = arith.cmpi ne, %and3A_1140, %ne3A_1142 : vector<1x1xi32>
      %broadcast_in_dim3A_1144 = vector.shape_cast %ne3A_1143 : vector<1x1xi1> to vector<1x1xi1>
      %broadcast_in_dim3A_1145 = vector.broadcast %broadcast_in_dim3A_1144 : vector<1x1xi1> to vector<8x128xi1>
      %select_n3A_1146 = arith.select %broadcast_in_dim3A_1145, %select_n3A_1036, %select_n3A_975 : vector<8x128xi1>, vector<8x128xf32>
      %and3A_1147 = arith.constant 2 : i32
      %and3A_1148 = vector.broadcast %and3A_1147 : i32 to vector<1x1xi32>
      %and3A_1149 = arith.andi %broadcast_in_dim3A_1058, %and3A_1148 : vector<1x1xi32>
      %ne3A_1150 = arith.constant 0 : i32
      %ne3A_1151 = vector.broadcast %ne3A_1150 : i32 to vector<1x1xi32>
      %ne3A_1152 = arith.cmpi ne, %and3A_1149, %ne3A_1151 : vector<1x1xi32>
      %broadcast_in_dim3A_1153 = vector.shape_cast %ne3A_1152 : vector<1x1xi1> to vector<1x1xi1>
      %broadcast_in_dim3A_1154 = vector.broadcast %broadcast_in_dim3A_1153 : vector<1x1xi1> to vector<8x128xi1>
      %select_n3A_1155 = arith.select %broadcast_in_dim3A_1154, %select_n3A_1092, %select_n3A_1083 : vector<8x128xi1>, vector<8x128xf32>
      %and3A_1156 = arith.constant 2 : i32
      %and3A_1157 = vector.broadcast %and3A_1156 : i32 to vector<1x1xi32>
      %and3A_1158 = arith.andi %broadcast_in_dim3A_1058, %and3A_1157 : vector<1x1xi32>
      %ne3A_1159 = arith.constant 0 : i32
      %ne3A_1160 = vector.broadcast %ne3A_1159 : i32 to vector<1x1xi32>
      %ne3A_1161 = arith.cmpi ne, %and3A_1158, %ne3A_1160 : vector<1x1xi32>
      %broadcast_in_dim3A_1162 = vector.shape_cast %ne3A_1161 : vector<1x1xi1> to vector<1x1xi1>
      %broadcast_in_dim3A_1163 = vector.broadcast %broadcast_in_dim3A_1162 : vector<1x1xi1> to vector<8x128xi1>
      %select_n3A_1164 = arith.select %broadcast_in_dim3A_1163, %select_n3A_1110, %select_n3A_1101 : vector<8x128xi1>, vector<8x128xf32>
      %and3A_1165 = arith.constant 2 : i32
      %and3A_1166 = vector.broadcast %and3A_1165 : i32 to vector<1x1xi32>
      %and3A_1167 = arith.andi %broadcast_in_dim3A_1058, %and3A_1166 : vector<1x1xi32>
      %ne3A_1168 = arith.constant 0 : i32
      %ne3A_1169 = vector.broadcast %ne3A_1168 : i32 to vector<1x1xi32>
      %ne3A_1170 = arith.cmpi ne, %and3A_1167, %ne3A_1169 : vector<1x1xi32>
      %broadcast_in_dim3A_1171 = vector.shape_cast %ne3A_1170 : vector<1x1xi1> to vector<1x1xi1>
      %broadcast_in_dim3A_1172 = vector.broadcast %broadcast_in_dim3A_1171 : vector<1x1xi1> to vector<8x128xi1>
      %select_n3A_1173 = arith.select %broadcast_in_dim3A_1172, %select_n3A_1128, %select_n3A_1119 : vector<8x128xi1>, vector<8x128xf32>
      %and3A_1174 = arith.constant 2 : i32
      %and3A_1175 = vector.broadcast %and3A_1174 : i32 to vector<1x1xi32>
      %and3A_1176 = arith.andi %broadcast_in_dim3A_1058, %and3A_1175 : vector<1x1xi32>
      %ne3A_1177 = arith.constant 0 : i32
      %ne3A_1178 = vector.broadcast %ne3A_1177 : i32 to vector<1x1xi32>
      %ne3A_1179 = arith.cmpi ne, %and3A_1176, %ne3A_1178 : vector<1x1xi32>
      %broadcast_in_dim3A_1180 = vector.shape_cast %ne3A_1179 : vector<1x1xi1> to vector<1x1xi1>
      %broadcast_in_dim3A_1181 = vector.broadcast %broadcast_in_dim3A_1180 : vector<1x1xi1> to vector<8x128xi1>
      %select_n3A_1182 = arith.select %broadcast_in_dim3A_1181, %select_n3A_1146, %select_n3A_1137 : vector<8x128xi1>, vector<8x128xf32>
      %and3A_1183 = arith.constant 4 : i32
      %and3A_1184 = vector.broadcast %and3A_1183 : i32 to vector<1x1xi32>
      %and3A_1185 = arith.andi %broadcast_in_dim3A_1058, %and3A_1184 : vector<1x1xi32>
      %ne3A_1186 = arith.constant 0 : i32
      %ne3A_1187 = vector.broadcast %ne3A_1186 : i32 to vector<1x1xi32>
      %ne3A_1188 = arith.cmpi ne, %and3A_1185, %ne3A_1187 : vector<1x1xi32>
      %broadcast_in_dim3A_1189 = vector.shape_cast %ne3A_1188 : vector<1x1xi1> to vector<1x1xi1>
      %broadcast_in_dim3A_1190 = vector.broadcast %broadcast_in_dim3A_1189 : vector<1x1xi1> to vector<8x128xi1>
      %select_n3A_1191 = arith.select %broadcast_in_dim3A_1190, %select_n3A_1164, %select_n3A_1155 : vector<8x128xi1>, vector<8x128xf32>
      %and3A_1192 = arith.constant 4 : i32
      %and3A_1193 = vector.broadcast %and3A_1192 : i32 to vector<1x1xi32>
      %and3A_1194 = arith.andi %broadcast_in_dim3A_1058, %and3A_1193 : vector<1x1xi32>
      %ne3A_1195 = arith.constant 0 : i32
      %ne3A_1196 = vector.broadcast %ne3A_1195 : i32 to vector<1x1xi32>
      %ne3A_1197 = arith.cmpi ne, %and3A_1194, %ne3A_1196 : vector<1x1xi32>
      %broadcast_in_dim3A_1198 = vector.shape_cast %ne3A_1197 : vector<1x1xi1> to vector<1x1xi1>
      %broadcast_in_dim3A_1199 = vector.broadcast %broadcast_in_dim3A_1198 : vector<1x1xi1> to vector<8x128xi1>
      %select_n3A_1200 = arith.select %broadcast_in_dim3A_1199, %select_n3A_1182, %select_n3A_1173 : vector<8x128xi1>, vector<8x128xf32>
      %and3A_1201 = arith.constant 8 : i32
      %and3A_1202 = vector.broadcast %and3A_1201 : i32 to vector<1x1xi32>
      %and3A_1203 = arith.andi %broadcast_in_dim3A_1058, %and3A_1202 : vector<1x1xi32>
      %ne3A_1204 = arith.constant 0 : i32
      %ne3A_1205 = vector.broadcast %ne3A_1204 : i32 to vector<1x1xi32>
      %ne3A_1206 = arith.cmpi ne, %and3A_1203, %ne3A_1205 : vector<1x1xi32>
      %broadcast_in_dim3A_1207 = vector.shape_cast %ne3A_1206 : vector<1x1xi1> to vector<1x1xi1>
      %broadcast_in_dim3A_1208 = vector.broadcast %broadcast_in_dim3A_1207 : vector<1x1xi1> to vector<8x128xi1>
      %select_n3A_1209 = arith.select %broadcast_in_dim3A_1208, %select_n3A_1200, %select_n3A_1191 : vector<8x128xi1>, vector<8x128xf32>
      %mul3A_1210 = vector.broadcast %select_n3A_1065 : vector<1x1xf32> to vector<8x128xf32>
      %mul3A_1211 = arith.mulf %mul3A_1210, %select_n3A_1209 : vector<8x128xf32>
      %sub3A_1212 = arith.subf %while3A_81, %mul3A_1211 : vector<8x128xf32>
      %jit3A_1213 = arith.constant 16 : i32
      %broadcast_in_dim3A_1214 = vector.broadcast %jit3A_1213 : i32 to vector<16x1xi32>
      %select_n3A_1215 = arith.select %ge3A_1053, %iota3A_17, %broadcast_in_dim3A_1214 : vector<16x1xi1>, vector<16x1xi32>
      %reduce_min3A_1216 = vector.shape_cast %select_n3A_1215 : vector<16x1xi32> to vector<1x16x1xi32>
      %reduce_min3A_1217 = arith.constant dense<2147483647> : vector<1xi32>
      %reduce_min3A_1218 = vector.multi_reduction <minsi>, %reduce_min3A_1216, %reduce_min3A_1217 [1, 2] : vector<1x16x1xi32> to vector<1xi32>
      %reduce_min3A_1219 = vector.shape_cast %reduce_min3A_1218 : vector<1xi32> to vector<1x1x1xi32>
      %reduce_min3A_1220 = vector.extract %reduce_min3A_1219[0, 0, 0] : i32 from vector<1x1x1xi32>
      %add3A_1221 = arith.constant 1 : i32
      %add3A_1222 = arith.addi %reduce_min3A_1220, %add3A_1221 : i32
      %min3A_1223 = arith.constant 16 : i32
      %min3A_1224 = arith.minsi %add3A_1222, %min3A_1223 : i32
      %add3A_1225 = arith.addi %while3A_80, %min3A_1224 : i32
      scf.yield %add3A_1225, %sub3A_1212, %add3A_1075 : i32, vector<8x128xf32>, vector<8x128xf32>
    }
    %swap3A_77 = arith.constant 32 : index
    %swap3A_78 = arith.constant 0 : index
    %swap3A_79 = vector.load %arg10[%swap3A_77, %swap3A_78] : memref<40x128xf32, #tpu.memory_space<vmem>>, vector<8x128xf32>
    tpu.vector_store %arg10[%swap3A_77, %swap3A_78], %while3A_76#2 {strides = array<i32>} : memref<40x128xf32, #tpu.memory_space<vmem>>, vector<8x128xf32>,
    return
  }
}

</mosaic_0001>

<sc_bundles>
// kernel: gather_offload_async_start
scs
__scs_entry_jumppad:
0x0: {  	(pc) =	sbr.rel $0x88, $3  }
0x1: {  	(tag) =	ssettag $0x0;
	lr =	simm.s32 $0x1  }
0x2: {  	[smem:$0x3FA0] =	sst lr;
	_ =	strace $0xD0000000  }
0x3: {  	_ = 	snop  }
0x4: {  	_ = 	snop  }
0x5: {  	_ = 	snop  }
0x6: {  	_ = 	snop  }
0x7: {  	_ = 	snop  }
__scs_overlays_trampoline_lowered:
0x8: {  	[smem:$0x3FAF] =	sst s0  }
0x9: {  	[smem:$0x3FB0] =	sst s1  }
0xa: {  	[smem:$0x3FB1] =	sst s2  }
0xb: {  	[smem:$0x3FB2] =	sst s3  }
0xc: {  	[smem:$0x3FB3] =	sst s4  }
0xd: {  	[smem:$0x3FB4] =	sst s5  }
0xe: {  	[smem:$0x3FB5] =	sst s6  }
0xf: {  	[smem:$0x3FB6] =	sst s7  }
0x10: {  	[smem:$0x3FB7] =	sst s8  }
0x11: {  	[smem:$0x3FB8] =	sst s9;
	s0 =	simm.s32 @!p0 $0x0  }
0x12: {  	s1 =	sld [smem:$0x3F9E];
	s0 =	simm.s32 @p0 $0x1  }
0x13: {  	[smem:$0x3FB9] =	sst s0;
	s0 =	simm.s32 @!p1 $0x0  }
0x14: {  	s2 =	sld [smem:$0x3F9D];
	s0 =	simm.s32 @p1 $0x1  }
0x15: {  	[smem:$0x3FBA] =	sst s0;
	s0 =	simm.s32 @!p2 $0x0  }
0x16: {  	s3 =	sld [smem:$0x3FDB];
	s0 =	simm.s32 @p2 $0x1  }
0x17: {  	s4 =	simm.s32 $0x1BF5;
	[smem:$0x3FBC] =	sst s0  }
0x18: {  	s0 =	sld [smem:$0x3F9F];
	_ =	swait.ge [sflag:s4], $0x0  }
0x19: {  	s7 =	sld [smem:$0x3FA0]  }
0x1a: {  	s8 =	sadd.s32 $0xFFFFE003, lr  }
0x1b: {  	s9 =	sadd.s32 $0xFFFFFEF7, lr;
	s5 =	simm.s32 $0xFFFFFFFF;
	p2 =	slt.u32 s8, $0xFFFFF086  }
0x1c: {  	p1 =	slt.u32 s9, $0xF7A;
	s5 =	simm.s32 @!p2 $0x0  }
0x1d: {  	s5 =	simm.s32 @p1 $0x1;
	p0 =	seq.s32 s7, s2  }
0x1e: {  	s7 =	smul.u32 @!p0 $0xF7A, s2;
	p2 =	seq.s32 @!p0 s5, $0x0  }
0x1f: {  	s9 =	smul.u32 $0xF7A, s1;
	s8 =	simm.s32 @!p0 $0x1BF5;
	p2 =	por !p2, p0  }
0x20: {  	[sflag:s8] =	ssyncset.s32 @!p0 $0xFFFFF086;
	s6 =	sadd.s32 @!p0 s3, s7;
	s7 =	simm.s32 @!p0 $0x108  }
0x21: {  	s3 =	sadd.s32 s3, s9;
	s6 =	sadd.s32 @!p0 $0x88, s6;
	s7 =	simm.s32 @p2 $0x1082  }
0x22: {  	[simem:s7], [sflag:s8] =	dma.local @!p0 [hbm:s6], $0xF7A  }
0x23: {  	s9 =	sor.u32 $0xD0000000, s2;
	s6 =	simm.s32 $0x108;
	_ =	swait.ge @!p0 [sflag:s8], $0x0  }
0x24: {  	s3 =	sadd.s32 $0x88, s3;
	s6 =	simm.s32 @!p1 $0x1082;
	[sflag:s4] =	ssyncset.s32 $0xFFFFF086  }
0x25: {  	[simem:s6], [sflag:s4] =	dma.local [hbm:s3], $0xF7A  }
0x26: {  	[smem:$0x3FA0] =	sst s1;
	(tag) =	ssettag s2;
	_ =	strace s9  }
0x27: {  	s1 =	sld [smem:$0x3FB0]  }
0x28: {  	s2 =	sld [smem:$0x3FB1]  }
0x29: {  	s4 =	sld [smem:$0x3FB3]  }
0x2a: {  	p0 =	seq.s32 s5, $0x0;
	s5 =	sld [smem:$0x3FB4]  }
0x2b: {  	s6 =	sld [smem:$0x3FB5]  }
0x2c: {  	s7 =	sld [smem:$0x3FB6]  }
0x2d: {  	s3 =	simm.s32 $0x108;
	s8 =	sld [smem:$0x3FB7]  }
0x2e: {  	s3 =	simm.s32 @!p0 $0x1082;
	s9 =	sld [smem:$0x3FB8]  }
0x2f: {  	lr =	sadd.s32 s0, s3;
	s0 =	sld [smem:$0x3FAF]  }
0x30: {  	s3 =	sld [smem:$0x3FB2]  }
0x31: {  	[smem:$0x3FBB] =	sst s10  }
0x32: {  	s10 =	sld [smem:$0x3FB9];
	_ =	sdelay $0x3  }
0x33: {  	p0 =	seq.s32 s10, $0x1;
	s10 =	sld [smem:$0x3FBB];
	_ =	sdelay $0x3  }
0x34: {  	[smem:$0x3FBB] =	sst s10  }
0x35: {  	s10 =	sld [smem:$0x3FBA];
	_ =	sdelay $0x3  }
0x36: {  	p1 =	seq.s32 s10, $0x1;
	s10 =	sld [smem:$0x3FBB];
	_ =	sdelay $0x3  }
0x37: {  	[smem:$0x3FBB] =	sst s10  }
0x38: {  	s10 =	sld [smem:$0x3FBC]  }
0x39: {  	_ = 	snop;
	(pc) =	sbr.ind lr, $3  }
0x3a: {  	_ = 	snop  }
0x3b: {  	_ = 	snop  }
0x3c: {  	p2 =	seq.s32 s10, $0x1;
	s10 =	sld [smem:$0x3FBB]  }
0x3d: {  	_ =	shalt  }
0x3e: {  	_ =	shalt  }
0x3f: {  	_ =	shalt  }
0x40: {  	_ =	shalt  }
0x41: {  	_ =	shalt  }
0x42: {  	_ =	shalt  }
0x43: {  	_ =	shalt  }
0x44: {  	_ =	shalt  }
0x45: {  	_ =	shalt  }
0x46: {  	_ =	shalt  }
0x47: {  	_ =	shalt  }
0x48: {  	_ =	shalt  }
0x49: {  	_ =	shalt  }
0x4a: {  	_ =	shalt  }
0x4b: {  	_ =	shalt  }
0x4c: {  	_ =	shalt  }
0x4d: {  	_ =	shalt  }
0x4e: {  	_ =	shalt  }
0x4f: {  	_ =	shalt  }
0x50: {  	_ =	shalt  }
0x51: {  	_ =	shalt  }
0x52: {  	_ =	shalt  }
0x53: {  	_ =	shalt  }
0x54: {  	_ =	shalt  }
0x55: {  	_ =	shalt  }
0x56: {  	_ =	shalt  }
0x57: {  	_ =	shalt  }
0x58: {  	_ =	shalt  }
0x59: {  	_ =	shalt  }
0x5a: {  	_ =	shalt  }
0x5b: {  	_ =	shalt  }
0x5c: {  	_ =	shalt  }
0x5d: {  	_ =	shalt  }
0x5e: {  	_ =	shalt  }
0x5f: {  	_ =	shalt  }
0x60: {  	_ =	shalt  }
0x61: {  	_ =	shalt  }
0x62: {  	_ =	shalt  }
0x63: {  	_ =	shalt  }
0x64: {  	_ =	shalt  }
0x65: {  	_ =	shalt  }
0x66: {  	_ =	shalt  }
0x67: {  	_ =	shalt  }
0x68: {  	_ =	shalt  }
0x69: {  	_ =	shalt  }
0x6a: {  	_ =	shalt  }
0x6b: {  	_ =	shalt  }
0x6c: {  	_ =	shalt  }
0x6d: {  	_ =	shalt  }
0x6e: {  	_ =	shalt  }
0x6f: {  	_ =	shalt  }
0x70: {  	_ =	shalt  }
0x71: {  	_ =	shalt  }
0x72: {  	_ =	shalt  }
0x73: {  	_ =	shalt  }
0x74: {  	_ =	shalt  }
0x75: {  	_ =	shalt  }
0x76: {  	_ =	shalt  }
0x77: {  	_ =	shalt  }
0x78: {  	_ =	shalt  }
0x79: {  	_ =	shalt  }
0x7a: {  	_ =	shalt  }
0x7b: {  	_ =	shalt  }
0x7c: {  	_ =	shalt  }
0x7d: {  	_ =	shalt  }
0x7e: {  	_ =	shalt  }
0x7f: {  	_ =	shalt  }
0x80: {  	_ =	shalt  }
0x81: {  	_ =	shalt  }
0x82: {  	_ =	shalt  }
0x83: {  	_ =	shalt  }
0x84: {  	_ =	shalt  }
0x85: {  	_ =	shalt  }
0x86: {  	_ =	shalt  }
0x87: {  	_ =	shalt  }
.Lfunc_end0:
.L_simem_size_0:
called_computation_lowered:
.L_overlay_start_0:
0x88: {  	s0 =	sld [smem:$0x3FD9]  }
0x89: {  	s1 =	sld [smem:$0x3FFE];
	_ =	sdelay $0x3  }
0x8a: {  	s0 =	sadd.s32 s1, s0  }
0x8b: {  	[smem:$0x3FC7] =	sst s0  }
0x8c: {  	_ = 	snop  }
0x8d: {  	s0 =	sld [smem:$0x3FD0];
	(tm) =	ssettm $0x1  }
0x8e: {  	s16 =	sld [smem:$0x3FFB];
	_ =	sdelay $0x3  }
0x8f: {  	_ =	strace s16  }
0x90: {  	s1 =	sld [smem:$0x3FFC];
	_ =	sdelay $0x3  }
0x91: {  	_ =	strace s1  }
0x92: {  	s1 =	sld [smem:$0x3FFD];
	_ =	sdelay $0x3  }
0x93: {  	_ =	strace s1  }
0x94: {  	_ =	strace $0x8FFFFFFF  }
0x95: {  	s17 =	sld [smem:$0x3FDB];
	_ =	sdelay $0x1  }
0x96: {  	s2 =	simm.s32 $_scs_section_size  }
0x97: {  	s3 =	simm.s32 $_size__tile_overlayer_lowered;
	s4 =	simm.s32 $_tile_overlayer_lowered  }
0x98: {  	s20 =	simm.s32 $0x1BFF;
	s19 =	sshll.u32 s4, $0x1;
	s1 =	sadd.s32 s2, s17  }
0x99: {  	s5 =	simm.s32 $0x0;
	s18 =	sshll.u32 s3, $0x1;
	s3 =	sadd.s32 s19, s1  }
0x9a: {  	[timem:s5], [sflag:s20] =	dma.local [hbm:s3], s18  }
0x9b: {  	_ =	swait.ge [sflag:s20], s18  }
0x9c: {  	s2 =	ssub.s32 $0x0, s18;
	[sflag:s20] =	ssyncset.done $0x0  }
0x9d: {  	[sflag:s20] =	ssyncadd.s32 s2;
	_ =	sdelay $0x1  }
0x9e: {  	s21 =	simm.s32 $0x1B8B  }
0x9f: {  	_ =	swait.ge [sflag:s21], $0x1  }
0xa0: {  	[sflag:s21] =	ssyncset.done $0x0  }
0xa1: {  	s23 =	simm.s32 $0x1B8E;
	s22 =	sld [smem:$0x3FFE];
	[sflag:s21] =	ssyncadd.s32 $0xFFFFFFFF  }
0xa2: {  	s24 =	simm.s32 $execute0_lowered;
	[smem:$0x3FD2] =	sst s23  }
0xa3: {  	s3 =	sshll.u32 s24, $0x1;
	_ =	strace $0x80000046;
	[dreg:$0x1] =	wrdreg $0xFFFFFFFF  }
0xa4: {  	s25 =	simm.s32 $_size_execute0_lowered;
	s1 =	sadd.s32 s1, s3;
	[dreg:$0x0] =	wrdreg $0x0  }
0xa5: {  	s3 =	sshll.u32 s25, $0x1;
	[dreg:$0x2] =	wrdreg s1  }
0xa6: {  	[dreg:$0x3] =	wrdreg s3  }
0xa7: {  	[dreg:$0x4] =	wrdreg $0xC0  }
0xa8: {  	_ =	task [dreg:s5], $0x5FFFF  }
0xa9: {  	[dreg:$0x1] =	wrdreg $0xFFFFFFFF  }
0xaa: {  	[dreg:$0x0] =	wrdreg $0x60  }
0xab: {  	[dreg:$0x2] =	wrdreg s22  }
0xac: {  	[dreg:$0x3] =	wrdreg s0  }
0xad: {  	[dreg:$0x4] =	wrdreg $0x9  }
0xae: {  	_ =	task.clear_ibuf [dreg:s5], $0x5FFFF;
	_ =	strace $0x90000046  }
0xaf: {  	s26 =	simm.s32 $0x9;
	_ =	strace $0x80000048  }
0xb0: {  	_ =	swait.ge [sflag:s26], $0x1  }
0xb1: {  	[sflag:s26] =	ssyncadd.s32 $0xFFFFFFFF  }
0xb2: {  	_ =	strace $0x90000048  }
0xb3: {  	_ =	sfence  }
0xb4: {  	s28 =	sld [smem:$0x0];
	_ =	sdelay $0x1  }
0xb5: {  	s29 =	srdreg.scid  }
0xb6: {  	s30 =	sshll.u32 s29, $0xD;
	s31 =	sshrl.u32 s29, $0x2  }
0xb7: {  	s2 =	sand.u32 $0x4000, s30;
	s1 =	sand.u32 $0x1, s29;
	s0 =	sadd.s32 s31, s28  }
0xb8: {  	s1 =	sor.u32 s2, s1;
	s0 =	sshll.u32 s0, $0x11  }
0xb9: {  	s0 =	sor.u32 s0, s1  }
0xba: {  	s0 =	sadd.s32 $0x8F2B, s0  }
0xbb: {  	[sflag:s0] =	ssyncadd.remote.s32 $0x1  }
0xbc: {  	_ =	sfence.sel $0xFFFF  }
0xbd: {  	[dreg:$0x0] =	wrdreg $0xFFFFFFFF;
	(pc) =	sbr.abs _section_cstart, $3  }
0xbe: {  	[dreg:$0x1] =	wrdreg $0xFFFFFFFF  }
0xbf: {  	_ =	task.clear_ibuf [dreg:s5], $0x2FFFF;
	_ =	strace $0x9FFFFFFF  }
0xc0: {  	(tm) =	ssettm $0x7FFFFFFF  }
0xc1: {  	_ =	shalt  }
tec
execute0_lowered:
.L_overlay_start_1:
0x0: {  	(tag) =	ssettag $0x1  }
0x1: {  	s0 =	stileid.u32  }
0x2: {  	s1 =	smin.u32 s0, $0x9  }
0x3: {  	s1 =	sadd.s32 s0, s1  }
0x4: {  	s2 =	simm.s32 $0x190;
	p0 =	slt.u32 s0, $0x9;
	s1 =	smul.u32 $0xC8, s1  }
0x5: {  	s2 =	simm.s32 @!p0 $0xC8  }
0x6: {  	s2 =	sadd.s32 s2, s1  }
0x7: {  	s3 =	smin.u32 s2, $0x1388  }
0x8: {  	s7 =	ssub.s32 s3, s1  }
0x9: {  	p0 =	sgt.s32 s7, $0x0  }
0xa: {  	s7 =	simm.s32 @!p0 $0x0  }
0xb: {  	s31 =	sand.u32 $0xFFF8, s7  }
0xc: {  	s2 =	sshrl.u32 s31, $0x3  }
0xd: {  	s4 =	rddreg [dreg:$0x0];
	s2 =	smul.u32 $0x147B, s2  }
0xe: {  	s5 =	rddreg [dreg:$0x1]  }
0xf: {  	s6 =	simm.s32 $0x1;
	s10 =	simm.s32 $0x3;
	s8 =	sshrl.u32 s2, $0x11  }
0x10: {  	s13 =	simm.s32 $0x0;
	s12 =	simm.s32 $0x0;
	s9 =	smul.u32 $0xC8, s8  }
.Ltmp0:
0x11: {  	s11 =	smov.u32 s1;
	s2 =	rddreg [dreg:$0x2];
	(pc) =	sbr.rel .LBB2_1-.Ltmp0, $4  }
0x12: {  	_ =	strace $0x80000047;
	p0 =	sne.s32 s7, s9;
	s9 =	simm.s32 $0x1  }
0x13: {  	[sflag:s6] =	ssyncpa.u1 $0x0;
	s7 =	simm.s32 $0x2;
	s9 =	simm.s32 @!p0 $0x0  }
0x14: {  	[sflag:s7] =	ssyncpa.u1 $0x0;
	p0 =	por $0x0, $0x0;
	s8 =	sadd.s32 s8, s9  }
0x15: {  	vm0 =	vmmov $0xff;
	vm1 =	vcmask $0x3F20;
	s9 =	sadd.s32 $0x13A00, s4;
	[sflag:s10] =	ssyncpa.u1 $0x0;
	s10 =	sadd.s32 $0x1, s8  }
.LBB2_6:
0x16: {  	[hbm:s17] =	stream.linear.scatter [tilespmem:s14], [sflag:$0x3], $0x400, $0x38;
	[tilespmem:$0xC990] =	vst v63  }
.LBB2_7:
0x17: {  	s13 =	sadd.s32 $0xC8, s11  }
0x18: {  	s15 =	smov.u32 s1;
	p2 =	slt.s32 s13, s3  }
0x19: {  	s15 =	smov.u32 @p2 s13;
	p2 =	sne.s32 s12, s10  }
.Ltmp1:
0x1a: {  	p1 =	slt.u32 s12, $0x2;
	(pc) =	sbr.rel @!p2 .LBB2_8-.Ltmp1, $4  }
0x1b: {  	s14 =	simm.s32 @!p1 $0x3  }
0x1c: {  	s16 =	sadd.s32 $0x1, s12;
	_ =	swait.ge @!p1 [sflag:s14], $0x6400  }
0x1d: {  	p0 =	por !p0, !p0;
	s13 =	smov.u32 s11;
	[sflag:s14] =	ssyncset.done @!p1 $0x0  }
0x1e: {  	s12 =	smov.u32 s16;
	s11 =	smov.u32 s15;
	[sflag:s14] =	ssyncadd.s32 @!p1 $0xFFFF9C00  }
.LBB2_1:
0x1f: {  	p1 =	sge.u32 s12, s8  }
0x20: {  	s14 =	sxor.u32 @!p1 $0xFFFFFFFF, s12  }
0x21: {  	s14 =	sand.u32 @!p1 $0x1, s14  }
0x22: {  	s14 =	smul.u32 @!p1 $0x320, s14  }
0x23: {  	s31 =	sadd.s32 $0xFFFFFFFF, s12;
	s15 =	sshrl.u32 @!p1 s11, $0x3  }
0x24: {  	s16 =	sand.u32 @!p1 $0x7, s11;
	s15 =	sadd.s32 @!p1 s5, s15;
	s14 =	sshrl.u32 @!p1 s14, $0x2  }
0x25: {  	[tilespmem:s14], [sflag:$0x2] =	stream.linear.gather @!p1 [hbm4b:s15+s16], $0xC8, $0x38;
	[tilespmem:$0xC990] =	vst v63  }
0x26: {  	p1 =	sge.u32 s31, s8  }
.Ltmp2:
0x27: {  	_ = 	snop;
	(pc) =	sbr.rel @p1 .LBB2_7-.Ltmp2, $1  }
0x28: {  	_ =	sdelay $0x3  }
0x29: {  	s14 =	simm.s32 $0x1  }
0x2a: {  	s14 =	simm.s32 @!p0 $0x0  }
0x2b: {  	s15 =	smul.u32 $0x320, s14  }
0x2c: {  	_ =	swait.ge [sflag:s7], $0xC8  }
0x2d: {  	[sflag:s7] =	ssyncset.done $0x0;
	s16 =	sshrl.u32 s15, $0x2  }
0x2e: {  	[sflag:s7] =	ssyncadd.s32 $0xFFFFFF38;
	s15 =	sadd.s32 $0x0, s16  }
0x2f: {  	v0 =	vld.msk [tilespmem:s15+$0x0 ss:$0x1], $0xffff;
	_ =	sdelay $0x4  }
0x30: {  	vm2 =	vgt.s32 v0, $0x0  }
0x31: {  	v0 =	vnsel vm2, $0x0, v0  }
0x32: {  	v0 =	vmin.u32 v0, $0x1387  }
0x33: {  	v0 =	vshll.u32 v0, $0x4  }
0x34: {  	s14 =	smul.u32 $0x19000, s14  }
0x35: {  	s31 =	sand.u32 $0x1, s12  }
0x36: {  	s17 =	smul.u32 $0x320, s31;
	s14 =	sshrl.u32 s14, $0x2  }
0x37: {  	s19 =	smul.u32 $0x19000, s31;
	s14 =	sor.u32 $0x190, s14  }
0x38: {  	[tilespmem:s14], [sflag:$0x1] =	stream.indirect_vreg.gather [hbm:s4], $0x80, v0, vm0, $0x38;
	[tilespmem:$0xC990] =	vst v63  }
0x39: {  	s18 =	sshrl.u32 s17, $0x2;
	s20 =	sadd.s32 $0x10, s16;
	s15 =	sadd.s32 $0x400, s14  }
0x3a: {  	[tilespmem:s15], [sflag:$0x1] =	stream.indirect_vreg.gather [hbm:s4], $0x80, v0, vm1, $0x38;
	[tilespmem:$0xC990] =	vst v63  }
0x3b: {  	s17 =	sshrl.u32 s19, $0x2;
	s19 =	smov.u32 s14;
	v0 =	vld.msk [tilespmem:s20+$0x0 ss:$0x1], $0xffff;
	s20 =	simm.s32 $0x80  }
.LBB2_3:
0x3c: {  	p1 =	sne.s32 s20, $0x2C0;
	_ =	sdelay $0x4  }
0x3d: {  	vm2 =	vgt.s32 v0, $0x0  }
0x3e: {  	v0 =	vnsel vm2, $0x0, v0  }
0x3f: {  	v0 =	vmin.u32 v0, $0x1387  }
0x40: {  	v0 =	vshll.u32 v0, $0x4;
	_ =	sdelay $0x3  }
.Ltmp3:
0x41: {  	s21 =	sshra.s32 s20, $0x2;
	s19 =	sadd.s32 $0x800, s19;
	(pc) =	sbr.rel @p1 .LBB2_3-.Ltmp3, $4  }
0x42: {  	[tilespmem:s19], [sflag:$0x1] =	stream.indirect_vreg.gather [hbm:s4], $0x80, v0, vm0, $0x38;
	[tilespmem:$0xC990] =	vst v63  }
0x43: {  	s21 =	sadd.s32 s21, s16;
	s22 =	sadd.s32 $0x400, s19  }
0x44: {  	[tilespmem:s22], [sflag:$0x1] =	stream.indirect_vreg.gather [hbm:s4], $0x80, v0, vm1, $0x38;
	[tilespmem:$0xC990] =	vst v63  }
0x45: {  	s20 =	sadd.s32 $0x40, s20;
	v0 =	vld.msk [tilespmem:s21+$0x0 ss:$0x1], $0xffff  }
0x46: {  	_ =	sdelay $0x3  }
0x47: {  	vm2 =	vgt.s32 v0, $0x0  }
0x48: {  	v0 =	vnsel vm2, $0x0, v0  }
0x49: {  	v0 =	vmin.u32 v0, $0x1387  }
0x4a: {  	v0 =	vshll.u32 v0, $0x4;
	_ =	sdelay $0x3  }
0x4b: {  	s16 =	sadd.s32 $0x800, s19  }
0x4c: {  	[tilespmem:s16], [sflag:$0x1] =	stream.indirect_vreg.gather [hbm:s4], $0x80, v0, vm0, $0x38;
	[tilespmem:$0xC990] =	vst v63  }
0x4d: {  	s16 =	sadd.s32 $0x400, s16  }
0x4e: {  	[tilespmem:s16], [sflag:$0x1] =	stream.indirect_vreg.gather [hbm:s4], $0x80, v0, vm1, $0x38;
	[tilespmem:$0xC990] =	vst v63  }
0x4f: {  	v0 =	vld.msk [tilespmem:s18+$0xC0 ss:$0x1], $0xff;
	_ =	sdelay $0x4  }
0x50: {  	vm2 =	vgt.s32 v0, $0x0  }
0x51: {  	v0 =	vnsel vm2, $0x0, v0  }
0x52: {  	v0 =	vmin.u32 v0, $0x1387  }
0x53: {  	v0 =	vshll.u32 v0, $0x4;
	_ =	sdelay $0x3  }
0x54: {  	s31 =	sadd.s32 $0x6190, s17  }
0x55: {  	[tilespmem:s31], [sflag:$0x1] =	stream.indirect_vreg.gather [hbm:s4], $0x80, v0, vm0, $0x38;
	[tilespmem:$0xC990] =	vst v63  }
0x56: {  	s13 =	sshll.u32 s13, $0x4;
	_ =	swait.ge [sflag:s6], $0x6400  }
0x57: {  	s13 =	sadd.s32 s13, s9;
	[sflag:s6] =	ssyncset.done $0x0  }
0x58: {  	s17 =	sadd.s32 $0x0, s13;
	s16 =	simm.s32 $0x80;
	[sflag:s6] =	ssyncadd.s32 $0xFFFF9C00  }
.LBB2_5:
0x59: {  	[hbm:s17] =	stream.linear.scatter [tilespmem:s14], [sflag:$0x3], $0x400, $0x38;
	[tilespmem:$0xC990] =	vst v63  }
0x5a: {  	s17 =	smov.u32 s16;
	s14 =	smov.u32 s15;
	p1 =	sne.s32 s16, $0xC00  }
.Ltmp4:
0x5b: {  	s16 =	sadd.s32 $0x80, s16;
	(pc) =	sbr.rel @p1 .LBB2_5-.Ltmp4, $2  }
0x5c: {  	_ =	sdelay $0x2  }
0x5d: {  	s15 =	sadd.s32 $0x400, s15;
	s17 =	sadd.s32 s17, s13  }
.Ltmp5:
0x5e: {  	_ = 	snop;
	(pc) =	sbr.rel .LBB2_6-.Ltmp5, $1  }
0x5f: {  	_ =	sdelay $0x3  }
.LBB2_8:
0x60: {  	_ =	sfence.sel $0x180000  }
0x61: {  	s1 =	simm.s32 $0x2;
	[bflag:$0x0] =	sbarrier.arrive $0xFFFF  }
0x62: {  	s30 =	simm.s32 $0x3;
	[sflag:s1] =	ssyncpa.u1 $0x1  }
0x63: {  	s31 =	simm.s32 $0x1;
	[sflag:s30] =	ssyncpa.u1 $0x1  }
0x64: {  	[sflag:s31] =	ssyncpa.u1 $0x1  }
0x65: {  	p0 =	sne.s32 s0, $0x0;
	_ =	strace $0x90000047  }
0x66: {  	s0 =	sadd.s32 @!p0 $0x100000, s2;
	[bflag:$0x2] =	sbarrier.arrive $0xFFFF  }
0x67: {  	[sflag:s0] =	ssyncadd.tile.s32 @!p0 $0x1;
	_ =	shalt  }
.Lfunc_end2:
_tile_overlayer_lowered:
.L_overlay_start_2:
0x68: {  	(tag) =	ssettag $0x2  }
0x69: {  	s0 =	rddreg [dreg:$0x0];
	s2 =	stileid.u32  }
0x6a: {  	s1 =	rddreg [dreg:$0x1];
	p0 =	sne.s32 s2, $0x0  }
0x6b: {  	s3 =	rddreg [dreg:$0x2];
	[bflag:$0x3] =	sbarrier.arrive $0xFFFF;
	s2 =	simm.s32 @!p0 $0x1C01  }
0x6c: {  	[timem:s3], [sflag:s2] =	dma.local @!p0 [hbm:s0], s1  }
0x6d: {  	s0 =	simm.s32 @!p0 $0x1  }
0x6e: {  	_ =	swait.ge @!p0 [sflag:s0], s1  }
0x6f: {  	s1 =	ssub.s32 @!p0 $0x0, s1;
	[sflag:s0] =	ssyncset.done @!p0 $0x0  }
0x70: {  	[sflag:s0] =	ssyncadd.s32 @!p0 s1  }
0x71: {  	[bflag:$0x3] =	sbarrier.arrive $0xFFFF  }
0x72: {  	_ =	shalt  }

</sc_bundles>
